<compile_context>
chip_gen: v7x
topology: tpu7x:2x2x1
jax: 0.10.2.dev20260603
libtpu: 0.0.44.dev20260713+nightly
codegen_flags: <defaults>
</compile_context>

<pallas_src>
import functools

import numpy as np

import jax
import jax.numpy as jnp
from jax import lax
from jax.experimental import pallas as pl
from jax.experimental.pallas import tpu as pltpu
from jax.experimental.pallas import tpu_sc as plsc

NC = 2
NS = 16
NW = NC * NS
L = 16
G = 64
BLK = 1024


@functools.lru_cache(maxsize=1)
def _mesh():
    return plsc.VectorSubcoreMesh(core_axis_name="c", subcore_axis_name="s",
                                  num_cores=NC, num_subcores=NS)

_SC_PARAMS = pltpu.CompilerParams(needs_layout_passes=False)



def _deg_body(E, Np, dst_hbm, out_hbm, dstbuf, bins):
    epw = E // NW
    c = lax.axis_index("c")
    s = lax.axis_index("s")
    w = s * NC + c
    pltpu.sync_copy(dst_hbm.at[pl.ds(w * epw, epw)], dstbuf.at[pl.ds(0, epw)])

    def zero(i, _):
        bins[pl.ds(i * L, L)] = jnp.zeros((L,), jnp.float32)
        return 0
    lax.fori_loop(0, Np // L, zero, 0)

    ones = jnp.ones((L,), jnp.float32)

    def upd(i, _):
        idx = dstbuf[pl.ds(i * L, L)]
        plsc.addupdate_scatter(bins, [idx], ones)
        return 0
    nfull = epw // L
    lax.fori_loop(0, nfull, upd, 0)
    rem = epw - nfull * L
    if rem:
        idx = dstbuf[pl.ds(nfull * L, L)]
        mask = lax.iota(jnp.int32, L) < rem
        plsc.addupdate_scatter(bins, [idx], ones, mask=mask)
    pltpu.sync_copy(bins, out_hbm.at[w])


def _degree_partials(dst, Np):
    E = dst.shape[0]
    epw = E // NW
    pad = (-epw) % L
    fn = pl.kernel(
        functools.partial(_deg_body, E, Np),
        out_type=jax.ShapeDtypeStruct((NW, Np), jnp.float32),
        mesh=_mesh(),
        compiler_params=_SC_PARAMS,
        scratch_types=[
            pltpu.VMEM((epw + pad,), jnp.int32),
            pltpu.VMEM((Np,), jnp.float32),
        ],
    )
    return fn(dst)



def _agg_body(nstage, rpt, ch, y0, y1, srcr, dstr, zeros_h, s0, s1,
              srcbuf, dstbuf, rows0, rows1, rows2,
              g0, g1, g2, t0, t1, t2, acc):
    c = lax.axis_index("c")
    s = lax.axis_index("s")
    hf = srcbuf.shape[0]
    rows = (rows0, rows1, rows2)
    gsem = (g0, g1, g2)
    ssem = (t0, t1, t2)

    def gather(j, p):
        @pl.when(c == 0)
        def _():
            pltpu.async_copy(y0.at[srcbuf.at[j]], rows[p], gsem[p])

        @pl.when(c == 1)
        def _():
            pltpu.async_copy(y1.at[srcbuf.at[j]], rows[p], gsem[p])

    def gwait(p):
        pltpu.make_async_copy(y0.at[pl.ds(0, ch)], rows[p], gsem[p]).wait()

    def scat(j, p):
        pltpu.async_copy(rows[p], acc.at[dstbuf.at[j]], ssem[p], add=True)

    def swait(p):
        pltpu.make_async_copy(y0.at[pl.ds(0, ch)], rows[p], ssem[p]).wait()

    ntrip = hf // 3
    for stage in range(nstage):
        pltpu.sync_copy(srcr.at[s].at[stage], srcbuf)
        pltpu.sync_copy(dstr.at[s].at[stage], dstbuf)
        gather(0, 0)
        gather(1, 1)
        if stage == 0:
            pltpu.sync_copy(zeros_h, acc.at[pl.ds(s * rpt, rpt)])
            plsc.subcore_barrier()

        def trip(kk, _):
            j = kk * 3

            gwait(0)
            scat(j, 0)

            @pl.when(kk > 0)
            def _():
                swait(2)

            gather(j + 2, 2)

            gwait(1)
            scat(j + 1, 1)

            @pl.when(kk < ntrip - 1)
            def _():
                swait(0)
                gather(j + 3, 0)

            gwait(2)
            scat(j + 2, 2)

            @pl.when(kk < ntrip - 1)
            def _():
                swait(1)
                gather(j + 4, 1)
            return 0
        lax.fori_loop(0, ntrip, trip, 0)
        swait(0)
        swait(1)
        swait(2)
    plsc.subcore_barrier()

    @pl.when(c == 0)
    def _():
        pltpu.sync_copy(acc.at[pl.ds(s * rpt, rpt)], s0.at[pl.ds(s * rpt, rpt)])

    @pl.when(c == 1)
    def _():
        pltpu.sync_copy(acc.at[pl.ds(s * rpt, rpt)], s1.at[pl.ds(s * rpt, rpt)])


def _aggregate(y0, y1, src_r, dst_r, zeros_h):
    Np, H = y0.shape
    nstage, hf, ch = src_r.shape[1], src_r.shape[2], src_r.shape[3]
    rpt = Np // NS
    fn = pl.kernel(
        functools.partial(_agg_body, nstage, rpt, ch),
        out_type=(jax.ShapeDtypeStruct((Np, H), jnp.float32),
                  jax.ShapeDtypeStruct((Np, H), jnp.float32)),
        mesh=_mesh(),
        compiler_params=_SC_PARAMS,
        scratch_types=[
            pltpu.VMEM((hf, ch), jnp.int32),
            pltpu.VMEM((hf, ch), jnp.int32),
            pltpu.VMEM((ch, H), jnp.float32),
            pltpu.VMEM((ch, H), jnp.float32),
            pltpu.VMEM((ch, H), jnp.float32),
            pltpu.SemaphoreType.DMA,
            pltpu.SemaphoreType.DMA,
            pltpu.SemaphoreType.DMA,
            pltpu.SemaphoreType.DMA,
            pltpu.SemaphoreType.DMA,
            pltpu.SemaphoreType.DMA,
            pltpu.VMEM_SHARED((Np, H), jnp.float32),
        ],
    )
    return fn(y0, y1, src_r, dst_r, zeros_h)



def _mm1_body(x_ref, w_ref, p_ref, b_ref, y0_ref, y1_ref, t_ref):
    H = y0_ref.shape[1]
    xw = jnp.dot(x_ref[...], w_ref[...], preferred_element_type=jnp.float32)
    deg = (jnp.sum(p_ref[...], axis=0) + 1.0)[:, None]
    dis = lax.rsqrt(deg)
    y = xw * dis
    y0_ref[...] = y[:, :H]
    y1_ref[...] = y[:, H:]
    t_ref[...] = xw * (dis * dis) + b_ref[...]


def _mm2_body(s0_ref, s1_ref, t1_ref, w_ref, p_ref, b_ref,
              y0_ref, y1_ref, t_ref):
    H = y0_ref.shape[1]
    deg = (jnp.sum(p_ref[...], axis=0) + 1.0)[:, None]
    dis = lax.rsqrt(deg)
    sm = jnp.concatenate([s0_ref[...], s1_ref[...]], axis=1)
    h = jnp.maximum(sm * dis + t1_ref[...], 0.0)
    xw = jnp.dot(h, w_ref[...], preferred_element_type=jnp.float32)
    y = xw * dis
    y0_ref[...] = y[:, :H]
    y1_ref[...] = y[:, H:]
    t_ref[...] = xw * (dis * dis) + b_ref[...]


def _pool_body(nb, s0_ref, s1_ref, t2_ref, p_ref, b_ref, out_ref,
               acc_ref, cnt_ref):
    i = pl.program_id(0)
    blk = s0_ref.shape[0]
    deg = (jnp.sum(p_ref[...], axis=0) + 1.0)[:, None]
    dis = lax.rsqrt(deg)
    h = jnp.concatenate([s0_ref[...], s1_ref[...]], axis=1) * dis + t2_ref[...]
    bvec = b_ref[0, 0, :]
    gids = lax.broadcasted_iota(jnp.int32, (1, G), 1)
    A = (bvec[:, None] == gids).astype(jnp.float32)
    onec = jnp.ones((blk, 1), jnp.float32)

    @pl.when(i == 0)
    def _():
        acc_ref[...] = jnp.zeros_like(acc_ref)
        cnt_ref[...] = jnp.zeros_like(cnt_ref)

    acc_ref[...] += lax.dot_general(A, h, (((0,), (0,)), ((), ())),
                                    preferred_element_type=jnp.float32)
    cnt_ref[...] += lax.dot_general(A, onec, (((0,), (0,)), ((), ())),
                                    preferred_element_type=jnp.float32)

    @pl.when(i == nb - 1)
    def _():
        out_ref[...] = acc_ref[...] / jnp.maximum(cnt_ref[...], 1.0)


def _layer_mm(first, Np, *args):
    D = args[1].shape[0] if first else args[3].shape[0]
    H = D // 2
    nb = Np // BLK
    if first:
        body = _mm1_body
        specs = [
            pl.BlockSpec((BLK, D), lambda i: (i, 0)),
            pl.BlockSpec((D, D), lambda i: (0, 0)),
            pl.BlockSpec((NW, BLK), lambda i: (0, i)),
            pl.BlockSpec((1, D), lambda i: (0, 0)),
        ]
    else:
        body = _mm2_body
        specs = [
            pl.BlockSpec((BLK, H), lambda i: (i, 0)),
            pl.BlockSpec((BLK, H), lambda i: (i, 0)),
            pl.BlockSpec((BLK, D), lambda i: (i, 0)),
            pl.BlockSpec((D, D), lambda i: (0, 0)),
            pl.BlockSpec((NW, BLK), lambda i: (0, i)),
            pl.BlockSpec((1, D), lambda i: (0, 0)),
        ]
    return pl.pallas_call(
        body,
        grid=(nb,),
        in_specs=specs,
        out_specs=[
            pl.BlockSpec((BLK, H), lambda i: (i, 0)),
            pl.BlockSpec((BLK, H), lambda i: (i, 0)),
            pl.BlockSpec((BLK, D), lambda i: (i, 0)),
        ],
        out_shape=[
            jax.ShapeDtypeStruct((Np, H), jnp.float32),
            jax.ShapeDtypeStruct((Np, H), jnp.float32),
            jax.ShapeDtypeStruct((Np, D), jnp.float32),
        ],
    )(*args)


def _pool(s0, s1, t2, parts, batch3):
    Np, H = s0.shape
    D = 2 * H
    nb = Np // BLK
    return pl.pallas_call(
        functools.partial(_pool_body, nb),
        grid=(nb,),
        in_specs=[
            pl.BlockSpec((BLK, H), lambda i: (i, 0)),
            pl.BlockSpec((BLK, H), lambda i: (i, 0)),
            pl.BlockSpec((BLK, D), lambda i: (i, 0)),
            pl.BlockSpec((NW, BLK), lambda i: (0, i)),
            pl.BlockSpec((1, 1, BLK), lambda i: (i, 0, 0)),
        ],
        out_specs=pl.BlockSpec((G, D), lambda i: (0, 0)),
        out_shape=jax.ShapeDtypeStruct((G, D), jnp.float32),
        scratch_shapes=[
            pltpu.VMEM((G, D), jnp.float32),
            pltpu.VMEM((G, 1), jnp.float32),
        ],
    )(s0, s1, t2, parts, batch3)



def kernel(x, edge_index, batch, W1, b1, W2, b2):
    N, D = x.shape
    E = edge_index.shape[1]
    H = D // 2
    Np = (N + BLK - 1) // BLK * BLK
    if Np == N:
        Np += BLK
    CH = 80
    ept = -(-E // (NS * 9 * CH)) * 9 * CH
    Ep = ept * NS
    nchk = ept // CH
    assert nchk % 9 == 0 and Np % (NS * 8) == 0 and Ep % NW == 0

    npad = Ep - E
    pad_src = jnp.asarray(np.arange(npad, dtype=np.int32) % N)
    pad_dst = jnp.asarray(N + np.arange(npad, dtype=np.int32) % (Np - N))
    src = jnp.concatenate([edge_index[0], pad_src])
    dst = jnp.concatenate([edge_index[1], pad_dst])
    nstage = 3
    src_r = src.reshape(NS, nstage, nchk // nstage, CH)
    dst_r = dst.reshape(NS, nstage, nchk // nstage, CH)
    zeros_h = jnp.zeros((Np // NS, H), jnp.float32)
    b1r = b1.reshape(1, D)
    b2r = b2.reshape(1, D)
    batch3 = jnp.pad(batch, (0, Np - N), constant_values=G).reshape(
        Np // BLK, 1, BLK)

    parts = _degree_partials(dst, Np)
    y0, y1, t1 = _layer_mm(True, Np, x, W1, parts, b1r)
    s0, s1 = _aggregate(y0, y1, src_r, dst_r, zeros_h)
    y0b, y1b, t2 = _layer_mm(False, Np, s0, s1, t1, W2, parts, b2r)
    s0b, s1b = _aggregate(y0b, y1b, src_r, dst_r, zeros_h)
    return _pool(s0b, s1b, t2, parts, batch3)

# --- scband reference (transcript-rebuilt; emitter-appended) ---
"""Pipeline reference for scband-graph-encoder-30648886624770 (READ-ONLY COPY).

The authoritative reference and input builder live on the scoring server;
editing this copy changes nothing except your own understanding.
"""

import jax, jax.numpy as jnp
import numpy as np

N = 10000
E = 160000
D = 256
G = 64


def setup_inputs(seed: int = 0) -> dict:
    key = jax.random.key(seed)
    ks = jax.random.split(key, 8)
    x = jax.random.normal(ks[0], (N, D), dtype=jnp.float32)
    edge_index = jax.random.randint(ks[1], (2, E), 0, N, dtype=jnp.int32)
    batch = jnp.sort(jax.random.randint(ks[2], (N,), 0, G, dtype=jnp.int32))
    W1 = jax.random.normal(ks[3], (D, D), dtype=jnp.float32) * 0.05
    b1 = jnp.zeros((D,), dtype=jnp.float32)
    W2 = jax.random.normal(ks[4], (D, D), dtype=jnp.float32) * 0.05
    b2 = jnp.zeros((D,), dtype=jnp.float32)
    return {"x": x, "edge_index": edge_index, "batch": batch,
            "W1": W1, "b1": b1, "W2": W2, "b2": b2}


def gcn_conv(x, edge_index, W, b, num_nodes):
    # PyG GCNConv: add self-loops, symmetric normalization D^-1/2 (A+I) D^-1/2, then linear + bias
    src = edge_index[0]
    dst = edge_index[1]
    loop = jnp.arange(num_nodes, dtype=src.dtype)
    src = jnp.concatenate([src, loop])
    dst = jnp.concatenate([dst, loop])
    deg = jax.ops.segment_sum(jnp.ones(src.shape[0], dtype=x.dtype), dst,
                              num_segments=num_nodes)
    deg_inv_sqrt = jnp.where(deg > 0, jax.lax.rsqrt(jnp.maximum(deg, 1e-12)), 0.0)
    norm = deg_inv_sqrt[src] * deg_inv_sqrt[dst]
    xw = x @ W
    msg = xw[src] * norm[:, None]
    out = jax.ops.segment_sum(msg, dst, num_segments=num_nodes)
    return out + b


def reference(x, edge_index, batch, W1, b1, W2, b2):
    h = gcn_conv(x, edge_index, W1, b1, N)
    h = jax.nn.relu(h)
    # dropout is identity in eval mode (training=False)
    h = gcn_conv(h, edge_index, W2, b2, N)
    # global_mean_pool over batch segments
    s = jax.ops.segment_sum(h, batch, num_segments=G)
    cnt = jax.ops.segment_sum(jnp.ones((N,), dtype=h.dtype), batch, num_segments=G)
    return s / jnp.maximum(cnt, 1.0)[:, None]

if __name__ == "__main__":
    import jax
    _d = setup_inputs()
    print(jax.jit(kernel)(*tuple(_d.values())))

</pallas_src>

<mosaic_0001>
#map = affine_map<(d0, d1) -> (0)>
#map1 = affine_map<(d0, d1) -> (0, 0)>
module attributes {stable_mosaic.version = 14 : i64} {
  func.func @_deg_body(%arg0: i32, %arg1: i32, %arg2: memref<161280xi32, #tpu.memory_space<hbm>>, %arg3: memref<32x10240xf32, #tpu.memory_space<hbm>>, %arg4: memref<5040xi32, #tpu.memory_space<vmem>>, %arg5: memref<10240xf32, #tpu.memory_space<vmem>>) attributes {dimension_semantics = [#tpu.dimension_semantics<core_parallel>, #tpu.dimension_semantics<subcore_parallel>], iteration_bounds = array<i64: 2, 16>, scalar_prefetch = 0 : i64, scratch_operands = 2 : i64, tpu.core_type = #tpu.core_type<sc_vector_subcore>, window_params = [{transform_indices = #map}, {transform_indices = #map1}]} {
    %mul3A = arith.constant 2 : i32
    %mul3A_0 = arith.muli %arg1, %mul3A : i32
    %add3A = arith.addi %mul3A_0, %arg0 : i32
    %mul3A_1 = arith.constant 5040 : i32
    %mul3A_2 = arith.muli %add3A, %mul3A_1 : i32
    "tpu.region"() ({
      %run_scoped3A = tpu.sem_alloc : memref<!tpu.dma_semaphore, #tpu.memory_space<semaphore_mem>>
      %dma_start3A = arith.constant 0 : i32
      %dma_start3A_17 = tpu.memref_slice %arg4[%dma_start3A] : memref<5040xi32, #tpu.memory_space<vmem>> -> memref<5040xi32, #tpu.memory_space<vmem>>
      %dma_start3A_18 = tpu.memref_slice %arg2[%mul3A_2] : memref<161280xi32, #tpu.memory_space<hbm>> -> memref<5040xi32, #tpu.memory_space<hbm>>
      %dma_start3A_19 = arith.constant 0 : i32
      %dma_start3A_20 = tpu.memref_slice %arg4[%dma_start3A_19] : memref<5040xi32, #tpu.memory_space<vmem>> -> memref<5040xi32, #tpu.memory_space<vmem>>
      %dma_start3A_21 = tpu.memref_slice %arg2[%mul3A_2] : memref<161280xi32, #tpu.memory_space<hbm>> -> memref<5040xi32, #tpu.memory_space<hbm>>
      tpu.enqueue_dma source(%dma_start3A_21 : memref<5040xi32, #tpu.memory_space<hbm>>) target(%dma_start3A_20 : memref<5040xi32, #tpu.memory_space<vmem>>) target_semaphore(%run_scoped3A : memref<!tpu.dma_semaphore, #tpu.memory_space<semaphore_mem>>)
      %dma_wait3A = arith.constant 0 : i32
      %dma_wait3A_22 = tpu.memref_slice %arg4[%dma_wait3A] : memref<5040xi32, #tpu.memory_space<vmem>> -> memref<5040xi32, #tpu.memory_space<vmem>>
      %dma_wait3A_23 = tpu.memref_slice %arg2[%mul3A_2] : memref<161280xi32, #tpu.memory_space<hbm>> -> memref<5040xi32, #tpu.memory_space<hbm>>
      %dma_wait3A_24 = arith.constant 0 : i32
      %dma_wait3A_25 = tpu.memref_slice %arg4[%dma_wait3A_24] : memref<5040xi32, #tpu.memory_space<vmem>> -> memref<5040xi32, #tpu.memory_space<vmem>>
      %dma_wait3A_26 = tpu.memref_slice %arg2[%mul3A_2] : memref<161280xi32, #tpu.memory_space<hbm>> -> memref<5040xi32, #tpu.memory_space<hbm>>
      tpu.wait_dma2 semaphore(%run_scoped3A : memref<!tpu.dma_semaphore, #tpu.memory_space<semaphore_mem>>) src(%dma_wait3A_26 : memref<5040xi32, #tpu.memory_space<hbm>>) dst(%dma_wait3A_25 : memref<5040xi32, #tpu.memory_space<vmem>>)
      tpu.yield
    }) : () -> ()
    %scan3A = arith.constant 0 : i32
    %scan3A_3 = arith.constant 0 : i32
    %scan3A_4 = arith.constant 640 : i32
    %scan3A_5 = arith.addi %scan3A_3, %scan3A_4 : i32
    %scan3A_6 = arith.constant 1 : i32
    %scan3A_7 = scf.for %scan3A_17 = %scan3A_3 to %scan3A_5 step %scan3A_6 iter_args(%scan3A_18 = %scan3A) -> (i32)  : i32 {
      %broadcast_in_dim3A_19 = arith.constant 0.000000e+00 : f32
      %broadcast_in_dim3A_20 = vector.broadcast %broadcast_in_dim3A_19 : f32 to vector<16xf32>
      %mul3A_21 = arith.constant 16 : i32
      %mul3A_22 = arith.muli %scan3A_17, %mul3A_21 : i32
      %swap3A = arith.index_cast %mul3A_22 : i32 to index
      %swap3A_23 = tpu.vector_load %arg5[%swap3A] {strides = array<i32>} : memref<10240xf32, #tpu.memory_space<vmem>>, vector<16xf32>,
      tpu.vector_store %arg5[%swap3A], %broadcast_in_dim3A_20 {strides = array<i32>} : memref<10240xf32, #tpu.memory_space<vmem>>, vector<16xf32>,
      %scan3A_24 = arith.constant 0 : i32
      scf.yield %scan3A_24 : i32
    }
    %scan3A_8 = arith.constant 640 : i32
    %broadcast_in_dim3A = arith.constant 1.000000e+00 : f32
    %broadcast_in_dim3A_9 = vector.broadcast %broadcast_in_dim3A : f32 to vector<16xf32>
    %scan3A_10 = arith.constant 0 : i32
    %scan3A_11 = arith.constant 0 : i32
    %scan3A_12 = arith.constant 315 : i32
    %scan3A_13 = arith.addi %scan3A_11, %scan3A_12 : i32
    %scan3A_14 = arith.constant 1 : i32
    %scan3A_15 = scf.for %scan3A_17 = %scan3A_11 to %scan3A_13 step %scan3A_14 iter_args(%scan3A_18 = %scan3A_10) -> (i32)  : i32 {
      %mul3A_19 = arith.constant 16 : i32
      %mul3A_20 = arith.muli %scan3A_17, %mul3A_19 : i32
      %get3A = arith.index_cast %mul3A_20 : i32 to index
      %get3A_21 = tpu.vector_load %arg4[%get3A] {strides = array<i32>} : memref<5040xi32, #tpu.memory_space<vmem>>, vector<16xi32>,
      tpu.vector_store_idx %arg5[%get3A_21], %broadcast_in_dim3A_9 {add = true} : memref<10240xf32, #tpu.memory_space<vmem>>[vector<16xi32>], vector<16xf32>,
      %scan3A_22 = arith.constant 0 : i32
      scf.yield %scan3A_22 : i32
    }
    %scan3A_16 = arith.constant 315 : i32
    "tpu.region"() ({
      %run_scoped3A = tpu.sem_alloc : memref<!tpu.dma_semaphore, #tpu.memory_space<semaphore_mem>>
      %dma_start3A = arith.constant 0 : i32
      %dma_start3A_17 = tpu.memref_slice %arg3[%add3A, %dma_start3A] : memref<32x10240xf32, #tpu.memory_space<hbm>> -> memref<1x10240xf32, #tpu.memory_space<hbm>>
      %dma_start3A_18 = tpu.memref_squeeze %dma_start3A_17 : memref<1x10240xf32, #tpu.memory_space<hbm>> -> memref<10240xf32, #tpu.memory_space<hbm>>
      %dma_start3A_19 = arith.constant 0 : i32
      %dma_start3A_20 = tpu.memref_slice %arg3[%add3A, %dma_start3A_19] : memref<32x10240xf32, #tpu.memory_space<hbm>> -> memref<1x10240xf32, #tpu.memory_space<hbm>>
      %dma_start3A_21 = tpu.memref_squeeze %dma_start3A_20 : memref<1x10240xf32, #tpu.memory_space<hbm>> -> memref<10240xf32, #tpu.memory_space<hbm>>
      tpu.enqueue_dma source(%arg5 : memref<10240xf32, #tpu.memory_space<vmem>>) target(%dma_start3A_21 : memref<10240xf32, #tpu.memory_space<hbm>>) target_semaphore(%run_scoped3A : memref<!tpu.dma_semaphore, #tpu.memory_space<semaphore_mem>>)
      %dma_wait3A = arith.constant 0 : i32
      %dma_wait3A_22 = tpu.memref_slice %arg3[%add3A, %dma_wait3A] : memref<32x10240xf32, #tpu.memory_space<hbm>> -> memref<1x10240xf32, #tpu.memory_space<hbm>>
      %dma_wait3A_23 = tpu.memref_squeeze %dma_wait3A_22 : memref<1x10240xf32, #tpu.memory_space<hbm>> -> memref<10240xf32, #tpu.memory_space<hbm>>
      %dma_wait3A_24 = arith.constant 0 : i32
      %dma_wait3A_25 = tpu.memref_slice %arg3[%add3A, %dma_wait3A_24] : memref<32x10240xf32, #tpu.memory_space<hbm>> -> memref<1x10240xf32, #tpu.memory_space<hbm>>
      %dma_wait3A_26 = tpu.memref_squeeze %dma_wait3A_25 : memref<1x10240xf32, #tpu.memory_space<hbm>> -> memref<10240xf32, #tpu.memory_space<hbm>>
      tpu.wait_dma2 semaphore(%run_scoped3A : memref<!tpu.dma_semaphore, #tpu.memory_space<semaphore_mem>>) src(%arg5 : memref<10240xf32, #tpu.memory_space<vmem>>) dst(%dma_wait3A_26 : memref<10240xf32, #tpu.memory_space<hbm>>)
      tpu.yield
    }) : () -> ()
    return
  }
}

#map = affine_map<(d0, d1) -> (0, 0)>
#map1 = affine_map<(d0, d1) -> (0, 0, 0, 0)>
module attributes {stable_mosaic.version = 14 : i64} {
  func.func @_agg_body(%arg0: i32, %arg1: i32, %arg2: memref<10240x128xf32, #tpu.memory_space<hbm>>, %arg3: memref<10240x128xf32, #tpu.memory_space<hbm>>, %arg4: memref<16x3x42x80xi32, #tpu.memory_space<hbm>>, %arg5: memref<16x3x42x80xi32, #tpu.memory_space<hbm>>, %arg6: memref<640x128xf32, #tpu.memory_space<hbm>>, %arg7: memref<10240x128xf32, #tpu.memory_space<hbm>>, %arg8: memref<10240x128xf32, #tpu.memory_space<hbm>>, %arg9: memref<42x80xi32, #tpu.memory_space<vmem>>, %arg10: memref<42x80xi32, #tpu.memory_space<vmem>>, %arg11: memref<80x128xf32, #tpu.memory_space<vmem>>, %arg12: memref<80x128xf32, #tpu.memory_space<vmem>>, %arg13: memref<80x128xf32, #tpu.memory_space<vmem>>, %arg14: memref<!tpu.dma_semaphore, #tpu.memory_space<semaphore_mem>>, %arg15: memref<!tpu.dma_semaphore, #tpu.memory_space<semaphore_mem>>, %arg16: memref<!tpu.dma_semaphore, #tpu.memory_space<semaphore_mem>>, %arg17: memref<!tpu.dma_semaphore, #tpu.memory_space<semaphore_mem>>, %arg18: memref<!tpu.dma_semaphore, #tpu.memory_space<semaphore_mem>>, %arg19: memref<!tpu.dma_semaphore, #tpu.memory_space<semaphore_mem>>, %arg20: memref<10240x128xf32, #tpu.memory_space<vmem_shared>>) attributes {dimension_semantics = [#tpu.dimension_semantics<core_parallel>, #tpu.dimension_semantics<subcore_parallel>], iteration_bounds = array<i64: 2, 16>, scalar_prefetch = 0 : i64, scratch_operands = 12 : i64, tpu.core_type = #tpu.core_type<sc_vector_subcore>, window_params = [{transform_indices = #map}, {transform_indices = #map}, {transform_indices = #map1}, {transform_indices = #map1}, {transform_indices = #map}, {transform_indices = #map}, {transform_indices = #map}]} {
    %run_scoped3A = arith.constant 0 : i32
    "tpu.region"() ({
      %run_scoped3A_147 = tpu.sem_alloc : memref<!tpu.dma_semaphore, #tpu.memory_space<semaphore_mem>>
      %dma_start3A = arith.constant 0 : i32
      %dma_start3A_148 = arith.constant 0 : i32
      %dma_start3A_149 = arith.constant 0 : i32
      %dma_start3A_150 = tpu.memref_slice %arg4[%arg1, %dma_start3A, %dma_start3A_148, %dma_start3A_149] : memref<16x3x42x80xi32, #tpu.memory_space<hbm>> -> memref<1x3x42x80xi32, #tpu.memory_space<hbm>>
      %dma_start3A_151 = tpu.memref_squeeze %dma_start3A_150 : memref<1x3x42x80xi32, #tpu.memory_space<hbm>> -> memref<3x42x80xi32, #tpu.memory_space<hbm>>
      %dma_start3A_152 = arith.constant 0 : i32
      %dma_start3A_153 = arith.constant 0 : i32
      %dma_start3A_154 = tpu.memref_slice %dma_start3A_151[%run_scoped3A, %dma_start3A_152, %dma_start3A_153] : memref<3x42x80xi32, #tpu.memory_space<hbm>> -> memref<1x42x80xi32, #tpu.memory_space<hbm>>
      %dma_start3A_155 = tpu.memref_squeeze %dma_start3A_154 : memref<1x42x80xi32, #tpu.memory_space<hbm>> -> memref<42x80xi32, #tpu.memory_space<hbm>>
      %dma_start3A_156 = arith.constant 0 : i32
      %dma_start3A_157 = arith.constant 0 : i32
      %dma_start3A_158 = arith.constant 0 : i32
      %dma_start3A_159 = tpu.memref_slice %arg4[%arg1, %dma_start3A_156, %dma_start3A_157, %dma_start3A_158] : memref<16x3x42x80xi32, #tpu.memory_space<hbm>> -> memref<1x3x42x80xi32, #tpu.memory_space<hbm>>
      %dma_start3A_160 = tpu.memref_squeeze %dma_start3A_159 : memref<1x3x42x80xi32, #tpu.memory_space<hbm>> -> memref<3x42x80xi32, #tpu.memory_space<hbm>>
      %dma_start3A_161 = arith.constant 0 : i32
      %dma_start3A_162 = arith.constant 0 : i32
      %dma_start3A_163 = tpu.memref_slice %dma_start3A_160[%run_scoped3A, %dma_start3A_161, %dma_start3A_162] : memref<3x42x80xi32, #tpu.memory_space<hbm>> -> memref<1x42x80xi32, #tpu.memory_space<hbm>>
      %dma_start3A_164 = tpu.memref_squeeze %dma_start3A_163 : memref<1x42x80xi32, #tpu.memory_space<hbm>> -> memref<42x80xi32, #tpu.memory_space<hbm>>
      tpu.enqueue_dma source(%dma_start3A_164 : memref<42x80xi32, #tpu.memory_space<hbm>>) target(%arg9 : memref<42x80xi32, #tpu.memory_space<vmem>>) target_semaphore(%run_scoped3A_147 : memref<!tpu.dma_semaphore, #tpu.memory_space<semaphore_mem>>)
      %dma_wait3A_165 = arith.constant 0 : i32
      %dma_wait3A_166 = arith.constant 0 : i32
      %dma_wait3A_167 = arith.constant 0 : i32
      %dma_wait3A_168 = tpu.memref_slice %arg4[%arg1, %dma_wait3A_165, %dma_wait3A_166, %dma_wait3A_167] : memref<16x3x42x80xi32, #tpu.memory_space<hbm>> -> memref<1x3x42x80xi32, #tpu.memory_space<hbm>>
      %dma_wait3A_169 = tpu.memref_squeeze %dma_wait3A_168 : memref<1x3x42x80xi32, #tpu.memory_space<hbm>> -> memref<3x42x80xi32, #tpu.memory_space<hbm>>
      %dma_wait3A_170 = arith.constant 0 : i32
      %dma_wait3A_171 = arith.constant 0 : i32
      %dma_wait3A_172 = tpu.memref_slice %dma_wait3A_169[%run_scoped3A, %dma_wait3A_170, %dma_wait3A_171] : memref<3x42x80xi32, #tpu.memory_space<hbm>> -> memref<1x42x80xi32, #tpu.memory_space<hbm>>
      %dma_wait3A_173 = tpu.memref_squeeze %dma_wait3A_172 : memref<1x42x80xi32, #tpu.memory_space<hbm>> -> memref<42x80xi32, #tpu.memory_space<hbm>>
      %dma_wait3A_174 = arith.constant 0 : i32
      %dma_wait3A_175 = arith.constant 0 : i32
      %dma_wait3A_176 = arith.constant 0 : i32
      %dma_wait3A_177 = tpu.memref_slice %arg4[%arg1, %dma_wait3A_174, %dma_wait3A_175, %dma_wait3A_176] : memref<16x3x42x80xi32, #tpu.memory_space<hbm>> -> memref<1x3x42x80xi32, #tpu.memory_space<hbm>>
      %dma_wait3A_178 = tpu.memref_squeeze %dma_wait3A_177 : memref<1x3x42x80xi32, #tpu.memory_space<hbm>> -> memref<3x42x80xi32, #tpu.memory_space<hbm>>
      %dma_wait3A_179 = arith.constant 0 : i32
      %dma_wait3A_180 = arith.constant 0 : i32
      %dma_wait3A_181 = tpu.memref_slice %dma_wait3A_178[%run_scoped3A, %dma_wait3A_179, %dma_wait3A_180] : memref<3x42x80xi32, #tpu.memory_space<hbm>> -> memref<1x42x80xi32, #tpu.memory_space<hbm>>
      %dma_wait3A_182 = tpu.memref_squeeze %dma_wait3A_181 : memref<1x42x80xi32, #tpu.memory_space<hbm>> -> memref<42x80xi32, #tpu.memory_space<hbm>>
      tpu.wait_dma2 semaphore(%run_scoped3A_147 : memref<!tpu.dma_semaphore, #tpu.memory_space<semaphore_mem>>) src(%dma_wait3A_182 : memref<42x80xi32, #tpu.memory_space<hbm>>) dst(%arg9 : memref<42x80xi32, #tpu.memory_space<vmem>>)
      tpu.yield
    }) : () -> ()
    %run_scoped3A_0 = arith.constant 0 : i32
    "tpu.region"() ({
      %run_scoped3A_147 = tpu.sem_alloc : memref<!tpu.dma_semaphore, #tpu.memory_space<semaphore_mem>>
      %dma_start3A = arith.constant 0 : i32
      %dma_start3A_148 = arith.constant 0 : i32
      %dma_start3A_149 = arith.constant 0 : i32
      %dma_start3A_150 = tpu.memref_slice %arg5[%arg1, %dma_start3A, %dma_start3A_148, %dma_start3A_149] : memref<16x3x42x80xi32, #tpu.memory_space<hbm>> -> memref<1x3x42x80xi32, #tpu.memory_space<hbm>>
      %dma_start3A_151 = tpu.memref_squeeze %dma_start3A_150 : memref<1x3x42x80xi32, #tpu.memory_space<hbm>> -> memref<3x42x80xi32, #tpu.memory_space<hbm>>
      %dma_start3A_152 = arith.constant 0 : i32
      %dma_start3A_153 = arith.constant 0 : i32
      %dma_start3A_154 = tpu.memref_slice %dma_start3A_151[%run_scoped3A_0, %dma_start3A_152, %dma_start3A_153] : memref<3x42x80xi32, #tpu.memory_space<hbm>> -> memref<1x42x80xi32, #tpu.memory_space<hbm>>
      %dma_start3A_155 = tpu.memref_squeeze %dma_start3A_154 : memref<1x42x80xi32, #tpu.memory_space<hbm>> -> memref<42x80xi32, #tpu.memory_space<hbm>>
      %dma_start3A_156 = arith.constant 0 : i32
      %dma_start3A_157 = arith.constant 0 : i32
      %dma_start3A_158 = arith.constant 0 : i32
      %dma_start3A_159 = tpu.memref_slice %arg5[%arg1, %dma_start3A_156, %dma_start3A_157, %dma_start3A_158] : memref<16x3x42x80xi32, #tpu.memory_space<hbm>> -> memref<1x3x42x80xi32, #tpu.memory_space<hbm>>
      %dma_start3A_160 = tpu.memref_squeeze %dma_start3A_159 : memref<1x3x42x80xi32, #tpu.memory_space<hbm>> -> memref<3x42x80xi32, #tpu.memory_space<hbm>>
      %dma_start3A_161 = arith.constant 0 : i32
      %dma_start3A_162 = arith.constant 0 : i32
      %dma_start3A_163 = tpu.memref_slice %dma_start3A_160[%run_scoped3A_0, %dma_start3A_161, %dma_start3A_162] : memref<3x42x80xi32, #tpu.memory_space<hbm>> -> memref<1x42x80xi32, #tpu.memory_space<hbm>>
      %dma_start3A_164 = tpu.memref_squeeze %dma_start3A_163 : memref<1x42x80xi32, #tpu.memory_space<hbm>> -> memref<42x80xi32, #tpu.memory_space<hbm>>
      tpu.enqueue_dma source(%dma_start3A_164 : memref<42x80xi32, #tpu.memory_space<hbm>>) target(%arg10 : memref<42x80xi32, #tpu.memory_space<vmem>>) target_semaphore(%run_scoped3A_147 : memref<!tpu.dma_semaphore, #tpu.memory_space<semaphore_mem>>)
      %dma_wait3A_165 = arith.constant 0 : i32
      %dma_wait3A_166 = arith.constant 0 : i32
      %dma_wait3A_167 = arith.constant 0 : i32
      %dma_wait3A_168 = tpu.memref_slice %arg5[%arg1, %dma_wait3A_165, %dma_wait3A_166, %dma_wait3A_167] : memref<16x3x42x80xi32, #tpu.memory_space<hbm>> -> memref<1x3x42x80xi32, #tpu.memory_space<hbm>>
      %dma_wait3A_169 = tpu.memref_squeeze %dma_wait3A_168 : memref<1x3x42x80xi32, #tpu.memory_space<hbm>> -> memref<3x42x80xi32, #tpu.memory_space<hbm>>
      %dma_wait3A_170 = arith.constant 0 : i32
      %dma_wait3A_171 = arith.constant 0 : i32
      %dma_wait3A_172 = tpu.memref_slice %dma_wait3A_169[%run_scoped3A_0, %dma_wait3A_170, %dma_wait3A_171] : memref<3x42x80xi32, #tpu.memory_space<hbm>> -> memref<1x42x80xi32, #tpu.memory_space<hbm>>
      %dma_wait3A_173 = tpu.memref_squeeze %dma_wait3A_172 : memref<1x42x80xi32, #tpu.memory_space<hbm>> -> memref<42x80xi32, #tpu.memory_space<hbm>>
      %dma_wait3A_174 = arith.constant 0 : i32
      %dma_wait3A_175 = arith.constant 0 : i32
      %dma_wait3A_176 = arith.constant 0 : i32
      %dma_wait3A_177 = tpu.memref_slice %arg5[%arg1, %dma_wait3A_174, %dma_wait3A_175, %dma_wait3A_176] : memref<16x3x42x80xi32, #tpu.memory_space<hbm>> -> memref<1x3x42x80xi32, #tpu.memory_space<hbm>>
      %dma_wait3A_178 = tpu.memref_squeeze %dma_wait3A_177 : memref<1x3x42x80xi32, #tpu.memory_space<hbm>> -> memref<3x42x80xi32, #tpu.memory_space<hbm>>
      %dma_wait3A_179 = arith.constant 0 : i32
      %dma_wait3A_180 = arith.constant 0 : i32
      %dma_wait3A_181 = tpu.memref_slice %dma_wait3A_178[%run_scoped3A_0, %dma_wait3A_179, %dma_wait3A_180] : memref<3x42x80xi32, #tpu.memory_space<hbm>> -> memref<1x42x80xi32, #tpu.memory_space<hbm>>
      %dma_wait3A_182 = tpu.memref_squeeze %dma_wait3A_181 : memref<1x42x80xi32, #tpu.memory_space<hbm>> -> memref<42x80xi32, #tpu.memory_space<hbm>>
      tpu.wait_dma2 semaphore(%run_scoped3A_147 : memref<!tpu.dma_semaphore, #tpu.memory_space<semaphore_mem>>) src(%dma_wait3A_182 : memref<42x80xi32, #tpu.memory_space<hbm>>) dst(%arg10 : memref<42x80xi32, #tpu.memory_space<vmem>>)
      tpu.yield
    }) : () -> ()
    %eq3A = arith.constant 0 : i32
    %eq3A_1 = arith.cmpi eq, %arg0, %eq3A : i32
    %convert_element_type3A = arith.extui %eq3A_1 : i1 to i32
    %cond3A = arith.constant 0 : i32
    %cond3A_2 = arith.cmpi ne, %convert_element_type3A, %cond3A : i32
    scf.if %cond3A_2 {
      %dma_start3A = arith.constant 0 : i32
      %dma_start3A_147 = arith.constant 0 : i32
      %dma_start3A_148 = tpu.memref_slice %arg9[%dma_start3A, %dma_start3A_147] : memref<42x80xi32, #tpu.memory_space<vmem>> -> memref<1x80xi32, #tpu.memory_space<vmem>>
      %dma_start3A_149 = tpu.memref_squeeze %dma_start3A_148 : memref<1x80xi32, #tpu.memory_space<vmem>> -> memref<80xi32, #tpu.memory_space<vmem>>
      %dma_start3A_150 = arith.constant 0 : i32
      %dma_start3A_151 = arith.constant 0 : i32
      %dma_start3A_152 = tpu.memref_slice %arg2[%dma_start3A_150, %dma_start3A_151] : memref<10240x128xf32, #tpu.memory_space<hbm>> -> memref<10240x128xf32, #tpu.memory_space<hbm>>
      tpu.enqueue_indirect_dma source(%dma_start3A_152 : memref<10240x128xf32, #tpu.memory_space<hbm>>) target(%arg11 : memref<80x128xf32, #tpu.memory_space<vmem>>) offsets(%dma_start3A_149 : memref<80xi32, #tpu.memory_space<vmem>>) semaphore(%arg14 : memref<!tpu.dma_semaphore, #tpu.memory_space<semaphore_mem>>)
    } else {
    }
    %eq3A_3 = arith.constant 1 : i32
    %eq3A_4 = arith.cmpi eq, %arg0, %eq3A_3 : i32
    %convert_element_type3A_5 = arith.extui %eq3A_4 : i1 to i32
    %cond3A_6 = arith.constant 0 : i32
    %cond3A_7 = arith.cmpi ne, %convert_element_type3A_5, %cond3A_6 : i32
    scf.if %cond3A_7 {
      %dma_start3A = arith.constant 0 : i32
      %dma_start3A_147 = arith.constant 0 : i32
      %dma_start3A_148 = tpu.memref_slice %arg9[%dma_start3A, %dma_start3A_147] : memref<42x80xi32, #tpu.memory_space<vmem>> -> memref<1x80xi32, #tpu.memory_space<vmem>>
      %dma_start3A_149 = tpu.memref_squeeze %dma_start3A_148 : memref<1x80xi32, #tpu.memory_space<vmem>> -> memref<80xi32, #tpu.memory_space<vmem>>
      %dma_start3A_150 = arith.constant 0 : i32
      %dma_start3A_151 = arith.constant 0 : i32
      %dma_start3A_152 = tpu.memref_slice %arg3[%dma_start3A_150, %dma_start3A_151] : memref<10240x128xf32, #tpu.memory_space<hbm>> -> memref<10240x128xf32, #tpu.memory_space<hbm>>
      tpu.enqueue_indirect_dma source(%dma_start3A_152 : memref<10240x128xf32, #tpu.memory_space<hbm>>) target(%arg11 : memref<80x128xf32, #tpu.memory_space<vmem>>) offsets(%dma_start3A_149 : memref<80xi32, #tpu.memory_space<vmem>>) semaphore(%arg14 : memref<!tpu.dma_semaphore, #tpu.memory_space<semaphore_mem>>)
    } else {
    }
    %eq3A_8 = arith.constant 0 : i32
    %eq3A_9 = arith.cmpi eq, %arg0, %eq3A_8 : i32
    %convert_element_type3A_10 = arith.extui %eq3A_9 : i1 to i32
    %cond3A_11 = arith.constant 0 : i32
    %cond3A_12 = arith.cmpi ne, %convert_element_type3A_10, %cond3A_11 : i32
    scf.if %cond3A_12 {
      %dma_start3A = arith.constant 1 : i32
      %dma_start3A_147 = arith.constant 0 : i32
      %dma_start3A_148 = tpu.memref_slice %arg9[%dma_start3A, %dma_start3A_147] : memref<42x80xi32, #tpu.memory_space<vmem>> -> memref<1x80xi32, #tpu.memory_space<vmem>>
      %dma_start3A_149 = tpu.memref_squeeze %dma_start3A_148 : memref<1x80xi32, #tpu.memory_space<vmem>> -> memref<80xi32, #tpu.memory_space<vmem>>
      %dma_start3A_150 = arith.constant 0 : i32
      %dma_start3A_151 = arith.constant 0 : i32
      %dma_start3A_152 = tpu.memref_slice %arg2[%dma_start3A_150, %dma_start3A_151] : memref<10240x128xf32, #tpu.memory_space<hbm>> -> memref<10240x128xf32, #tpu.memory_space<hbm>>
      tpu.enqueue_indirect_dma source(%dma_start3A_152 : memref<10240x128xf32, #tpu.memory_space<hbm>>) target(%arg12 : memref<80x128xf32, #tpu.memory_space<vmem>>) offsets(%dma_start3A_149 : memref<80xi32, #tpu.memory_space<vmem>>) semaphore(%arg15 : memref<!tpu.dma_semaphore, #tpu.memory_space<semaphore_mem>>)
    } else {
    }
    %eq3A_13 = arith.constant 1 : i32
    %eq3A_14 = arith.cmpi eq, %arg0, %eq3A_13 : i32
    %convert_element_type3A_15 = arith.extui %eq3A_14 : i1 to i32
    %cond3A_16 = arith.constant 0 : i32
    %cond3A_17 = arith.cmpi ne, %convert_element_type3A_15, %cond3A_16 : i32
    scf.if %cond3A_17 {
      %dma_start3A = arith.constant 1 : i32
      %dma_start3A_147 = arith.constant 0 : i32
      %dma_start3A_148 = tpu.memref_slice %arg9[%dma_start3A, %dma_start3A_147] : memref<42x80xi32, #tpu.memory_space<vmem>> -> memref<1x80xi32, #tpu.memory_space<vmem>>
      %dma_start3A_149 = tpu.memref_squeeze %dma_start3A_148 : memref<1x80xi32, #tpu.memory_space<vmem>> -> memref<80xi32, #tpu.memory_space<vmem>>
      %dma_start3A_150 = arith.constant 0 : i32
      %dma_start3A_151 = arith.constant 0 : i32
      %dma_start3A_152 = tpu.memref_slice %arg3[%dma_start3A_150, %dma_start3A_151] : memref<10240x128xf32, #tpu.memory_space<hbm>> -> memref<10240x128xf32, #tpu.memory_space<hbm>>
      tpu.enqueue_indirect_dma source(%dma_start3A_152 : memref<10240x128xf32, #tpu.memory_space<hbm>>) target(%arg12 : memref<80x128xf32, #tpu.memory_space<vmem>>) offsets(%dma_start3A_149 : memref<80xi32, #tpu.memory_space<vmem>>) semaphore(%arg15 : memref<!tpu.dma_semaphore, #tpu.memory_space<semaphore_mem>>)
    } else {
    }
    %mul3A = arith.constant 640 : i32
    %mul3A_18 = arith.muli %arg1, %mul3A : i32
    "tpu.region"() ({
      %run_scoped3A_147 = tpu.sem_alloc : memref<!tpu.dma_semaphore, #tpu.memory_space<semaphore_mem>>
      %dma_start3A = arith.constant 0 : i32
      %dma_start3A_148 = tpu.memref_slice %arg20[%mul3A_18, %dma_start3A] : memref<10240x128xf32, #tpu.memory_space<vmem_shared>> -> memref<640x128xf32, #tpu.memory_space<vmem_shared>>
      tpu.enqueue_dma source(%arg6 : memref<640x128xf32, #tpu.memory_space<hbm>>) target(%dma_start3A_148 : memref<640x128xf32, #tpu.memory_space<vmem_shared>>) target_semaphore(%run_scoped3A_147 : memref<!tpu.dma_semaphore, #tpu.memory_space<semaphore_mem>>)
      %dma_wait3A_149 = arith.constant 0 : i32
      %dma_wait3A_150 = tpu.memref_slice %arg20[%mul3A_18, %dma_wait3A_149] : memref<10240x128xf32, #tpu.memory_space<vmem_shared>> -> memref<640x128xf32, #tpu.memory_space<vmem_shared>>
      tpu.wait_dma2 semaphore(%run_scoped3A_147 : memref<!tpu.dma_semaphore, #tpu.memory_space<semaphore_mem>>) src(%arg6 : memref<640x128xf32, #tpu.memory_space<hbm>>) dst(%dma_wait3A_150 : memref<640x128xf32, #tpu.memory_space<vmem_shared>>)
      tpu.yield
    }) : () -> ()
    %barrier3A = arith.constant 0 : index
    tpu.barrier barrier_id(%barrier3A)
    %scan3A = arith.constant 0 : i32
    %scan3A_19 = arith.constant 0 : i32
    %scan3A_20 = arith.constant 14 : i32
    %scan3A_21 = arith.addi %scan3A_19, %scan3A_20 : i32
    %scan3A_22 = arith.constant 1 : i32
    %scan3A_23 = scf.for %scan3A_147 = %scan3A_19 to %scan3A_21 step %scan3A_22 iter_args(%scan3A_148 = %scan3A) -> (i32)  : i32 {
      %mul3A_149 = arith.constant 3 : i32
      %mul3A_150 = arith.muli %scan3A_147, %mul3A_149 : i32
      %dma_wait3A_151 = arith.constant 0 : i32
      %dma_wait3A_152 = arith.constant 0 : i32
      %dma_wait3A_153 = tpu.memref_slice %arg2[%dma_wait3A_151, %dma_wait3A_152] : memref<10240x128xf32, #tpu.memory_space<hbm>> -> memref<80x128xf32, #tpu.memory_space<hbm>>
      %dma_wait3A_154 = arith.constant 0 : i32
      %dma_wait3A_155 = arith.constant 0 : i32
      %dma_wait3A_156 = tpu.memref_slice %arg2[%dma_wait3A_154, %dma_wait3A_155] : memref<10240x128xf32, #tpu.memory_space<hbm>> -> memref<80x128xf32, #tpu.memory_space<hbm>>
      tpu.wait_dma2 semaphore(%arg14 : memref<!tpu.dma_semaphore, #tpu.memory_space<semaphore_mem>>) src(%dma_wait3A_156 : memref<80x128xf32, #tpu.memory_space<hbm>>) dst(%arg11 : memref<80x128xf32, #tpu.memory_space<vmem>>)
      %dma_start3A = arith.constant 0 : i32
      %dma_start3A_157 = tpu.memref_slice %arg10[%mul3A_150, %dma_start3A] : memref<42x80xi32, #tpu.memory_space<vmem>> -> memref<1x80xi32, #tpu.memory_space<vmem>>
      %dma_start3A_158 = tpu.memref_squeeze %dma_start3A_157 : memref<1x80xi32, #tpu.memory_space<vmem>> -> memref<80xi32, #tpu.memory_space<vmem>>
      %dma_start3A_159 = arith.constant 0 : i32
      %dma_start3A_160 = arith.constant 0 : i32
      %dma_start3A_161 = tpu.memref_slice %arg20[%dma_start3A_159, %dma_start3A_160] : memref<10240x128xf32, #tpu.memory_space<vmem_shared>> -> memref<10240x128xf32, #tpu.memory_space<vmem_shared>>
      tpu.enqueue_indirect_dma source(%arg11 : memref<80x128xf32, #tpu.memory_space<vmem>>) target(%dma_start3A_161 : memref<10240x128xf32, #tpu.memory_space<vmem_shared>>) offsets(%dma_start3A_158 : memref<80xi32, #tpu.memory_space<vmem>>) semaphore(%arg17 : memref<!tpu.dma_semaphore, #tpu.memory_space<semaphore_mem>>) {add = true}
      %gt3A = arith.constant 0 : i32
      %gt3A_162 = arith.cmpi sgt, %scan3A_147, %gt3A : i32
      %convert_element_type3A_163 = arith.extui %gt3A_162 : i1 to i32
      %cond3A_164 = arith.constant 0 : i32
      %cond3A_165 = arith.cmpi ne, %convert_element_type3A_163, %cond3A_164 : i32
      scf.if %cond3A_165 {
        %dma_wait3A_215 = arith.constant 0 : i32
        %dma_wait3A_216 = arith.constant 0 : i32
        %dma_wait3A_217 = tpu.memref_slice %arg2[%dma_wait3A_215, %dma_wait3A_216] : memref<10240x128xf32, #tpu.memory_space<hbm>> -> memref<80x128xf32, #tpu.memory_space<hbm>>
        %dma_wait3A_218 = arith.constant 0 : i32
        %dma_wait3A_219 = arith.constant 0 : i32
        %dma_wait3A_220 = tpu.memref_slice %arg2[%dma_wait3A_218, %dma_wait3A_219] : memref<10240x128xf32, #tpu.memory_space<hbm>> -> memref<80x128xf32, #tpu.memory_space<hbm>>
        tpu.wait_dma2 semaphore(%arg19 : memref<!tpu.dma_semaphore, #tpu.memory_space<semaphore_mem>>) src(%dma_wait3A_220 : memref<80x128xf32, #tpu.memory_space<hbm>>) dst(%arg13 : memref<80x128xf32, #tpu.memory_space<vmem>>)
      } else {
      }
      %add3A = arith.constant 2 : i32
      %add3A_166 = arith.addi %mul3A_150, %add3A : i32
      %eq3A_167 = arith.constant 0 : i32
      %eq3A_168 = arith.cmpi eq, %arg0, %eq3A_167 : i32
      %convert_element_type3A_169 = arith.extui %eq3A_168 : i1 to i32
      %cond3A_170 = arith.constant 0 : i32
      %cond3A_171 = arith.cmpi ne, %convert_element_type3A_169, %cond3A_170 : i32
      scf.if %cond3A_171 {
        %dma_start3A_215 = arith.constant 0 : i32
        %dma_start3A_216 = tpu.memref_slice %arg9[%add3A_166, %dma_start3A_215] : memref<42x80xi32, #tpu.memory_space<vmem>> -> memref<1x80xi32, #tpu.memory_space<vmem>>
        %dma_start3A_217 = tpu.memref_squeeze %dma_start3A_216 : memref<1x80xi32, #tpu.memory_space<vmem>> -> memref<80xi32, #tpu.memory_space<vmem>>
        %dma_start3A_218 = arith.constant 0 : i32
        %dma_start3A_219 = arith.constant 0 : i32
        %dma_start3A_220 = tpu.memref_slice %arg2[%dma_start3A_218, %dma_start3A_219] : memref<10240x128xf32, #tpu.memory_space<hbm>> -> memref<10240x128xf32, #tpu.memory_space<hbm>>
        tpu.enqueue_indirect_dma source(%dma_start3A_220 : memref<10240x128xf32, #tpu.memory_space<hbm>>) target(%arg13 : memref<80x128xf32, #tpu.memory_space<vmem>>) offsets(%dma_start3A_217 : memref<80xi32, #tpu.memory_space<vmem>>) semaphore(%arg16 : memref<!tpu.dma_semaphore, #tpu.memory_space<semaphore_mem>>)
      } else {
      }
      %eq3A_172 = arith.constant 1 : i32
      %eq3A_173 = arith.cmpi eq, %arg0, %eq3A_172 : i32
      %convert_element_type3A_174 = arith.extui %eq3A_173 : i1 to i32
      %cond3A_175 = arith.constant 0 : i32
      %cond3A_176 = arith.cmpi ne, %convert_element_type3A_174, %cond3A_175 : i32
      scf.if %cond3A_176 {
        %dma_start3A_215 = arith.constant 0 : i32
        %dma_start3A_216 = tpu.memref_slice %arg9[%add3A_166, %dma_start3A_215] : memref<42x80xi32, #tpu.memory_space<vmem>> -> memref<1x80xi32, #tpu.memory_space<vmem>>
        %dma_start3A_217 = tpu.memref_squeeze %dma_start3A_216 : memref<1x80xi32, #tpu.memory_space<vmem>> -> memref<80xi32, #tpu.memory_space<vmem>>
        %dma_start3A_218 = arith.constant 0 : i32
        %dma_start3A_219 = arith.constant 0 : i32
        %dma_start3A_220 = tpu.memref_slice %arg3[%dma_start3A_218, %dma_start3A_219] : memref<10240x128xf32, #tpu.memory_space<hbm>> -> memref<10240x128xf32, #tpu.memory_space<hbm>>
        tpu.enqueue_indirect_dma source(%dma_start3A_220 : memref<10240x128xf32, #tpu.memory_space<hbm>>) target(%arg13 : memref<80x128xf32, #tpu.memory_space<vmem>>) offsets(%dma_start3A_217 : memref<80xi32, #tpu.memory_space<vmem>>) semaphore(%arg16 : memref<!tpu.dma_semaphore, #tpu.memory_space<semaphore_mem>>)
      } else {
      }
      %dma_wait3A_177 = arith.constant 0 : i32
      %dma_wait3A_178 = arith.constant 0 : i32
      %dma_wait3A_179 = tpu.memref_slice %arg2[%dma_wait3A_177, %dma_wait3A_178] : memref<10240x128xf32, #tpu.memory_space<hbm>> -> memref<80x128xf32, #tpu.memory_space<hbm>>
      %dma_wait3A_180 = arith.constant 0 : i32
      %dma_wait3A_181 = arith.constant 0 : i32
      %dma_wait3A_182 = tpu.memref_slice %arg2[%dma_wait3A_180, %dma_wait3A_181] : memref<10240x128xf32, #tpu.memory_space<hbm>> -> memref<80x128xf32, #tpu.memory_space<hbm>>
      tpu.wait_dma2 semaphore(%arg15 : memref<!tpu.dma_semaphore, #tpu.memory_space<semaphore_mem>>) src(%dma_wait3A_182 : memref<80x128xf32, #tpu.memory_space<hbm>>) dst(%arg12 : memref<80x128xf32, #tpu.memory_space<vmem>>)
      %add3A_183 = arith.constant 1 : i32
      %add3A_184 = arith.addi %mul3A_150, %add3A_183 : i32
      %dma_start3A_185 = arith.constant 0 : i32
      %dma_start3A_186 = tpu.memref_slice %arg10[%add3A_184, %dma_start3A_185] : memref<42x80xi32, #tpu.memory_space<vmem>> -> memref<1x80xi32, #tpu.memory_space<vmem>>
      %dma_start3A_187 = tpu.memref_squeeze %dma_start3A_186 : memref<1x80xi32, #tpu.memory_space<vmem>> -> memref<80xi32, #tpu.memory_space<vmem>>
      %dma_start3A_188 = arith.constant 0 : i32
      %dma_start3A_189 = arith.constant 0 : i32
      %dma_start3A_190 = tpu.memref_slice %arg20[%dma_start3A_188, %dma_start3A_189] : memref<10240x128xf32, #tpu.memory_space<vmem_shared>> -> memref<10240x128xf32, #tpu.memory_space<vmem_shared>>
      tpu.enqueue_indirect_dma source(%arg12 : memref<80x128xf32, #tpu.memory_space<vmem>>) target(%dma_start3A_190 : memref<10240x128xf32, #tpu.memory_space<vmem_shared>>) offsets(%dma_start3A_187 : memref<80xi32, #tpu.memory_space<vmem>>) semaphore(%arg18 : memref<!tpu.dma_semaphore, #tpu.memory_space<semaphore_mem>>) {add = true}
      %lt3A = arith.constant 13 : i32
      %lt3A_191 = arith.cmpi slt, %scan3A_147, %lt3A : i32
      %convert_element_type3A_192 = arith.extui %lt3A_191 : i1 to i32
      %cond3A_193 = arith.constant 0 : i32
      %cond3A_194 = arith.cmpi ne, %convert_element_type3A_192, %cond3A_193 : i32
      scf.if %cond3A_194 {
        %dma_wait3A_215 = arith.constant 0 : i32
        %dma_wait3A_216 = arith.constant 0 : i32
        %dma_wait3A_217 = tpu.memref_slice %arg2[%dma_wait3A_215, %dma_wait3A_216] : memref<10240x128xf32, #tpu.memory_space<hbm>> -> memref<80x128xf32, #tpu.memory_space<hbm>>
        %dma_wait3A_218 = arith.constant 0 : i32
        %dma_wait3A_219 = arith.constant 0 : i32
        %dma_wait3A_220 = tpu.memref_slice %arg2[%dma_wait3A_218, %dma_wait3A_219] : memref<10240x128xf32, #tpu.memory_space<hbm>> -> memref<80x128xf32, #tpu.memory_space<hbm>>
        tpu.wait_dma2 semaphore(%arg17 : memref<!tpu.dma_semaphore, #tpu.memory_space<semaphore_mem>>) src(%dma_wait3A_220 : memref<80x128xf32, #tpu.memory_space<hbm>>) dst(%arg11 : memref<80x128xf32, #tpu.memory_space<vmem>>)
        %add3A_221 = arith.constant 3 : i32
        %add3A_222 = arith.addi %mul3A_150, %add3A_221 : i32
        %eq3A_223 = arith.constant 0 : i32
        %eq3A_224 = arith.cmpi eq, %arg0, %eq3A_223 : i32
        %convert_element_type3A_225 = arith.extui %eq3A_224 : i1 to i32
        %cond3A_226 = arith.constant 0 : i32
        %cond3A_227 = arith.cmpi ne, %convert_element_type3A_225, %cond3A_226 : i32
        scf.if %cond3A_227 {
          %dma_start3A_233 = arith.constant 0 : i32
          %dma_start3A_234 = tpu.memref_slice %arg9[%add3A_222, %dma_start3A_233] : memref<42x80xi32, #tpu.memory_space<vmem>> -> memref<1x80xi32, #tpu.memory_space<vmem>>
          %dma_start3A_235 = tpu.memref_squeeze %dma_start3A_234 : memref<1x80xi32, #tpu.memory_space<vmem>> -> memref<80xi32, #tpu.memory_space<vmem>>
          %dma_start3A_236 = arith.constant 0 : i32
          %dma_start3A_237 = arith.constant 0 : i32
          %dma_start3A_238 = tpu.memref_slice %arg2[%dma_start3A_236, %dma_start3A_237] : memref<10240x128xf32, #tpu.memory_space<hbm>> -> memref<10240x128xf32, #tpu.memory_space<hbm>>
          tpu.enqueue_indirect_dma source(%dma_start3A_238 : memref<10240x128xf32, #tpu.memory_space<hbm>>) target(%arg11 : memref<80x128xf32, #tpu.memory_space<vmem>>) offsets(%dma_start3A_235 : memref<80xi32, #tpu.memory_space<vmem>>) semaphore(%arg14 : memref<!tpu.dma_semaphore, #tpu.memory_space<semaphore_mem>>)
        } else {
        }
        %eq3A_228 = arith.constant 1 : i32
        %eq3A_229 = arith.cmpi eq, %arg0, %eq3A_228 : i32
        %convert_element_type3A_230 = arith.extui %eq3A_229 : i1 to i32
        %cond3A_231 = arith.constant 0 : i32
        %cond3A_232 = arith.cmpi ne, %convert_element_type3A_230, %cond3A_231 : i32
        scf.if %cond3A_232 {
          %dma_start3A_233 = arith.constant 0 : i32
          %dma_start3A_234 = tpu.memref_slice %arg9[%add3A_222, %dma_start3A_233] : memref<42x80xi32, #tpu.memory_space<vmem>> -> memref<1x80xi32, #tpu.memory_space<vmem>>
          %dma_start3A_235 = tpu.memref_squeeze %dma_start3A_234 : memref<1x80xi32, #tpu.memory_space<vmem>> -> memref<80xi32, #tpu.memory_space<vmem>>
          %dma_start3A_236 = arith.constant 0 : i32
          %dma_start3A_237 = arith.constant 0 : i32
          %dma_start3A_238 = tpu.memref_slice %arg3[%dma_start3A_236, %dma_start3A_237] : memref<10240x128xf32, #tpu.memory_space<hbm>> -> memref<10240x128xf32, #tpu.memory_space<hbm>>
          tpu.enqueue_indirect_dma source(%dma_start3A_238 : memref<10240x128xf32, #tpu.memory_space<hbm>>) target(%arg11 : memref<80x128xf32, #tpu.memory_space<vmem>>) offsets(%dma_start3A_235 : memref<80xi32, #tpu.memory_space<vmem>>) semaphore(%arg14 : memref<!tpu.dma_semaphore, #tpu.memory_space<semaphore_mem>>)
        } else {
        }
      } else {
      }
      %dma_wait3A_195 = arith.constant 0 : i32
      %dma_wait3A_196 = arith.constant 0 : i32
      %dma_wait3A_197 = tpu.memref_slice %arg2[%dma_wait3A_195, %dma_wait3A_196] : memref<10240x128xf32, #tpu.memory_space<hbm>> -> memref<80x128xf32, #tpu.memory_space<hbm>>
      %dma_wait3A_198 = arith.constant 0 : i32
      %dma_wait3A_199 = arith.constant 0 : i32
      %dma_wait3A_200 = tpu.memref_slice %arg2[%dma_wait3A_198, %dma_wait3A_199] : memref<10240x128xf32, #tpu.memory_space<hbm>> -> memref<80x128xf32, #tpu.memory_space<hbm>>
      tpu.wait_dma2 semaphore(%arg16 : memref<!tpu.dma_semaphore, #tpu.memory_space<semaphore_mem>>) src(%dma_wait3A_200 : memref<80x128xf32, #tpu.memory_space<hbm>>) dst(%arg13 : memref<80x128xf32, #tpu.memory_space<vmem>>)
      %add3A_201 = arith.constant 2 : i32
      %add3A_202 = arith.addi %mul3A_150, %add3A_201 : i32
      %dma_start3A_203 = arith.constant 0 : i32
      %dma_start3A_204 = tpu.memref_slice %arg10[%add3A_202, %dma_start3A_203] : memref<42x80xi32, #tpu.memory_space<vmem>> -> memref<1x80xi32, #tpu.memory_space<vmem>>
      %dma_start3A_205 = tpu.memref_squeeze %dma_start3A_204 : memref<1x80xi32, #tpu.memory_space<vmem>> -> memref<80xi32, #tpu.memory_space<vmem>>
      %dma_start3A_206 = arith.constant 0 : i32
      %dma_start3A_207 = arith.constant 0 : i32
      %dma_start3A_208 = tpu.memref_slice %arg20[%dma_start3A_206, %dma_start3A_207] : memref<10240x128xf32, #tpu.memory_space<vmem_shared>> -> memref<10240x128xf32, #tpu.memory_space<vmem_shared>>
      tpu.enqueue_indirect_dma source(%arg13 : memref<80x128xf32, #tpu.memory_space<vmem>>) target(%dma_start3A_208 : memref<10240x128xf32, #tpu.memory_space<vmem_shared>>) offsets(%dma_start3A_205 : memref<80xi32, #tpu.memory_space<vmem>>) semaphore(%arg19 : memref<!tpu.dma_semaphore, #tpu.memory_space<semaphore_mem>>) {add = true}
      %lt3A_209 = arith.constant 13 : i32
      %lt3A_210 = arith.cmpi slt, %scan3A_147, %lt3A_209 : i32
      %convert_element_type3A_211 = arith.extui %lt3A_210 : i1 to i32
      %cond3A_212 = arith.constant 0 : i32
      %cond3A_213 = arith.cmpi ne, %convert_element_type3A_211, %cond3A_212 : i32
      scf.if %cond3A_213 {
        %dma_wait3A_215 = arith.constant 0 : i32
        %dma_wait3A_216 = arith.constant 0 : i32
        %dma_wait3A_217 = tpu.memref_slice %arg2[%dma_wait3A_215, %dma_wait3A_216] : memref<10240x128xf32, #tpu.memory_space<hbm>> -> memref<80x128xf32, #tpu.memory_space<hbm>>
        %dma_wait3A_218 = arith.constant 0 : i32
        %dma_wait3A_219 = arith.constant 0 : i32
        %dma_wait3A_220 = tpu.memref_slice %arg2[%dma_wait3A_218, %dma_wait3A_219] : memref<10240x128xf32, #tpu.memory_space<hbm>> -> memref<80x128xf32, #tpu.memory_space<hbm>>
        tpu.wait_dma2 semaphore(%arg18 : memref<!tpu.dma_semaphore, #tpu.memory_space<semaphore_mem>>) src(%dma_wait3A_220 : memref<80x128xf32, #tpu.memory_space<hbm>>) dst(%arg12 : memref<80x128xf32, #tpu.memory_space<vmem>>)
        %add3A_221 = arith.constant 4 : i32
        %add3A_222 = arith.addi %mul3A_150, %add3A_221 : i32
        %eq3A_223 = arith.constant 0 : i32
        %eq3A_224 = arith.cmpi eq, %arg0, %eq3A_223 : i32
        %convert_element_type3A_225 = arith.extui %eq3A_224 : i1 to i32
        %cond3A_226 = arith.constant 0 : i32
        %cond3A_227 = arith.cmpi ne, %convert_element_type3A_225, %cond3A_226 : i32
        scf.if %cond3A_227 {
          %dma_start3A_233 = arith.constant 0 : i32
          %dma_start3A_234 = tpu.memref_slice %arg9[%add3A_222, %dma_start3A_233] : memref<42x80xi32, #tpu.memory_space<vmem>> -> memref<1x80xi32, #tpu.memory_space<vmem>>
          %dma_start3A_235 = tpu.memref_squeeze %dma_start3A_234 : memref<1x80xi32, #tpu.memory_space<vmem>> -> memref<80xi32, #tpu.memory_space<vmem>>
          %dma_start3A_236 = arith.constant 0 : i32
          %dma_start3A_237 = arith.constant 0 : i32
          %dma_start3A_238 = tpu.memref_slice %arg2[%dma_start3A_236, %dma_start3A_237] : memref<10240x128xf32, #tpu.memory_space<hbm>> -> memref<10240x128xf32, #tpu.memory_space<hbm>>
          tpu.enqueue_indirect_dma source(%dma_start3A_238 : memref<10240x128xf32, #tpu.memory_space<hbm>>) target(%arg12 : memref<80x128xf32, #tpu.memory_space<vmem>>) offsets(%dma_start3A_235 : memref<80xi32, #tpu.memory_space<vmem>>) semaphore(%arg15 : memref<!tpu.dma_semaphore, #tpu.memory_space<semaphore_mem>>)
        } else {
        }
        %eq3A_228 = arith.constant 1 : i32
        %eq3A_229 = arith.cmpi eq, %arg0, %eq3A_228 : i32
        %convert_element_type3A_230 = arith.extui %eq3A_229 : i1 to i32
        %cond3A_231 = arith.constant 0 : i32
        %cond3A_232 = arith.cmpi ne, %convert_element_type3A_230, %cond3A_231 : i32
        scf.if %cond3A_232 {
          %dma_start3A_233 = arith.constant 0 : i32
          %dma_start3A_234 = tpu.memref_slice %arg9[%add3A_222, %dma_start3A_233] : memref<42x80xi32, #tpu.memory_space<vmem>> -> memref<1x80xi32, #tpu.memory_space<vmem>>
          %dma_start3A_235 = tpu.memref_squeeze %dma_start3A_234 : memref<1x80xi32, #tpu.memory_space<vmem>> -> memref<80xi32, #tpu.memory_space<vmem>>
          %dma_start3A_236 = arith.constant 0 : i32
          %dma_start3A_237 = arith.constant 0 : i32
          %dma_start3A_238 = tpu.memref_slice %arg3[%dma_start3A_236, %dma_start3A_237] : memref<10240x128xf32, #tpu.memory_space<hbm>> -> memref<10240x128xf32, #tpu.memory_space<hbm>>
          tpu.enqueue_indirect_dma source(%dma_start3A_238 : memref<10240x128xf32, #tpu.memory_space<hbm>>) target(%arg12 : memref<80x128xf32, #tpu.memory_space<vmem>>) offsets(%dma_start3A_235 : memref<80xi32, #tpu.memory_space<vmem>>) semaphore(%arg15 : memref<!tpu.dma_semaphore, #tpu.memory_space<semaphore_mem>>)
        } else {
        }
      } else {
      }
      %scan3A_214 = arith.constant 0 : i32
      scf.yield %scan3A_214 : i32
    }
    %scan3A_24 = arith.constant 14 : i32
    %dma_wait3A = arith.constant 0 : i32
    %dma_wait3A_25 = arith.constant 0 : i32
    %dma_wait3A_26 = tpu.memref_slice %arg2[%dma_wait3A, %dma_wait3A_25] : memref<10240x128xf32, #tpu.memory_space<hbm>> -> memref<80x128xf32, #tpu.memory_space<hbm>>
    %dma_wait3A_27 = arith.constant 0 : i32
    %dma_wait3A_28 = arith.constant 0 : i32
    %dma_wait3A_29 = tpu.memref_slice %arg2[%dma_wait3A_27, %dma_wait3A_28] : memref<10240x128xf32, #tpu.memory_space<hbm>> -> memref<80x128xf32, #tpu.memory_space<hbm>>
    tpu.wait_dma2 semaphore(%arg17 : memref<!tpu.dma_semaphore, #tpu.memory_space<semaphore_mem>>) src(%dma_wait3A_29 : memref<80x128xf32, #tpu.memory_space<hbm>>) dst(%arg11 : memref<80x128xf32, #tpu.memory_space<vmem>>)
    %dma_wait3A_30 = arith.constant 0 : i32
    %dma_wait3A_31 = arith.constant 0 : i32
    %dma_wait3A_32 = tpu.memref_slice %arg2[%dma_wait3A_30, %dma_wait3A_31] : memref<10240x128xf32, #tpu.memory_space<hbm>> -> memref<80x128xf32, #tpu.memory_space<hbm>>
    %dma_wait3A_33 = arith.constant 0 : i32
    %dma_wait3A_34 = arith.constant 0 : i32
    %dma_wait3A_35 = tpu.memref_slice %arg2[%dma_wait3A_33, %dma_wait3A_34] : memref<10240x128xf32, #tpu.memory_space<hbm>> -> memref<80x128xf32, #tpu.memory_space<hbm>>
    tpu.wait_dma2 semaphore(%arg18 : memref<!tpu.dma_semaphore, #tpu.memory_space<semaphore_mem>>) src(%dma_wait3A_35 : memref<80x128xf32, #tpu.memory_space<hbm>>) dst(%arg12 : memref<80x128xf32, #tpu.memory_space<vmem>>)
    %dma_wait3A_36 = arith.constant 0 : i32
    %dma_wait3A_37 = arith.constant 0 : i32
    %dma_wait3A_38 = tpu.memref_slice %arg2[%dma_wait3A_36, %dma_wait3A_37] : memref<10240x128xf32, #tpu.memory_space<hbm>> -> memref<80x128xf32, #tpu.memory_space<hbm>>
    %dma_wait3A_39 = arith.constant 0 : i32
    %dma_wait3A_40 = arith.constant 0 : i32
    %dma_wait3A_41 = tpu.memref_slice %arg2[%dma_wait3A_39, %dma_wait3A_40] : memref<10240x128xf32, #tpu.memory_space<hbm>> -> memref<80x128xf32, #tpu.memory_space<hbm>>
    tpu.wait_dma2 semaphore(%arg19 : memref<!tpu.dma_semaphore, #tpu.memory_space<semaphore_mem>>) src(%dma_wait3A_41 : memref<80x128xf32, #tpu.memory_space<hbm>>) dst(%arg13 : memref<80x128xf32, #tpu.memory_space<vmem>>)
    %run_scoped3A_42 = arith.constant 1 : i32
    "tpu.region"() ({
      %run_scoped3A_147 = tpu.sem_alloc : memref<!tpu.dma_semaphore, #tpu.memory_space<semaphore_mem>>
      %dma_start3A = arith.constant 0 : i32
      %dma_start3A_148 = arith.constant 0 : i32
      %dma_start3A_149 = arith.constant 0 : i32
      %dma_start3A_150 = tpu.memref_slice %arg4[%arg1, %dma_start3A, %dma_start3A_148, %dma_start3A_149] : memref<16x3x42x80xi32, #tpu.memory_space<hbm>> -> memref<1x3x42x80xi32, #tpu.memory_space<hbm>>
      %dma_start3A_151 = tpu.memref_squeeze %dma_start3A_150 : memref<1x3x42x80xi32, #tpu.memory_space<hbm>> -> memref<3x42x80xi32, #tpu.memory_space<hbm>>
      %dma_start3A_152 = arith.constant 0 : i32
      %dma_start3A_153 = arith.constant 0 : i32
      %dma_start3A_154 = tpu.memref_slice %dma_start3A_151[%run_scoped3A_42, %dma_start3A_152, %dma_start3A_153] : memref<3x42x80xi32, #tpu.memory_space<hbm>> -> memref<1x42x80xi32, #tpu.memory_space<hbm>>
      %dma_start3A_155 = tpu.memref_squeeze %dma_start3A_154 : memref<1x42x80xi32, #tpu.memory_space<hbm>> -> memref<42x80xi32, #tpu.memory_space<hbm>>
      %dma_start3A_156 = arith.constant 0 : i32
      %dma_start3A_157 = arith.constant 0 : i32
      %dma_start3A_158 = arith.constant 0 : i32
      %dma_start3A_159 = tpu.memref_slice %arg4[%arg1, %dma_start3A_156, %dma_start3A_157, %dma_start3A_158] : memref<16x3x42x80xi32, #tpu.memory_space<hbm>> -> memref<1x3x42x80xi32, #tpu.memory_space<hbm>>
      %dma_start3A_160 = tpu.memref_squeeze %dma_start3A_159 : memref<1x3x42x80xi32, #tpu.memory_space<hbm>> -> memref<3x42x80xi32, #tpu.memory_space<hbm>>
      %dma_start3A_161 = arith.constant 0 : i32
      %dma_start3A_162 = arith.constant 0 : i32
      %dma_start3A_163 = tpu.memref_slice %dma_start3A_160[%run_scoped3A_42, %dma_start3A_161, %dma_start3A_162] : memref<3x42x80xi32, #tpu.memory_space<hbm>> -> memref<1x42x80xi32, #tpu.memory_space<hbm>>
      %dma_start3A_164 = tpu.memref_squeeze %dma_start3A_163 : memref<1x42x80xi32, #tpu.memory_space<hbm>> -> memref<42x80xi32, #tpu.memory_space<hbm>>
      tpu.enqueue_dma source(%dma_start3A_164 : memref<42x80xi32, #tpu.memory_space<hbm>>) target(%arg9 : memref<42x80xi32, #tpu.memory_space<vmem>>) target_semaphore(%run_scoped3A_147 : memref<!tpu.dma_semaphore, #tpu.memory_space<semaphore_mem>>)
      %dma_wait3A_165 = arith.constant 0 : i32
      %dma_wait3A_166 = arith.constant 0 : i32
      %dma_wait3A_167 = arith.constant 0 : i32
      %dma_wait3A_168 = tpu.memref_slice %arg4[%arg1, %dma_wait3A_165, %dma_wait3A_166, %dma_wait3A_167] : memref<16x3x42x80xi32, #tpu.memory_space<hbm>> -> memref<1x3x42x80xi32, #tpu.memory_space<hbm>>
      %dma_wait3A_169 = tpu.memref_squeeze %dma_wait3A_168 : memref<1x3x42x80xi32, #tpu.memory_space<hbm>> -> memref<3x42x80xi32, #tpu.memory_space<hbm>>
      %dma_wait3A_170 = arith.constant 0 : i32
      %dma_wait3A_171 = arith.constant 0 : i32
      %dma_wait3A_172 = tpu.memref_slice %dma_wait3A_169[%run_scoped3A_42, %dma_wait3A_170, %dma_wait3A_171] : memref<3x42x80xi32, #tpu.memory_space<hbm>> -> memref<1x42x80xi32, #tpu.memory_space<hbm>>
      %dma_wait3A_173 = tpu.memref_squeeze %dma_wait3A_172 : memref<1x42x80xi32, #tpu.memory_space<hbm>> -> memref<42x80xi32, #tpu.memory_space<hbm>>
      %dma_wait3A_174 = arith.constant 0 : i32
      %dma_wait3A_175 = arith.constant 0 : i32
      %dma_wait3A_176 = arith.constant 0 : i32
      %dma_wait3A_177 = tpu.memref_slice %arg4[%arg1, %dma_wait3A_174, %dma_wait3A_175, %dma_wait3A_176] : memref<16x3x42x80xi32, #tpu.memory_space<hbm>> -> memref<1x3x42x80xi32, #tpu.memory_space<hbm>>
      %dma_wait3A_178 = tpu.memref_squeeze %dma_wait3A_177 : memref<1x3x42x80xi32, #tpu.memory_space<hbm>> -> memref<3x42x80xi32, #tpu.memory_space<hbm>>
      %dma_wait3A_179 = arith.constant 0 : i32
      %dma_wait3A_180 = arith.constant 0 : i32
      %dma_wait3A_181 = tpu.memref_slice %dma_wait3A_178[%run_scoped3A_42, %dma_wait3A_179, %dma_wait3A_180] : memref<3x42x80xi32, #tpu.memory_space<hbm>> -> memref<1x42x80xi32, #tpu.memory_space<hbm>>
      %dma_wait3A_182 = tpu.memref_squeeze %dma_wait3A_181 : memref<1x42x80xi32, #tpu.memory_space<hbm>> -> memref<42x80xi32, #tpu.memory_space<hbm>>
      tpu.wait_dma2 semaphore(%run_scoped3A_147 : memref<!tpu.dma_semaphore, #tpu.memory_space<semaphore_mem>>) src(%dma_wait3A_182 : memref<42x80xi32, #tpu.memory_space<hbm>>) dst(%arg9 : memref<42x80xi32, #tpu.memory_space<vmem>>)
      tpu.yield
    }) : () -> ()
    %run_scoped3A_43 = arith.constant 1 : i32
    "tpu.region"() ({
      %run_scoped3A_147 = tpu.sem_alloc : memref<!tpu.dma_semaphore, #tpu.memory_space<semaphore_mem>>
      %dma_start3A = arith.constant 0 : i32
      %dma_start3A_148 = arith.constant 0 : i32
      %dma_start3A_149 = arith.constant 0 : i32
      %dma_start3A_150 = tpu.memref_slice %arg5[%arg1, %dma_start3A, %dma_start3A_148, %dma_start3A_149] : memref<16x3x42x80xi32, #tpu.memory_space<hbm>> -> memref<1x3x42x80xi32, #tpu.memory_space<hbm>>
      %dma_start3A_151 = tpu.memref_squeeze %dma_start3A_150 : memref<1x3x42x80xi32, #tpu.memory_space<hbm>> -> memref<3x42x80xi32, #tpu.memory_space<hbm>>
      %dma_start3A_152 = arith.constant 0 : i32
      %dma_start3A_153 = arith.constant 0 : i32
      %dma_start3A_154 = tpu.memref_slice %dma_start3A_151[%run_scoped3A_43, %dma_start3A_152, %dma_start3A_153] : memref<3x42x80xi32, #tpu.memory_space<hbm>> -> memref<1x42x80xi32, #tpu.memory_space<hbm>>
      %dma_start3A_155 = tpu.memref_squeeze %dma_start3A_154 : memref<1x42x80xi32, #tpu.memory_space<hbm>> -> memref<42x80xi32, #tpu.memory_space<hbm>>
      %dma_start3A_156 = arith.constant 0 : i32
      %dma_start3A_157 = arith.constant 0 : i32
      %dma_start3A_158 = arith.constant 0 : i32
      %dma_start3A_159 = tpu.memref_slice %arg5[%arg1, %dma_start3A_156, %dma_start3A_157, %dma_start3A_158] : memref<16x3x42x80xi32, #tpu.memory_space<hbm>> -> memref<1x3x42x80xi32, #tpu.memory_space<hbm>>
      %dma_start3A_160 = tpu.memref_squeeze %dma_start3A_159 : memref<1x3x42x80xi32, #tpu.memory_space<hbm>> -> memref<3x42x80xi32, #tpu.memory_space<hbm>>
      %dma_start3A_161 = arith.constant 0 : i32
      %dma_start3A_162 = arith.constant 0 : i32
      %dma_start3A_163 = tpu.memref_slice %dma_start3A_160[%run_scoped3A_43, %dma_start3A_161, %dma_start3A_162] : memref<3x42x80xi32, #tpu.memory_space<hbm>> -> memref<1x42x80xi32, #tpu.memory_space<hbm>>
      %dma_start3A_164 = tpu.memref_squeeze %dma_start3A_163 : memref<1x42x80xi32, #tpu.memory_space<hbm>> -> memref<42x80xi32, #tpu.memory_space<hbm>>
      tpu.enqueue_dma source(%dma_start3A_164 : memref<42x80xi32, #tpu.memory_space<hbm>>) target(%arg10 : memref<42x80xi32, #tpu.memory_space<vmem>>) target_semaphore(%run_scoped3A_147 : memref<!tpu.dma_semaphore, #tpu.memory_space<semaphore_mem>>)
      %dma_wait3A_165 = arith.constant 0 : i32
      %dma_wait3A_166 = arith.constant 0 : i32
      %dma_wait3A_167 = arith.constant 0 : i32
      %dma_wait3A_168 = tpu.memref_slice %arg5[%arg1, %dma_wait3A_165, %dma_wait3A_166, %dma_wait3A_167] : memref<16x3x42x80xi32, #tpu.memory_space<hbm>> -> memref<1x3x42x80xi32, #tpu.memory_space<hbm>>
      %dma_wait3A_169 = tpu.memref_squeeze %dma_wait3A_168 : memref<1x3x42x80xi32, #tpu.memory_space<hbm>> -> memref<3x42x80xi32, #tpu.memory_space<hbm>>
      %dma_wait3A_170 = arith.constant 0 : i32
      %dma_wait3A_171 = arith.constant 0 : i32
      %dma_wait3A_172 = tpu.memref_slice %dma_wait3A_169[%run_scoped3A_43, %dma_wait3A_170, %dma_wait3A_171] : memref<3x42x80xi32, #tpu.memory_space<hbm>> -> memref<1x42x80xi32, #tpu.memory_space<hbm>>
      %dma_wait3A_173 = tpu.memref_squeeze %dma_wait3A_172 : memref<1x42x80xi32, #tpu.memory_space<hbm>> -> memref<42x80xi32, #tpu.memory_space<hbm>>
      %dma_wait3A_174 = arith.constant 0 : i32
      %dma_wait3A_175 = arith.constant 0 : i32
      %dma_wait3A_176 = arith.constant 0 : i32
      %dma_wait3A_177 = tpu.memref_slice %arg5[%arg1, %dma_wait3A_174, %dma_wait3A_175, %dma_wait3A_176] : memref<16x3x42x80xi32, #tpu.memory_space<hbm>> -> memref<1x3x42x80xi32, #tpu.memory_space<hbm>>
      %dma_wait3A_178 = tpu.memref_squeeze %dma_wait3A_177 : memref<1x3x42x80xi32, #tpu.memory_space<hbm>> -> memref<3x42x80xi32, #tpu.memory_space<hbm>>
      %dma_wait3A_179 = arith.constant 0 : i32
      %dma_wait3A_180 = arith.constant 0 : i32
      %dma_wait3A_181 = tpu.memref_slice %dma_wait3A_178[%run_scoped3A_43, %dma_wait3A_179, %dma_wait3A_180] : memref<3x42x80xi32, #tpu.memory_space<hbm>> -> memref<1x42x80xi32, #tpu.memory_space<hbm>>
      %dma_wait3A_182 = tpu.memref_squeeze %dma_wait3A_181 : memref<1x42x80xi32, #tpu.memory_space<hbm>> -> memref<42x80xi32, #tpu.memory_space<hbm>>
      tpu.wait_dma2 semaphore(%run_scoped3A_147 : memref<!tpu.dma_semaphore, #tpu.memory_space<semaphore_mem>>) src(%dma_wait3A_182 : memref<42x80xi32, #tpu.memory_space<hbm>>) dst(%arg10 : memref<42x80xi32, #tpu.memory_space<vmem>>)
      tpu.yield
    }) : () -> ()
    %eq3A_44 = arith.constant 0 : i32
    %eq3A_45 = arith.cmpi eq, %arg0, %eq3A_44 : i32
    %convert_element_type3A_46 = arith.extui %eq3A_45 : i1 to i32
    %cond3A_47 = arith.constant 0 : i32
    %cond3A_48 = arith.cmpi ne, %convert_element_type3A_46, %cond3A_47 : i32
    scf.if %cond3A_48 {
      %dma_start3A = arith.constant 0 : i32
      %dma_start3A_147 = arith.constant 0 : i32
      %dma_start3A_148 = tpu.memref_slice %arg9[%dma_start3A, %dma_start3A_147] : memref<42x80xi32, #tpu.memory_space<vmem>> -> memref<1x80xi32, #tpu.memory_space<vmem>>
      %dma_start3A_149 = tpu.memref_squeeze %dma_start3A_148 : memref<1x80xi32, #tpu.memory_space<vmem>> -> memref<80xi32, #tpu.memory_space<vmem>>
      %dma_start3A_150 = arith.constant 0 : i32
      %dma_start3A_151 = arith.constant 0 : i32
      %dma_start3A_152 = tpu.memref_slice %arg2[%dma_start3A_150, %dma_start3A_151] : memref<10240x128xf32, #tpu.memory_space<hbm>> -> memref<10240x128xf32, #tpu.memory_space<hbm>>
      tpu.enqueue_indirect_dma source(%dma_start3A_152 : memref<10240x128xf32, #tpu.memory_space<hbm>>) target(%arg11 : memref<80x128xf32, #tpu.memory_space<vmem>>) offsets(%dma_start3A_149 : memref<80xi32, #tpu.memory_space<vmem>>) semaphore(%arg14 : memref<!tpu.dma_semaphore, #tpu.memory_space<semaphore_mem>>)
    } else {
    }
    %eq3A_49 = arith.constant 1 : i32
    %eq3A_50 = arith.cmpi eq, %arg0, %eq3A_49 : i32
    %convert_element_type3A_51 = arith.extui %eq3A_50 : i1 to i32
    %cond3A_52 = arith.constant 0 : i32
    %cond3A_53 = arith.cmpi ne, %convert_element_type3A_51, %cond3A_52 : i32
    scf.if %cond3A_53 {
      %dma_start3A = arith.constant 0 : i32
      %dma_start3A_147 = arith.constant 0 : i32
      %dma_start3A_148 = tpu.memref_slice %arg9[%dma_start3A, %dma_start3A_147] : memref<42x80xi32, #tpu.memory_space<vmem>> -> memref<1x80xi32, #tpu.memory_space<vmem>>
      %dma_start3A_149 = tpu.memref_squeeze %dma_start3A_148 : memref<1x80xi32, #tpu.memory_space<vmem>> -> memref<80xi32, #tpu.memory_space<vmem>>
      %dma_start3A_150 = arith.constant 0 : i32
      %dma_start3A_151 = arith.constant 0 : i32
      %dma_start3A_152 = tpu.memref_slice %arg3[%dma_start3A_150, %dma_start3A_151] : memref<10240x128xf32, #tpu.memory_space<hbm>> -> memref<10240x128xf32, #tpu.memory_space<hbm>>
      tpu.enqueue_indirect_dma source(%dma_start3A_152 : memref<10240x128xf32, #tpu.memory_space<hbm>>) target(%arg11 : memref<80x128xf32, #tpu.memory_space<vmem>>) offsets(%dma_start3A_149 : memref<80xi32, #tpu.memory_space<vmem>>) semaphore(%arg14 : memref<!tpu.dma_semaphore, #tpu.memory_space<semaphore_mem>>)
    } else {
    }
    %eq3A_54 = arith.constant 0 : i32
    %eq3A_55 = arith.cmpi eq, %arg0, %eq3A_54 : i32
    %convert_element_type3A_56 = arith.extui %eq3A_55 : i1 to i32
    %cond3A_57 = arith.constant 0 : i32
    %cond3A_58 = arith.cmpi ne, %convert_element_type3A_56, %cond3A_57 : i32
    scf.if %cond3A_58 {
      %dma_start3A = arith.constant 1 : i32
      %dma_start3A_147 = arith.constant 0 : i32
      %dma_start3A_148 = tpu.memref_slice %arg9[%dma_start3A, %dma_start3A_147] : memref<42x80xi32, #tpu.memory_space<vmem>> -> memref<1x80xi32, #tpu.memory_space<vmem>>
      %dma_start3A_149 = tpu.memref_squeeze %dma_start3A_148 : memref<1x80xi32, #tpu.memory_space<vmem>> -> memref<80xi32, #tpu.memory_space<vmem>>
      %dma_start3A_150 = arith.constant 0 : i32
      %dma_start3A_151 = arith.constant 0 : i32
      %dma_start3A_152 = tpu.memref_slice %arg2[%dma_start3A_150, %dma_start3A_151] : memref<10240x128xf32, #tpu.memory_space<hbm>> -> memref<10240x128xf32, #tpu.memory_space<hbm>>
      tpu.enqueue_indirect_dma source(%dma_start3A_152 : memref<10240x128xf32, #tpu.memory_space<hbm>>) target(%arg12 : memref<80x128xf32, #tpu.memory_space<vmem>>) offsets(%dma_start3A_149 : memref<80xi32, #tpu.memory_space<vmem>>) semaphore(%arg15 : memref<!tpu.dma_semaphore, #tpu.memory_space<semaphore_mem>>)
    } else {
    }
    %eq3A_59 = arith.constant 1 : i32
    %eq3A_60 = arith.cmpi eq, %arg0, %eq3A_59 : i32
    %convert_element_type3A_61 = arith.extui %eq3A_60 : i1 to i32
    %cond3A_62 = arith.constant 0 : i32
    %cond3A_63 = arith.cmpi ne, %convert_element_type3A_61, %cond3A_62 : i32
    scf.if %cond3A_63 {
      %dma_start3A = arith.constant 1 : i32
      %dma_start3A_147 = arith.constant 0 : i32
      %dma_start3A_148 = tpu.memref_slice %arg9[%dma_start3A, %dma_start3A_147] : memref<42x80xi32, #tpu.memory_space<vmem>> -> memref<1x80xi32, #tpu.memory_space<vmem>>
      %dma_start3A_149 = tpu.memref_squeeze %dma_start3A_148 : memref<1x80xi32, #tpu.memory_space<vmem>> -> memref<80xi32, #tpu.memory_space<vmem>>
      %dma_start3A_150 = arith.constant 0 : i32
      %dma_start3A_151 = arith.constant 0 : i32
      %dma_start3A_152 = tpu.memref_slice %arg3[%dma_start3A_150, %dma_start3A_151] : memref<10240x128xf32, #tpu.memory_space<hbm>> -> memref<10240x128xf32, #tpu.memory_space<hbm>>
      tpu.enqueue_indirect_dma source(%dma_start3A_152 : memref<10240x128xf32, #tpu.memory_space<hbm>>) target(%arg12 : memref<80x128xf32, #tpu.memory_space<vmem>>) offsets(%dma_start3A_149 : memref<80xi32, #tpu.memory_space<vmem>>) semaphore(%arg15 : memref<!tpu.dma_semaphore, #tpu.memory_space<semaphore_mem>>)
    } else {
    }
    %scan3A_64 = arith.constant 0 : i32
    %scan3A_65 = arith.constant 0 : i32
    %scan3A_66 = arith.constant 14 : i32
    %scan3A_67 = arith.addi %scan3A_65, %scan3A_66 : i32
    %scan3A_68 = arith.constant 1 : i32
    %scan3A_69 = scf.for %scan3A_147 = %scan3A_65 to %scan3A_67 step %scan3A_68 iter_args(%scan3A_148 = %scan3A_64) -> (i32)  : i32 {
      %mul3A_149 = arith.constant 3 : i32
      %mul3A_150 = arith.muli %scan3A_147, %mul3A_149 : i32
      %dma_wait3A_151 = arith.constant 0 : i32
      %dma_wait3A_152 = arith.constant 0 : i32
      %dma_wait3A_153 = tpu.memref_slice %arg2[%dma_wait3A_151, %dma_wait3A_152] : memref<10240x128xf32, #tpu.memory_space<hbm>> -> memref<80x128xf32, #tpu.memory_space<hbm>>
      %dma_wait3A_154 = arith.constant 0 : i32
      %dma_wait3A_155 = arith.constant 0 : i32
      %dma_wait3A_156 = tpu.memref_slice %arg2[%dma_wait3A_154, %dma_wait3A_155] : memref<10240x128xf32, #tpu.memory_space<hbm>> -> memref<80x128xf32, #tpu.memory_space<hbm>>
      tpu.wait_dma2 semaphore(%arg14 : memref<!tpu.dma_semaphore, #tpu.memory_space<semaphore_mem>>) src(%dma_wait3A_156 : memref<80x128xf32, #tpu.memory_space<hbm>>) dst(%arg11 : memref<80x128xf32, #tpu.memory_space<vmem>>)
      %dma_start3A = arith.constant 0 : i32
      %dma_start3A_157 = tpu.memref_slice %arg10[%mul3A_150, %dma_start3A] : memref<42x80xi32, #tpu.memory_space<vmem>> -> memref<1x80xi32, #tpu.memory_space<vmem>>
      %dma_start3A_158 = tpu.memref_squeeze %dma_start3A_157 : memref<1x80xi32, #tpu.memory_space<vmem>> -> memref<80xi32, #tpu.memory_space<vmem>>
      %dma_start3A_159 = arith.constant 0 : i32
      %dma_start3A_160 = arith.constant 0 : i32
      %dma_start3A_161 = tpu.memref_slice %arg20[%dma_start3A_159, %dma_start3A_160] : memref<10240x128xf32, #tpu.memory_space<vmem_shared>> -> memref<10240x128xf32, #tpu.memory_space<vmem_shared>>
      tpu.enqueue_indirect_dma source(%arg11 : memref<80x128xf32, #tpu.memory_space<vmem>>) target(%dma_start3A_161 : memref<10240x128xf32, #tpu.memory_space<vmem_shared>>) offsets(%dma_start3A_158 : memref<80xi32, #tpu.memory_space<vmem>>) semaphore(%arg17 : memref<!tpu.dma_semaphore, #tpu.memory_space<semaphore_mem>>) {add = true}
      %gt3A = arith.constant 0 : i32
      %gt3A_162 = arith.cmpi sgt, %scan3A_147, %gt3A : i32
      %convert_element_type3A_163 = arith.extui %gt3A_162 : i1 to i32
      %cond3A_164 = arith.constant 0 : i32
      %cond3A_165 = arith.cmpi ne, %convert_element_type3A_163, %cond3A_164 : i32
      scf.if %cond3A_165 {
        %dma_wait3A_215 = arith.constant 0 : i32
        %dma_wait3A_216 = arith.constant 0 : i32
        %dma_wait3A_217 = tpu.memref_slice %arg2[%dma_wait3A_215, %dma_wait3A_216] : memref<10240x128xf32, #tpu.memory_space<hbm>> -> memref<80x128xf32, #tpu.memory_space<hbm>>
        %dma_wait3A_218 = arith.constant 0 : i32
        %dma_wait3A_219 = arith.constant 0 : i32
        %dma_wait3A_220 = tpu.memref_slice %arg2[%dma_wait3A_218, %dma_wait3A_219] : memref<10240x128xf32, #tpu.memory_space<hbm>> -> memref<80x128xf32, #tpu.memory_space<hbm>>
        tpu.wait_dma2 semaphore(%arg19 : memref<!tpu.dma_semaphore, #tpu.memory_space<semaphore_mem>>) src(%dma_wait3A_220 : memref<80x128xf32, #tpu.memory_space<hbm>>) dst(%arg13 : memref<80x128xf32, #tpu.memory_space<vmem>>)
      } else {
      }
      %add3A = arith.constant 2 : i32
      %add3A_166 = arith.addi %mul3A_150, %add3A : i32
      %eq3A_167 = arith.constant 0 : i32
      %eq3A_168 = arith.cmpi eq, %arg0, %eq3A_167 : i32
      %convert_element_type3A_169 = arith.extui %eq3A_168 : i1 to i32
      %cond3A_170 = arith.constant 0 : i32
      %cond3A_171 = arith.cmpi ne, %convert_element_type3A_169, %cond3A_170 : i32
      scf.if %cond3A_171 {
        %dma_start3A_215 = arith.constant 0 : i32
        %dma_start3A_216 = tpu.memref_slice %arg9[%add3A_166, %dma_start3A_215] : memref<42x80xi32, #tpu.memory_space<vmem>> -> memref<1x80xi32, #tpu.memory_space<vmem>>
        %dma_start3A_217 = tpu.memref_squeeze %dma_start3A_216 : memref<1x80xi32, #tpu.memory_space<vmem>> -> memref<80xi32, #tpu.memory_space<vmem>>
        %dma_start3A_218 = arith.constant 0 : i32
        %dma_start3A_219 = arith.constant 0 : i32
        %dma_start3A_220 = tpu.memref_slice %arg2[%dma_start3A_218, %dma_start3A_219] : memref<10240x128xf32, #tpu.memory_space<hbm>> -> memref<10240x128xf32, #tpu.memory_space<hbm>>
        tpu.enqueue_indirect_dma source(%dma_start3A_220 : memref<10240x128xf32, #tpu.memory_space<hbm>>) target(%arg13 : memref<80x128xf32, #tpu.memory_space<vmem>>) offsets(%dma_start3A_217 : memref<80xi32, #tpu.memory_space<vmem>>) semaphore(%arg16 : memref<!tpu.dma_semaphore, #tpu.memory_space<semaphore_mem>>)
      } else {
      }
      %eq3A_172 = arith.constant 1 : i32
      %eq3A_173 = arith.cmpi eq, %arg0, %eq3A_172 : i32
      %convert_element_type3A_174 = arith.extui %eq3A_173 : i1 to i32
      %cond3A_175 = arith.constant 0 : i32
      %cond3A_176 = arith.cmpi ne, %convert_element_type3A_174, %cond3A_175 : i32
      scf.if %cond3A_176 {
        %dma_start3A_215 = arith.constant 0 : i32
        %dma_start3A_216 = tpu.memref_slice %arg9[%add3A_166, %dma_start3A_215] : memref<42x80xi32, #tpu.memory_space<vmem>> -> memref<1x80xi32, #tpu.memory_space<vmem>>
        %dma_start3A_217 = tpu.memref_squeeze %dma_start3A_216 : memref<1x80xi32, #tpu.memory_space<vmem>> -> memref<80xi32, #tpu.memory_space<vmem>>
        %dma_start3A_218 = arith.constant 0 : i32
        %dma_start3A_219 = arith.constant 0 : i32
        %dma_start3A_220 = tpu.memref_slice %arg3[%dma_start3A_218, %dma_start3A_219] : memref<10240x128xf32, #tpu.memory_space<hbm>> -> memref<10240x128xf32, #tpu.memory_space<hbm>>
        tpu.enqueue_indirect_dma source(%dma_start3A_220 : memref<10240x128xf32, #tpu.memory_space<hbm>>) target(%arg13 : memref<80x128xf32, #tpu.memory_space<vmem>>) offsets(%dma_start3A_217 : memref<80xi32, #tpu.memory_space<vmem>>) semaphore(%arg16 : memref<!tpu.dma_semaphore, #tpu.memory_space<semaphore_mem>>)
      } else {
      }
      %dma_wait3A_177 = arith.constant 0 : i32
      %dma_wait3A_178 = arith.constant 0 : i32
      %dma_wait3A_179 = tpu.memref_slice %arg2[%dma_wait3A_177, %dma_wait3A_178] : memref<10240x128xf32, #tpu.memory_space<hbm>> -> memref<80x128xf32, #tpu.memory_space<hbm>>
      %dma_wait3A_180 = arith.constant 0 : i32
      %dma_wait3A_181 = arith.constant 0 : i32
      %dma_wait3A_182 = tpu.memref_slice %arg2[%dma_wait3A_180, %dma_wait3A_181] : memref<10240x128xf32, #tpu.memory_space<hbm>> -> memref<80x128xf32, #tpu.memory_space<hbm>>
      tpu.wait_dma2 semaphore(%arg15 : memref<!tpu.dma_semaphore, #tpu.memory_space<semaphore_mem>>) src(%dma_wait3A_182 : memref<80x128xf32, #tpu.memory_space<hbm>>) dst(%arg12 : memref<80x128xf32, #tpu.memory_space<vmem>>)
      %add3A_183 = arith.constant 1 : i32
      %add3A_184 = arith.addi %mul3A_150, %add3A_183 : i32
      %dma_start3A_185 = arith.constant 0 : i32
      %dma_start3A_186 = tpu.memref_slice %arg10[%add3A_184, %dma_start3A_185] : memref<42x80xi32, #tpu.memory_space<vmem>> -> memref<1x80xi32, #tpu.memory_space<vmem>>
      %dma_start3A_187 = tpu.memref_squeeze %dma_start3A_186 : memref<1x80xi32, #tpu.memory_space<vmem>> -> memref<80xi32, #tpu.memory_space<vmem>>
      %dma_start3A_188 = arith.constant 0 : i32
      %dma_start3A_189 = arith.constant 0 : i32
      %dma_start3A_190 = tpu.memref_slice %arg20[%dma_start3A_188, %dma_start3A_189] : memref<10240x128xf32, #tpu.memory_space<vmem_shared>> -> memref<10240x128xf32, #tpu.memory_space<vmem_shared>>
      tpu.enqueue_indirect_dma source(%arg12 : memref<80x128xf32, #tpu.memory_space<vmem>>) target(%dma_start3A_190 : memref<10240x128xf32, #tpu.memory_space<vmem_shared>>) offsets(%dma_start3A_187 : memref<80xi32, #tpu.memory_space<vmem>>) semaphore(%arg18 : memref<!tpu.dma_semaphore, #tpu.memory_space<semaphore_mem>>) {add = true}
      %lt3A = arith.constant 13 : i32
      %lt3A_191 = arith.cmpi slt, %scan3A_147, %lt3A : i32
      %convert_element_type3A_192 = arith.extui %lt3A_191 : i1 to i32
      %cond3A_193 = arith.constant 0 : i32
      %cond3A_194 = arith.cmpi ne, %convert_element_type3A_192, %cond3A_193 : i32
      scf.if %cond3A_194 {
        %dma_wait3A_215 = arith.constant 0 : i32
        %dma_wait3A_216 = arith.constant 0 : i32
        %dma_wait3A_217 = tpu.memref_slice %arg2[%dma_wait3A_215, %dma_wait3A_216] : memref<10240x128xf32, #tpu.memory_space<hbm>> -> memref<80x128xf32, #tpu.memory_space<hbm>>
        %dma_wait3A_218 = arith.constant 0 : i32
        %dma_wait3A_219 = arith.constant 0 : i32
        %dma_wait3A_220 = tpu.memref_slice %arg2[%dma_wait3A_218, %dma_wait3A_219] : memref<10240x128xf32, #tpu.memory_space<hbm>> -> memref<80x128xf32, #tpu.memory_space<hbm>>
        tpu.wait_dma2 semaphore(%arg17 : memref<!tpu.dma_semaphore, #tpu.memory_space<semaphore_mem>>) src(%dma_wait3A_220 : memref<80x128xf32, #tpu.memory_space<hbm>>) dst(%arg11 : memref<80x128xf32, #tpu.memory_space<vmem>>)
        %add3A_221 = arith.constant 3 : i32
        %add3A_222 = arith.addi %mul3A_150, %add3A_221 : i32
        %eq3A_223 = arith.constant 0 : i32
        %eq3A_224 = arith.cmpi eq, %arg0, %eq3A_223 : i32
        %convert_element_type3A_225 = arith.extui %eq3A_224 : i1 to i32
        %cond3A_226 = arith.constant 0 : i32
        %cond3A_227 = arith.cmpi ne, %convert_element_type3A_225, %cond3A_226 : i32
        scf.if %cond3A_227 {
          %dma_start3A_233 = arith.constant 0 : i32
          %dma_start3A_234 = tpu.memref_slice %arg9[%add3A_222, %dma_start3A_233] : memref<42x80xi32, #tpu.memory_space<vmem>> -> memref<1x80xi32, #tpu.memory_space<vmem>>
          %dma_start3A_235 = tpu.memref_squeeze %dma_start3A_234 : memref<1x80xi32, #tpu.memory_space<vmem>> -> memref<80xi32, #tpu.memory_space<vmem>>
          %dma_start3A_236 = arith.constant 0 : i32
          %dma_start3A_237 = arith.constant 0 : i32
          %dma_start3A_238 = tpu.memref_slice %arg2[%dma_start3A_236, %dma_start3A_237] : memref<10240x128xf32, #tpu.memory_space<hbm>> -> memref<10240x128xf32, #tpu.memory_space<hbm>>
          tpu.enqueue_indirect_dma source(%dma_start3A_238 : memref<10240x128xf32, #tpu.memory_space<hbm>>) target(%arg11 : memref<80x128xf32, #tpu.memory_space<vmem>>) offsets(%dma_start3A_235 : memref<80xi32, #tpu.memory_space<vmem>>) semaphore(%arg14 : memref<!tpu.dma_semaphore, #tpu.memory_space<semaphore_mem>>)
        } else {
        }
        %eq3A_228 = arith.constant 1 : i32
        %eq3A_229 = arith.cmpi eq, %arg0, %eq3A_228 : i32
        %convert_element_type3A_230 = arith.extui %eq3A_229 : i1 to i32
        %cond3A_231 = arith.constant 0 : i32
        %cond3A_232 = arith.cmpi ne, %convert_element_type3A_230, %cond3A_231 : i32
        scf.if %cond3A_232 {
          %dma_start3A_233 = arith.constant 0 : i32
          %dma_start3A_234 = tpu.memref_slice %arg9[%add3A_222, %dma_start3A_233] : memref<42x80xi32, #tpu.memory_space<vmem>> -> memref<1x80xi32, #tpu.memory_space<vmem>>
          %dma_start3A_235 = tpu.memref_squeeze %dma_start3A_234 : memref<1x80xi32, #tpu.memory_space<vmem>> -> memref<80xi32, #tpu.memory_space<vmem>>
          %dma_start3A_236 = arith.constant 0 : i32
          %dma_start3A_237 = arith.constant 0 : i32
          %dma_start3A_238 = tpu.memref_slice %arg3[%dma_start3A_236, %dma_start3A_237] : memref<10240x128xf32, #tpu.memory_space<hbm>> -> memref<10240x128xf32, #tpu.memory_space<hbm>>
          tpu.enqueue_indirect_dma source(%dma_start3A_238 : memref<10240x128xf32, #tpu.memory_space<hbm>>) target(%arg11 : memref<80x128xf32, #tpu.memory_space<vmem>>) offsets(%dma_start3A_235 : memref<80xi32, #tpu.memory_space<vmem>>) semaphore(%arg14 : memref<!tpu.dma_semaphore, #tpu.memory_space<semaphore_mem>>)
        } else {
        }
      } else {
      }
      %dma_wait3A_195 = arith.constant 0 : i32
      %dma_wait3A_196 = arith.constant 0 : i32
      %dma_wait3A_197 = tpu.memref_slice %arg2[%dma_wait3A_195, %dma_wait3A_196] : memref<10240x128xf32, #tpu.memory_space<hbm>> -> memref<80x128xf32, #tpu.memory_space<hbm>>
      %dma_wait3A_198 = arith.constant 0 : i32
      %dma_wait3A_199 = arith.constant 0 : i32
      %dma_wait3A_200 = tpu.memref_slice %arg2[%dma_wait3A_198, %dma_wait3A_199] : memref<10240x128xf32, #tpu.memory_space<hbm>> -> memref<80x128xf32, #tpu.memory_space<hbm>>
      tpu.wait_dma2 semaphore(%arg16 : memref<!tpu.dma_semaphore, #tpu.memory_space<semaphore_mem>>) src(%dma_wait3A_200 : memref<80x128xf32, #tpu.memory_space<hbm>>) dst(%arg13 : memref<80x128xf32, #tpu.memory_space<vmem>>)
      %add3A_201 = arith.constant 2 : i32
      %add3A_202 = arith.addi %mul3A_150, %add3A_201 : i32
      %dma_start3A_203 = arith.constant 0 : i32
      %dma_start3A_204 = tpu.memref_slice %arg10[%add3A_202, %dma_start3A_203] : memref<42x80xi32, #tpu.memory_space<vmem>> -> memref<1x80xi32, #tpu.memory_space<vmem>>
      %dma_start3A_205 = tpu.memref_squeeze %dma_start3A_204 : memref<1x80xi32, #tpu.memory_space<vmem>> -> memref<80xi32, #tpu.memory_space<vmem>>
      %dma_start3A_206 = arith.constant 0 : i32
      %dma_start3A_207 = arith.constant 0 : i32
      %dma_start3A_208 = tpu.memref_slice %arg20[%dma_start3A_206, %dma_start3A_207] : memref<10240x128xf32, #tpu.memory_space<vmem_shared>> -> memref<10240x128xf32, #tpu.memory_space<vmem_shared>>
      tpu.enqueue_indirect_dma source(%arg13 : memref<80x128xf32, #tpu.memory_space<vmem>>) target(%dma_start3A_208 : memref<10240x128xf32, #tpu.memory_space<vmem_shared>>) offsets(%dma_start3A_205 : memref<80xi32, #tpu.memory_space<vmem>>) semaphore(%arg19 : memref<!tpu.dma_semaphore, #tpu.memory_space<semaphore_mem>>) {add = true}
      %lt3A_209 = arith.constant 13 : i32
      %lt3A_210 = arith.cmpi slt, %scan3A_147, %lt3A_209 : i32
      %convert_element_type3A_211 = arith.extui %lt3A_210 : i1 to i32
      %cond3A_212 = arith.constant 0 : i32
      %cond3A_213 = arith.cmpi ne, %convert_element_type3A_211, %cond3A_212 : i32
      scf.if %cond3A_213 {
        %dma_wait3A_215 = arith.constant 0 : i32
        %dma_wait3A_216 = arith.constant 0 : i32
        %dma_wait3A_217 = tpu.memref_slice %arg2[%dma_wait3A_215, %dma_wait3A_216] : memref<10240x128xf32, #tpu.memory_space<hbm>> -> memref<80x128xf32, #tpu.memory_space<hbm>>
        %dma_wait3A_218 = arith.constant 0 : i32
        %dma_wait3A_219 = arith.constant 0 : i32
        %dma_wait3A_220 = tpu.memref_slice %arg2[%dma_wait3A_218, %dma_wait3A_219] : memref<10240x128xf32, #tpu.memory_space<hbm>> -> memref<80x128xf32, #tpu.memory_space<hbm>>
        tpu.wait_dma2 semaphore(%arg18 : memref<!tpu.dma_semaphore, #tpu.memory_space<semaphore_mem>>) src(%dma_wait3A_220 : memref<80x128xf32, #tpu.memory_space<hbm>>) dst(%arg12 : memref<80x128xf32, #tpu.memory_space<vmem>>)
        %add3A_221 = arith.constant 4 : i32
        %add3A_222 = arith.addi %mul3A_150, %add3A_221 : i32
        %eq3A_223 = arith.constant 0 : i32
        %eq3A_224 = arith.cmpi eq, %arg0, %eq3A_223 : i32
        %convert_element_type3A_225 = arith.extui %eq3A_224 : i1 to i32
        %cond3A_226 = arith.constant 0 : i32
        %cond3A_227 = arith.cmpi ne, %convert_element_type3A_225, %cond3A_226 : i32
        scf.if %cond3A_227 {
          %dma_start3A_233 = arith.constant 0 : i32
          %dma_start3A_234 = tpu.memref_slice %arg9[%add3A_222, %dma_start3A_233] : memref<42x80xi32, #tpu.memory_space<vmem>> -> memref<1x80xi32, #tpu.memory_space<vmem>>
          %dma_start3A_235 = tpu.memref_squeeze %dma_start3A_234 : memref<1x80xi32, #tpu.memory_space<vmem>> -> memref<80xi32, #tpu.memory_space<vmem>>
          %dma_start3A_236 = arith.constant 0 : i32
          %dma_start3A_237 = arith.constant 0 : i32
          %dma_start3A_238 = tpu.memref_slice %arg2[%dma_start3A_236, %dma_start3A_237] : memref<10240x128xf32, #tpu.memory_space<hbm>> -> memref<10240x128xf32, #tpu.memory_space<hbm>>
          tpu.enqueue_indirect_dma source(%dma_start3A_238 : memref<10240x128xf32, #tpu.memory_space<hbm>>) target(%arg12 : memref<80x128xf32, #tpu.memory_space<vmem>>) offsets(%dma_start3A_235 : memref<80xi32, #tpu.memory_space<vmem>>) semaphore(%arg15 : memref<!tpu.dma_semaphore, #tpu.memory_space<semaphore_mem>>)
        } else {
        }
        %eq3A_228 = arith.constant 1 : i32
        %eq3A_229 = arith.cmpi eq, %arg0, %eq3A_228 : i32
        %convert_element_type3A_230 = arith.extui %eq3A_229 : i1 to i32
        %cond3A_231 = arith.constant 0 : i32
        %cond3A_232 = arith.cmpi ne, %convert_element_type3A_230, %cond3A_231 : i32
        scf.if %cond3A_232 {
          %dma_start3A_233 = arith.constant 0 : i32
          %dma_start3A_234 = tpu.memref_slice %arg9[%add3A_222, %dma_start3A_233] : memref<42x80xi32, #tpu.memory_space<vmem>> -> memref<1x80xi32, #tpu.memory_space<vmem>>
          %dma_start3A_235 = tpu.memref_squeeze %dma_start3A_234 : memref<1x80xi32, #tpu.memory_space<vmem>> -> memref<80xi32, #tpu.memory_space<vmem>>
          %dma_start3A_236 = arith.constant 0 : i32
          %dma_start3A_237 = arith.constant 0 : i32
          %dma_start3A_238 = tpu.memref_slice %arg3[%dma_start3A_236, %dma_start3A_237] : memref<10240x128xf32, #tpu.memory_space<hbm>> -> memref<10240x128xf32, #tpu.memory_space<hbm>>
          tpu.enqueue_indirect_dma source(%dma_start3A_238 : memref<10240x128xf32, #tpu.memory_space<hbm>>) target(%arg12 : memref<80x128xf32, #tpu.memory_space<vmem>>) offsets(%dma_start3A_235 : memref<80xi32, #tpu.memory_space<vmem>>) semaphore(%arg15 : memref<!tpu.dma_semaphore, #tpu.memory_space<semaphore_mem>>)
        } else {
        }
      } else {
      }
      %scan3A_214 = arith.constant 0 : i32
      scf.yield %scan3A_214 : i32
    }
    %scan3A_70 = arith.constant 14 : i32
    %dma_wait3A_71 = arith.constant 0 : i32
    %dma_wait3A_72 = arith.constant 0 : i32
    %dma_wait3A_73 = tpu.memref_slice %arg2[%dma_wait3A_71, %dma_wait3A_72] : memref<10240x128xf32, #tpu.memory_space<hbm>> -> memref<80x128xf32, #tpu.memory_space<hbm>>
    %dma_wait3A_74 = arith.constant 0 : i32
    %dma_wait3A_75 = arith.constant 0 : i32
    %dma_wait3A_76 = tpu.memref_slice %arg2[%dma_wait3A_74, %dma_wait3A_75] : memref<10240x128xf32, #tpu.memory_space<hbm>> -> memref<80x128xf32, #tpu.memory_space<hbm>>
    tpu.wait_dma2 semaphore(%arg17 : memref<!tpu.dma_semaphore, #tpu.memory_space<semaphore_mem>>) src(%dma_wait3A_76 : memref<80x128xf32, #tpu.memory_space<hbm>>) dst(%arg11 : memref<80x128xf32, #tpu.memory_space<vmem>>)
    %dma_wait3A_77 = arith.constant 0 : i32
    %dma_wait3A_78 = arith.constant 0 : i32
    %dma_wait3A_79 = tpu.memref_slice %arg2[%dma_wait3A_77, %dma_wait3A_78] : memref<10240x128xf32, #tpu.memory_space<hbm>> -> memref<80x128xf32, #tpu.memory_space<hbm>>
    %dma_wait3A_80 = arith.constant 0 : i32
    %dma_wait3A_81 = arith.constant 0 : i32
    %dma_wait3A_82 = tpu.memref_slice %arg2[%dma_wait3A_80, %dma_wait3A_81] : memref<10240x128xf32, #tpu.memory_space<hbm>> -> memref<80x128xf32, #tpu.memory_space<hbm>>
    tpu.wait_dma2 semaphore(%arg18 : memref<!tpu.dma_semaphore, #tpu.memory_space<semaphore_mem>>) src(%dma_wait3A_82 : memref<80x128xf32, #tpu.memory_space<hbm>>) dst(%arg12 : memref<80x128xf32, #tpu.memory_space<vmem>>)
    %dma_wait3A_83 = arith.constant 0 : i32
    %dma_wait3A_84 = arith.constant 0 : i32
    %dma_wait3A_85 = tpu.memref_slice %arg2[%dma_wait3A_83, %dma_wait3A_84] : memref<10240x128xf32, #tpu.memory_space<hbm>> -> memref<80x128xf32, #tpu.memory_space<hbm>>
    %dma_wait3A_86 = arith.constant 0 : i32
    %dma_wait3A_87 = arith.constant 0 : i32
    %dma_wait3A_88 = tpu.memref_slice %arg2[%dma_wait3A_86, %dma_wait3A_87] : memref<10240x128xf32, #tpu.memory_space<hbm>> -> memref<80x128xf32, #tpu.memory_space<hbm>>
    tpu.wait_dma2 semaphore(%arg19 : memref<!tpu.dma_semaphore, #tpu.memory_space<semaphore_mem>>) src(%dma_wait3A_88 : memref<80x128xf32, #tpu.memory_space<hbm>>) dst(%arg13 : memref<80x128xf32, #tpu.memory_space<vmem>>)
    %run_scoped3A_89 = arith.constant 2 : i32
    "tpu.region"() ({
      %run_scoped3A_147 = tpu.sem_alloc : memref<!tpu.dma_semaphore, #tpu.memory_space<semaphore_mem>>
      %dma_start3A = arith.constant 0 : i32
      %dma_start3A_148 = arith.constant 0 : i32
      %dma_start3A_149 = arith.constant 0 : i32
      %dma_start3A_150 = tpu.memref_slice %arg4[%arg1, %dma_start3A, %dma_start3A_148, %dma_start3A_149] : memref<16x3x42x80xi32, #tpu.memory_space<hbm>> -> memref<1x3x42x80xi32, #tpu.memory_space<hbm>>
      %dma_start3A_151 = tpu.memref_squeeze %dma_start3A_150 : memref<1x3x42x80xi32, #tpu.memory_space<hbm>> -> memref<3x42x80xi32, #tpu.memory_space<hbm>>
      %dma_start3A_152 = arith.constant 0 : i32
      %dma_start3A_153 = arith.constant 0 : i32
      %dma_start3A_154 = tpu.memref_slice %dma_start3A_151[%run_scoped3A_89, %dma_start3A_152, %dma_start3A_153] : memref<3x42x80xi32, #tpu.memory_space<hbm>> -> memref<1x42x80xi32, #tpu.memory_space<hbm>>
      %dma_start3A_155 = tpu.memref_squeeze %dma_start3A_154 : memref<1x42x80xi32, #tpu.memory_space<hbm>> -> memref<42x80xi32, #tpu.memory_space<hbm>>
      %dma_start3A_156 = arith.constant 0 : i32
      %dma_start3A_157 = arith.constant 0 : i32
      %dma_start3A_158 = arith.constant 0 : i32
      %dma_start3A_159 = tpu.memref_slice %arg4[%arg1, %dma_start3A_156, %dma_start3A_157, %dma_start3A_158] : memref<16x3x42x80xi32, #tpu.memory_space<hbm>> -> memref<1x3x42x80xi32, #tpu.memory_space<hbm>>
      %dma_start3A_160 = tpu.memref_squeeze %dma_start3A_159 : memref<1x3x42x80xi32, #tpu.memory_space<hbm>> -> memref<3x42x80xi32, #tpu.memory_space<hbm>>
      %dma_start3A_161 = arith.constant 0 : i32
      %dma_start3A_162 = arith.constant 0 : i32
      %dma_start3A_163 = tpu.memref_slice %dma_start3A_160[%run_scoped3A_89, %dma_start3A_161, %dma_start3A_162] : memref<3x42x80xi32, #tpu.memory_space<hbm>> -> memref<1x42x80xi32, #tpu.memory_space<hbm>>
      %dma_start3A_164 = tpu.memref_squeeze %dma_start3A_163 : memref<1x42x80xi32, #tpu.memory_space<hbm>> -> memref<42x80xi32, #tpu.memory_space<hbm>>
      tpu.enqueue_dma source(%dma_start3A_164 : memref<42x80xi32, #tpu.memory_space<hbm>>) target(%arg9 : memref<42x80xi32, #tpu.memory_space<vmem>>) target_semaphore(%run_scoped3A_147 : memref<!tpu.dma_semaphore, #tpu.memory_space<semaphore_mem>>)
      %dma_wait3A_165 = arith.constant 0 : i32
      %dma_wait3A_166 = arith.constant 0 : i32
      %dma_wait3A_167 = arith.constant 0 : i32
      %dma_wait3A_168 = tpu.memref_slice %arg4[%arg1, %dma_wait3A_165, %dma_wait3A_166, %dma_wait3A_167] : memref<16x3x42x80xi32, #tpu.memory_space<hbm>> -> memref<1x3x42x80xi32, #tpu.memory_space<hbm>>
      %dma_wait3A_169 = tpu.memref_squeeze %dma_wait3A_168 : memref<1x3x42x80xi32, #tpu.memory_space<hbm>> -> memref<3x42x80xi32, #tpu.memory_space<hbm>>
      %dma_wait3A_170 = arith.constant 0 : i32
      %dma_wait3A_171 = arith.constant 0 : i32
      %dma_wait3A_172 = tpu.memref_slice %dma_wait3A_169[%run_scoped3A_89, %dma_wait3A_170, %dma_wait3A_171] : memref<3x42x80xi32, #tpu.memory_space<hbm>> -> memref<1x42x80xi32, #tpu.memory_space<hbm>>
      %dma_wait3A_173 = tpu.memref_squeeze %dma_wait3A_172 : memref<1x42x80xi32, #tpu.memory_space<hbm>> -> memref<42x80xi32, #tpu.memory_space<hbm>>
      %dma_wait3A_174 = arith.constant 0 : i32
      %dma_wait3A_175 = arith.constant 0 : i32
      %dma_wait3A_176 = arith.constant 0 : i32
      %dma_wait3A_177 = tpu.memref_slice %arg4[%arg1, %dma_wait3A_174, %dma_wait3A_175, %dma_wait3A_176] : memref<16x3x42x80xi32, #tpu.memory_space<hbm>> -> memref<1x3x42x80xi32, #tpu.memory_space<hbm>>
      %dma_wait3A_178 = tpu.memref_squeeze %dma_wait3A_177 : memref<1x3x42x80xi32, #tpu.memory_space<hbm>> -> memref<3x42x80xi32, #tpu.memory_space<hbm>>
      %dma_wait3A_179 = arith.constant 0 : i32
      %dma_wait3A_180 = arith.constant 0 : i32
      %dma_wait3A_181 = tpu.memref_slice %dma_wait3A_178[%run_scoped3A_89, %dma_wait3A_179, %dma_wait3A_180] : memref<3x42x80xi32, #tpu.memory_space<hbm>> -> memref<1x42x80xi32, #tpu.memory_space<hbm>>
      %dma_wait3A_182 = tpu.memref_squeeze %dma_wait3A_181 : memref<1x42x80xi32, #tpu.memory_space<hbm>> -> memref<42x80xi32, #tpu.memory_space<hbm>>
      tpu.wait_dma2 semaphore(%run_scoped3A_147 : memref<!tpu.dma_semaphore, #tpu.memory_space<semaphore_mem>>) src(%dma_wait3A_182 : memref<42x80xi32, #tpu.memory_space<hbm>>) dst(%arg9 : memref<42x80xi32, #tpu.memory_space<vmem>>)
      tpu.yield
    }) : () -> ()
    %run_scoped3A_90 = arith.constant 2 : i32
    "tpu.region"() ({
      %run_scoped3A_147 = tpu.sem_alloc : memref<!tpu.dma_semaphore, #tpu.memory_space<semaphore_mem>>
      %dma_start3A = arith.constant 0 : i32
      %dma_start3A_148 = arith.constant 0 : i32
      %dma_start3A_149 = arith.constant 0 : i32
      %dma_start3A_150 = tpu.memref_slice %arg5[%arg1, %dma_start3A, %dma_start3A_148, %dma_start3A_149] : memref<16x3x42x80xi32, #tpu.memory_space<hbm>> -> memref<1x3x42x80xi32, #tpu.memory_space<hbm>>
      %dma_start3A_151 = tpu.memref_squeeze %dma_start3A_150 : memref<1x3x42x80xi32, #tpu.memory_space<hbm>> -> memref<3x42x80xi32, #tpu.memory_space<hbm>>
      %dma_start3A_152 = arith.constant 0 : i32
      %dma_start3A_153 = arith.constant 0 : i32
      %dma_start3A_154 = tpu.memref_slice %dma_start3A_151[%run_scoped3A_90, %dma_start3A_152, %dma_start3A_153] : memref<3x42x80xi32, #tpu.memory_space<hbm>> -> memref<1x42x80xi32, #tpu.memory_space<hbm>>
      %dma_start3A_155 = tpu.memref_squeeze %dma_start3A_154 : memref<1x42x80xi32, #tpu.memory_space<hbm>> -> memref<42x80xi32, #tpu.memory_space<hbm>>
      %dma_start3A_156 = arith.constant 0 : i32
      %dma_start3A_157 = arith.constant 0 : i32
      %dma_start3A_158 = arith.constant 0 : i32
      %dma_start3A_159 = tpu.memref_slice %arg5[%arg1, %dma_start3A_156, %dma_start3A_157, %dma_start3A_158] : memref<16x3x42x80xi32, #tpu.memory_space<hbm>> -> memref<1x3x42x80xi32, #tpu.memory_space<hbm>>
      %dma_start3A_160 = tpu.memref_squeeze %dma_start3A_159 : memref<1x3x42x80xi32, #tpu.memory_space<hbm>> -> memref<3x42x80xi32, #tpu.memory_space<hbm>>
      %dma_start3A_161 = arith.constant 0 : i32
      %dma_start3A_162 = arith.constant 0 : i32
      %dma_start3A_163 = tpu.memref_slice %dma_start3A_160[%run_scoped3A_90, %dma_start3A_161, %dma_start3A_162] : memref<3x42x80xi32, #tpu.memory_space<hbm>> -> memref<1x42x80xi32, #tpu.memory_space<hbm>>
      %dma_start3A_164 = tpu.memref_squeeze %dma_start3A_163 : memref<1x42x80xi32, #tpu.memory_space<hbm>> -> memref<42x80xi32, #tpu.memory_space<hbm>>
      tpu.enqueue_dma source(%dma_start3A_164 : memref<42x80xi32, #tpu.memory_space<hbm>>) target(%arg10 : memref<42x80xi32, #tpu.memory_space<vmem>>) target_semaphore(%run_scoped3A_147 : memref<!tpu.dma_semaphore, #tpu.memory_space<semaphore_mem>>)
      %dma_wait3A_165 = arith.constant 0 : i32
      %dma_wait3A_166 = arith.constant 0 : i32
      %dma_wait3A_167 = arith.constant 0 : i32
      %dma_wait3A_168 = tpu.memref_slice %arg5[%arg1, %dma_wait3A_165, %dma_wait3A_166, %dma_wait3A_167] : memref<16x3x42x80xi32, #tpu.memory_space<hbm>> -> memref<1x3x42x80xi32, #tpu.memory_space<hbm>>
      %dma_wait3A_169 = tpu.memref_squeeze %dma_wait3A_168 : memref<1x3x42x80xi32, #tpu.memory_space<hbm>> -> memref<3x42x80xi32, #tpu.memory_space<hbm>>
      %dma_wait3A_170 = arith.constant 0 : i32
      %dma_wait3A_171 = arith.constant 0 : i32
      %dma_wait3A_172 = tpu.memref_slice %dma_wait3A_169[%run_scoped3A_90, %dma_wait3A_170, %dma_wait3A_171] : memref<3x42x80xi32, #tpu.memory_space<hbm>> -> memref<1x42x80xi32, #tpu.memory_space<hbm>>
      %dma_wait3A_173 = tpu.memref_squeeze %dma_wait3A_172 : memref<1x42x80xi32, #tpu.memory_space<hbm>> -> memref<42x80xi32, #tpu.memory_space<hbm>>
      %dma_wait3A_174 = arith.constant 0 : i32
      %dma_wait3A_175 = arith.constant 0 : i32
      %dma_wait3A_176 = arith.constant 0 : i32
      %dma_wait3A_177 = tpu.memref_slice %arg5[%arg1, %dma_wait3A_174, %dma_wait3A_175, %dma_wait3A_176] : memref<16x3x42x80xi32, #tpu.memory_space<hbm>> -> memref<1x3x42x80xi32, #tpu.memory_space<hbm>>
      %dma_wait3A_178 = tpu.memref_squeeze %dma_wait3A_177 : memref<1x3x42x80xi32, #tpu.memory_space<hbm>> -> memref<3x42x80xi32, #tpu.memory_space<hbm>>
      %dma_wait3A_179 = arith.constant 0 : i32
      %dma_wait3A_180 = arith.constant 0 : i32
      %dma_wait3A_181 = tpu.memref_slice %dma_wait3A_178[%run_scoped3A_90, %dma_wait3A_179, %dma_wait3A_180] : memref<3x42x80xi32, #tpu.memory_space<hbm>> -> memref<1x42x80xi32, #tpu.memory_space<hbm>>
      %dma_wait3A_182 = tpu.memref_squeeze %dma_wait3A_181 : memref<1x42x80xi32, #tpu.memory_space<hbm>> -> memref<42x80xi32, #tpu.memory_space<hbm>>
      tpu.wait_dma2 semaphore(%run_scoped3A_147 : memref<!tpu.dma_semaphore, #tpu.memory_space<semaphore_mem>>) src(%dma_wait3A_182 : memref<42x80xi32, #tpu.memory_space<hbm>>) dst(%arg10 : memref<42x80xi32, #tpu.memory_space<vmem>>)
      tpu.yield
    }) : () -> ()
    %eq3A_91 = arith.constant 0 : i32
    %eq3A_92 = arith.cmpi eq, %arg0, %eq3A_91 : i32
    %convert_element_type3A_93 = arith.extui %eq3A_92 : i1 to i32
    %cond3A_94 = arith.constant 0 : i32
    %cond3A_95 = arith.cmpi ne, %convert_element_type3A_93, %cond3A_94 : i32
    scf.if %cond3A_95 {
      %dma_start3A = arith.constant 0 : i32
      %dma_start3A_147 = arith.constant 0 : i32
      %dma_start3A_148 = tpu.memref_slice %arg9[%dma_start3A, %dma_start3A_147] : memref<42x80xi32, #tpu.memory_space<vmem>> -> memref<1x80xi32, #tpu.memory_space<vmem>>
      %dma_start3A_149 = tpu.memref_squeeze %dma_start3A_148 : memref<1x80xi32, #tpu.memory_space<vmem>> -> memref<80xi32, #tpu.memory_space<vmem>>
      %dma_start3A_150 = arith.constant 0 : i32
      %dma_start3A_151 = arith.constant 0 : i32
      %dma_start3A_152 = tpu.memref_slice %arg2[%dma_start3A_150, %dma_start3A_151] : memref<10240x128xf32, #tpu.memory_space<hbm>> -> memref<10240x128xf32, #tpu.memory_space<hbm>>
      tpu.enqueue_indirect_dma source(%dma_start3A_152 : memref<10240x128xf32, #tpu.memory_space<hbm>>) target(%arg11 : memref<80x128xf32, #tpu.memory_space<vmem>>) offsets(%dma_start3A_149 : memref<80xi32, #tpu.memory_space<vmem>>) semaphore(%arg14 : memref<!tpu.dma_semaphore, #tpu.memory_space<semaphore_mem>>)
    } else {
    }
    %eq3A_96 = arith.constant 1 : i32
    %eq3A_97 = arith.cmpi eq, %arg0, %eq3A_96 : i32
    %convert_element_type3A_98 = arith.extui %eq3A_97 : i1 to i32
    %cond3A_99 = arith.constant 0 : i32
    %cond3A_100 = arith.cmpi ne, %convert_element_type3A_98, %cond3A_99 : i32
    scf.if %cond3A_100 {
      %dma_start3A = arith.constant 0 : i32
      %dma_start3A_147 = arith.constant 0 : i32
      %dma_start3A_148 = tpu.memref_slice %arg9[%dma_start3A, %dma_start3A_147] : memref<42x80xi32, #tpu.memory_space<vmem>> -> memref<1x80xi32, #tpu.memory_space<vmem>>
      %dma_start3A_149 = tpu.memref_squeeze %dma_start3A_148 : memref<1x80xi32, #tpu.memory_space<vmem>> -> memref<80xi32, #tpu.memory_space<vmem>>
      %dma_start3A_150 = arith.constant 0 : i32
      %dma_start3A_151 = arith.constant 0 : i32
      %dma_start3A_152 = tpu.memref_slice %arg3[%dma_start3A_150, %dma_start3A_151] : memref<10240x128xf32, #tpu.memory_space<hbm>> -> memref<10240x128xf32, #tpu.memory_space<hbm>>
      tpu.enqueue_indirect_dma source(%dma_start3A_152 : memref<10240x128xf32, #tpu.memory_space<hbm>>) target(%arg11 : memref<80x128xf32, #tpu.memory_space<vmem>>) offsets(%dma_start3A_149 : memref<80xi32, #tpu.memory_space<vmem>>) semaphore(%arg14 : memref<!tpu.dma_semaphore, #tpu.memory_space<semaphore_mem>>)
    } else {
    }
    %eq3A_101 = arith.constant 0 : i32
    %eq3A_102 = arith.cmpi eq, %arg0, %eq3A_101 : i32
    %convert_element_type3A_103 = arith.extui %eq3A_102 : i1 to i32
    %cond3A_104 = arith.constant 0 : i32
    %cond3A_105 = arith.cmpi ne, %convert_element_type3A_103, %cond3A_104 : i32
    scf.if %cond3A_105 {
      %dma_start3A = arith.constant 1 : i32
      %dma_start3A_147 = arith.constant 0 : i32
      %dma_start3A_148 = tpu.memref_slice %arg9[%dma_start3A, %dma_start3A_147] : memref<42x80xi32, #tpu.memory_space<vmem>> -> memref<1x80xi32, #tpu.memory_space<vmem>>
      %dma_start3A_149 = tpu.memref_squeeze %dma_start3A_148 : memref<1x80xi32, #tpu.memory_space<vmem>> -> memref<80xi32, #tpu.memory_space<vmem>>
      %dma_start3A_150 = arith.constant 0 : i32
      %dma_start3A_151 = arith.constant 0 : i32
      %dma_start3A_152 = tpu.memref_slice %arg2[%dma_start3A_150, %dma_start3A_151] : memref<10240x128xf32, #tpu.memory_space<hbm>> -> memref<10240x128xf32, #tpu.memory_space<hbm>>
      tpu.enqueue_indirect_dma source(%dma_start3A_152 : memref<10240x128xf32, #tpu.memory_space<hbm>>) target(%arg12 : memref<80x128xf32, #tpu.memory_space<vmem>>) offsets(%dma_start3A_149 : memref<80xi32, #tpu.memory_space<vmem>>) semaphore(%arg15 : memref<!tpu.dma_semaphore, #tpu.memory_space<semaphore_mem>>)
    } else {
    }
    %eq3A_106 = arith.constant 1 : i32
    %eq3A_107 = arith.cmpi eq, %arg0, %eq3A_106 : i32
    %convert_element_type3A_108 = arith.extui %eq3A_107 : i1 to i32
    %cond3A_109 = arith.constant 0 : i32
    %cond3A_110 = arith.cmpi ne, %convert_element_type3A_108, %cond3A_109 : i32
    scf.if %cond3A_110 {
      %dma_start3A = arith.constant 1 : i32
      %dma_start3A_147 = arith.constant 0 : i32
      %dma_start3A_148 = tpu.memref_slice %arg9[%dma_start3A, %dma_start3A_147] : memref<42x80xi32, #tpu.memory_space<vmem>> -> memref<1x80xi32, #tpu.memory_space<vmem>>
      %dma_start3A_149 = tpu.memref_squeeze %dma_start3A_148 : memref<1x80xi32, #tpu.memory_space<vmem>> -> memref<80xi32, #tpu.memory_space<vmem>>
      %dma_start3A_150 = arith.constant 0 : i32
      %dma_start3A_151 = arith.constant 0 : i32
      %dma_start3A_152 = tpu.memref_slice %arg3[%dma_start3A_150, %dma_start3A_151] : memref<10240x128xf32, #tpu.memory_space<hbm>> -> memref<10240x128xf32, #tpu.memory_space<hbm>>
      tpu.enqueue_indirect_dma source(%dma_start3A_152 : memref<10240x128xf32, #tpu.memory_space<hbm>>) target(%arg12 : memref<80x128xf32, #tpu.memory_space<vmem>>) offsets(%dma_start3A_149 : memref<80xi32, #tpu.memory_space<vmem>>) semaphore(%arg15 : memref<!tpu.dma_semaphore, #tpu.memory_space<semaphore_mem>>)
    } else {
    }
    %scan3A_111 = arith.constant 0 : i32
    %scan3A_112 = arith.constant 0 : i32
    %scan3A_113 = arith.constant 14 : i32
    %scan3A_114 = arith.addi %scan3A_112, %scan3A_113 : i32
    %scan3A_115 = arith.constant 1 : i32
    %scan3A_116 = scf.for %scan3A_147 = %scan3A_112 to %scan3A_114 step %scan3A_115 iter_args(%scan3A_148 = %scan3A_111) -> (i32)  : i32 {
      %mul3A_149 = arith.constant 3 : i32
      %mul3A_150 = arith.muli %scan3A_147, %mul3A_149 : i32
      %dma_wait3A_151 = arith.constant 0 : i32
      %dma_wait3A_152 = arith.constant 0 : i32
      %dma_wait3A_153 = tpu.memref_slice %arg2[%dma_wait3A_151, %dma_wait3A_152] : memref<10240x128xf32, #tpu.memory_space<hbm>> -> memref<80x128xf32, #tpu.memory_space<hbm>>
      %dma_wait3A_154 = arith.constant 0 : i32
      %dma_wait3A_155 = arith.constant 0 : i32
      %dma_wait3A_156 = tpu.memref_slice %arg2[%dma_wait3A_154, %dma_wait3A_155] : memref<10240x128xf32, #tpu.memory_space<hbm>> -> memref<80x128xf32, #tpu.memory_space<hbm>>
      tpu.wait_dma2 semaphore(%arg14 : memref<!tpu.dma_semaphore, #tpu.memory_space<semaphore_mem>>) src(%dma_wait3A_156 : memref<80x128xf32, #tpu.memory_space<hbm>>) dst(%arg11 : memref<80x128xf32, #tpu.memory_space<vmem>>)
      %dma_start3A = arith.constant 0 : i32
      %dma_start3A_157 = tpu.memref_slice %arg10[%mul3A_150, %dma_start3A] : memref<42x80xi32, #tpu.memory_space<vmem>> -> memref<1x80xi32, #tpu.memory_space<vmem>>
      %dma_start3A_158 = tpu.memref_squeeze %dma_start3A_157 : memref<1x80xi32, #tpu.memory_space<vmem>> -> memref<80xi32, #tpu.memory_space<vmem>>
      %dma_start3A_159 = arith.constant 0 : i32
      %dma_start3A_160 = arith.constant 0 : i32
      %dma_start3A_161 = tpu.memref_slice %arg20[%dma_start3A_159, %dma_start3A_160] : memref<10240x128xf32, #tpu.memory_space<vmem_shared>> -> memref<10240x128xf32, #tpu.memory_space<vmem_shared>>
      tpu.enqueue_indirect_dma source(%arg11 : memref<80x128xf32, #tpu.memory_space<vmem>>) target(%dma_start3A_161 : memref<10240x128xf32, #tpu.memory_space<vmem_shared>>) offsets(%dma_start3A_158 : memref<80xi32, #tpu.memory_space<vmem>>) semaphore(%arg17 : memref<!tpu.dma_semaphore, #tpu.memory_space<semaphore_mem>>) {add = true}
      %gt3A = arith.constant 0 : i32
      %gt3A_162 = arith.cmpi sgt, %scan3A_147, %gt3A : i32
      %convert_element_type3A_163 = arith.extui %gt3A_162 : i1 to i32
      %cond3A_164 = arith.constant 0 : i32
      %cond3A_165 = arith.cmpi ne, %convert_element_type3A_163, %cond3A_164 : i32
      scf.if %cond3A_165 {
        %dma_wait3A_215 = arith.constant 0 : i32
        %dma_wait3A_216 = arith.constant 0 : i32
        %dma_wait3A_217 = tpu.memref_slice %arg2[%dma_wait3A_215, %dma_wait3A_216] : memref<10240x128xf32, #tpu.memory_space<hbm>> -> memref<80x128xf32, #tpu.memory_space<hbm>>
        %dma_wait3A_218 = arith.constant 0 : i32
        %dma_wait3A_219 = arith.constant 0 : i32
        %dma_wait3A_220 = tpu.memref_slice %arg2[%dma_wait3A_218, %dma_wait3A_219] : memref<10240x128xf32, #tpu.memory_space<hbm>> -> memref<80x128xf32, #tpu.memory_space<hbm>>
        tpu.wait_dma2 semaphore(%arg19 : memref<!tpu.dma_semaphore, #tpu.memory_space<semaphore_mem>>) src(%dma_wait3A_220 : memref<80x128xf32, #tpu.memory_space<hbm>>) dst(%arg13 : memref<80x128xf32, #tpu.memory_space<vmem>>)
      } else {
      }
      %add3A = arith.constant 2 : i32
      %add3A_166 = arith.addi %mul3A_150, %add3A : i32
      %eq3A_167 = arith.constant 0 : i32
      %eq3A_168 = arith.cmpi eq, %arg0, %eq3A_167 : i32
      %convert_element_type3A_169 = arith.extui %eq3A_168 : i1 to i32
      %cond3A_170 = arith.constant 0 : i32
      %cond3A_171 = arith.cmpi ne, %convert_element_type3A_169, %cond3A_170 : i32
      scf.if %cond3A_171 {
        %dma_start3A_215 = arith.constant 0 : i32
        %dma_start3A_216 = tpu.memref_slice %arg9[%add3A_166, %dma_start3A_215] : memref<42x80xi32, #tpu.memory_space<vmem>> -> memref<1x80xi32, #tpu.memory_space<vmem>>
        %dma_start3A_217 = tpu.memref_squeeze %dma_start3A_216 : memref<1x80xi32, #tpu.memory_space<vmem>> -> memref<80xi32, #tpu.memory_space<vmem>>
        %dma_start3A_218 = arith.constant 0 : i32
        %dma_start3A_219 = arith.constant 0 : i32
        %dma_start3A_220 = tpu.memref_slice %arg2[%dma_start3A_218, %dma_start3A_219] : memref<10240x128xf32, #tpu.memory_space<hbm>> -> memref<10240x128xf32, #tpu.memory_space<hbm>>
        tpu.enqueue_indirect_dma source(%dma_start3A_220 : memref<10240x128xf32, #tpu.memory_space<hbm>>) target(%arg13 : memref<80x128xf32, #tpu.memory_space<vmem>>) offsets(%dma_start3A_217 : memref<80xi32, #tpu.memory_space<vmem>>) semaphore(%arg16 : memref<!tpu.dma_semaphore, #tpu.memory_space<semaphore_mem>>)
      } else {
      }
      %eq3A_172 = arith.constant 1 : i32
      %eq3A_173 = arith.cmpi eq, %arg0, %eq3A_172 : i32
      %convert_element_type3A_174 = arith.extui %eq3A_173 : i1 to i32
      %cond3A_175 = arith.constant 0 : i32
      %cond3A_176 = arith.cmpi ne, %convert_element_type3A_174, %cond3A_175 : i32
      scf.if %cond3A_176 {
        %dma_start3A_215 = arith.constant 0 : i32
        %dma_start3A_216 = tpu.memref_slice %arg9[%add3A_166, %dma_start3A_215] : memref<42x80xi32, #tpu.memory_space<vmem>> -> memref<1x80xi32, #tpu.memory_space<vmem>>
        %dma_start3A_217 = tpu.memref_squeeze %dma_start3A_216 : memref<1x80xi32, #tpu.memory_space<vmem>> -> memref<80xi32, #tpu.memory_space<vmem>>
        %dma_start3A_218 = arith.constant 0 : i32
        %dma_start3A_219 = arith.constant 0 : i32
        %dma_start3A_220 = tpu.memref_slice %arg3[%dma_start3A_218, %dma_start3A_219] : memref<10240x128xf32, #tpu.memory_space<hbm>> -> memref<10240x128xf32, #tpu.memory_space<hbm>>
        tpu.enqueue_indirect_dma source(%dma_start3A_220 : memref<10240x128xf32, #tpu.memory_space<hbm>>) target(%arg13 : memref<80x128xf32, #tpu.memory_space<vmem>>) offsets(%dma_start3A_217 : memref<80xi32, #tpu.memory_space<vmem>>) semaphore(%arg16 : memref<!tpu.dma_semaphore, #tpu.memory_space<semaphore_mem>>)
      } else {
      }
      %dma_wait3A_177 = arith.constant 0 : i32
      %dma_wait3A_178 = arith.constant 0 : i32
      %dma_wait3A_179 = tpu.memref_slice %arg2[%dma_wait3A_177, %dma_wait3A_178] : memref<10240x128xf32, #tpu.memory_space<hbm>> -> memref<80x128xf32, #tpu.memory_space<hbm>>
      %dma_wait3A_180 = arith.constant 0 : i32
      %dma_wait3A_181 = arith.constant 0 : i32
      %dma_wait3A_182 = tpu.memref_slice %arg2[%dma_wait3A_180, %dma_wait3A_181] : memref<10240x128xf32, #tpu.memory_space<hbm>> -> memref<80x128xf32, #tpu.memory_space<hbm>>
      tpu.wait_dma2 semaphore(%arg15 : memref<!tpu.dma_semaphore, #tpu.memory_space<semaphore_mem>>) src(%dma_wait3A_182 : memref<80x128xf32, #tpu.memory_space<hbm>>) dst(%arg12 : memref<80x128xf32, #tpu.memory_space<vmem>>)
      %add3A_183 = arith.constant 1 : i32
      %add3A_184 = arith.addi %mul3A_150, %add3A_183 : i32
      %dma_start3A_185 = arith.constant 0 : i32
      %dma_start3A_186 = tpu.memref_slice %arg10[%add3A_184, %dma_start3A_185] : memref<42x80xi32, #tpu.memory_space<vmem>> -> memref<1x80xi32, #tpu.memory_space<vmem>>
      %dma_start3A_187 = tpu.memref_squeeze %dma_start3A_186 : memref<1x80xi32, #tpu.memory_space<vmem>> -> memref<80xi32, #tpu.memory_space<vmem>>
      %dma_start3A_188 = arith.constant 0 : i32
      %dma_start3A_189 = arith.constant 0 : i32
      %dma_start3A_190 = tpu.memref_slice %arg20[%dma_start3A_188, %dma_start3A_189] : memref<10240x128xf32, #tpu.memory_space<vmem_shared>> -> memref<10240x128xf32, #tpu.memory_space<vmem_shared>>
      tpu.enqueue_indirect_dma source(%arg12 : memref<80x128xf32, #tpu.memory_space<vmem>>) target(%dma_start3A_190 : memref<10240x128xf32, #tpu.memory_space<vmem_shared>>) offsets(%dma_start3A_187 : memref<80xi32, #tpu.memory_space<vmem>>) semaphore(%arg18 : memref<!tpu.dma_semaphore, #tpu.memory_space<semaphore_mem>>) {add = true}
      %lt3A = arith.constant 13 : i32
      %lt3A_191 = arith.cmpi slt, %scan3A_147, %lt3A : i32
      %convert_element_type3A_192 = arith.extui %lt3A_191 : i1 to i32
      %cond3A_193 = arith.constant 0 : i32
      %cond3A_194 = arith.cmpi ne, %convert_element_type3A_192, %cond3A_193 : i32
      scf.if %cond3A_194 {
        %dma_wait3A_215 = arith.constant 0 : i32
        %dma_wait3A_216 = arith.constant 0 : i32
        %dma_wait3A_217 = tpu.memref_slice %arg2[%dma_wait3A_215, %dma_wait3A_216] : memref<10240x128xf32, #tpu.memory_space<hbm>> -> memref<80x128xf32, #tpu.memory_space<hbm>>
        %dma_wait3A_218 = arith.constant 0 : i32
        %dma_wait3A_219 = arith.constant 0 : i32
        %dma_wait3A_220 = tpu.memref_slice %arg2[%dma_wait3A_218, %dma_wait3A_219] : memref<10240x128xf32, #tpu.memory_space<hbm>> -> memref<80x128xf32, #tpu.memory_space<hbm>>
        tpu.wait_dma2 semaphore(%arg17 : memref<!tpu.dma_semaphore, #tpu.memory_space<semaphore_mem>>) src(%dma_wait3A_220 : memref<80x128xf32, #tpu.memory_space<hbm>>) dst(%arg11 : memref<80x128xf32, #tpu.memory_space<vmem>>)
        %add3A_221 = arith.constant 3 : i32
        %add3A_222 = arith.addi %mul3A_150, %add3A_221 : i32
        %eq3A_223 = arith.constant 0 : i32
        %eq3A_224 = arith.cmpi eq, %arg0, %eq3A_223 : i32
        %convert_element_type3A_225 = arith.extui %eq3A_224 : i1 to i32
        %cond3A_226 = arith.constant 0 : i32
        %cond3A_227 = arith.cmpi ne, %convert_element_type3A_225, %cond3A_226 : i32
        scf.if %cond3A_227 {
          %dma_start3A_233 = arith.constant 0 : i32
          %dma_start3A_234 = tpu.memref_slice %arg9[%add3A_222, %dma_start3A_233] : memref<42x80xi32, #tpu.memory_space<vmem>> -> memref<1x80xi32, #tpu.memory_space<vmem>>
          %dma_start3A_235 = tpu.memref_squeeze %dma_start3A_234 : memref<1x80xi32, #tpu.memory_space<vmem>> -> memref<80xi32, #tpu.memory_space<vmem>>
          %dma_start3A_236 = arith.constant 0 : i32
          %dma_start3A_237 = arith.constant 0 : i32
          %dma_start3A_238 = tpu.memref_slice %arg2[%dma_start3A_236, %dma_start3A_237] : memref<10240x128xf32, #tpu.memory_space<hbm>> -> memref<10240x128xf32, #tpu.memory_space<hbm>>
          tpu.enqueue_indirect_dma source(%dma_start3A_238 : memref<10240x128xf32, #tpu.memory_space<hbm>>) target(%arg11 : memref<80x128xf32, #tpu.memory_space<vmem>>) offsets(%dma_start3A_235 : memref<80xi32, #tpu.memory_space<vmem>>) semaphore(%arg14 : memref<!tpu.dma_semaphore, #tpu.memory_space<semaphore_mem>>)
        } else {
        }
        %eq3A_228 = arith.constant 1 : i32
        %eq3A_229 = arith.cmpi eq, %arg0, %eq3A_228 : i32
        %convert_element_type3A_230 = arith.extui %eq3A_229 : i1 to i32
        %cond3A_231 = arith.constant 0 : i32
        %cond3A_232 = arith.cmpi ne, %convert_element_type3A_230, %cond3A_231 : i32
        scf.if %cond3A_232 {
          %dma_start3A_233 = arith.constant 0 : i32
          %dma_start3A_234 = tpu.memref_slice %arg9[%add3A_222, %dma_start3A_233] : memref<42x80xi32, #tpu.memory_space<vmem>> -> memref<1x80xi32, #tpu.memory_space<vmem>>
          %dma_start3A_235 = tpu.memref_squeeze %dma_start3A_234 : memref<1x80xi32, #tpu.memory_space<vmem>> -> memref<80xi32, #tpu.memory_space<vmem>>
          %dma_start3A_236 = arith.constant 0 : i32
          %dma_start3A_237 = arith.constant 0 : i32
          %dma_start3A_238 = tpu.memref_slice %arg3[%dma_start3A_236, %dma_start3A_237] : memref<10240x128xf32, #tpu.memory_space<hbm>> -> memref<10240x128xf32, #tpu.memory_space<hbm>>
          tpu.enqueue_indirect_dma source(%dma_start3A_238 : memref<10240x128xf32, #tpu.memory_space<hbm>>) target(%arg11 : memref<80x128xf32, #tpu.memory_space<vmem>>) offsets(%dma_start3A_235 : memref<80xi32, #tpu.memory_space<vmem>>) semaphore(%arg14 : memref<!tpu.dma_semaphore, #tpu.memory_space<semaphore_mem>>)
        } else {
        }
      } else {
      }
      %dma_wait3A_195 = arith.constant 0 : i32
      %dma_wait3A_196 = arith.constant 0 : i32
      %dma_wait3A_197 = tpu.memref_slice %arg2[%dma_wait3A_195, %dma_wait3A_196] : memref<10240x128xf32, #tpu.memory_space<hbm>> -> memref<80x128xf32, #tpu.memory_space<hbm>>
      %dma_wait3A_198 = arith.constant 0 : i32
      %dma_wait3A_199 = arith.constant 0 : i32
      %dma_wait3A_200 = tpu.memref_slice %arg2[%dma_wait3A_198, %dma_wait3A_199] : memref<10240x128xf32, #tpu.memory_space<hbm>> -> memref<80x128xf32, #tpu.memory_space<hbm>>
      tpu.wait_dma2 semaphore(%arg16 : memref<!tpu.dma_semaphore, #tpu.memory_space<semaphore_mem>>) src(%dma_wait3A_200 : memref<80x128xf32, #tpu.memory_space<hbm>>) dst(%arg13 : memref<80x128xf32, #tpu.memory_space<vmem>>)
      %add3A_201 = arith.constant 2 : i32
      %add3A_202 = arith.addi %mul3A_150, %add3A_201 : i32
      %dma_start3A_203 = arith.constant 0 : i32
      %dma_start3A_204 = tpu.memref_slice %arg10[%add3A_202, %dma_start3A_203] : memref<42x80xi32, #tpu.memory_space<vmem>> -> memref<1x80xi32, #tpu.memory_space<vmem>>
      %dma_start3A_205 = tpu.memref_squeeze %dma_start3A_204 : memref<1x80xi32, #tpu.memory_space<vmem>> -> memref<80xi32, #tpu.memory_space<vmem>>
      %dma_start3A_206 = arith.constant 0 : i32
      %dma_start3A_207 = arith.constant 0 : i32
      %dma_start3A_208 = tpu.memref_slice %arg20[%dma_start3A_206, %dma_start3A_207] : memref<10240x128xf32, #tpu.memory_space<vmem_shared>> -> memref<10240x128xf32, #tpu.memory_space<vmem_shared>>
      tpu.enqueue_indirect_dma source(%arg13 : memref<80x128xf32, #tpu.memory_space<vmem>>) target(%dma_start3A_208 : memref<10240x128xf32, #tpu.memory_space<vmem_shared>>) offsets(%dma_start3A_205 : memref<80xi32, #tpu.memory_space<vmem>>) semaphore(%arg19 : memref<!tpu.dma_semaphore, #tpu.memory_space<semaphore_mem>>) {add = true}
      %lt3A_209 = arith.constant 13 : i32
      %lt3A_210 = arith.cmpi slt, %scan3A_147, %lt3A_209 : i32
      %convert_element_type3A_211 = arith.extui %lt3A_210 : i1 to i32
      %cond3A_212 = arith.constant 0 : i32
      %cond3A_213 = arith.cmpi ne, %convert_element_type3A_211, %cond3A_212 : i32
      scf.if %cond3A_213 {
        %dma_wait3A_215 = arith.constant 0 : i32
        %dma_wait3A_216 = arith.constant 0 : i32
        %dma_wait3A_217 = tpu.memref_slice %arg2[%dma_wait3A_215, %dma_wait3A_216] : memref<10240x128xf32, #tpu.memory_space<hbm>> -> memref<80x128xf32, #tpu.memory_space<hbm>>
        %dma_wait3A_218 = arith.constant 0 : i32
        %dma_wait3A_219 = arith.constant 0 : i32
        %dma_wait3A_220 = tpu.memref_slice %arg2[%dma_wait3A_218, %dma_wait3A_219] : memref<10240x128xf32, #tpu.memory_space<hbm>> -> memref<80x128xf32, #tpu.memory_space<hbm>>
        tpu.wait_dma2 semaphore(%arg18 : memref<!tpu.dma_semaphore, #tpu.memory_space<semaphore_mem>>) src(%dma_wait3A_220 : memref<80x128xf32, #tpu.memory_space<hbm>>) dst(%arg12 : memref<80x128xf32, #tpu.memory_space<vmem>>)
        %add3A_221 = arith.constant 4 : i32
        %add3A_222 = arith.addi %mul3A_150, %add3A_221 : i32
        %eq3A_223 = arith.constant 0 : i32
        %eq3A_224 = arith.cmpi eq, %arg0, %eq3A_223 : i32
        %convert_element_type3A_225 = arith.extui %eq3A_224 : i1 to i32
        %cond3A_226 = arith.constant 0 : i32
        %cond3A_227 = arith.cmpi ne, %convert_element_type3A_225, %cond3A_226 : i32
        scf.if %cond3A_227 {
          %dma_start3A_233 = arith.constant 0 : i32
          %dma_start3A_234 = tpu.memref_slice %arg9[%add3A_222, %dma_start3A_233] : memref<42x80xi32, #tpu.memory_space<vmem>> -> memref<1x80xi32, #tpu.memory_space<vmem>>
          %dma_start3A_235 = tpu.memref_squeeze %dma_start3A_234 : memref<1x80xi32, #tpu.memory_space<vmem>> -> memref<80xi32, #tpu.memory_space<vmem>>
          %dma_start3A_236 = arith.constant 0 : i32
          %dma_start3A_237 = arith.constant 0 : i32
          %dma_start3A_238 = tpu.memref_slice %arg2[%dma_start3A_236, %dma_start3A_237] : memref<10240x128xf32, #tpu.memory_space<hbm>> -> memref<10240x128xf32, #tpu.memory_space<hbm>>
          tpu.enqueue_indirect_dma source(%dma_start3A_238 : memref<10240x128xf32, #tpu.memory_space<hbm>>) target(%arg12 : memref<80x128xf32, #tpu.memory_space<vmem>>) offsets(%dma_start3A_235 : memref<80xi32, #tpu.memory_space<vmem>>) semaphore(%arg15 : memref<!tpu.dma_semaphore, #tpu.memory_space<semaphore_mem>>)
        } else {
        }
        %eq3A_228 = arith.constant 1 : i32
        %eq3A_229 = arith.cmpi eq, %arg0, %eq3A_228 : i32
        %convert_element_type3A_230 = arith.extui %eq3A_229 : i1 to i32
        %cond3A_231 = arith.constant 0 : i32
        %cond3A_232 = arith.cmpi ne, %convert_element_type3A_230, %cond3A_231 : i32
        scf.if %cond3A_232 {
          %dma_start3A_233 = arith.constant 0 : i32
          %dma_start3A_234 = tpu.memref_slice %arg9[%add3A_222, %dma_start3A_233] : memref<42x80xi32, #tpu.memory_space<vmem>> -> memref<1x80xi32, #tpu.memory_space<vmem>>
          %dma_start3A_235 = tpu.memref_squeeze %dma_start3A_234 : memref<1x80xi32, #tpu.memory_space<vmem>> -> memref<80xi32, #tpu.memory_space<vmem>>
          %dma_start3A_236 = arith.constant 0 : i32
          %dma_start3A_237 = arith.constant 0 : i32
          %dma_start3A_238 = tpu.memref_slice %arg3[%dma_start3A_236, %dma_start3A_237] : memref<10240x128xf32, #tpu.memory_space<hbm>> -> memref<10240x128xf32, #tpu.memory_space<hbm>>
          tpu.enqueue_indirect_dma source(%dma_start3A_238 : memref<10240x128xf32, #tpu.memory_space<hbm>>) target(%arg12 : memref<80x128xf32, #tpu.memory_space<vmem>>) offsets(%dma_start3A_235 : memref<80xi32, #tpu.memory_space<vmem>>) semaphore(%arg15 : memref<!tpu.dma_semaphore, #tpu.memory_space<semaphore_mem>>)
        } else {
        }
      } else {
      }
      %scan3A_214 = arith.constant 0 : i32
      scf.yield %scan3A_214 : i32
    }
    %scan3A_117 = arith.constant 14 : i32
    %dma_wait3A_118 = arith.constant 0 : i32
    %dma_wait3A_119 = arith.constant 0 : i32
    %dma_wait3A_120 = tpu.memref_slice %arg2[%dma_wait3A_118, %dma_wait3A_119] : memref<10240x128xf32, #tpu.memory_space<hbm>> -> memref<80x128xf32, #tpu.memory_space<hbm>>
    %dma_wait3A_121 = arith.constant 0 : i32
    %dma_wait3A_122 = arith.constant 0 : i32
    %dma_wait3A_123 = tpu.memref_slice %arg2[%dma_wait3A_121, %dma_wait3A_122] : memref<10240x128xf32, #tpu.memory_space<hbm>> -> memref<80x128xf32, #tpu.memory_space<hbm>>
    tpu.wait_dma2 semaphore(%arg17 : memref<!tpu.dma_semaphore, #tpu.memory_space<semaphore_mem>>) src(%dma_wait3A_123 : memref<80x128xf32, #tpu.memory_space<hbm>>) dst(%arg11 : memref<80x128xf32, #tpu.memory_space<vmem>>)
    %dma_wait3A_124 = arith.constant 0 : i32
    %dma_wait3A_125 = arith.constant 0 : i32
    %dma_wait3A_126 = tpu.memref_slice %arg2[%dma_wait3A_124, %dma_wait3A_125] : memref<10240x128xf32, #tpu.memory_space<hbm>> -> memref<80x128xf32, #tpu.memory_space<hbm>>
    %dma_wait3A_127 = arith.constant 0 : i32
    %dma_wait3A_128 = arith.constant 0 : i32
    %dma_wait3A_129 = tpu.memref_slice %arg2[%dma_wait3A_127, %dma_wait3A_128] : memref<10240x128xf32, #tpu.memory_space<hbm>> -> memref<80x128xf32, #tpu.memory_space<hbm>>
    tpu.wait_dma2 semaphore(%arg18 : memref<!tpu.dma_semaphore, #tpu.memory_space<semaphore_mem>>) src(%dma_wait3A_129 : memref<80x128xf32, #tpu.memory_space<hbm>>) dst(%arg12 : memref<80x128xf32, #tpu.memory_space<vmem>>)
    %dma_wait3A_130 = arith.constant 0 : i32
    %dma_wait3A_131 = arith.constant 0 : i32
    %dma_wait3A_132 = tpu.memref_slice %arg2[%dma_wait3A_130, %dma_wait3A_131] : memref<10240x128xf32, #tpu.memory_space<hbm>> -> memref<80x128xf32, #tpu.memory_space<hbm>>
    %dma_wait3A_133 = arith.constant 0 : i32
    %dma_wait3A_134 = arith.constant 0 : i32
    %dma_wait3A_135 = tpu.memref_slice %arg2[%dma_wait3A_133, %dma_wait3A_134] : memref<10240x128xf32, #tpu.memory_space<hbm>> -> memref<80x128xf32, #tpu.memory_space<hbm>>
    tpu.wait_dma2 semaphore(%arg19 : memref<!tpu.dma_semaphore, #tpu.memory_space<semaphore_mem>>) src(%dma_wait3A_135 : memref<80x128xf32, #tpu.memory_space<hbm>>) dst(%arg13 : memref<80x128xf32, #tpu.memory_space<vmem>>)
    %barrier3A_136 = arith.constant 0 : index
    tpu.barrier barrier_id(%barrier3A_136)
    %eq3A_137 = arith.constant 0 : i32
    %eq3A_138 = arith.cmpi eq, %arg0, %eq3A_137 : i32
    %convert_element_type3A_139 = arith.extui %eq3A_138 : i1 to i32
    %cond3A_140 = arith.constant 0 : i32
    %cond3A_141 = arith.cmpi ne, %convert_element_type3A_139, %cond3A_140 : i32
    scf.if %cond3A_141 {
      %mul3A_147 = arith.constant 640 : i32
      %mul3A_148 = arith.muli %arg1, %mul3A_147 : i32
      %mul3A_149 = arith.constant 640 : i32
      %mul3A_150 = arith.muli %arg1, %mul3A_149 : i32
      "tpu.region"() ({
        %run_scoped3A_151 = tpu.sem_alloc : memref<!tpu.dma_semaphore, #tpu.memory_space<semaphore_mem>>
        %dma_start3A = arith.constant 0 : i32
        %dma_start3A_152 = tpu.memref_slice %arg7[%mul3A_150, %dma_start3A] : memref<10240x128xf32, #tpu.memory_space<hbm>> -> memref<640x128xf32, #tpu.memory_space<hbm>>
        %dma_start3A_153 = arith.constant 0 : i32
        %dma_start3A_154 = tpu.memref_slice %arg20[%mul3A_148, %dma_start3A_153] : memref<10240x128xf32, #tpu.memory_space<vmem_shared>> -> memref<640x128xf32, #tpu.memory_space<vmem_shared>>
        tpu.enqueue_dma source(%dma_start3A_154 : memref<640x128xf32, #tpu.memory_space<vmem_shared>>) target(%dma_start3A_152 : memref<640x128xf32, #tpu.memory_space<hbm>>) target_semaphore(%run_scoped3A_151 : memref<!tpu.dma_semaphore, #tpu.memory_space<semaphore_mem>>)
        %dma_wait3A_155 = arith.constant 0 : i32
        %dma_wait3A_156 = tpu.memref_slice %arg7[%mul3A_150, %dma_wait3A_155] : memref<10240x128xf32, #tpu.memory_space<hbm>> -> memref<640x128xf32, #tpu.memory_space<hbm>>
        %dma_wait3A_157 = arith.constant 0 : i32
        %dma_wait3A_158 = tpu.memref_slice %arg20[%mul3A_148, %dma_wait3A_157] : memref<10240x128xf32, #tpu.memory_space<vmem_shared>> -> memref<640x128xf32, #tpu.memory_space<vmem_shared>>
        tpu.wait_dma2 semaphore(%run_scoped3A_151 : memref<!tpu.dma_semaphore, #tpu.memory_space<semaphore_mem>>) src(%dma_wait3A_158 : memref<640x128xf32, #tpu.memory_space<vmem_shared>>) dst(%dma_wait3A_156 : memref<640x128xf32, #tpu.memory_space<hbm>>)
        tpu.yield
      }) : () -> ()
    } else {
    }
    %eq3A_142 = arith.constant 1 : i32
    %eq3A_143 = arith.cmpi eq, %arg0, %eq3A_142 : i32
    %convert_element_type3A_144 = arith.extui %eq3A_143 : i1 to i32
    %cond3A_145 = arith.constant 0 : i32
    %cond3A_146 = arith.cmpi ne, %convert_element_type3A_144, %cond3A_145 : i32
    scf.if %cond3A_146 {
      %mul3A_147 = arith.constant 640 : i32
      %mul3A_148 = arith.muli %arg1, %mul3A_147 : i32
      %mul3A_149 = arith.constant 640 : i32
      %mul3A_150 = arith.muli %arg1, %mul3A_149 : i32
      "tpu.region"() ({
        %run_scoped3A_151 = tpu.sem_alloc : memref<!tpu.dma_semaphore, #tpu.memory_space<semaphore_mem>>
        %dma_start3A = arith.constant 0 : i32
        %dma_start3A_152 = tpu.memref_slice %arg8[%mul3A_150, %dma_start3A] : memref<10240x128xf32, #tpu.memory_space<hbm>> -> memref<640x128xf32, #tpu.memory_space<hbm>>
        %dma_start3A_153 = arith.constant 0 : i32
        %dma_start3A_154 = tpu.memref_slice %arg20[%mul3A_148, %dma_start3A_153] : memref<10240x128xf32, #tpu.memory_space<vmem_shared>> -> memref<640x128xf32, #tpu.memory_space<vmem_shared>>
        tpu.enqueue_dma source(%dma_start3A_154 : memref<640x128xf32, #tpu.memory_space<vmem_shared>>) target(%dma_start3A_152 : memref<640x128xf32, #tpu.memory_space<hbm>>) target_semaphore(%run_scoped3A_151 : memref<!tpu.dma_semaphore, #tpu.memory_space<semaphore_mem>>)
        %dma_wait3A_155 = arith.constant 0 : i32
        %dma_wait3A_156 = tpu.memref_slice %arg8[%mul3A_150, %dma_wait3A_155] : memref<10240x128xf32, #tpu.memory_space<hbm>> -> memref<640x128xf32, #tpu.memory_space<hbm>>
        %dma_wait3A_157 = arith.constant 0 : i32
        %dma_wait3A_158 = tpu.memref_slice %arg20[%mul3A_148, %dma_wait3A_157] : memref<10240x128xf32, #tpu.memory_space<vmem_shared>> -> memref<640x128xf32, #tpu.memory_space<vmem_shared>>
        tpu.wait_dma2 semaphore(%run_scoped3A_151 : memref<!tpu.dma_semaphore, #tpu.memory_space<semaphore_mem>>) src(%dma_wait3A_158 : memref<640x128xf32, #tpu.memory_space<vmem_shared>>) dst(%dma_wait3A_156 : memref<640x128xf32, #tpu.memory_space<hbm>>)
        tpu.yield
      }) : () -> ()
    } else {
    }
    return
  }
}

#map = affine_map<(d0, d1) -> (0, 0)>
#map1 = affine_map<(d0, d1) -> (0, 0, 0, 0)>
module attributes {stable_mosaic.version = 14 : i64} {
  func.func @_agg_body(%arg0: i32, %arg1: i32, %arg2: memref<10240x128xf32, #tpu.memory_space<hbm>>, %arg3: memref<10240x128xf32, #tpu.memory_space<hbm>>, %arg4: memref<16x3x42x80xi32, #tpu.memory_space<hbm>>, %arg5: memref<16x3x42x80xi32, #tpu.memory_space<hbm>>, %arg6: memref<640x128xf32, #tpu.memory_space<hbm>>, %arg7: memref<10240x128xf32, #tpu.memory_space<hbm>>, %arg8: memref<10240x128xf32, #tpu.memory_space<hbm>>, %arg9: memref<42x80xi32, #tpu.memory_space<vmem>>, %arg10: memref<42x80xi32, #tpu.memory_space<vmem>>, %arg11: memref<80x128xf32, #tpu.memory_space<vmem>>, %arg12: memref<80x128xf32, #tpu.memory_space<vmem>>, %arg13: memref<80x128xf32, #tpu.memory_space<vmem>>, %arg14: memref<!tpu.dma_semaphore, #tpu.memory_space<semaphore_mem>>, %arg15: memref<!tpu.dma_semaphore, #tpu.memory_space<semaphore_mem>>, %arg16: memref<!tpu.dma_semaphore, #tpu.memory_space<semaphore_mem>>, %arg17: memref<!tpu.dma_semaphore, #tpu.memory_space<semaphore_mem>>, %arg18: memref<!tpu.dma_semaphore, #tpu.memory_space<semaphore_mem>>, %arg19: memref<!tpu.dma_semaphore, #tpu.memory_space<semaphore_mem>>, %arg20: memref<10240x128xf32, #tpu.memory_space<vmem_shared>>) attributes {dimension_semantics = [#tpu.dimension_semantics<core_parallel>, #tpu.dimension_semantics<subcore_parallel>], iteration_bounds = array<i64: 2, 16>, scalar_prefetch = 0 : i64, scratch_operands = 12 : i64, tpu.core_type = #tpu.core_type<sc_vector_subcore>, window_params = [{transform_indices = #map}, {transform_indices = #map}, {transform_indices = #map1}, {transform_indices = #map1}, {transform_indices = #map}, {transform_indices = #map}, {transform_indices = #map}]} {
    %run_scoped3A = arith.constant 0 : i32
    "tpu.region"() ({
      %run_scoped3A_147 = tpu.sem_alloc : memref<!tpu.dma_semaphore, #tpu.memory_space<semaphore_mem>>
      %dma_start3A = arith.constant 0 : i32
      %dma_start3A_148 = arith.constant 0 : i32
      %dma_start3A_149 = arith.constant 0 : i32
      %dma_start3A_150 = tpu.memref_slice %arg4[%arg1, %dma_start3A, %dma_start3A_148, %dma_start3A_149] : memref<16x3x42x80xi32, #tpu.memory_space<hbm>> -> memref<1x3x42x80xi32, #tpu.memory_space<hbm>>
      %dma_start3A_151 = tpu.memref_squeeze %dma_start3A_150 : memref<1x3x42x80xi32, #tpu.memory_space<hbm>> -> memref<3x42x80xi32, #tpu.memory_space<hbm>>
      %dma_start3A_152 = arith.constant 0 : i32
      %dma_start3A_153 = arith.constant 0 : i32
      %dma_start3A_154 = tpu.memref_slice %dma_start3A_151[%run_scoped3A, %dma_start3A_152, %dma_start3A_153] : memref<3x42x80xi32, #tpu.memory_space<hbm>> -> memref<1x42x80xi32, #tpu.memory_space<hbm>>
      %dma_start3A_155 = tpu.memref_squeeze %dma_start3A_154 : memref<1x42x80xi32, #tpu.memory_space<hbm>> -> memref<42x80xi32, #tpu.memory_space<hbm>>
      %dma_start3A_156 = arith.constant 0 : i32
      %dma_start3A_157 = arith.constant 0 : i32
      %dma_start3A_158 = arith.constant 0 : i32
      %dma_start3A_159 = tpu.memref_slice %arg4[%arg1, %dma_start3A_156, %dma_start3A_157, %dma_start3A_158] : memref<16x3x42x80xi32, #tpu.memory_space<hbm>> -> memref<1x3x42x80xi32, #tpu.memory_space<hbm>>
      %dma_start3A_160 = tpu.memref_squeeze %dma_start3A_159 : memref<1x3x42x80xi32, #tpu.memory_space<hbm>> -> memref<3x42x80xi32, #tpu.memory_space<hbm>>
      %dma_start3A_161 = arith.constant 0 : i32
      %dma_start3A_162 = arith.constant 0 : i32
      %dma_start3A_163 = tpu.memref_slice %dma_start3A_160[%run_scoped3A, %dma_start3A_161, %dma_start3A_162] : memref<3x42x80xi32, #tpu.memory_space<hbm>> -> memref<1x42x80xi32, #tpu.memory_space<hbm>>
      %dma_start3A_164 = tpu.memref_squeeze %dma_start3A_163 : memref<1x42x80xi32, #tpu.memory_space<hbm>> -> memref<42x80xi32, #tpu.memory_space<hbm>>
      tpu.enqueue_dma source(%dma_start3A_164 : memref<42x80xi32, #tpu.memory_space<hbm>>) target(%arg9 : memref<42x80xi32, #tpu.memory_space<vmem>>) target_semaphore(%run_scoped3A_147 : memref<!tpu.dma_semaphore, #tpu.memory_space<semaphore_mem>>)
      %dma_wait3A_165 = arith.constant 0 : i32
      %dma_wait3A_166 = arith.constant 0 : i32
      %dma_wait3A_167 = arith.constant 0 : i32
      %dma_wait3A_168 = tpu.memref_slice %arg4[%arg1, %dma_wait3A_165, %dma_wait3A_166, %dma_wait3A_167] : memref<16x3x42x80xi32, #tpu.memory_space<hbm>> -> memref<1x3x42x80xi32, #tpu.memory_space<hbm>>
      %dma_wait3A_169 = tpu.memref_squeeze %dma_wait3A_168 : memref<1x3x42x80xi32, #tpu.memory_space<hbm>> -> memref<3x42x80xi32, #tpu.memory_space<hbm>>
      %dma_wait3A_170 = arith.constant 0 : i32
      %dma_wait3A_171 = arith.constant 0 : i32
      %dma_wait3A_172 = tpu.memref_slice %dma_wait3A_169[%run_scoped3A, %dma_wait3A_170, %dma_wait3A_171] : memref<3x42x80xi32, #tpu.memory_space<hbm>> -> memref<1x42x80xi32, #tpu.memory_space<hbm>>
      %dma_wait3A_173 = tpu.memref_squeeze %dma_wait3A_172 : memref<1x42x80xi32, #tpu.memory_space<hbm>> -> memref<42x80xi32, #tpu.memory_space<hbm>>
      %dma_wait3A_174 = arith.constant 0 : i32
      %dma_wait3A_175 = arith.constant 0 : i32
      %dma_wait3A_176 = arith.constant 0 : i32
      %dma_wait3A_177 = tpu.memref_slice %arg4[%arg1, %dma_wait3A_174, %dma_wait3A_175, %dma_wait3A_176] : memref<16x3x42x80xi32, #tpu.memory_space<hbm>> -> memref<1x3x42x80xi32, #tpu.memory_space<hbm>>
      %dma_wait3A_178 = tpu.memref_squeeze %dma_wait3A_177 : memref<1x3x42x80xi32, #tpu.memory_space<hbm>> -> memref<3x42x80xi32, #tpu.memory_space<hbm>>
      %dma_wait3A_179 = arith.constant 0 : i32
      %dma_wait3A_180 = arith.constant 0 : i32
      %dma_wait3A_181 = tpu.memref_slice %dma_wait3A_178[%run_scoped3A, %dma_wait3A_179, %dma_wait3A_180] : memref<3x42x80xi32, #tpu.memory_space<hbm>> -> memref<1x42x80xi32, #tpu.memory_space<hbm>>
      %dma_wait3A_182 = tpu.memref_squeeze %dma_wait3A_181 : memref<1x42x80xi32, #tpu.memory_space<hbm>> -> memref<42x80xi32, #tpu.memory_space<hbm>>
      tpu.wait_dma2 semaphore(%run_scoped3A_147 : memref<!tpu.dma_semaphore, #tpu.memory_space<semaphore_mem>>) src(%dma_wait3A_182 : memref<42x80xi32, #tpu.memory_space<hbm>>) dst(%arg9 : memref<42x80xi32, #tpu.memory_space<vmem>>)
      tpu.yield
    }) : () -> ()
    %run_scoped3A_0 = arith.constant 0 : i32
    "tpu.region"() ({
      %run_scoped3A_147 = tpu.sem_alloc : memref<!tpu.dma_semaphore, #tpu.memory_space<semaphore_mem>>
      %dma_start3A = arith.constant 0 : i32
      %dma_start3A_148 = arith.constant 0 : i32
      %dma_start3A_149 = arith.constant 0 : i32
      %dma_start3A_150 = tpu.memref_slice %arg5[%arg1, %dma_start3A, %dma_start3A_148, %dma_start3A_149] : memref<16x3x42x80xi32, #tpu.memory_space<hbm>> -> memref<1x3x42x80xi32, #tpu.memory_space<hbm>>
      %dma_start3A_151 = tpu.memref_squeeze %dma_start3A_150 : memref<1x3x42x80xi32, #tpu.memory_space<hbm>> -> memref<3x42x80xi32, #tpu.memory_space<hbm>>
      %dma_start3A_152 = arith.constant 0 : i32
      %dma_start3A_153 = arith.constant 0 : i32
      %dma_start3A_154 = tpu.memref_slice %dma_start3A_151[%run_scoped3A_0, %dma_start3A_152, %dma_start3A_153] : memref<3x42x80xi32, #tpu.memory_space<hbm>> -> memref<1x42x80xi32, #tpu.memory_space<hbm>>
      %dma_start3A_155 = tpu.memref_squeeze %dma_start3A_154 : memref<1x42x80xi32, #tpu.memory_space<hbm>> -> memref<42x80xi32, #tpu.memory_space<hbm>>
      %dma_start3A_156 = arith.constant 0 : i32
      %dma_start3A_157 = arith.constant 0 : i32
      %dma_start3A_158 = arith.constant 0 : i32
      %dma_start3A_159 = tpu.memref_slice %arg5[%arg1, %dma_start3A_156, %dma_start3A_157, %dma_start3A_158] : memref<16x3x42x80xi32, #tpu.memory_space<hbm>> -> memref<1x3x42x80xi32, #tpu.memory_space<hbm>>
      %dma_start3A_160 = tpu.memref_squeeze %dma_start3A_159 : memref<1x3x42x80xi32, #tpu.memory_space<hbm>> -> memref<3x42x80xi32, #tpu.memory_space<hbm>>
      %dma_start3A_161 = arith.constant 0 : i32
      %dma_start3A_162 = arith.constant 0 : i32
      %dma_start3A_163 = tpu.memref_slice %dma_start3A_160[%run_scoped3A_0, %dma_start3A_161, %dma_start3A_162] : memref<3x42x80xi32, #tpu.memory_space<hbm>> -> memref<1x42x80xi32, #tpu.memory_space<hbm>>
      %dma_start3A_164 = tpu.memref_squeeze %dma_start3A_163 : memref<1x42x80xi32, #tpu.memory_space<hbm>> -> memref<42x80xi32, #tpu.memory_space<hbm>>
      tpu.enqueue_dma source(%dma_start3A_164 : memref<42x80xi32, #tpu.memory_space<hbm>>) target(%arg10 : memref<42x80xi32, #tpu.memory_space<vmem>>) target_semaphore(%run_scoped3A_147 : memref<!tpu.dma_semaphore, #tpu.memory_space<semaphore_mem>>)
      %dma_wait3A_165 = arith.constant 0 : i32
      %dma_wait3A_166 = arith.constant 0 : i32
      %dma_wait3A_167 = arith.constant 0 : i32
      %dma_wait3A_168 = tpu.memref_slice %arg5[%arg1, %dma_wait3A_165, %dma_wait3A_166, %dma_wait3A_167] : memref<16x3x42x80xi32, #tpu.memory_space<hbm>> -> memref<1x3x42x80xi32, #tpu.memory_space<hbm>>
      %dma_wait3A_169 = tpu.memref_squeeze %dma_wait3A_168 : memref<1x3x42x80xi32, #tpu.memory_space<hbm>> -> memref<3x42x80xi32, #tpu.memory_space<hbm>>
      %dma_wait3A_170 = arith.constant 0 : i32
      %dma_wait3A_171 = arith.constant 0 : i32
      %dma_wait3A_172 = tpu.memref_slice %dma_wait3A_169[%run_scoped3A_0, %dma_wait3A_170, %dma_wait3A_171] : memref<3x42x80xi32, #tpu.memory_space<hbm>> -> memref<1x42x80xi32, #tpu.memory_space<hbm>>
      %dma_wait3A_173 = tpu.memref_squeeze %dma_wait3A_172 : memref<1x42x80xi32, #tpu.memory_space<hbm>> -> memref<42x80xi32, #tpu.memory_space<hbm>>
      %dma_wait3A_174 = arith.constant 0 : i32
      %dma_wait3A_175 = arith.constant 0 : i32
      %dma_wait3A_176 = arith.constant 0 : i32
      %dma_wait3A_177 = tpu.memref_slice %arg5[%arg1, %dma_wait3A_174, %dma_wait3A_175, %dma_wait3A_176] : memref<16x3x42x80xi32, #tpu.memory_space<hbm>> -> memref<1x3x42x80xi32, #tpu.memory_space<hbm>>
      %dma_wait3A_178 = tpu.memref_squeeze %dma_wait3A_177 : memref<1x3x42x80xi32, #tpu.memory_space<hbm>> -> memref<3x42x80xi32, #tpu.memory_space<hbm>>
      %dma_wait3A_179 = arith.constant 0 : i32
      %dma_wait3A_180 = arith.constant 0 : i32
      %dma_wait3A_181 = tpu.memref_slice %dma_wait3A_178[%run_scoped3A_0, %dma_wait3A_179, %dma_wait3A_180] : memref<3x42x80xi32, #tpu.memory_space<hbm>> -> memref<1x42x80xi32, #tpu.memory_space<hbm>>
      %dma_wait3A_182 = tpu.memref_squeeze %dma_wait3A_181 : memref<1x42x80xi32, #tpu.memory_space<hbm>> -> memref<42x80xi32, #tpu.memory_space<hbm>>
      tpu.wait_dma2 semaphore(%run_scoped3A_147 : memref<!tpu.dma_semaphore, #tpu.memory_space<semaphore_mem>>) src(%dma_wait3A_182 : memref<42x80xi32, #tpu.memory_space<hbm>>) dst(%arg10 : memref<42x80xi32, #tpu.memory_space<vmem>>)
      tpu.yield
    }) : () -> ()
    %eq3A = arith.constant 0 : i32
    %eq3A_1 = arith.cmpi eq, %arg0, %eq3A : i32
    %convert_element_type3A = arith.extui %eq3A_1 : i1 to i32
    %cond3A = arith.constant 0 : i32
    %cond3A_2 = arith.cmpi ne, %convert_element_type3A, %cond3A : i32
    scf.if %cond3A_2 {
      %dma_start3A = arith.constant 0 : i32
      %dma_start3A_147 = arith.constant 0 : i32
      %dma_start3A_148 = tpu.memref_slice %arg9[%dma_start3A, %dma_start3A_147] : memref<42x80xi32, #tpu.memory_space<vmem>> -> memref<1x80xi32, #tpu.memory_space<vmem>>
      %dma_start3A_149 = tpu.memref_squeeze %dma_start3A_148 : memref<1x80xi32, #tpu.memory_space<vmem>> -> memref<80xi32, #tpu.memory_space<vmem>>
      %dma_start3A_150 = arith.constant 0 : i32
      %dma_start3A_151 = arith.constant 0 : i32
      %dma_start3A_152 = tpu.memref_slice %arg2[%dma_start3A_150, %dma_start3A_151] : memref<10240x128xf32, #tpu.memory_space<hbm>> -> memref<10240x128xf32, #tpu.memory_space<hbm>>
      tpu.enqueue_indirect_dma source(%dma_start3A_152 : memref<10240x128xf32, #tpu.memory_space<hbm>>) target(%arg11 : memref<80x128xf32, #tpu.memory_space<vmem>>) offsets(%dma_start3A_149 : memref<80xi32, #tpu.memory_space<vmem>>) semaphore(%arg14 : memref<!tpu.dma_semaphore, #tpu.memory_space<semaphore_mem>>)
    } else {
    }
    %eq3A_3 = arith.constant 1 : i32
    %eq3A_4 = arith.cmpi eq, %arg0, %eq3A_3 : i32
    %convert_element_type3A_5 = arith.extui %eq3A_4 : i1 to i32
    %cond3A_6 = arith.constant 0 : i32
    %cond3A_7 = arith.cmpi ne, %convert_element_type3A_5, %cond3A_6 : i32
    scf.if %cond3A_7 {
      %dma_start3A = arith.constant 0 : i32
      %dma_start3A_147 = arith.constant 0 : i32
      %dma_start3A_148 = tpu.memref_slice %arg9[%dma_start3A, %dma_start3A_147] : memref<42x80xi32, #tpu.memory_space<vmem>> -> memref<1x80xi32, #tpu.memory_space<vmem>>
      %dma_start3A_149 = tpu.memref_squeeze %dma_start3A_148 : memref<1x80xi32, #tpu.memory_space<vmem>> -> memref<80xi32, #tpu.memory_space<vmem>>
      %dma_start3A_150 = arith.constant 0 : i32
      %dma_start3A_151 = arith.constant 0 : i32
      %dma_start3A_152 = tpu.memref_slice %arg3[%dma_start3A_150, %dma_start3A_151] : memref<10240x128xf32, #tpu.memory_space<hbm>> -> memref<10240x128xf32, #tpu.memory_space<hbm>>
      tpu.enqueue_indirect_dma source(%dma_start3A_152 : memref<10240x128xf32, #tpu.memory_space<hbm>>) target(%arg11 : memref<80x128xf32, #tpu.memory_space<vmem>>) offsets(%dma_start3A_149 : memref<80xi32, #tpu.memory_space<vmem>>) semaphore(%arg14 : memref<!tpu.dma_semaphore, #tpu.memory_space<semaphore_mem>>)
    } else {
    }
    %eq3A_8 = arith.constant 0 : i32
    %eq3A_9 = arith.cmpi eq, %arg0, %eq3A_8 : i32
    %convert_element_type3A_10 = arith.extui %eq3A_9 : i1 to i32
    %cond3A_11 = arith.constant 0 : i32
    %cond3A_12 = arith.cmpi ne, %convert_element_type3A_10, %cond3A_11 : i32
    scf.if %cond3A_12 {
      %dma_start3A = arith.constant 1 : i32
      %dma_start3A_147 = arith.constant 0 : i32
      %dma_start3A_148 = tpu.memref_slice %arg9[%dma_start3A, %dma_start3A_147] : memref<42x80xi32, #tpu.memory_space<vmem>> -> memref<1x80xi32, #tpu.memory_space<vmem>>
      %dma_start3A_149 = tpu.memref_squeeze %dma_start3A_148 : memref<1x80xi32, #tpu.memory_space<vmem>> -> memref<80xi32, #tpu.memory_space<vmem>>
      %dma_start3A_150 = arith.constant 0 : i32
      %dma_start3A_151 = arith.constant 0 : i32
      %dma_start3A_152 = tpu.memref_slice %arg2[%dma_start3A_150, %dma_start3A_151] : memref<10240x128xf32, #tpu.memory_space<hbm>> -> memref<10240x128xf32, #tpu.memory_space<hbm>>
      tpu.enqueue_indirect_dma source(%dma_start3A_152 : memref<10240x128xf32, #tpu.memory_space<hbm>>) target(%arg12 : memref<80x128xf32, #tpu.memory_space<vmem>>) offsets(%dma_start3A_149 : memref<80xi32, #tpu.memory_space<vmem>>) semaphore(%arg15 : memref<!tpu.dma_semaphore, #tpu.memory_space<semaphore_mem>>)
    } else {
    }
    %eq3A_13 = arith.constant 1 : i32
    %eq3A_14 = arith.cmpi eq, %arg0, %eq3A_13 : i32
    %convert_element_type3A_15 = arith.extui %eq3A_14 : i1 to i32
    %cond3A_16 = arith.constant 0 : i32
    %cond3A_17 = arith.cmpi ne, %convert_element_type3A_15, %cond3A_16 : i32
    scf.if %cond3A_17 {
      %dma_start3A = arith.constant 1 : i32
      %dma_start3A_147 = arith.constant 0 : i32
      %dma_start3A_148 = tpu.memref_slice %arg9[%dma_start3A, %dma_start3A_147] : memref<42x80xi32, #tpu.memory_space<vmem>> -> memref<1x80xi32, #tpu.memory_space<vmem>>
      %dma_start3A_149 = tpu.memref_squeeze %dma_start3A_148 : memref<1x80xi32, #tpu.memory_space<vmem>> -> memref<80xi32, #tpu.memory_space<vmem>>
      %dma_start3A_150 = arith.constant 0 : i32
      %dma_start3A_151 = arith.constant 0 : i32
      %dma_start3A_152 = tpu.memref_slice %arg3[%dma_start3A_150, %dma_start3A_151] : memref<10240x128xf32, #tpu.memory_space<hbm>> -> memref<10240x128xf32, #tpu.memory_space<hbm>>
      tpu.enqueue_indirect_dma source(%dma_start3A_152 : memref<10240x128xf32, #tpu.memory_space<hbm>>) target(%arg12 : memref<80x128xf32, #tpu.memory_space<vmem>>) offsets(%dma_start3A_149 : memref<80xi32, #tpu.memory_space<vmem>>) semaphore(%arg15 : memref<!tpu.dma_semaphore, #tpu.memory_space<semaphore_mem>>)
    } else {
    }
    %mul3A = arith.constant 640 : i32
    %mul3A_18 = arith.muli %arg1, %mul3A : i32
    "tpu.region"() ({
      %run_scoped3A_147 = tpu.sem_alloc : memref<!tpu.dma_semaphore, #tpu.memory_space<semaphore_mem>>
      %dma_start3A = arith.constant 0 : i32
      %dma_start3A_148 = tpu.memref_slice %arg20[%mul3A_18, %dma_start3A] : memref<10240x128xf32, #tpu.memory_space<vmem_shared>> -> memref<640x128xf32, #tpu.memory_space<vmem_shared>>
      tpu.enqueue_dma source(%arg6 : memref<640x128xf32, #tpu.memory_space<hbm>>) target(%dma_start3A_148 : memref<640x128xf32, #tpu.memory_space<vmem_shared>>) target_semaphore(%run_scoped3A_147 : memref<!tpu.dma_semaphore, #tpu.memory_space<semaphore_mem>>)
      %dma_wait3A_149 = arith.constant 0 : i32
      %dma_wait3A_150 = tpu.memref_slice %arg20[%mul3A_18, %dma_wait3A_149] : memref<10240x128xf32, #tpu.memory_space<vmem_shared>> -> memref<640x128xf32, #tpu.memory_space<vmem_shared>>
      tpu.wait_dma2 semaphore(%run_scoped3A_147 : memref<!tpu.dma_semaphore, #tpu.memory_space<semaphore_mem>>) src(%arg6 : memref<640x128xf32, #tpu.memory_space<hbm>>) dst(%dma_wait3A_150 : memref<640x128xf32, #tpu.memory_space<vmem_shared>>)
      tpu.yield
    }) : () -> ()
    %barrier3A = arith.constant 0 : index
    tpu.barrier barrier_id(%barrier3A)
    %scan3A = arith.constant 0 : i32
    %scan3A_19 = arith.constant 0 : i32
    %scan3A_20 = arith.constant 14 : i32
    %scan3A_21 = arith.addi %scan3A_19, %scan3A_20 : i32
    %scan3A_22 = arith.constant 1 : i32
    %scan3A_23 = scf.for %scan3A_147 = %scan3A_19 to %scan3A_21 step %scan3A_22 iter_args(%scan3A_148 = %scan3A) -> (i32)  : i32 {
      %mul3A_149 = arith.constant 3 : i32
      %mul3A_150 = arith.muli %scan3A_147, %mul3A_149 : i32
      %dma_wait3A_151 = arith.constant 0 : i32
      %dma_wait3A_152 = arith.constant 0 : i32
      %dma_wait3A_153 = tpu.memref_slice %arg2[%dma_wait3A_151, %dma_wait3A_152] : memref<10240x128xf32, #tpu.memory_space<hbm>> -> memref<80x128xf32, #tpu.memory_space<hbm>>
      %dma_wait3A_154 = arith.constant 0 : i32
      %dma_wait3A_155 = arith.constant 0 : i32
      %dma_wait3A_156 = tpu.memref_slice %arg2[%dma_wait3A_154, %dma_wait3A_155] : memref<10240x128xf32, #tpu.memory_space<hbm>> -> memref<80x128xf32, #tpu.memory_space<hbm>>
      tpu.wait_dma2 semaphore(%arg14 : memref<!tpu.dma_semaphore, #tpu.memory_space<semaphore_mem>>) src(%dma_wait3A_156 : memref<80x128xf32, #tpu.memory_space<hbm>>) dst(%arg11 : memref<80x128xf32, #tpu.memory_space<vmem>>)
      %dma_start3A = arith.constant 0 : i32
      %dma_start3A_157 = tpu.memref_slice %arg10[%mul3A_150, %dma_start3A] : memref<42x80xi32, #tpu.memory_space<vmem>> -> memref<1x80xi32, #tpu.memory_space<vmem>>
      %dma_start3A_158 = tpu.memref_squeeze %dma_start3A_157 : memref<1x80xi32, #tpu.memory_space<vmem>> -> memref<80xi32, #tpu.memory_space<vmem>>
      %dma_start3A_159 = arith.constant 0 : i32
      %dma_start3A_160 = arith.constant 0 : i32
      %dma_start3A_161 = tpu.memref_slice %arg20[%dma_start3A_159, %dma_start3A_160] : memref<10240x128xf32, #tpu.memory_space<vmem_shared>> -> memref<10240x128xf32, #tpu.memory_space<vmem_shared>>
      tpu.enqueue_indirect_dma source(%arg11 : memref<80x128xf32, #tpu.memory_space<vmem>>) target(%dma_start3A_161 : memref<10240x128xf32, #tpu.memory_space<vmem_shared>>) offsets(%dma_start3A_158 : memref<80xi32, #tpu.memory_space<vmem>>) semaphore(%arg17 : memref<!tpu.dma_semaphore, #tpu.memory_space<semaphore_mem>>) {add = true}
      %gt3A = arith.constant 0 : i32
      %gt3A_162 = arith.cmpi sgt, %scan3A_147, %gt3A : i32
      %convert_element_type3A_163 = arith.extui %gt3A_162 : i1 to i32
      %cond3A_164 = arith.constant 0 : i32
      %cond3A_165 = arith.cmpi ne, %convert_element_type3A_163, %cond3A_164 : i32
      scf.if %cond3A_165 {
        %dma_wait3A_215 = arith.constant 0 : i32
        %dma_wait3A_216 = arith.constant 0 : i32
        %dma_wait3A_217 = tpu.memref_slice %arg2[%dma_wait3A_215, %dma_wait3A_216] : memref<10240x128xf32, #tpu.memory_space<hbm>> -> memref<80x128xf32, #tpu.memory_space<hbm>>
        %dma_wait3A_218 = arith.constant 0 : i32
        %dma_wait3A_219 = arith.constant 0 : i32
        %dma_wait3A_220 = tpu.memref_slice %arg2[%dma_wait3A_218, %dma_wait3A_219] : memref<10240x128xf32, #tpu.memory_space<hbm>> -> memref<80x128xf32, #tpu.memory_space<hbm>>
        tpu.wait_dma2 semaphore(%arg19 : memref<!tpu.dma_semaphore, #tpu.memory_space<semaphore_mem>>) src(%dma_wait3A_220 : memref<80x128xf32, #tpu.memory_space<hbm>>) dst(%arg13 : memref<80x128xf32, #tpu.memory_space<vmem>>)
      } else {
      }
      %add3A = arith.constant 2 : i32
      %add3A_166 = arith.addi %mul3A_150, %add3A : i32
      %eq3A_167 = arith.constant 0 : i32
      %eq3A_168 = arith.cmpi eq, %arg0, %eq3A_167 : i32
      %convert_element_type3A_169 = arith.extui %eq3A_168 : i1 to i32
      %cond3A_170 = arith.constant 0 : i32
      %cond3A_171 = arith.cmpi ne, %convert_element_type3A_169, %cond3A_170 : i32
      scf.if %cond3A_171 {
        %dma_start3A_215 = arith.constant 0 : i32
        %dma_start3A_216 = tpu.memref_slice %arg9[%add3A_166, %dma_start3A_215] : memref<42x80xi32, #tpu.memory_space<vmem>> -> memref<1x80xi32, #tpu.memory_space<vmem>>
        %dma_start3A_217 = tpu.memref_squeeze %dma_start3A_216 : memref<1x80xi32, #tpu.memory_space<vmem>> -> memref<80xi32, #tpu.memory_space<vmem>>
        %dma_start3A_218 = arith.constant 0 : i32
        %dma_start3A_219 = arith.constant 0 : i32
        %dma_start3A_220 = tpu.memref_slice %arg2[%dma_start3A_218, %dma_start3A_219] : memref<10240x128xf32, #tpu.memory_space<hbm>> -> memref<10240x128xf32, #tpu.memory_space<hbm>>
        tpu.enqueue_indirect_dma source(%dma_start3A_220 : memref<10240x128xf32, #tpu.memory_space<hbm>>) target(%arg13 : memref<80x128xf32, #tpu.memory_space<vmem>>) offsets(%dma_start3A_217 : memref<80xi32, #tpu.memory_space<vmem>>) semaphore(%arg16 : memref<!tpu.dma_semaphore, #tpu.memory_space<semaphore_mem>>)
      } else {
      }
      %eq3A_172 = arith.constant 1 : i32
      %eq3A_173 = arith.cmpi eq, %arg0, %eq3A_172 : i32
      %convert_element_type3A_174 = arith.extui %eq3A_173 : i1 to i32
      %cond3A_175 = arith.constant 0 : i32
      %cond3A_176 = arith.cmpi ne, %convert_element_type3A_174, %cond3A_175 : i32
      scf.if %cond3A_176 {
        %dma_start3A_215 = arith.constant 0 : i32
        %dma_start3A_216 = tpu.memref_slice %arg9[%add3A_166, %dma_start3A_215] : memref<42x80xi32, #tpu.memory_space<vmem>> -> memref<1x80xi32, #tpu.memory_space<vmem>>
        %dma_start3A_217 = tpu.memref_squeeze %dma_start3A_216 : memref<1x80xi32, #tpu.memory_space<vmem>> -> memref<80xi32, #tpu.memory_space<vmem>>
        %dma_start3A_218 = arith.constant 0 : i32
        %dma_start3A_219 = arith.constant 0 : i32
        %dma_start3A_220 = tpu.memref_slice %arg3[%dma_start3A_218, %dma_start3A_219] : memref<10240x128xf32, #tpu.memory_space<hbm>> -> memref<10240x128xf32, #tpu.memory_space<hbm>>
        tpu.enqueue_indirect_dma source(%dma_start3A_220 : memref<10240x128xf32, #tpu.memory_space<hbm>>) target(%arg13 : memref<80x128xf32, #tpu.memory_space<vmem>>) offsets(%dma_start3A_217 : memref<80xi32, #tpu.memory_space<vmem>>) semaphore(%arg16 : memref<!tpu.dma_semaphore, #tpu.memory_space<semaphore_mem>>)
      } else {
      }
      %dma_wait3A_177 = arith.constant 0 : i32
      %dma_wait3A_178 = arith.constant 0 : i32
      %dma_wait3A_179 = tpu.memref_slice %arg2[%dma_wait3A_177, %dma_wait3A_178] : memref<10240x128xf32, #tpu.memory_space<hbm>> -> memref<80x128xf32, #tpu.memory_space<hbm>>
      %dma_wait3A_180 = arith.constant 0 : i32
      %dma_wait3A_181 = arith.constant 0 : i32
      %dma_wait3A_182 = tpu.memref_slice %arg2[%dma_wait3A_180, %dma_wait3A_181] : memref<10240x128xf32, #tpu.memory_space<hbm>> -> memref<80x128xf32, #tpu.memory_space<hbm>>
      tpu.wait_dma2 semaphore(%arg15 : memref<!tpu.dma_semaphore, #tpu.memory_space<semaphore_mem>>) src(%dma_wait3A_182 : memref<80x128xf32, #tpu.memory_space<hbm>>) dst(%arg12 : memref<80x128xf32, #tpu.memory_space<vmem>>)
      %add3A_183 = arith.constant 1 : i32
      %add3A_184 = arith.addi %mul3A_150, %add3A_183 : i32
      %dma_start3A_185 = arith.constant 0 : i32
      %dma_start3A_186 = tpu.memref_slice %arg10[%add3A_184, %dma_start3A_185] : memref<42x80xi32, #tpu.memory_space<vmem>> -> memref<1x80xi32, #tpu.memory_space<vmem>>
      %dma_start3A_187 = tpu.memref_squeeze %dma_start3A_186 : memref<1x80xi32, #tpu.memory_space<vmem>> -> memref<80xi32, #tpu.memory_space<vmem>>
      %dma_start3A_188 = arith.constant 0 : i32
      %dma_start3A_189 = arith.constant 0 : i32
      %dma_start3A_190 = tpu.memref_slice %arg20[%dma_start3A_188, %dma_start3A_189] : memref<10240x128xf32, #tpu.memory_space<vmem_shared>> -> memref<10240x128xf32, #tpu.memory_space<vmem_shared>>
      tpu.enqueue_indirect_dma source(%arg12 : memref<80x128xf32, #tpu.memory_space<vmem>>) target(%dma_start3A_190 : memref<10240x128xf32, #tpu.memory_space<vmem_shared>>) offsets(%dma_start3A_187 : memref<80xi32, #tpu.memory_space<vmem>>) semaphore(%arg18 : memref<!tpu.dma_semaphore, #tpu.memory_space<semaphore_mem>>) {add = true}
      %lt3A = arith.constant 13 : i32
      %lt3A_191 = arith.cmpi slt, %scan3A_147, %lt3A : i32
      %convert_element_type3A_192 = arith.extui %lt3A_191 : i1 to i32
      %cond3A_193 = arith.constant 0 : i32
      %cond3A_194 = arith.cmpi ne, %convert_element_type3A_192, %cond3A_193 : i32
      scf.if %cond3A_194 {
        %dma_wait3A_215 = arith.constant 0 : i32
        %dma_wait3A_216 = arith.constant 0 : i32
        %dma_wait3A_217 = tpu.memref_slice %arg2[%dma_wait3A_215, %dma_wait3A_216] : memref<10240x128xf32, #tpu.memory_space<hbm>> -> memref<80x128xf32, #tpu.memory_space<hbm>>
        %dma_wait3A_218 = arith.constant 0 : i32
        %dma_wait3A_219 = arith.constant 0 : i32
        %dma_wait3A_220 = tpu.memref_slice %arg2[%dma_wait3A_218, %dma_wait3A_219] : memref<10240x128xf32, #tpu.memory_space<hbm>> -> memref<80x128xf32, #tpu.memory_space<hbm>>
        tpu.wait_dma2 semaphore(%arg17 : memref<!tpu.dma_semaphore, #tpu.memory_space<semaphore_mem>>) src(%dma_wait3A_220 : memref<80x128xf32, #tpu.memory_space<hbm>>) dst(%arg11 : memref<80x128xf32, #tpu.memory_space<vmem>>)
        %add3A_221 = arith.constant 3 : i32
        %add3A_222 = arith.addi %mul3A_150, %add3A_221 : i32
        %eq3A_223 = arith.constant 0 : i32
        %eq3A_224 = arith.cmpi eq, %arg0, %eq3A_223 : i32
        %convert_element_type3A_225 = arith.extui %eq3A_224 : i1 to i32
        %cond3A_226 = arith.constant 0 : i32
        %cond3A_227 = arith.cmpi ne, %convert_element_type3A_225, %cond3A_226 : i32
        scf.if %cond3A_227 {
          %dma_start3A_233 = arith.constant 0 : i32
          %dma_start3A_234 = tpu.memref_slice %arg9[%add3A_222, %dma_start3A_233] : memref<42x80xi32, #tpu.memory_space<vmem>> -> memref<1x80xi32, #tpu.memory_space<vmem>>
          %dma_start3A_235 = tpu.memref_squeeze %dma_start3A_234 : memref<1x80xi32, #tpu.memory_space<vmem>> -> memref<80xi32, #tpu.memory_space<vmem>>
          %dma_start3A_236 = arith.constant 0 : i32
          %dma_start3A_237 = arith.constant 0 : i32
          %dma_start3A_238 = tpu.memref_slice %arg2[%dma_start3A_236, %dma_start3A_237] : memref<10240x128xf32, #tpu.memory_space<hbm>> -> memref<10240x128xf32, #tpu.memory_space<hbm>>
          tpu.enqueue_indirect_dma source(%dma_start3A_238 : memref<10240x128xf32, #tpu.memory_space<hbm>>) target(%arg11 : memref<80x128xf32, #tpu.memory_space<vmem>>) offsets(%dma_start3A_235 : memref<80xi32, #tpu.memory_space<vmem>>) semaphore(%arg14 : memref<!tpu.dma_semaphore, #tpu.memory_space<semaphore_mem>>)
        } else {
        }
        %eq3A_228 = arith.constant 1 : i32
        %eq3A_229 = arith.cmpi eq, %arg0, %eq3A_228 : i32
        %convert_element_type3A_230 = arith.extui %eq3A_229 : i1 to i32
        %cond3A_231 = arith.constant 0 : i32
        %cond3A_232 = arith.cmpi ne, %convert_element_type3A_230, %cond3A_231 : i32
        scf.if %cond3A_232 {
          %dma_start3A_233 = arith.constant 0 : i32
          %dma_start3A_234 = tpu.memref_slice %arg9[%add3A_222, %dma_start3A_233] : memref<42x80xi32, #tpu.memory_space<vmem>> -> memref<1x80xi32, #tpu.memory_space<vmem>>
          %dma_start3A_235 = tpu.memref_squeeze %dma_start3A_234 : memref<1x80xi32, #tpu.memory_space<vmem>> -> memref<80xi32, #tpu.memory_space<vmem>>
          %dma_start3A_236 = arith.constant 0 : i32
          %dma_start3A_237 = arith.constant 0 : i32
          %dma_start3A_238 = tpu.memref_slice %arg3[%dma_start3A_236, %dma_start3A_237] : memref<10240x128xf32, #tpu.memory_space<hbm>> -> memref<10240x128xf32, #tpu.memory_space<hbm>>
          tpu.enqueue_indirect_dma source(%dma_start3A_238 : memref<10240x128xf32, #tpu.memory_space<hbm>>) target(%arg11 : memref<80x128xf32, #tpu.memory_space<vmem>>) offsets(%dma_start3A_235 : memref<80xi32, #tpu.memory_space<vmem>>) semaphore(%arg14 : memref<!tpu.dma_semaphore, #tpu.memory_space<semaphore_mem>>)
        } else {
        }
      } else {
      }
      %dma_wait3A_195 = arith.constant 0 : i32
      %dma_wait3A_196 = arith.constant 0 : i32
      %dma_wait3A_197 = tpu.memref_slice %arg2[%dma_wait3A_195, %dma_wait3A_196] : memref<10240x128xf32, #tpu.memory_space<hbm>> -> memref<80x128xf32, #tpu.memory_space<hbm>>
      %dma_wait3A_198 = arith.constant 0 : i32
      %dma_wait3A_199 = arith.constant 0 : i32
      %dma_wait3A_200 = tpu.memref_slice %arg2[%dma_wait3A_198, %dma_wait3A_199] : memref<10240x128xf32, #tpu.memory_space<hbm>> -> memref<80x128xf32, #tpu.memory_space<hbm>>
      tpu.wait_dma2 semaphore(%arg16 : memref<!tpu.dma_semaphore, #tpu.memory_space<semaphore_mem>>) src(%dma_wait3A_200 : memref<80x128xf32, #tpu.memory_space<hbm>>) dst(%arg13 : memref<80x128xf32, #tpu.memory_space<vmem>>)
      %add3A_201 = arith.constant 2 : i32
      %add3A_202 = arith.addi %mul3A_150, %add3A_201 : i32
      %dma_start3A_203 = arith.constant 0 : i32
      %dma_start3A_204 = tpu.memref_slice %arg10[%add3A_202, %dma_start3A_203] : memref<42x80xi32, #tpu.memory_space<vmem>> -> memref<1x80xi32, #tpu.memory_space<vmem>>
      %dma_start3A_205 = tpu.memref_squeeze %dma_start3A_204 : memref<1x80xi32, #tpu.memory_space<vmem>> -> memref<80xi32, #tpu.memory_space<vmem>>
      %dma_start3A_206 = arith.constant 0 : i32
      %dma_start3A_207 = arith.constant 0 : i32
      %dma_start3A_208 = tpu.memref_slice %arg20[%dma_start3A_206, %dma_start3A_207] : memref<10240x128xf32, #tpu.memory_space<vmem_shared>> -> memref<10240x128xf32, #tpu.memory_space<vmem_shared>>
      tpu.enqueue_indirect_dma source(%arg13 : memref<80x128xf32, #tpu.memory_space<vmem>>) target(%dma_start3A_208 : memref<10240x128xf32, #tpu.memory_space<vmem_shared>>) offsets(%dma_start3A_205 : memref<80xi32, #tpu.memory_space<vmem>>) semaphore(%arg19 : memref<!tpu.dma_semaphore, #tpu.memory_space<semaphore_mem>>) {add = true}
      %lt3A_209 = arith.constant 13 : i32
      %lt3A_210 = arith.cmpi slt, %scan3A_147, %lt3A_209 : i32
      %convert_element_type3A_211 = arith.extui %lt3A_210 : i1 to i32
      %cond3A_212 = arith.constant 0 : i32
      %cond3A_213 = arith.cmpi ne, %convert_element_type3A_211, %cond3A_212 : i32
      scf.if %cond3A_213 {
        %dma_wait3A_215 = arith.constant 0 : i32
        %dma_wait3A_216 = arith.constant 0 : i32
        %dma_wait3A_217 = tpu.memref_slice %arg2[%dma_wait3A_215, %dma_wait3A_216] : memref<10240x128xf32, #tpu.memory_space<hbm>> -> memref<80x128xf32, #tpu.memory_space<hbm>>
        %dma_wait3A_218 = arith.constant 0 : i32
        %dma_wait3A_219 = arith.constant 0 : i32
        %dma_wait3A_220 = tpu.memref_slice %arg2[%dma_wait3A_218, %dma_wait3A_219] : memref<10240x128xf32, #tpu.memory_space<hbm>> -> memref<80x128xf32, #tpu.memory_space<hbm>>
        tpu.wait_dma2 semaphore(%arg18 : memref<!tpu.dma_semaphore, #tpu.memory_space<semaphore_mem>>) src(%dma_wait3A_220 : memref<80x128xf32, #tpu.memory_space<hbm>>) dst(%arg12 : memref<80x128xf32, #tpu.memory_space<vmem>>)
        %add3A_221 = arith.constant 4 : i32
        %add3A_222 = arith.addi %mul3A_150, %add3A_221 : i32
        %eq3A_223 = arith.constant 0 : i32
        %eq3A_224 = arith.cmpi eq, %arg0, %eq3A_223 : i32
        %convert_element_type3A_225 = arith.extui %eq3A_224 : i1 to i32
        %cond3A_226 = arith.constant 0 : i32
        %cond3A_227 = arith.cmpi ne, %convert_element_type3A_225, %cond3A_226 : i32
        scf.if %cond3A_227 {
          %dma_start3A_233 = arith.constant 0 : i32
          %dma_start3A_234 = tpu.memref_slice %arg9[%add3A_222, %dma_start3A_233] : memref<42x80xi32, #tpu.memory_space<vmem>> -> memref<1x80xi32, #tpu.memory_space<vmem>>
          %dma_start3A_235 = tpu.memref_squeeze %dma_start3A_234 : memref<1x80xi32, #tpu.memory_space<vmem>> -> memref<80xi32, #tpu.memory_space<vmem>>
          %dma_start3A_236 = arith.constant 0 : i32
          %dma_start3A_237 = arith.constant 0 : i32
          %dma_start3A_238 = tpu.memref_slice %arg2[%dma_start3A_236, %dma_start3A_237] : memref<10240x128xf32, #tpu.memory_space<hbm>> -> memref<10240x128xf32, #tpu.memory_space<hbm>>
          tpu.enqueue_indirect_dma source(%dma_start3A_238 : memref<10240x128xf32, #tpu.memory_space<hbm>>) target(%arg12 : memref<80x128xf32, #tpu.memory_space<vmem>>) offsets(%dma_start3A_235 : memref<80xi32, #tpu.memory_space<vmem>>) semaphore(%arg15 : memref<!tpu.dma_semaphore, #tpu.memory_space<semaphore_mem>>)
        } else {
        }
        %eq3A_228 = arith.constant 1 : i32
        %eq3A_229 = arith.cmpi eq, %arg0, %eq3A_228 : i32
        %convert_element_type3A_230 = arith.extui %eq3A_229 : i1 to i32
        %cond3A_231 = arith.constant 0 : i32
        %cond3A_232 = arith.cmpi ne, %convert_element_type3A_230, %cond3A_231 : i32
        scf.if %cond3A_232 {
          %dma_start3A_233 = arith.constant 0 : i32
          %dma_start3A_234 = tpu.memref_slice %arg9[%add3A_222, %dma_start3A_233] : memref<42x80xi32, #tpu.memory_space<vmem>> -> memref<1x80xi32, #tpu.memory_space<vmem>>
          %dma_start3A_235 = tpu.memref_squeeze %dma_start3A_234 : memref<1x80xi32, #tpu.memory_space<vmem>> -> memref<80xi32, #tpu.memory_space<vmem>>
          %dma_start3A_236 = arith.constant 0 : i32
          %dma_start3A_237 = arith.constant 0 : i32
          %dma_start3A_238 = tpu.memref_slice %arg3[%dma_start3A_236, %dma_start3A_237] : memref<10240x128xf32, #tpu.memory_space<hbm>> -> memref<10240x128xf32, #tpu.memory_space<hbm>>
          tpu.enqueue_indirect_dma source(%dma_start3A_238 : memref<10240x128xf32, #tpu.memory_space<hbm>>) target(%arg12 : memref<80x128xf32, #tpu.memory_space<vmem>>) offsets(%dma_start3A_235 : memref<80xi32, #tpu.memory_space<vmem>>) semaphore(%arg15 : memref<!tpu.dma_semaphore, #tpu.memory_space<semaphore_mem>>)
        } else {
        }
      } else {
      }
      %scan3A_214 = arith.constant 0 : i32
      scf.yield %scan3A_214 : i32
    }
    %scan3A_24 = arith.constant 14 : i32
    %dma_wait3A = arith.constant 0 : i32
    %dma_wait3A_25 = arith.constant 0 : i32
    %dma_wait3A_26 = tpu.memref_slice %arg2[%dma_wait3A, %dma_wait3A_25] : memref<10240x128xf32, #tpu.memory_space<hbm>> -> memref<80x128xf32, #tpu.memory_space<hbm>>
    %dma_wait3A_27 = arith.constant 0 : i32
    %dma_wait3A_28 = arith.constant 0 : i32
    %dma_wait3A_29 = tpu.memref_slice %arg2[%dma_wait3A_27, %dma_wait3A_28] : memref<10240x128xf32, #tpu.memory_space<hbm>> -> memref<80x128xf32, #tpu.memory_space<hbm>>
    tpu.wait_dma2 semaphore(%arg17 : memref<!tpu.dma_semaphore, #tpu.memory_space<semaphore_mem>>) src(%dma_wait3A_29 : memref<80x128xf32, #tpu.memory_space<hbm>>) dst(%arg11 : memref<80x128xf32, #tpu.memory_space<vmem>>)
    %dma_wait3A_30 = arith.constant 0 : i32
    %dma_wait3A_31 = arith.constant 0 : i32
    %dma_wait3A_32 = tpu.memref_slice %arg2[%dma_wait3A_30, %dma_wait3A_31] : memref<10240x128xf32, #tpu.memory_space<hbm>> -> memref<80x128xf32, #tpu.memory_space<hbm>>
    %dma_wait3A_33 = arith.constant 0 : i32
    %dma_wait3A_34 = arith.constant 0 : i32
    %dma_wait3A_35 = tpu.memref_slice %arg2[%dma_wait3A_33, %dma_wait3A_34] : memref<10240x128xf32, #tpu.memory_space<hbm>> -> memref<80x128xf32, #tpu.memory_space<hbm>>
    tpu.wait_dma2 semaphore(%arg18 : memref<!tpu.dma_semaphore, #tpu.memory_space<semaphore_mem>>) src(%dma_wait3A_35 : memref<80x128xf32, #tpu.memory_space<hbm>>) dst(%arg12 : memref<80x128xf32, #tpu.memory_space<vmem>>)
    %dma_wait3A_36 = arith.constant 0 : i32
    %dma_wait3A_37 = arith.constant 0 : i32
    %dma_wait3A_38 = tpu.memref_slice %arg2[%dma_wait3A_36, %dma_wait3A_37] : memref<10240x128xf32, #tpu.memory_space<hbm>> -> memref<80x128xf32, #tpu.memory_space<hbm>>
    %dma_wait3A_39 = arith.constant 0 : i32
    %dma_wait3A_40 = arith.constant 0 : i32
    %dma_wait3A_41 = tpu.memref_slice %arg2[%dma_wait3A_39, %dma_wait3A_40] : memref<10240x128xf32, #tpu.memory_space<hbm>> -> memref<80x128xf32, #tpu.memory_space<hbm>>
    tpu.wait_dma2 semaphore(%arg19 : memref<!tpu.dma_semaphore, #tpu.memory_space<semaphore_mem>>) src(%dma_wait3A_41 : memref<80x128xf32, #tpu.memory_space<hbm>>) dst(%arg13 : memref<80x128xf32, #tpu.memory_space<vmem>>)
    %run_scoped3A_42 = arith.constant 1 : i32
    "tpu.region"() ({
      %run_scoped3A_147 = tpu.sem_alloc : memref<!tpu.dma_semaphore, #tpu.memory_space<semaphore_mem>>
      %dma_start3A = arith.constant 0 : i32
      %dma_start3A_148 = arith.constant 0 : i32
      %dma_start3A_149 = arith.constant 0 : i32
      %dma_start3A_150 = tpu.memref_slice %arg4[%arg1, %dma_start3A, %dma_start3A_148, %dma_start3A_149] : memref<16x3x42x80xi32, #tpu.memory_space<hbm>> -> memref<1x3x42x80xi32, #tpu.memory_space<hbm>>
      %dma_start3A_151 = tpu.memref_squeeze %dma_start3A_150 : memref<1x3x42x80xi32, #tpu.memory_space<hbm>> -> memref<3x42x80xi32, #tpu.memory_space<hbm>>
      %dma_start3A_152 = arith.constant 0 : i32
      %dma_start3A_153 = arith.constant 0 : i32
      %dma_start3A_154 = tpu.memref_slice %dma_start3A_151[%run_scoped3A_42, %dma_start3A_152, %dma_start3A_153] : memref<3x42x80xi32, #tpu.memory_space<hbm>> -> memref<1x42x80xi32, #tpu.memory_space<hbm>>
      %dma_start3A_155 = tpu.memref_squeeze %dma_start3A_154 : memref<1x42x80xi32, #tpu.memory_space<hbm>> -> memref<42x80xi32, #tpu.memory_space<hbm>>
      %dma_start3A_156 = arith.constant 0 : i32
      %dma_start3A_157 = arith.constant 0 : i32
      %dma_start3A_158 = arith.constant 0 : i32
      %dma_start3A_159 = tpu.memref_slice %arg4[%arg1, %dma_start3A_156, %dma_start3A_157, %dma_start3A_158] : memref<16x3x42x80xi32, #tpu.memory_space<hbm>> -> memref<1x3x42x80xi32, #tpu.memory_space<hbm>>
      %dma_start3A_160 = tpu.memref_squeeze %dma_start3A_159 : memref<1x3x42x80xi32, #tpu.memory_space<hbm>> -> memref<3x42x80xi32, #tpu.memory_space<hbm>>
      %dma_start3A_161 = arith.constant 0 : i32
      %dma_start3A_162 = arith.constant 0 : i32
      %dma_start3A_163 = tpu.memref_slice %dma_start3A_160[%run_scoped3A_42, %dma_start3A_161, %dma_start3A_162] : memref<3x42x80xi32, #tpu.memory_space<hbm>> -> memref<1x42x80xi32, #tpu.memory_space<hbm>>
      %dma_start3A_164 = tpu.memref_squeeze %dma_start3A_163 : memref<1x42x80xi32, #tpu.memory_space<hbm>> -> memref<42x80xi32, #tpu.memory_space<hbm>>
      tpu.enqueue_dma source(%dma_start3A_164 : memref<42x80xi32, #tpu.memory_space<hbm>>) target(%arg9 : memref<42x80xi32, #tpu.memory_space<vmem>>) target_semaphore(%run_scoped3A_147 : memref<!tpu.dma_semaphore, #tpu.memory_space<semaphore_mem>>)
      %dma_wait3A_165 = arith.constant 0 : i32
      %dma_wait3A_166 = arith.constant 0 : i32
      %dma_wait3A_167 = arith.constant 0 : i32
      %dma_wait3A_168 = tpu.memref_slice %arg4[%arg1, %dma_wait3A_165, %dma_wait3A_166, %dma_wait3A_167] : memref<16x3x42x80xi32, #tpu.memory_space<hbm>> -> memref<1x3x42x80xi32, #tpu.memory_space<hbm>>
      %dma_wait3A_169 = tpu.memref_squeeze %dma_wait3A_168 : memref<1x3x42x80xi32, #tpu.memory_space<hbm>> -> memref<3x42x80xi32, #tpu.memory_space<hbm>>
      %dma_wait3A_170 = arith.constant 0 : i32
      %dma_wait3A_171 = arith.constant 0 : i32
      %dma_wait3A_172 = tpu.memref_slice %dma_wait3A_169[%run_scoped3A_42, %dma_wait3A_170, %dma_wait3A_171] : memref<3x42x80xi32, #tpu.memory_space<hbm>> -> memref<1x42x80xi32, #tpu.memory_space<hbm>>
      %dma_wait3A_173 = tpu.memref_squeeze %dma_wait3A_172 : memref<1x42x80xi32, #tpu.memory_space<hbm>> -> memref<42x80xi32, #tpu.memory_space<hbm>>
      %dma_wait3A_174 = arith.constant 0 : i32
      %dma_wait3A_175 = arith.constant 0 : i32
      %dma_wait3A_176 = arith.constant 0 : i32
      %dma_wait3A_177 = tpu.memref_slice %arg4[%arg1, %dma_wait3A_174, %dma_wait3A_175, %dma_wait3A_176] : memref<16x3x42x80xi32, #tpu.memory_space<hbm>> -> memref<1x3x42x80xi32, #tpu.memory_space<hbm>>
      %dma_wait3A_178 = tpu.memref_squeeze %dma_wait3A_177 : memref<1x3x42x80xi32, #tpu.memory_space<hbm>> -> memref<3x42x80xi32, #tpu.memory_space<hbm>>
      %dma_wait3A_179 = arith.constant 0 : i32
      %dma_wait3A_180 = arith.constant 0 : i32
      %dma_wait3A_181 = tpu.memref_slice %dma_wait3A_178[%run_scoped3A_42, %dma_wait3A_179, %dma_wait3A_180] : memref<3x42x80xi32, #tpu.memory_space<hbm>> -> memref<1x42x80xi32, #tpu.memory_space<hbm>>
      %dma_wait3A_182 = tpu.memref_squeeze %dma_wait3A_181 : memref<1x42x80xi32, #tpu.memory_space<hbm>> -> memref<42x80xi32, #tpu.memory_space<hbm>>
      tpu.wait_dma2 semaphore(%run_scoped3A_147 : memref<!tpu.dma_semaphore, #tpu.memory_space<semaphore_mem>>) src(%dma_wait3A_182 : memref<42x80xi32, #tpu.memory_space<hbm>>) dst(%arg9 : memref<42x80xi32, #tpu.memory_space<vmem>>)
      tpu.yield
    }) : () -> ()
    %run_scoped3A_43 = arith.constant 1 : i32
    "tpu.region"() ({
      %run_scoped3A_147 = tpu.sem_alloc : memref<!tpu.dma_semaphore, #tpu.memory_space<semaphore_mem>>
      %dma_start3A = arith.constant 0 : i32
      %dma_start3A_148 = arith.constant 0 : i32
      %dma_start3A_149 = arith.constant 0 : i32
      %dma_start3A_150 = tpu.memref_slice %arg5[%arg1, %dma_start3A, %dma_start3A_148, %dma_start3A_149] : memref<16x3x42x80xi32, #tpu.memory_space<hbm>> -> memref<1x3x42x80xi32, #tpu.memory_space<hbm>>
      %dma_start3A_151 = tpu.memref_squeeze %dma_start3A_150 : memref<1x3x42x80xi32, #tpu.memory_space<hbm>> -> memref<3x42x80xi32, #tpu.memory_space<hbm>>
      %dma_start3A_152 = arith.constant 0 : i32
      %dma_start3A_153 = arith.constant 0 : i32
      %dma_start3A_154 = tpu.memref_slice %dma_start3A_151[%run_scoped3A_43, %dma_start3A_152, %dma_start3A_153] : memref<3x42x80xi32, #tpu.memory_space<hbm>> -> memref<1x42x80xi32, #tpu.memory_space<hbm>>
      %dma_start3A_155 = tpu.memref_squeeze %dma_start3A_154 : memref<1x42x80xi32, #tpu.memory_space<hbm>> -> memref<42x80xi32, #tpu.memory_space<hbm>>
      %dma_start3A_156 = arith.constant 0 : i32
      %dma_start3A_157 = arith.constant 0 : i32
      %dma_start3A_158 = arith.constant 0 : i32
      %dma_start3A_159 = tpu.memref_slice %arg5[%arg1, %dma_start3A_156, %dma_start3A_157, %dma_start3A_158] : memref<16x3x42x80xi32, #tpu.memory_space<hbm>> -> memref<1x3x42x80xi32, #tpu.memory_space<hbm>>
      %dma_start3A_160 = tpu.memref_squeeze %dma_start3A_159 : memref<1x3x42x80xi32, #tpu.memory_space<hbm>> -> memref<3x42x80xi32, #tpu.memory_space<hbm>>
      %dma_start3A_161 = arith.constant 0 : i32
      %dma_start3A_162 = arith.constant 0 : i32
      %dma_start3A_163 = tpu.memref_slice %dma_start3A_160[%run_scoped3A_43, %dma_start3A_161, %dma_start3A_162] : memref<3x42x80xi32, #tpu.memory_space<hbm>> -> memref<1x42x80xi32, #tpu.memory_space<hbm>>
      %dma_start3A_164 = tpu.memref_squeeze %dma_start3A_163 : memref<1x42x80xi32, #tpu.memory_space<hbm>> -> memref<42x80xi32, #tpu.memory_space<hbm>>
      tpu.enqueue_dma source(%dma_start3A_164 : memref<42x80xi32, #tpu.memory_space<hbm>>) target(%arg10 : memref<42x80xi32, #tpu.memory_space<vmem>>) target_semaphore(%run_scoped3A_147 : memref<!tpu.dma_semaphore, #tpu.memory_space<semaphore_mem>>)
      %dma_wait3A_165 = arith.constant 0 : i32
      %dma_wait3A_166 = arith.constant 0 : i32
      %dma_wait3A_167 = arith.constant 0 : i32
      %dma_wait3A_168 = tpu.memref_slice %arg5[%arg1, %dma_wait3A_165, %dma_wait3A_166, %dma_wait3A_167] : memref<16x3x42x80xi32, #tpu.memory_space<hbm>> -> memref<1x3x42x80xi32, #tpu.memory_space<hbm>>
      %dma_wait3A_169 = tpu.memref_squeeze %dma_wait3A_168 : memref<1x3x42x80xi32, #tpu.memory_space<hbm>> -> memref<3x42x80xi32, #tpu.memory_space<hbm>>
      %dma_wait3A_170 = arith.constant 0 : i32
      %dma_wait3A_171 = arith.constant 0 : i32
      %dma_wait3A_172 = tpu.memref_slice %dma_wait3A_169[%run_scoped3A_43, %dma_wait3A_170, %dma_wait3A_171] : memref<3x42x80xi32, #tpu.memory_space<hbm>> -> memref<1x42x80xi32, #tpu.memory_space<hbm>>
      %dma_wait3A_173 = tpu.memref_squeeze %dma_wait3A_172 : memref<1x42x80xi32, #tpu.memory_space<hbm>> -> memref<42x80xi32, #tpu.memory_space<hbm>>
      %dma_wait3A_174 = arith.constant 0 : i32
      %dma_wait3A_175 = arith.constant 0 : i32
      %dma_wait3A_176 = arith.constant 0 : i32
      %dma_wait3A_177 = tpu.memref_slice %arg5[%arg1, %dma_wait3A_174, %dma_wait3A_175, %dma_wait3A_176] : memref<16x3x42x80xi32, #tpu.memory_space<hbm>> -> memref<1x3x42x80xi32, #tpu.memory_space<hbm>>
      %dma_wait3A_178 = tpu.memref_squeeze %dma_wait3A_177 : memref<1x3x42x80xi32, #tpu.memory_space<hbm>> -> memref<3x42x80xi32, #tpu.memory_space<hbm>>
      %dma_wait3A_179 = arith.constant 0 : i32
      %dma_wait3A_180 = arith.constant 0 : i32
      %dma_wait3A_181 = tpu.memref_slice %dma_wait3A_178[%run_scoped3A_43, %dma_wait3A_179, %dma_wait3A_180] : memref<3x42x80xi32, #tpu.memory_space<hbm>> -> memref<1x42x80xi32, #tpu.memory_space<hbm>>
      %dma_wait3A_182 = tpu.memref_squeeze %dma_wait3A_181 : memref<1x42x80xi32, #tpu.memory_space<hbm>> -> memref<42x80xi32, #tpu.memory_space<hbm>>
      tpu.wait_dma2 semaphore(%run_scoped3A_147 : memref<!tpu.dma_semaphore, #tpu.memory_space<semaphore_mem>>) src(%dma_wait3A_182 : memref<42x80xi32, #tpu.memory_space<hbm>>) dst(%arg10 : memref<42x80xi32, #tpu.memory_space<vmem>>)
      tpu.yield
    }) : () -> ()
    %eq3A_44 = arith.constant 0 : i32
    %eq3A_45 = arith.cmpi eq, %arg0, %eq3A_44 : i32
    %convert_element_type3A_46 = arith.extui %eq3A_45 : i1 to i32
    %cond3A_47 = arith.constant 0 : i32
    %cond3A_48 = arith.cmpi ne, %convert_element_type3A_46, %cond3A_47 : i32
    scf.if %cond3A_48 {
      %dma_start3A = arith.constant 0 : i32
      %dma_start3A_147 = arith.constant 0 : i32
      %dma_start3A_148 = tpu.memref_slice %arg9[%dma_start3A, %dma_start3A_147] : memref<42x80xi32, #tpu.memory_space<vmem>> -> memref<1x80xi32, #tpu.memory_space<vmem>>
      %dma_start3A_149 = tpu.memref_squeeze %dma_start3A_148 : memref<1x80xi32, #tpu.memory_space<vmem>> -> memref<80xi32, #tpu.memory_space<vmem>>
      %dma_start3A_150 = arith.constant 0 : i32
      %dma_start3A_151 = arith.constant 0 : i32
      %dma_start3A_152 = tpu.memref_slice %arg2[%dma_start3A_150, %dma_start3A_151] : memref<10240x128xf32, #tpu.memory_space<hbm>> -> memref<10240x128xf32, #tpu.memory_space<hbm>>
      tpu.enqueue_indirect_dma source(%dma_start3A_152 : memref<10240x128xf32, #tpu.memory_space<hbm>>) target(%arg11 : memref<80x128xf32, #tpu.memory_space<vmem>>) offsets(%dma_start3A_149 : memref<80xi32, #tpu.memory_space<vmem>>) semaphore(%arg14 : memref<!tpu.dma_semaphore, #tpu.memory_space<semaphore_mem>>)
    } else {
    }
    %eq3A_49 = arith.constant 1 : i32
    %eq3A_50 = arith.cmpi eq, %arg0, %eq3A_49 : i32
    %convert_element_type3A_51 = arith.extui %eq3A_50 : i1 to i32
    %cond3A_52 = arith.constant 0 : i32
    %cond3A_53 = arith.cmpi ne, %convert_element_type3A_51, %cond3A_52 : i32
    scf.if %cond3A_53 {
      %dma_start3A = arith.constant 0 : i32
      %dma_start3A_147 = arith.constant 0 : i32
      %dma_start3A_148 = tpu.memref_slice %arg9[%dma_start3A, %dma_start3A_147] : memref<42x80xi32, #tpu.memory_space<vmem>> -> memref<1x80xi32, #tpu.memory_space<vmem>>
      %dma_start3A_149 = tpu.memref_squeeze %dma_start3A_148 : memref<1x80xi32, #tpu.memory_space<vmem>> -> memref<80xi32, #tpu.memory_space<vmem>>
      %dma_start3A_150 = arith.constant 0 : i32
      %dma_start3A_151 = arith.constant 0 : i32
      %dma_start3A_152 = tpu.memref_slice %arg3[%dma_start3A_150, %dma_start3A_151] : memref<10240x128xf32, #tpu.memory_space<hbm>> -> memref<10240x128xf32, #tpu.memory_space<hbm>>
      tpu.enqueue_indirect_dma source(%dma_start3A_152 : memref<10240x128xf32, #tpu.memory_space<hbm>>) target(%arg11 : memref<80x128xf32, #tpu.memory_space<vmem>>) offsets(%dma_start3A_149 : memref<80xi32, #tpu.memory_space<vmem>>) semaphore(%arg14 : memref<!tpu.dma_semaphore, #tpu.memory_space<semaphore_mem>>)
    } else {
    }
    %eq3A_54 = arith.constant 0 : i32
    %eq3A_55 = arith.cmpi eq, %arg0, %eq3A_54 : i32
    %convert_element_type3A_56 = arith.extui %eq3A_55 : i1 to i32
    %cond3A_57 = arith.constant 0 : i32
    %cond3A_58 = arith.cmpi ne, %convert_element_type3A_56, %cond3A_57 : i32
    scf.if %cond3A_58 {
      %dma_start3A = arith.constant 1 : i32
      %dma_start3A_147 = arith.constant 0 : i32
      %dma_start3A_148 = tpu.memref_slice %arg9[%dma_start3A, %dma_start3A_147] : memref<42x80xi32, #tpu.memory_space<vmem>> -> memref<1x80xi32, #tpu.memory_space<vmem>>
      %dma_start3A_149 = tpu.memref_squeeze %dma_start3A_148 : memref<1x80xi32, #tpu.memory_space<vmem>> -> memref<80xi32, #tpu.memory_space<vmem>>
      %dma_start3A_150 = arith.constant 0 : i32
      %dma_start3A_151 = arith.constant 0 : i32
      %dma_start3A_152 = tpu.memref_slice %arg2[%dma_start3A_150, %dma_start3A_151] : memref<10240x128xf32, #tpu.memory_space<hbm>> -> memref<10240x128xf32, #tpu.memory_space<hbm>>
      tpu.enqueue_indirect_dma source(%dma_start3A_152 : memref<10240x128xf32, #tpu.memory_space<hbm>>) target(%arg12 : memref<80x128xf32, #tpu.memory_space<vmem>>) offsets(%dma_start3A_149 : memref<80xi32, #tpu.memory_space<vmem>>) semaphore(%arg15 : memref<!tpu.dma_semaphore, #tpu.memory_space<semaphore_mem>>)
    } else {
    }
    %eq3A_59 = arith.constant 1 : i32
    %eq3A_60 = arith.cmpi eq, %arg0, %eq3A_59 : i32
    %convert_element_type3A_61 = arith.extui %eq3A_60 : i1 to i32
    %cond3A_62 = arith.constant 0 : i32
    %cond3A_63 = arith.cmpi ne, %convert_element_type3A_61, %cond3A_62 : i32
    scf.if %cond3A_63 {
      %dma_start3A = arith.constant 1 : i32
      %dma_start3A_147 = arith.constant 0 : i32
      %dma_start3A_148 = tpu.memref_slice %arg9[%dma_start3A, %dma_start3A_147] : memref<42x80xi32, #tpu.memory_space<vmem>> -> memref<1x80xi32, #tpu.memory_space<vmem>>
      %dma_start3A_149 = tpu.memref_squeeze %dma_start3A_148 : memref<1x80xi32, #tpu.memory_space<vmem>> -> memref<80xi32, #tpu.memory_space<vmem>>
      %dma_start3A_150 = arith.constant 0 : i32
      %dma_start3A_151 = arith.constant 0 : i32
      %dma_start3A_152 = tpu.memref_slice %arg3[%dma_start3A_150, %dma_start3A_151] : memref<10240x128xf32, #tpu.memory_space<hbm>> -> memref<10240x128xf32, #tpu.memory_space<hbm>>
      tpu.enqueue_indirect_dma source(%dma_start3A_152 : memref<10240x128xf32, #tpu.memory_space<hbm>>) target(%arg12 : memref<80x128xf32, #tpu.memory_space<vmem>>) offsets(%dma_start3A_149 : memref<80xi32, #tpu.memory_space<vmem>>) semaphore(%arg15 : memref<!tpu.dma_semaphore, #tpu.memory_space<semaphore_mem>>)
    } else {
    }
    %scan3A_64 = arith.constant 0 : i32
    %scan3A_65 = arith.constant 0 : i32
    %scan3A_66 = arith.constant 14 : i32
    %scan3A_67 = arith.addi %scan3A_65, %scan3A_66 : i32
    %scan3A_68 = arith.constant 1 : i32
    %scan3A_69 = scf.for %scan3A_147 = %scan3A_65 to %scan3A_67 step %scan3A_68 iter_args(%scan3A_148 = %scan3A_64) -> (i32)  : i32 {
      %mul3A_149 = arith.constant 3 : i32
      %mul3A_150 = arith.muli %scan3A_147, %mul3A_149 : i32
      %dma_wait3A_151 = arith.constant 0 : i32
      %dma_wait3A_152 = arith.constant 0 : i32
      %dma_wait3A_153 = tpu.memref_slice %arg2[%dma_wait3A_151, %dma_wait3A_152] : memref<10240x128xf32, #tpu.memory_space<hbm>> -> memref<80x128xf32, #tpu.memory_space<hbm>>
      %dma_wait3A_154 = arith.constant 0 : i32
      %dma_wait3A_155 = arith.constant 0 : i32
      %dma_wait3A_156 = tpu.memref_slice %arg2[%dma_wait3A_154, %dma_wait3A_155] : memref<10240x128xf32, #tpu.memory_space<hbm>> -> memref<80x128xf32, #tpu.memory_space<hbm>>
      tpu.wait_dma2 semaphore(%arg14 : memref<!tpu.dma_semaphore, #tpu.memory_space<semaphore_mem>>) src(%dma_wait3A_156 : memref<80x128xf32, #tpu.memory_space<hbm>>) dst(%arg11 : memref<80x128xf32, #tpu.memory_space<vmem>>)
      %dma_start3A = arith.constant 0 : i32
      %dma_start3A_157 = tpu.memref_slice %arg10[%mul3A_150, %dma_start3A] : memref<42x80xi32, #tpu.memory_space<vmem>> -> memref<1x80xi32, #tpu.memory_space<vmem>>
      %dma_start3A_158 = tpu.memref_squeeze %dma_start3A_157 : memref<1x80xi32, #tpu.memory_space<vmem>> -> memref<80xi32, #tpu.memory_space<vmem>>
      %dma_start3A_159 = arith.constant 0 : i32
      %dma_start3A_160 = arith.constant 0 : i32
      %dma_start3A_161 = tpu.memref_slice %arg20[%dma_start3A_159, %dma_start3A_160] : memref<10240x128xf32, #tpu.memory_space<vmem_shared>> -> memref<10240x128xf32, #tpu.memory_space<vmem_shared>>
      tpu.enqueue_indirect_dma source(%arg11 : memref<80x128xf32, #tpu.memory_space<vmem>>) target(%dma_start3A_161 : memref<10240x128xf32, #tpu.memory_space<vmem_shared>>) offsets(%dma_start3A_158 : memref<80xi32, #tpu.memory_space<vmem>>) semaphore(%arg17 : memref<!tpu.dma_semaphore, #tpu.memory_space<semaphore_mem>>) {add = true}
      %gt3A = arith.constant 0 : i32
      %gt3A_162 = arith.cmpi sgt, %scan3A_147, %gt3A : i32
      %convert_element_type3A_163 = arith.extui %gt3A_162 : i1 to i32
      %cond3A_164 = arith.constant 0 : i32
      %cond3A_165 = arith.cmpi ne, %convert_element_type3A_163, %cond3A_164 : i32
      scf.if %cond3A_165 {
        %dma_wait3A_215 = arith.constant 0 : i32
        %dma_wait3A_216 = arith.constant 0 : i32
        %dma_wait3A_217 = tpu.memref_slice %arg2[%dma_wait3A_215, %dma_wait3A_216] : memref<10240x128xf32, #tpu.memory_space<hbm>> -> memref<80x128xf32, #tpu.memory_space<hbm>>
        %dma_wait3A_218 = arith.constant 0 : i32
        %dma_wait3A_219 = arith.constant 0 : i32
        %dma_wait3A_220 = tpu.memref_slice %arg2[%dma_wait3A_218, %dma_wait3A_219] : memref<10240x128xf32, #tpu.memory_space<hbm>> -> memref<80x128xf32, #tpu.memory_space<hbm>>
        tpu.wait_dma2 semaphore(%arg19 : memref<!tpu.dma_semaphore, #tpu.memory_space<semaphore_mem>>) src(%dma_wait3A_220 : memref<80x128xf32, #tpu.memory_space<hbm>>) dst(%arg13 : memref<80x128xf32, #tpu.memory_space<vmem>>)
      } else {
      }
      %add3A = arith.constant 2 : i32
      %add3A_166 = arith.addi %mul3A_150, %add3A : i32
      %eq3A_167 = arith.constant 0 : i32
      %eq3A_168 = arith.cmpi eq, %arg0, %eq3A_167 : i32
      %convert_element_type3A_169 = arith.extui %eq3A_168 : i1 to i32
      %cond3A_170 = arith.constant 0 : i32
      %cond3A_171 = arith.cmpi ne, %convert_element_type3A_169, %cond3A_170 : i32
      scf.if %cond3A_171 {
        %dma_start3A_215 = arith.constant 0 : i32
        %dma_start3A_216 = tpu.memref_slice %arg9[%add3A_166, %dma_start3A_215] : memref<42x80xi32, #tpu.memory_space<vmem>> -> memref<1x80xi32, #tpu.memory_space<vmem>>
        %dma_start3A_217 = tpu.memref_squeeze %dma_start3A_216 : memref<1x80xi32, #tpu.memory_space<vmem>> -> memref<80xi32, #tpu.memory_space<vmem>>
        %dma_start3A_218 = arith.constant 0 : i32
        %dma_start3A_219 = arith.constant 0 : i32
        %dma_start3A_220 = tpu.memref_slice %arg2[%dma_start3A_218, %dma_start3A_219] : memref<10240x128xf32, #tpu.memory_space<hbm>> -> memref<10240x128xf32, #tpu.memory_space<hbm>>
        tpu.enqueue_indirect_dma source(%dma_start3A_220 : memref<10240x128xf32, #tpu.memory_space<hbm>>) target(%arg13 : memref<80x128xf32, #tpu.memory_space<vmem>>) offsets(%dma_start3A_217 : memref<80xi32, #tpu.memory_space<vmem>>) semaphore(%arg16 : memref<!tpu.dma_semaphore, #tpu.memory_space<semaphore_mem>>)
      } else {
      }
      %eq3A_172 = arith.constant 1 : i32
      %eq3A_173 = arith.cmpi eq, %arg0, %eq3A_172 : i32
      %convert_element_type3A_174 = arith.extui %eq3A_173 : i1 to i32
      %cond3A_175 = arith.constant 0 : i32
      %cond3A_176 = arith.cmpi ne, %convert_element_type3A_174, %cond3A_175 : i32
      scf.if %cond3A_176 {
        %dma_start3A_215 = arith.constant 0 : i32
        %dma_start3A_216 = tpu.memref_slice %arg9[%add3A_166, %dma_start3A_215] : memref<42x80xi32, #tpu.memory_space<vmem>> -> memref<1x80xi32, #tpu.memory_space<vmem>>
        %dma_start3A_217 = tpu.memref_squeeze %dma_start3A_216 : memref<1x80xi32, #tpu.memory_space<vmem>> -> memref<80xi32, #tpu.memory_space<vmem>>
        %dma_start3A_218 = arith.constant 0 : i32
        %dma_start3A_219 = arith.constant 0 : i32
        %dma_start3A_220 = tpu.memref_slice %arg3[%dma_start3A_218, %dma_start3A_219] : memref<10240x128xf32, #tpu.memory_space<hbm>> -> memref<10240x128xf32, #tpu.memory_space<hbm>>
        tpu.enqueue_indirect_dma source(%dma_start3A_220 : memref<10240x128xf32, #tpu.memory_space<hbm>>) target(%arg13 : memref<80x128xf32, #tpu.memory_space<vmem>>) offsets(%dma_start3A_217 : memref<80xi32, #tpu.memory_space<vmem>>) semaphore(%arg16 : memref<!tpu.dma_semaphore, #tpu.memory_space<semaphore_mem>>)
      } else {
      }
      %dma_wait3A_177 = arith.constant 0 : i32
      %dma_wait3A_178 = arith.constant 0 : i32
      %dma_wait3A_179 = tpu.memref_slice %arg2[%dma_wait3A_177, %dma_wait3A_178] : memref<10240x128xf32, #tpu.memory_space<hbm>> -> memref<80x128xf32, #tpu.memory_space<hbm>>
      %dma_wait3A_180 = arith.constant 0 : i32
      %dma_wait3A_181 = arith.constant 0 : i32
      %dma_wait3A_182 = tpu.memref_slice %arg2[%dma_wait3A_180, %dma_wait3A_181] : memref<10240x128xf32, #tpu.memory_space<hbm>> -> memref<80x128xf32, #tpu.memory_space<hbm>>
      tpu.wait_dma2 semaphore(%arg15 : memref<!tpu.dma_semaphore, #tpu.memory_space<semaphore_mem>>) src(%dma_wait3A_182 : memref<80x128xf32, #tpu.memory_space<hbm>>) dst(%arg12 : memref<80x128xf32, #tpu.memory_space<vmem>>)
      %add3A_183 = arith.constant 1 : i32
      %add3A_184 = arith.addi %mul3A_150, %add3A_183 : i32
      %dma_start3A_185 = arith.constant 0 : i32
      %dma_start3A_186 = tpu.memref_slice %arg10[%add3A_184, %dma_start3A_185] : memref<42x80xi32, #tpu.memory_space<vmem>> -> memref<1x80xi32, #tpu.memory_space<vmem>>
      %dma_start3A_187 = tpu.memref_squeeze %dma_start3A_186 : memref<1x80xi32, #tpu.memory_space<vmem>> -> memref<80xi32, #tpu.memory_space<vmem>>
      %dma_start3A_188 = arith.constant 0 : i32
      %dma_start3A_189 = arith.constant 0 : i32
      %dma_start3A_190 = tpu.memref_slice %arg20[%dma_start3A_188, %dma_start3A_189] : memref<10240x128xf32, #tpu.memory_space<vmem_shared>> -> memref<10240x128xf32, #tpu.memory_space<vmem_shared>>
      tpu.enqueue_indirect_dma source(%arg12 : memref<80x128xf32, #tpu.memory_space<vmem>>) target(%dma_start3A_190 : memref<10240x128xf32, #tpu.memory_space<vmem_shared>>) offsets(%dma_start3A_187 : memref<80xi32, #tpu.memory_space<vmem>>) semaphore(%arg18 : memref<!tpu.dma_semaphore, #tpu.memory_space<semaphore_mem>>) {add = true}
      %lt3A = arith.constant 13 : i32
      %lt3A_191 = arith.cmpi slt, %scan3A_147, %lt3A : i32
      %convert_element_type3A_192 = arith.extui %lt3A_191 : i1 to i32
      %cond3A_193 = arith.constant 0 : i32
      %cond3A_194 = arith.cmpi ne, %convert_element_type3A_192, %cond3A_193 : i32
      scf.if %cond3A_194 {
        %dma_wait3A_215 = arith.constant 0 : i32
        %dma_wait3A_216 = arith.constant 0 : i32
        %dma_wait3A_217 = tpu.memref_slice %arg2[%dma_wait3A_215, %dma_wait3A_216] : memref<10240x128xf32, #tpu.memory_space<hbm>> -> memref<80x128xf32, #tpu.memory_space<hbm>>
        %dma_wait3A_218 = arith.constant 0 : i32
        %dma_wait3A_219 = arith.constant 0 : i32
        %dma_wait3A_220 = tpu.memref_slice %arg2[%dma_wait3A_218, %dma_wait3A_219] : memref<10240x128xf32, #tpu.memory_space<hbm>> -> memref<80x128xf32, #tpu.memory_space<hbm>>
        tpu.wait_dma2 semaphore(%arg17 : memref<!tpu.dma_semaphore, #tpu.memory_space<semaphore_mem>>) src(%dma_wait3A_220 : memref<80x128xf32, #tpu.memory_space<hbm>>) dst(%arg11 : memref<80x128xf32, #tpu.memory_space<vmem>>)
        %add3A_221 = arith.constant 3 : i32
        %add3A_222 = arith.addi %mul3A_150, %add3A_221 : i32
        %eq3A_223 = arith.constant 0 : i32
        %eq3A_224 = arith.cmpi eq, %arg0, %eq3A_223 : i32
        %convert_element_type3A_225 = arith.extui %eq3A_224 : i1 to i32
        %cond3A_226 = arith.constant 0 : i32
        %cond3A_227 = arith.cmpi ne, %convert_element_type3A_225, %cond3A_226 : i32
        scf.if %cond3A_227 {
          %dma_start3A_233 = arith.constant 0 : i32
          %dma_start3A_234 = tpu.memref_slice %arg9[%add3A_222, %dma_start3A_233] : memref<42x80xi32, #tpu.memory_space<vmem>> -> memref<1x80xi32, #tpu.memory_space<vmem>>
          %dma_start3A_235 = tpu.memref_squeeze %dma_start3A_234 : memref<1x80xi32, #tpu.memory_space<vmem>> -> memref<80xi32, #tpu.memory_space<vmem>>
          %dma_start3A_236 = arith.constant 0 : i32
          %dma_start3A_237 = arith.constant 0 : i32
          %dma_start3A_238 = tpu.memref_slice %arg2[%dma_start3A_236, %dma_start3A_237] : memref<10240x128xf32, #tpu.memory_space<hbm>> -> memref<10240x128xf32, #tpu.memory_space<hbm>>
          tpu.enqueue_indirect_dma source(%dma_start3A_238 : memref<10240x128xf32, #tpu.memory_space<hbm>>) target(%arg11 : memref<80x128xf32, #tpu.memory_space<vmem>>) offsets(%dma_start3A_235 : memref<80xi32, #tpu.memory_space<vmem>>) semaphore(%arg14 : memref<!tpu.dma_semaphore, #tpu.memory_space<semaphore_mem>>)
        } else {
        }
        %eq3A_228 = arith.constant 1 : i32
        %eq3A_229 = arith.cmpi eq, %arg0, %eq3A_228 : i32
        %convert_element_type3A_230 = arith.extui %eq3A_229 : i1 to i32
        %cond3A_231 = arith.constant 0 : i32
        %cond3A_232 = arith.cmpi ne, %convert_element_type3A_230, %cond3A_231 : i32
        scf.if %cond3A_232 {
          %dma_start3A_233 = arith.constant 0 : i32
          %dma_start3A_234 = tpu.memref_slice %arg9[%add3A_222, %dma_start3A_233] : memref<42x80xi32, #tpu.memory_space<vmem>> -> memref<1x80xi32, #tpu.memory_space<vmem>>
          %dma_start3A_235 = tpu.memref_squeeze %dma_start3A_234 : memref<1x80xi32, #tpu.memory_space<vmem>> -> memref<80xi32, #tpu.memory_space<vmem>>
          %dma_start3A_236 = arith.constant 0 : i32
          %dma_start3A_237 = arith.constant 0 : i32
          %dma_start3A_238 = tpu.memref_slice %arg3[%dma_start3A_236, %dma_start3A_237] : memref<10240x128xf32, #tpu.memory_space<hbm>> -> memref<10240x128xf32, #tpu.memory_space<hbm>>
          tpu.enqueue_indirect_dma source(%dma_start3A_238 : memref<10240x128xf32, #tpu.memory_space<hbm>>) target(%arg11 : memref<80x128xf32, #tpu.memory_space<vmem>>) offsets(%dma_start3A_235 : memref<80xi32, #tpu.memory_space<vmem>>) semaphore(%arg14 : memref<!tpu.dma_semaphore, #tpu.memory_space<semaphore_mem>>)
        } else {
        }
      } else {
      }
      %dma_wait3A_195 = arith.constant 0 : i32
      %dma_wait3A_196 = arith.constant 0 : i32
      %dma_wait3A_197 = tpu.memref_slice %arg2[%dma_wait3A_195, %dma_wait3A_196] : memref<10240x128xf32, #tpu.memory_space<hbm>> -> memref<80x128xf32, #tpu.memory_space<hbm>>
      %dma_wait3A_198 = arith.constant 0 : i32
      %dma_wait3A_199 = arith.constant 0 : i32
      %dma_wait3A_200 = tpu.memref_slice %arg2[%dma_wait3A_198, %dma_wait3A_199] : memref<10240x128xf32, #tpu.memory_space<hbm>> -> memref<80x128xf32, #tpu.memory_space<hbm>>
      tpu.wait_dma2 semaphore(%arg16 : memref<!tpu.dma_semaphore, #tpu.memory_space<semaphore_mem>>) src(%dma_wait3A_200 : memref<80x128xf32, #tpu.memory_space<hbm>>) dst(%arg13 : memref<80x128xf32, #tpu.memory_space<vmem>>)
      %add3A_201 = arith.constant 2 : i32
      %add3A_202 = arith.addi %mul3A_150, %add3A_201 : i32
      %dma_start3A_203 = arith.constant 0 : i32
      %dma_start3A_204 = tpu.memref_slice %arg10[%add3A_202, %dma_start3A_203] : memref<42x80xi32, #tpu.memory_space<vmem>> -> memref<1x80xi32, #tpu.memory_space<vmem>>
      %dma_start3A_205 = tpu.memref_squeeze %dma_start3A_204 : memref<1x80xi32, #tpu.memory_space<vmem>> -> memref<80xi32, #tpu.memory_space<vmem>>
      %dma_start3A_206 = arith.constant 0 : i32
      %dma_start3A_207 = arith.constant 0 : i32
      %dma_start3A_208 = tpu.memref_slice %arg20[%dma_start3A_206, %dma_start3A_207] : memref<10240x128xf32, #tpu.memory_space<vmem_shared>> -> memref<10240x128xf32, #tpu.memory_space<vmem_shared>>
      tpu.enqueue_indirect_dma source(%arg13 : memref<80x128xf32, #tpu.memory_space<vmem>>) target(%dma_start3A_208 : memref<10240x128xf32, #tpu.memory_space<vmem_shared>>) offsets(%dma_start3A_205 : memref<80xi32, #tpu.memory_space<vmem>>) semaphore(%arg19 : memref<!tpu.dma_semaphore, #tpu.memory_space<semaphore_mem>>) {add = true}
      %lt3A_209 = arith.constant 13 : i32
      %lt3A_210 = arith.cmpi slt, %scan3A_147, %lt3A_209 : i32
      %convert_element_type3A_211 = arith.extui %lt3A_210 : i1 to i32
      %cond3A_212 = arith.constant 0 : i32
      %cond3A_213 = arith.cmpi ne, %convert_element_type3A_211, %cond3A_212 : i32
      scf.if %cond3A_213 {
        %dma_wait3A_215 = arith.constant 0 : i32
        %dma_wait3A_216 = arith.constant 0 : i32
        %dma_wait3A_217 = tpu.memref_slice %arg2[%dma_wait3A_215, %dma_wait3A_216] : memref<10240x128xf32, #tpu.memory_space<hbm>> -> memref<80x128xf32, #tpu.memory_space<hbm>>
        %dma_wait3A_218 = arith.constant 0 : i32
        %dma_wait3A_219 = arith.constant 0 : i32
        %dma_wait3A_220 = tpu.memref_slice %arg2[%dma_wait3A_218, %dma_wait3A_219] : memref<10240x128xf32, #tpu.memory_space<hbm>> -> memref<80x128xf32, #tpu.memory_space<hbm>>
        tpu.wait_dma2 semaphore(%arg18 : memref<!tpu.dma_semaphore, #tpu.memory_space<semaphore_mem>>) src(%dma_wait3A_220 : memref<80x128xf32, #tpu.memory_space<hbm>>) dst(%arg12 : memref<80x128xf32, #tpu.memory_space<vmem>>)
        %add3A_221 = arith.constant 4 : i32
        %add3A_222 = arith.addi %mul3A_150, %add3A_221 : i32
        %eq3A_223 = arith.constant 0 : i32
        %eq3A_224 = arith.cmpi eq, %arg0, %eq3A_223 : i32
        %convert_element_type3A_225 = arith.extui %eq3A_224 : i1 to i32
        %cond3A_226 = arith.constant 0 : i32
        %cond3A_227 = arith.cmpi ne, %convert_element_type3A_225, %cond3A_226 : i32
        scf.if %cond3A_227 {
          %dma_start3A_233 = arith.constant 0 : i32
          %dma_start3A_234 = tpu.memref_slice %arg9[%add3A_222, %dma_start3A_233] : memref<42x80xi32, #tpu.memory_space<vmem>> -> memref<1x80xi32, #tpu.memory_space<vmem>>
          %dma_start3A_235 = tpu.memref_squeeze %dma_start3A_234 : memref<1x80xi32, #tpu.memory_space<vmem>> -> memref<80xi32, #tpu.memory_space<vmem>>
          %dma_start3A_236 = arith.constant 0 : i32
          %dma_start3A_237 = arith.constant 0 : i32
          %dma_start3A_238 = tpu.memref_slice %arg2[%dma_start3A_236, %dma_start3A_237] : memref<10240x128xf32, #tpu.memory_space<hbm>> -> memref<10240x128xf32, #tpu.memory_space<hbm>>
          tpu.enqueue_indirect_dma source(%dma_start3A_238 : memref<10240x128xf32, #tpu.memory_space<hbm>>) target(%arg12 : memref<80x128xf32, #tpu.memory_space<vmem>>) offsets(%dma_start3A_235 : memref<80xi32, #tpu.memory_space<vmem>>) semaphore(%arg15 : memref<!tpu.dma_semaphore, #tpu.memory_space<semaphore_mem>>)
        } else {
        }
        %eq3A_228 = arith.constant 1 : i32
        %eq3A_229 = arith.cmpi eq, %arg0, %eq3A_228 : i32
        %convert_element_type3A_230 = arith.extui %eq3A_229 : i1 to i32
        %cond3A_231 = arith.constant 0 : i32
        %cond3A_232 = arith.cmpi ne, %convert_element_type3A_230, %cond3A_231 : i32
        scf.if %cond3A_232 {
          %dma_start3A_233 = arith.constant 0 : i32
          %dma_start3A_234 = tpu.memref_slice %arg9[%add3A_222, %dma_start3A_233] : memref<42x80xi32, #tpu.memory_space<vmem>> -> memref<1x80xi32, #tpu.memory_space<vmem>>
          %dma_start3A_235 = tpu.memref_squeeze %dma_start3A_234 : memref<1x80xi32, #tpu.memory_space<vmem>> -> memref<80xi32, #tpu.memory_space<vmem>>
          %dma_start3A_236 = arith.constant 0 : i32
          %dma_start3A_237 = arith.constant 0 : i32
          %dma_start3A_238 = tpu.memref_slice %arg3[%dma_start3A_236, %dma_start3A_237] : memref<10240x128xf32, #tpu.memory_space<hbm>> -> memref<10240x128xf32, #tpu.memory_space<hbm>>
          tpu.enqueue_indirect_dma source(%dma_start3A_238 : memref<10240x128xf32, #tpu.memory_space<hbm>>) target(%arg12 : memref<80x128xf32, #tpu.memory_space<vmem>>) offsets(%dma_start3A_235 : memref<80xi32, #tpu.memory_space<vmem>>) semaphore(%arg15 : memref<!tpu.dma_semaphore, #tpu.memory_space<semaphore_mem>>)
        } else {
        }
      } else {
      }
      %scan3A_214 = arith.constant 0 : i32
      scf.yield %scan3A_214 : i32
    }
    %scan3A_70 = arith.constant 14 : i32
    %dma_wait3A_71 = arith.constant 0 : i32
    %dma_wait3A_72 = arith.constant 0 : i32
    %dma_wait3A_73 = tpu.memref_slice %arg2[%dma_wait3A_71, %dma_wait3A_72] : memref<10240x128xf32, #tpu.memory_space<hbm>> -> memref<80x128xf32, #tpu.memory_space<hbm>>
    %dma_wait3A_74 = arith.constant 0 : i32
    %dma_wait3A_75 = arith.constant 0 : i32
    %dma_wait3A_76 = tpu.memref_slice %arg2[%dma_wait3A_74, %dma_wait3A_75] : memref<10240x128xf32, #tpu.memory_space<hbm>> -> memref<80x128xf32, #tpu.memory_space<hbm>>
    tpu.wait_dma2 semaphore(%arg17 : memref<!tpu.dma_semaphore, #tpu.memory_space<semaphore_mem>>) src(%dma_wait3A_76 : memref<80x128xf32, #tpu.memory_space<hbm>>) dst(%arg11 : memref<80x128xf32, #tpu.memory_space<vmem>>)
    %dma_wait3A_77 = arith.constant 0 : i32
    %dma_wait3A_78 = arith.constant 0 : i32
    %dma_wait3A_79 = tpu.memref_slice %arg2[%dma_wait3A_77, %dma_wait3A_78] : memref<10240x128xf32, #tpu.memory_space<hbm>> -> memref<80x128xf32, #tpu.memory_space<hbm>>
    %dma_wait3A_80 = arith.constant 0 : i32
    %dma_wait3A_81 = arith.constant 0 : i32
    %dma_wait3A_82 = tpu.memref_slice %arg2[%dma_wait3A_80, %dma_wait3A_81] : memref<10240x128xf32, #tpu.memory_space<hbm>> -> memref<80x128xf32, #tpu.memory_space<hbm>>
    tpu.wait_dma2 semaphore(%arg18 : memref<!tpu.dma_semaphore, #tpu.memory_space<semaphore_mem>>) src(%dma_wait3A_82 : memref<80x128xf32, #tpu.memory_space<hbm>>) dst(%arg12 : memref<80x128xf32, #tpu.memory_space<vmem>>)
    %dma_wait3A_83 = arith.constant 0 : i32
    %dma_wait3A_84 = arith.constant 0 : i32
    %dma_wait3A_85 = tpu.memref_slice %arg2[%dma_wait3A_83, %dma_wait3A_84] : memref<10240x128xf32, #tpu.memory_space<hbm>> -> memref<80x128xf32, #tpu.memory_space<hbm>>
    %dma_wait3A_86 = arith.constant 0 : i32
    %dma_wait3A_87 = arith.constant 0 : i32
    %dma_wait3A_88 = tpu.memref_slice %arg2[%dma_wait3A_86, %dma_wait3A_87] : memref<10240x128xf32, #tpu.memory_space<hbm>> -> memref<80x128xf32, #tpu.memory_space<hbm>>
    tpu.wait_dma2 semaphore(%arg19 : memref<!tpu.dma_semaphore, #tpu.memory_space<semaphore_mem>>) src(%dma_wait3A_88 : memref<80x128xf32, #tpu.memory_space<hbm>>) dst(%arg13 : memref<80x128xf32, #tpu.memory_space<vmem>>)
    %run_scoped3A_89 = arith.constant 2 : i32
    "tpu.region"() ({
      %run_scoped3A_147 = tpu.sem_alloc : memref<!tpu.dma_semaphore, #tpu.memory_space<semaphore_mem>>
      %dma_start3A = arith.constant 0 : i32
      %dma_start3A_148 = arith.constant 0 : i32
      %dma_start3A_149 = arith.constant 0 : i32
      %dma_start3A_150 = tpu.memref_slice %arg4[%arg1, %dma_start3A, %dma_start3A_148, %dma_start3A_149] : memref<16x3x42x80xi32, #tpu.memory_space<hbm>> -> memref<1x3x42x80xi32, #tpu.memory_space<hbm>>
      %dma_start3A_151 = tpu.memref_squeeze %dma_start3A_150 : memref<1x3x42x80xi32, #tpu.memory_space<hbm>> -> memref<3x42x80xi32, #tpu.memory_space<hbm>>
      %dma_start3A_152 = arith.constant 0 : i32
      %dma_start3A_153 = arith.constant 0 : i32
      %dma_start3A_154 = tpu.memref_slice %dma_start3A_151[%run_scoped3A_89, %dma_start3A_152, %dma_start3A_153] : memref<3x42x80xi32, #tpu.memory_space<hbm>> -> memref<1x42x80xi32, #tpu.memory_space<hbm>>
      %dma_start3A_155 = tpu.memref_squeeze %dma_start3A_154 : memref<1x42x80xi32, #tpu.memory_space<hbm>> -> memref<42x80xi32, #tpu.memory_space<hbm>>
      %dma_start3A_156 = arith.constant 0 : i32
      %dma_start3A_157 = arith.constant 0 : i32
      %dma_start3A_158 = arith.constant 0 : i32
      %dma_start3A_159 = tpu.memref_slice %arg4[%arg1, %dma_start3A_156, %dma_start3A_157, %dma_start3A_158] : memref<16x3x42x80xi32, #tpu.memory_space<hbm>> -> memref<1x3x42x80xi32, #tpu.memory_space<hbm>>
      %dma_start3A_160 = tpu.memref_squeeze %dma_start3A_159 : memref<1x3x42x80xi32, #tpu.memory_space<hbm>> -> memref<3x42x80xi32, #tpu.memory_space<hbm>>
      %dma_start3A_161 = arith.constant 0 : i32
      %dma_start3A_162 = arith.constant 0 : i32
      %dma_start3A_163 = tpu.memref_slice %dma_start3A_160[%run_scoped3A_89, %dma_start3A_161, %dma_start3A_162] : memref<3x42x80xi32, #tpu.memory_space<hbm>> -> memref<1x42x80xi32, #tpu.memory_space<hbm>>
      %dma_start3A_164 = tpu.memref_squeeze %dma_start3A_163 : memref<1x42x80xi32, #tpu.memory_space<hbm>> -> memref<42x80xi32, #tpu.memory_space<hbm>>
      tpu.enqueue_dma source(%dma_start3A_164 : memref<42x80xi32, #tpu.memory_space<hbm>>) target(%arg9 : memref<42x80xi32, #tpu.memory_space<vmem>>) target_semaphore(%run_scoped3A_147 : memref<!tpu.dma_semaphore, #tpu.memory_space<semaphore_mem>>)
      %dma_wait3A_165 = arith.constant 0 : i32
      %dma_wait3A_166 = arith.constant 0 : i32
      %dma_wait3A_167 = arith.constant 0 : i32
      %dma_wait3A_168 = tpu.memref_slice %arg4[%arg1, %dma_wait3A_165, %dma_wait3A_166, %dma_wait3A_167] : memref<16x3x42x80xi32, #tpu.memory_space<hbm>> -> memref<1x3x42x80xi32, #tpu.memory_space<hbm>>
      %dma_wait3A_169 = tpu.memref_squeeze %dma_wait3A_168 : memref<1x3x42x80xi32, #tpu.memory_space<hbm>> -> memref<3x42x80xi32, #tpu.memory_space<hbm>>
      %dma_wait3A_170 = arith.constant 0 : i32
      %dma_wait3A_171 = arith.constant 0 : i32
      %dma_wait3A_172 = tpu.memref_slice %dma_wait3A_169[%run_scoped3A_89, %dma_wait3A_170, %dma_wait3A_171] : memref<3x42x80xi32, #tpu.memory_space<hbm>> -> memref<1x42x80xi32, #tpu.memory_space<hbm>>
      %dma_wait3A_173 = tpu.memref_squeeze %dma_wait3A_172 : memref<1x42x80xi32, #tpu.memory_space<hbm>> -> memref<42x80xi32, #tpu.memory_space<hbm>>
      %dma_wait3A_174 = arith.constant 0 : i32
      %dma_wait3A_175 = arith.constant 0 : i32
      %dma_wait3A_176 = arith.constant 0 : i32
      %dma_wait3A_177 = tpu.memref_slice %arg4[%arg1, %dma_wait3A_174, %dma_wait3A_175, %dma_wait3A_176] : memref<16x3x42x80xi32, #tpu.memory_space<hbm>> -> memref<1x3x42x80xi32, #tpu.memory_space<hbm>>
      %dma_wait3A_178 = tpu.memref_squeeze %dma_wait3A_177 : memref<1x3x42x80xi32, #tpu.memory_space<hbm>> -> memref<3x42x80xi32, #tpu.memory_space<hbm>>
      %dma_wait3A_179 = arith.constant 0 : i32
      %dma_wait3A_180 = arith.constant 0 : i32
      %dma_wait3A_181 = tpu.memref_slice %dma_wait3A_178[%run_scoped3A_89, %dma_wait3A_179, %dma_wait3A_180] : memref<3x42x80xi32, #tpu.memory_space<hbm>> -> memref<1x42x80xi32, #tpu.memory_space<hbm>>
      %dma_wait3A_182 = tpu.memref_squeeze %dma_wait3A_181 : memref<1x42x80xi32, #tpu.memory_space<hbm>> -> memref<42x80xi32, #tpu.memory_space<hbm>>
      tpu.wait_dma2 semaphore(%run_scoped3A_147 : memref<!tpu.dma_semaphore, #tpu.memory_space<semaphore_mem>>) src(%dma_wait3A_182 : memref<42x80xi32, #tpu.memory_space<hbm>>) dst(%arg9 : memref<42x80xi32, #tpu.memory_space<vmem>>)
      tpu.yield
    }) : () -> ()
    %run_scoped3A_90 = arith.constant 2 : i32
    "tpu.region"() ({
      %run_scoped3A_147 = tpu.sem_alloc : memref<!tpu.dma_semaphore, #tpu.memory_space<semaphore_mem>>
      %dma_start3A = arith.constant 0 : i32
      %dma_start3A_148 = arith.constant 0 : i32
      %dma_start3A_149 = arith.constant 0 : i32
      %dma_start3A_150 = tpu.memref_slice %arg5[%arg1, %dma_start3A, %dma_start3A_148, %dma_start3A_149] : memref<16x3x42x80xi32, #tpu.memory_space<hbm>> -> memref<1x3x42x80xi32, #tpu.memory_space<hbm>>
      %dma_start3A_151 = tpu.memref_squeeze %dma_start3A_150 : memref<1x3x42x80xi32, #tpu.memory_space<hbm>> -> memref<3x42x80xi32, #tpu.memory_space<hbm>>
      %dma_start3A_152 = arith.constant 0 : i32
      %dma_start3A_153 = arith.constant 0 : i32
      %dma_start3A_154 = tpu.memref_slice %dma_start3A_151[%run_scoped3A_90, %dma_start3A_152, %dma_start3A_153] : memref<3x42x80xi32, #tpu.memory_space<hbm>> -> memref<1x42x80xi32, #tpu.memory_space<hbm>>
      %dma_start3A_155 = tpu.memref_squeeze %dma_start3A_154 : memref<1x42x80xi32, #tpu.memory_space<hbm>> -> memref<42x80xi32, #tpu.memory_space<hbm>>
      %dma_start3A_156 = arith.constant 0 : i32
      %dma_start3A_157 = arith.constant 0 : i32
      %dma_start3A_158 = arith.constant 0 : i32
      %dma_start3A_159 = tpu.memref_slice %arg5[%arg1, %dma_start3A_156, %dma_start3A_157, %dma_start3A_158] : memref<16x3x42x80xi32, #tpu.memory_space<hbm>> -> memref<1x3x42x80xi32, #tpu.memory_space<hbm>>
      %dma_start3A_160 = tpu.memref_squeeze %dma_start3A_159 : memref<1x3x42x80xi32, #tpu.memory_space<hbm>> -> memref<3x42x80xi32, #tpu.memory_space<hbm>>
      %dma_start3A_161 = arith.constant 0 : i32
      %dma_start3A_162 = arith.constant 0 : i32
      %dma_start3A_163 = tpu.memref_slice %dma_start3A_160[%run_scoped3A_90, %dma_start3A_161, %dma_start3A_162] : memref<3x42x80xi32, #tpu.memory_space<hbm>> -> memref<1x42x80xi32, #tpu.memory_space<hbm>>
      %dma_start3A_164 = tpu.memref_squeeze %dma_start3A_163 : memref<1x42x80xi32, #tpu.memory_space<hbm>> -> memref<42x80xi32, #tpu.memory_space<hbm>>
      tpu.enqueue_dma source(%dma_start3A_164 : memref<42x80xi32, #tpu.memory_space<hbm>>) target(%arg10 : memref<42x80xi32, #tpu.memory_space<vmem>>) target_semaphore(%run_scoped3A_147 : memref<!tpu.dma_semaphore, #tpu.memory_space<semaphore_mem>>)
      %dma_wait3A_165 = arith.constant 0 : i32
      %dma_wait3A_166 = arith.constant 0 : i32
      %dma_wait3A_167 = arith.constant 0 : i32
      %dma_wait3A_168 = tpu.memref_slice %arg5[%arg1, %dma_wait3A_165, %dma_wait3A_166, %dma_wait3A_167] : memref<16x3x42x80xi32, #tpu.memory_space<hbm>> -> memref<1x3x42x80xi32, #tpu.memory_space<hbm>>
      %dma_wait3A_169 = tpu.memref_squeeze %dma_wait3A_168 : memref<1x3x42x80xi32, #tpu.memory_space<hbm>> -> memref<3x42x80xi32, #tpu.memory_space<hbm>>
      %dma_wait3A_170 = arith.constant 0 : i32
      %dma_wait3A_171 = arith.constant 0 : i32
      %dma_wait3A_172 = tpu.memref_slice %dma_wait3A_169[%run_scoped3A_90, %dma_wait3A_170, %dma_wait3A_171] : memref<3x42x80xi32, #tpu.memory_space<hbm>> -> memref<1x42x80xi32, #tpu.memory_space<hbm>>
      %dma_wait3A_173 = tpu.memref_squeeze %dma_wait3A_172 : memref<1x42x80xi32, #tpu.memory_space<hbm>> -> memref<42x80xi32, #tpu.memory_space<hbm>>
      %dma_wait3A_174 = arith.constant 0 : i32
      %dma_wait3A_175 = arith.constant 0 : i32
      %dma_wait3A_176 = arith.constant 0 : i32
      %dma_wait3A_177 = tpu.memref_slice %arg5[%arg1, %dma_wait3A_174, %dma_wait3A_175, %dma_wait3A_176] : memref<16x3x42x80xi32, #tpu.memory_space<hbm>> -> memref<1x3x42x80xi32, #tpu.memory_space<hbm>>
      %dma_wait3A_178 = tpu.memref_squeeze %dma_wait3A_177 : memref<1x3x42x80xi32, #tpu.memory_space<hbm>> -> memref<3x42x80xi32, #tpu.memory_space<hbm>>
      %dma_wait3A_179 = arith.constant 0 : i32
      %dma_wait3A_180 = arith.constant 0 : i32
      %dma_wait3A_181 = tpu.memref_slice %dma_wait3A_178[%run_scoped3A_90, %dma_wait3A_179, %dma_wait3A_180] : memref<3x42x80xi32, #tpu.memory_space<hbm>> -> memref<1x42x80xi32, #tpu.memory_space<hbm>>
      %dma_wait3A_182 = tpu.memref_squeeze %dma_wait3A_181 : memref<1x42x80xi32, #tpu.memory_space<hbm>> -> memref<42x80xi32, #tpu.memory_space<hbm>>
      tpu.wait_dma2 semaphore(%run_scoped3A_147 : memref<!tpu.dma_semaphore, #tpu.memory_space<semaphore_mem>>) src(%dma_wait3A_182 : memref<42x80xi32, #tpu.memory_space<hbm>>) dst(%arg10 : memref<42x80xi32, #tpu.memory_space<vmem>>)
      tpu.yield
    }) : () -> ()
    %eq3A_91 = arith.constant 0 : i32
    %eq3A_92 = arith.cmpi eq, %arg0, %eq3A_91 : i32
    %convert_element_type3A_93 = arith.extui %eq3A_92 : i1 to i32
    %cond3A_94 = arith.constant 0 : i32
    %cond3A_95 = arith.cmpi ne, %convert_element_type3A_93, %cond3A_94 : i32
    scf.if %cond3A_95 {
      %dma_start3A = arith.constant 0 : i32
      %dma_start3A_147 = arith.constant 0 : i32
      %dma_start3A_148 = tpu.memref_slice %arg9[%dma_start3A, %dma_start3A_147] : memref<42x80xi32, #tpu.memory_space<vmem>> -> memref<1x80xi32, #tpu.memory_space<vmem>>
      %dma_start3A_149 = tpu.memref_squeeze %dma_start3A_148 : memref<1x80xi32, #tpu.memory_space<vmem>> -> memref<80xi32, #tpu.memory_space<vmem>>
      %dma_start3A_150 = arith.constant 0 : i32
      %dma_start3A_151 = arith.constant 0 : i32
      %dma_start3A_152 = tpu.memref_slice %arg2[%dma_start3A_150, %dma_start3A_151] : memref<10240x128xf32, #tpu.memory_space<hbm>> -> memref<10240x128xf32, #tpu.memory_space<hbm>>
      tpu.enqueue_indirect_dma source(%dma_start3A_152 : memref<10240x128xf32, #tpu.memory_space<hbm>>) target(%arg11 : memref<80x128xf32, #tpu.memory_space<vmem>>) offsets(%dma_start3A_149 : memref<80xi32, #tpu.memory_space<vmem>>) semaphore(%arg14 : memref<!tpu.dma_semaphore, #tpu.memory_space<semaphore_mem>>)
    } else {
    }
    %eq3A_96 = arith.constant 1 : i32
    %eq3A_97 = arith.cmpi eq, %arg0, %eq3A_96 : i32
    %convert_element_type3A_98 = arith.extui %eq3A_97 : i1 to i32
    %cond3A_99 = arith.constant 0 : i32
    %cond3A_100 = arith.cmpi ne, %convert_element_type3A_98, %cond3A_99 : i32
    scf.if %cond3A_100 {
      %dma_start3A = arith.constant 0 : i32
      %dma_start3A_147 = arith.constant 0 : i32
      %dma_start3A_148 = tpu.memref_slice %arg9[%dma_start3A, %dma_start3A_147] : memref<42x80xi32, #tpu.memory_space<vmem>> -> memref<1x80xi32, #tpu.memory_space<vmem>>
      %dma_start3A_149 = tpu.memref_squeeze %dma_start3A_148 : memref<1x80xi32, #tpu.memory_space<vmem>> -> memref<80xi32, #tpu.memory_space<vmem>>
      %dma_start3A_150 = arith.constant 0 : i32
      %dma_start3A_151 = arith.constant 0 : i32
      %dma_start3A_152 = tpu.memref_slice %arg3[%dma_start3A_150, %dma_start3A_151] : memref<10240x128xf32, #tpu.memory_space<hbm>> -> memref<10240x128xf32, #tpu.memory_space<hbm>>
      tpu.enqueue_indirect_dma source(%dma_start3A_152 : memref<10240x128xf32, #tpu.memory_space<hbm>>) target(%arg11 : memref<80x128xf32, #tpu.memory_space<vmem>>) offsets(%dma_start3A_149 : memref<80xi32, #tpu.memory_space<vmem>>) semaphore(%arg14 : memref<!tpu.dma_semaphore, #tpu.memory_space<semaphore_mem>>)
    } else {
    }
    %eq3A_101 = arith.constant 0 : i32
    %eq3A_102 = arith.cmpi eq, %arg0, %eq3A_101 : i32
    %convert_element_type3A_103 = arith.extui %eq3A_102 : i1 to i32
    %cond3A_104 = arith.constant 0 : i32
    %cond3A_105 = arith.cmpi ne, %convert_element_type3A_103, %cond3A_104 : i32
    scf.if %cond3A_105 {
      %dma_start3A = arith.constant 1 : i32
      %dma_start3A_147 = arith.constant 0 : i32
      %dma_start3A_148 = tpu.memref_slice %arg9[%dma_start3A, %dma_start3A_147] : memref<42x80xi32, #tpu.memory_space<vmem>> -> memref<1x80xi32, #tpu.memory_space<vmem>>
      %dma_start3A_149 = tpu.memref_squeeze %dma_start3A_148 : memref<1x80xi32, #tpu.memory_space<vmem>> -> memref<80xi32, #tpu.memory_space<vmem>>
      %dma_start3A_150 = arith.constant 0 : i32
      %dma_start3A_151 = arith.constant 0 : i32
      %dma_start3A_152 = tpu.memref_slice %arg2[%dma_start3A_150, %dma_start3A_151] : memref<10240x128xf32, #tpu.memory_space<hbm>> -> memref<10240x128xf32, #tpu.memory_space<hbm>>
      tpu.enqueue_indirect_dma source(%dma_start3A_152 : memref<10240x128xf32, #tpu.memory_space<hbm>>) target(%arg12 : memref<80x128xf32, #tpu.memory_space<vmem>>) offsets(%dma_start3A_149 : memref<80xi32, #tpu.memory_space<vmem>>) semaphore(%arg15 : memref<!tpu.dma_semaphore, #tpu.memory_space<semaphore_mem>>)
    } else {
    }
    %eq3A_106 = arith.constant 1 : i32
    %eq3A_107 = arith.cmpi eq, %arg0, %eq3A_106 : i32
    %convert_element_type3A_108 = arith.extui %eq3A_107 : i1 to i32
    %cond3A_109 = arith.constant 0 : i32
    %cond3A_110 = arith.cmpi ne, %convert_element_type3A_108, %cond3A_109 : i32
    scf.if %cond3A_110 {
      %dma_start3A = arith.constant 1 : i32
      %dma_start3A_147 = arith.constant 0 : i32
      %dma_start3A_148 = tpu.memref_slice %arg9[%dma_start3A, %dma_start3A_147] : memref<42x80xi32, #tpu.memory_space<vmem>> -> memref<1x80xi32, #tpu.memory_space<vmem>>
      %dma_start3A_149 = tpu.memref_squeeze %dma_start3A_148 : memref<1x80xi32, #tpu.memory_space<vmem>> -> memref<80xi32, #tpu.memory_space<vmem>>
      %dma_start3A_150 = arith.constant 0 : i32
      %dma_start3A_151 = arith.constant 0 : i32
      %dma_start3A_152 = tpu.memref_slice %arg3[%dma_start3A_150, %dma_start3A_151] : memref<10240x128xf32, #tpu.memory_space<hbm>> -> memref<10240x128xf32, #tpu.memory_space<hbm>>
      tpu.enqueue_indirect_dma source(%dma_start3A_152 : memref<10240x128xf32, #tpu.memory_space<hbm>>) target(%arg12 : memref<80x128xf32, #tpu.memory_space<vmem>>) offsets(%dma_start3A_149 : memref<80xi32, #tpu.memory_space<vmem>>) semaphore(%arg15 : memref<!tpu.dma_semaphore, #tpu.memory_space<semaphore_mem>>)
    } else {
    }
    %scan3A_111 = arith.constant 0 : i32
    %scan3A_112 = arith.constant 0 : i32
    %scan3A_113 = arith.constant 14 : i32
    %scan3A_114 = arith.addi %scan3A_112, %scan3A_113 : i32
    %scan3A_115 = arith.constant 1 : i32
    %scan3A_116 = scf.for %scan3A_147 = %scan3A_112 to %scan3A_114 step %scan3A_115 iter_args(%scan3A_148 = %scan3A_111) -> (i32)  : i32 {
      %mul3A_149 = arith.constant 3 : i32
      %mul3A_150 = arith.muli %scan3A_147, %mul3A_149 : i32
      %dma_wait3A_151 = arith.constant 0 : i32
      %dma_wait3A_152 = arith.constant 0 : i32
      %dma_wait3A_153 = tpu.memref_slice %arg2[%dma_wait3A_151, %dma_wait3A_152] : memref<10240x128xf32, #tpu.memory_space<hbm>> -> memref<80x128xf32, #tpu.memory_space<hbm>>
      %dma_wait3A_154 = arith.constant 0 : i32
      %dma_wait3A_155 = arith.constant 0 : i32
      %dma_wait3A_156 = tpu.memref_slice %arg2[%dma_wait3A_154, %dma_wait3A_155] : memref<10240x128xf32, #tpu.memory_space<hbm>> -> memref<80x128xf32, #tpu.memory_space<hbm>>
      tpu.wait_dma2 semaphore(%arg14 : memref<!tpu.dma_semaphore, #tpu.memory_space<semaphore_mem>>) src(%dma_wait3A_156 : memref<80x128xf32, #tpu.memory_space<hbm>>) dst(%arg11 : memref<80x128xf32, #tpu.memory_space<vmem>>)
      %dma_start3A = arith.constant 0 : i32
      %dma_start3A_157 = tpu.memref_slice %arg10[%mul3A_150, %dma_start3A] : memref<42x80xi32, #tpu.memory_space<vmem>> -> memref<1x80xi32, #tpu.memory_space<vmem>>
      %dma_start3A_158 = tpu.memref_squeeze %dma_start3A_157 : memref<1x80xi32, #tpu.memory_space<vmem>> -> memref<80xi32, #tpu.memory_space<vmem>>
      %dma_start3A_159 = arith.constant 0 : i32
      %dma_start3A_160 = arith.constant 0 : i32
      %dma_start3A_161 = tpu.memref_slice %arg20[%dma_start3A_159, %dma_start3A_160] : memref<10240x128xf32, #tpu.memory_space<vmem_shared>> -> memref<10240x128xf32, #tpu.memory_space<vmem_shared>>
      tpu.enqueue_indirect_dma source(%arg11 : memref<80x128xf32, #tpu.memory_space<vmem>>) target(%dma_start3A_161 : memref<10240x128xf32, #tpu.memory_space<vmem_shared>>) offsets(%dma_start3A_158 : memref<80xi32, #tpu.memory_space<vmem>>) semaphore(%arg17 : memref<!tpu.dma_semaphore, #tpu.memory_space<semaphore_mem>>) {add = true}
      %gt3A = arith.constant 0 : i32
      %gt3A_162 = arith.cmpi sgt, %scan3A_147, %gt3A : i32
      %convert_element_type3A_163 = arith.extui %gt3A_162 : i1 to i32
      %cond3A_164 = arith.constant 0 : i32
      %cond3A_165 = arith.cmpi ne, %convert_element_type3A_163, %cond3A_164 : i32
      scf.if %cond3A_165 {
        %dma_wait3A_215 = arith.constant 0 : i32
        %dma_wait3A_216 = arith.constant 0 : i32
        %dma_wait3A_217 = tpu.memref_slice %arg2[%dma_wait3A_215, %dma_wait3A_216] : memref<10240x128xf32, #tpu.memory_space<hbm>> -> memref<80x128xf32, #tpu.memory_space<hbm>>
        %dma_wait3A_218 = arith.constant 0 : i32
        %dma_wait3A_219 = arith.constant 0 : i32
        %dma_wait3A_220 = tpu.memref_slice %arg2[%dma_wait3A_218, %dma_wait3A_219] : memref<10240x128xf32, #tpu.memory_space<hbm>> -> memref<80x128xf32, #tpu.memory_space<hbm>>
        tpu.wait_dma2 semaphore(%arg19 : memref<!tpu.dma_semaphore, #tpu.memory_space<semaphore_mem>>) src(%dma_wait3A_220 : memref<80x128xf32, #tpu.memory_space<hbm>>) dst(%arg13 : memref<80x128xf32, #tpu.memory_space<vmem>>)
      } else {
      }
      %add3A = arith.constant 2 : i32
      %add3A_166 = arith.addi %mul3A_150, %add3A : i32
      %eq3A_167 = arith.constant 0 : i32
      %eq3A_168 = arith.cmpi eq, %arg0, %eq3A_167 : i32
      %convert_element_type3A_169 = arith.extui %eq3A_168 : i1 to i32
      %cond3A_170 = arith.constant 0 : i32
      %cond3A_171 = arith.cmpi ne, %convert_element_type3A_169, %cond3A_170 : i32
      scf.if %cond3A_171 {
        %dma_start3A_215 = arith.constant 0 : i32
        %dma_start3A_216 = tpu.memref_slice %arg9[%add3A_166, %dma_start3A_215] : memref<42x80xi32, #tpu.memory_space<vmem>> -> memref<1x80xi32, #tpu.memory_space<vmem>>
        %dma_start3A_217 = tpu.memref_squeeze %dma_start3A_216 : memref<1x80xi32, #tpu.memory_space<vmem>> -> memref<80xi32, #tpu.memory_space<vmem>>
        %dma_start3A_218 = arith.constant 0 : i32
        %dma_start3A_219 = arith.constant 0 : i32
        %dma_start3A_220 = tpu.memref_slice %arg2[%dma_start3A_218, %dma_start3A_219] : memref<10240x128xf32, #tpu.memory_space<hbm>> -> memref<10240x128xf32, #tpu.memory_space<hbm>>
        tpu.enqueue_indirect_dma source(%dma_start3A_220 : memref<10240x128xf32, #tpu.memory_space<hbm>>) target(%arg13 : memref<80x128xf32, #tpu.memory_space<vmem>>) offsets(%dma_start3A_217 : memref<80xi32, #tpu.memory_space<vmem>>) semaphore(%arg16 : memref<!tpu.dma_semaphore, #tpu.memory_space<semaphore_mem>>)
      } else {
      }
      %eq3A_172 = arith.constant 1 : i32
      %eq3A_173 = arith.cmpi eq, %arg0, %eq3A_172 : i32
      %convert_element_type3A_174 = arith.extui %eq3A_173 : i1 to i32
      %cond3A_175 = arith.constant 0 : i32
      %cond3A_176 = arith.cmpi ne, %convert_element_type3A_174, %cond3A_175 : i32
      scf.if %cond3A_176 {
        %dma_start3A_215 = arith.constant 0 : i32
        %dma_start3A_216 = tpu.memref_slice %arg9[%add3A_166, %dma_start3A_215] : memref<42x80xi32, #tpu.memory_space<vmem>> -> memref<1x80xi32, #tpu.memory_space<vmem>>
        %dma_start3A_217 = tpu.memref_squeeze %dma_start3A_216 : memref<1x80xi32, #tpu.memory_space<vmem>> -> memref<80xi32, #tpu.memory_space<vmem>>
        %dma_start3A_218 = arith.constant 0 : i32
        %dma_start3A_219 = arith.constant 0 : i32
        %dma_start3A_220 = tpu.memref_slice %arg3[%dma_start3A_218, %dma_start3A_219] : memref<10240x128xf32, #tpu.memory_space<hbm>> -> memref<10240x128xf32, #tpu.memory_space<hbm>>
        tpu.enqueue_indirect_dma source(%dma_start3A_220 : memref<10240x128xf32, #tpu.memory_space<hbm>>) target(%arg13 : memref<80x128xf32, #tpu.memory_space<vmem>>) offsets(%dma_start3A_217 : memref<80xi32, #tpu.memory_space<vmem>>) semaphore(%arg16 : memref<!tpu.dma_semaphore, #tpu.memory_space<semaphore_mem>>)
      } else {
      }
      %dma_wait3A_177 = arith.constant 0 : i32
      %dma_wait3A_178 = arith.constant 0 : i32
      %dma_wait3A_179 = tpu.memref_slice %arg2[%dma_wait3A_177, %dma_wait3A_178] : memref<10240x128xf32, #tpu.memory_space<hbm>> -> memref<80x128xf32, #tpu.memory_space<hbm>>
      %dma_wait3A_180 = arith.constant 0 : i32
      %dma_wait3A_181 = arith.constant 0 : i32
      %dma_wait3A_182 = tpu.memref_slice %arg2[%dma_wait3A_180, %dma_wait3A_181] : memref<10240x128xf32, #tpu.memory_space<hbm>> -> memref<80x128xf32, #tpu.memory_space<hbm>>
      tpu.wait_dma2 semaphore(%arg15 : memref<!tpu.dma_semaphore, #tpu.memory_space<semaphore_mem>>) src(%dma_wait3A_182 : memref<80x128xf32, #tpu.memory_space<hbm>>) dst(%arg12 : memref<80x128xf32, #tpu.memory_space<vmem>>)
      %add3A_183 = arith.constant 1 : i32
      %add3A_184 = arith.addi %mul3A_150, %add3A_183 : i32
      %dma_start3A_185 = arith.constant 0 : i32
      %dma_start3A_186 = tpu.memref_slice %arg10[%add3A_184, %dma_start3A_185] : memref<42x80xi32, #tpu.memory_space<vmem>> -> memref<1x80xi32, #tpu.memory_space<vmem>>
      %dma_start3A_187 = tpu.memref_squeeze %dma_start3A_186 : memref<1x80xi32, #tpu.memory_space<vmem>> -> memref<80xi32, #tpu.memory_space<vmem>>
      %dma_start3A_188 = arith.constant 0 : i32
      %dma_start3A_189 = arith.constant 0 : i32
      %dma_start3A_190 = tpu.memref_slice %arg20[%dma_start3A_188, %dma_start3A_189] : memref<10240x128xf32, #tpu.memory_space<vmem_shared>> -> memref<10240x128xf32, #tpu.memory_space<vmem_shared>>
      tpu.enqueue_indirect_dma source(%arg12 : memref<80x128xf32, #tpu.memory_space<vmem>>) target(%dma_start3A_190 : memref<10240x128xf32, #tpu.memory_space<vmem_shared>>) offsets(%dma_start3A_187 : memref<80xi32, #tpu.memory_space<vmem>>) semaphore(%arg18 : memref<!tpu.dma_semaphore, #tpu.memory_space<semaphore_mem>>) {add = true}
      %lt3A = arith.constant 13 : i32
      %lt3A_191 = arith.cmpi slt, %scan3A_147, %lt3A : i32
      %convert_element_type3A_192 = arith.extui %lt3A_191 : i1 to i32
      %cond3A_193 = arith.constant 0 : i32
      %cond3A_194 = arith.cmpi ne, %convert_element_type3A_192, %cond3A_193 : i32
      scf.if %cond3A_194 {
        %dma_wait3A_215 = arith.constant 0 : i32
        %dma_wait3A_216 = arith.constant 0 : i32
        %dma_wait3A_217 = tpu.memref_slice %arg2[%dma_wait3A_215, %dma_wait3A_216] : memref<10240x128xf32, #tpu.memory_space<hbm>> -> memref<80x128xf32, #tpu.memory_space<hbm>>
        %dma_wait3A_218 = arith.constant 0 : i32
        %dma_wait3A_219 = arith.constant 0 : i32
        %dma_wait3A_220 = tpu.memref_slice %arg2[%dma_wait3A_218, %dma_wait3A_219] : memref<10240x128xf32, #tpu.memory_space<hbm>> -> memref<80x128xf32, #tpu.memory_space<hbm>>
        tpu.wait_dma2 semaphore(%arg17 : memref<!tpu.dma_semaphore, #tpu.memory_space<semaphore_mem>>) src(%dma_wait3A_220 : memref<80x128xf32, #tpu.memory_space<hbm>>) dst(%arg11 : memref<80x128xf32, #tpu.memory_space<vmem>>)
        %add3A_221 = arith.constant 3 : i32
        %add3A_222 = arith.addi %mul3A_150, %add3A_221 : i32
        %eq3A_223 = arith.constant 0 : i32
        %eq3A_224 = arith.cmpi eq, %arg0, %eq3A_223 : i32
        %convert_element_type3A_225 = arith.extui %eq3A_224 : i1 to i32
        %cond3A_226 = arith.constant 0 : i32
        %cond3A_227 = arith.cmpi ne, %convert_element_type3A_225, %cond3A_226 : i32
        scf.if %cond3A_227 {
          %dma_start3A_233 = arith.constant 0 : i32
          %dma_start3A_234 = tpu.memref_slice %arg9[%add3A_222, %dma_start3A_233] : memref<42x80xi32, #tpu.memory_space<vmem>> -> memref<1x80xi32, #tpu.memory_space<vmem>>
          %dma_start3A_235 = tpu.memref_squeeze %dma_start3A_234 : memref<1x80xi32, #tpu.memory_space<vmem>> -> memref<80xi32, #tpu.memory_space<vmem>>
          %dma_start3A_236 = arith.constant 0 : i32
          %dma_start3A_237 = arith.constant 0 : i32
          %dma_start3A_238 = tpu.memref_slice %arg2[%dma_start3A_236, %dma_start3A_237] : memref<10240x128xf32, #tpu.memory_space<hbm>> -> memref<10240x128xf32, #tpu.memory_space<hbm>>
          tpu.enqueue_indirect_dma source(%dma_start3A_238 : memref<10240x128xf32, #tpu.memory_space<hbm>>) target(%arg11 : memref<80x128xf32, #tpu.memory_space<vmem>>) offsets(%dma_start3A_235 : memref<80xi32, #tpu.memory_space<vmem>>) semaphore(%arg14 : memref<!tpu.dma_semaphore, #tpu.memory_space<semaphore_mem>>)
        } else {
        }
        %eq3A_228 = arith.constant 1 : i32
        %eq3A_229 = arith.cmpi eq, %arg0, %eq3A_228 : i32
        %convert_element_type3A_230 = arith.extui %eq3A_229 : i1 to i32
        %cond3A_231 = arith.constant 0 : i32
        %cond3A_232 = arith.cmpi ne, %convert_element_type3A_230, %cond3A_231 : i32
        scf.if %cond3A_232 {
          %dma_start3A_233 = arith.constant 0 : i32
          %dma_start3A_234 = tpu.memref_slice %arg9[%add3A_222, %dma_start3A_233] : memref<42x80xi32, #tpu.memory_space<vmem>> -> memref<1x80xi32, #tpu.memory_space<vmem>>
          %dma_start3A_235 = tpu.memref_squeeze %dma_start3A_234 : memref<1x80xi32, #tpu.memory_space<vmem>> -> memref<80xi32, #tpu.memory_space<vmem>>
          %dma_start3A_236 = arith.constant 0 : i32
          %dma_start3A_237 = arith.constant 0 : i32
          %dma_start3A_238 = tpu.memref_slice %arg3[%dma_start3A_236, %dma_start3A_237] : memref<10240x128xf32, #tpu.memory_space<hbm>> -> memref<10240x128xf32, #tpu.memory_space<hbm>>
          tpu.enqueue_indirect_dma source(%dma_start3A_238 : memref<10240x128xf32, #tpu.memory_space<hbm>>) target(%arg11 : memref<80x128xf32, #tpu.memory_space<vmem>>) offsets(%dma_start3A_235 : memref<80xi32, #tpu.memory_space<vmem>>) semaphore(%arg14 : memref<!tpu.dma_semaphore, #tpu.memory_space<semaphore_mem>>)
        } else {
        }
      } else {
      }
      %dma_wait3A_195 = arith.constant 0 : i32
      %dma_wait3A_196 = arith.constant 0 : i32
      %dma_wait3A_197 = tpu.memref_slice %arg2[%dma_wait3A_195, %dma_wait3A_196] : memref<10240x128xf32, #tpu.memory_space<hbm>> -> memref<80x128xf32, #tpu.memory_space<hbm>>
      %dma_wait3A_198 = arith.constant 0 : i32
      %dma_wait3A_199 = arith.constant 0 : i32
      %dma_wait3A_200 = tpu.memref_slice %arg2[%dma_wait3A_198, %dma_wait3A_199] : memref<10240x128xf32, #tpu.memory_space<hbm>> -> memref<80x128xf32, #tpu.memory_space<hbm>>
      tpu.wait_dma2 semaphore(%arg16 : memref<!tpu.dma_semaphore, #tpu.memory_space<semaphore_mem>>) src(%dma_wait3A_200 : memref<80x128xf32, #tpu.memory_space<hbm>>) dst(%arg13 : memref<80x128xf32, #tpu.memory_space<vmem>>)
      %add3A_201 = arith.constant 2 : i32
      %add3A_202 = arith.addi %mul3A_150, %add3A_201 : i32
      %dma_start3A_203 = arith.constant 0 : i32
      %dma_start3A_204 = tpu.memref_slice %arg10[%add3A_202, %dma_start3A_203] : memref<42x80xi32, #tpu.memory_space<vmem>> -> memref<1x80xi32, #tpu.memory_space<vmem>>
      %dma_start3A_205 = tpu.memref_squeeze %dma_start3A_204 : memref<1x80xi32, #tpu.memory_space<vmem>> -> memref<80xi32, #tpu.memory_space<vmem>>
      %dma_start3A_206 = arith.constant 0 : i32
      %dma_start3A_207 = arith.constant 0 : i32
      %dma_start3A_208 = tpu.memref_slice %arg20[%dma_start3A_206, %dma_start3A_207] : memref<10240x128xf32, #tpu.memory_space<vmem_shared>> -> memref<10240x128xf32, #tpu.memory_space<vmem_shared>>
      tpu.enqueue_indirect_dma source(%arg13 : memref<80x128xf32, #tpu.memory_space<vmem>>) target(%dma_start3A_208 : memref<10240x128xf32, #tpu.memory_space<vmem_shared>>) offsets(%dma_start3A_205 : memref<80xi32, #tpu.memory_space<vmem>>) semaphore(%arg19 : memref<!tpu.dma_semaphore, #tpu.memory_space<semaphore_mem>>) {add = true}
      %lt3A_209 = arith.constant 13 : i32
      %lt3A_210 = arith.cmpi slt, %scan3A_147, %lt3A_209 : i32
      %convert_element_type3A_211 = arith.extui %lt3A_210 : i1 to i32
      %cond3A_212 = arith.constant 0 : i32
      %cond3A_213 = arith.cmpi ne, %convert_element_type3A_211, %cond3A_212 : i32
      scf.if %cond3A_213 {
        %dma_wait3A_215 = arith.constant 0 : i32
        %dma_wait3A_216 = arith.constant 0 : i32
        %dma_wait3A_217 = tpu.memref_slice %arg2[%dma_wait3A_215, %dma_wait3A_216] : memref<10240x128xf32, #tpu.memory_space<hbm>> -> memref<80x128xf32, #tpu.memory_space<hbm>>
        %dma_wait3A_218 = arith.constant 0 : i32
        %dma_wait3A_219 = arith.constant 0 : i32
        %dma_wait3A_220 = tpu.memref_slice %arg2[%dma_wait3A_218, %dma_wait3A_219] : memref<10240x128xf32, #tpu.memory_space<hbm>> -> memref<80x128xf32, #tpu.memory_space<hbm>>
        tpu.wait_dma2 semaphore(%arg18 : memref<!tpu.dma_semaphore, #tpu.memory_space<semaphore_mem>>) src(%dma_wait3A_220 : memref<80x128xf32, #tpu.memory_space<hbm>>) dst(%arg12 : memref<80x128xf32, #tpu.memory_space<vmem>>)
        %add3A_221 = arith.constant 4 : i32
        %add3A_222 = arith.addi %mul3A_150, %add3A_221 : i32
        %eq3A_223 = arith.constant 0 : i32
        %eq3A_224 = arith.cmpi eq, %arg0, %eq3A_223 : i32
        %convert_element_type3A_225 = arith.extui %eq3A_224 : i1 to i32
        %cond3A_226 = arith.constant 0 : i32
        %cond3A_227 = arith.cmpi ne, %convert_element_type3A_225, %cond3A_226 : i32
        scf.if %cond3A_227 {
          %dma_start3A_233 = arith.constant 0 : i32
          %dma_start3A_234 = tpu.memref_slice %arg9[%add3A_222, %dma_start3A_233] : memref<42x80xi32, #tpu.memory_space<vmem>> -> memref<1x80xi32, #tpu.memory_space<vmem>>
          %dma_start3A_235 = tpu.memref_squeeze %dma_start3A_234 : memref<1x80xi32, #tpu.memory_space<vmem>> -> memref<80xi32, #tpu.memory_space<vmem>>
          %dma_start3A_236 = arith.constant 0 : i32
          %dma_start3A_237 = arith.constant 0 : i32
          %dma_start3A_238 = tpu.memref_slice %arg2[%dma_start3A_236, %dma_start3A_237] : memref<10240x128xf32, #tpu.memory_space<hbm>> -> memref<10240x128xf32, #tpu.memory_space<hbm>>
          tpu.enqueue_indirect_dma source(%dma_start3A_238 : memref<10240x128xf32, #tpu.memory_space<hbm>>) target(%arg12 : memref<80x128xf32, #tpu.memory_space<vmem>>) offsets(%dma_start3A_235 : memref<80xi32, #tpu.memory_space<vmem>>) semaphore(%arg15 : memref<!tpu.dma_semaphore, #tpu.memory_space<semaphore_mem>>)
        } else {
        }
        %eq3A_228 = arith.constant 1 : i32
        %eq3A_229 = arith.cmpi eq, %arg0, %eq3A_228 : i32
        %convert_element_type3A_230 = arith.extui %eq3A_229 : i1 to i32
        %cond3A_231 = arith.constant 0 : i32
        %cond3A_232 = arith.cmpi ne, %convert_element_type3A_230, %cond3A_231 : i32
        scf.if %cond3A_232 {
          %dma_start3A_233 = arith.constant 0 : i32
          %dma_start3A_234 = tpu.memref_slice %arg9[%add3A_222, %dma_start3A_233] : memref<42x80xi32, #tpu.memory_space<vmem>> -> memref<1x80xi32, #tpu.memory_space<vmem>>
          %dma_start3A_235 = tpu.memref_squeeze %dma_start3A_234 : memref<1x80xi32, #tpu.memory_space<vmem>> -> memref<80xi32, #tpu.memory_space<vmem>>
          %dma_start3A_236 = arith.constant 0 : i32
          %dma_start3A_237 = arith.constant 0 : i32
          %dma_start3A_238 = tpu.memref_slice %arg3[%dma_start3A_236, %dma_start3A_237] : memref<10240x128xf32, #tpu.memory_space<hbm>> -> memref<10240x128xf32, #tpu.memory_space<hbm>>
          tpu.enqueue_indirect_dma source(%dma_start3A_238 : memref<10240x128xf32, #tpu.memory_space<hbm>>) target(%arg12 : memref<80x128xf32, #tpu.memory_space<vmem>>) offsets(%dma_start3A_235 : memref<80xi32, #tpu.memory_space<vmem>>) semaphore(%arg15 : memref<!tpu.dma_semaphore, #tpu.memory_space<semaphore_mem>>)
        } else {
        }
      } else {
      }
      %scan3A_214 = arith.constant 0 : i32
      scf.yield %scan3A_214 : i32
    }
    %scan3A_117 = arith.constant 14 : i32
    %dma_wait3A_118 = arith.constant 0 : i32
    %dma_wait3A_119 = arith.constant 0 : i32
    %dma_wait3A_120 = tpu.memref_slice %arg2[%dma_wait3A_118, %dma_wait3A_119] : memref<10240x128xf32, #tpu.memory_space<hbm>> -> memref<80x128xf32, #tpu.memory_space<hbm>>
    %dma_wait3A_121 = arith.constant 0 : i32
    %dma_wait3A_122 = arith.constant 0 : i32
    %dma_wait3A_123 = tpu.memref_slice %arg2[%dma_wait3A_121, %dma_wait3A_122] : memref<10240x128xf32, #tpu.memory_space<hbm>> -> memref<80x128xf32, #tpu.memory_space<hbm>>
    tpu.wait_dma2 semaphore(%arg17 : memref<!tpu.dma_semaphore, #tpu.memory_space<semaphore_mem>>) src(%dma_wait3A_123 : memref<80x128xf32, #tpu.memory_space<hbm>>) dst(%arg11 : memref<80x128xf32, #tpu.memory_space<vmem>>)
    %dma_wait3A_124 = arith.constant 0 : i32
    %dma_wait3A_125 = arith.constant 0 : i32
    %dma_wait3A_126 = tpu.memref_slice %arg2[%dma_wait3A_124, %dma_wait3A_125] : memref<10240x128xf32, #tpu.memory_space<hbm>> -> memref<80x128xf32, #tpu.memory_space<hbm>>
    %dma_wait3A_127 = arith.constant 0 : i32
    %dma_wait3A_128 = arith.constant 0 : i32
    %dma_wait3A_129 = tpu.memref_slice %arg2[%dma_wait3A_127, %dma_wait3A_128] : memref<10240x128xf32, #tpu.memory_space<hbm>> -> memref<80x128xf32, #tpu.memory_space<hbm>>
    tpu.wait_dma2 semaphore(%arg18 : memref<!tpu.dma_semaphore, #tpu.memory_space<semaphore_mem>>) src(%dma_wait3A_129 : memref<80x128xf32, #tpu.memory_space<hbm>>) dst(%arg12 : memref<80x128xf32, #tpu.memory_space<vmem>>)
    %dma_wait3A_130 = arith.constant 0 : i32
    %dma_wait3A_131 = arith.constant 0 : i32
    %dma_wait3A_132 = tpu.memref_slice %arg2[%dma_wait3A_130, %dma_wait3A_131] : memref<10240x128xf32, #tpu.memory_space<hbm>> -> memref<80x128xf32, #tpu.memory_space<hbm>>
    %dma_wait3A_133 = arith.constant 0 : i32
    %dma_wait3A_134 = arith.constant 0 : i32
    %dma_wait3A_135 = tpu.memref_slice %arg2[%dma_wait3A_133, %dma_wait3A_134] : memref<10240x128xf32, #tpu.memory_space<hbm>> -> memref<80x128xf32, #tpu.memory_space<hbm>>
    tpu.wait_dma2 semaphore(%arg19 : memref<!tpu.dma_semaphore, #tpu.memory_space<semaphore_mem>>) src(%dma_wait3A_135 : memref<80x128xf32, #tpu.memory_space<hbm>>) dst(%arg13 : memref<80x128xf32, #tpu.memory_space<vmem>>)
    %barrier3A_136 = arith.constant 0 : index
    tpu.barrier barrier_id(%barrier3A_136)
    %eq3A_137 = arith.constant 0 : i32
    %eq3A_138 = arith.cmpi eq, %arg0, %eq3A_137 : i32
    %convert_element_type3A_139 = arith.extui %eq3A_138 : i1 to i32
    %cond3A_140 = arith.constant 0 : i32
    %cond3A_141 = arith.cmpi ne, %convert_element_type3A_139, %cond3A_140 : i32
    scf.if %cond3A_141 {
      %mul3A_147 = arith.constant 640 : i32
      %mul3A_148 = arith.muli %arg1, %mul3A_147 : i32
      %mul3A_149 = arith.constant 640 : i32
      %mul3A_150 = arith.muli %arg1, %mul3A_149 : i32
      "tpu.region"() ({
        %run_scoped3A_151 = tpu.sem_alloc : memref<!tpu.dma_semaphore, #tpu.memory_space<semaphore_mem>>
        %dma_start3A = arith.constant 0 : i32
        %dma_start3A_152 = tpu.memref_slice %arg7[%mul3A_150, %dma_start3A] : memref<10240x128xf32, #tpu.memory_space<hbm>> -> memref<640x128xf32, #tpu.memory_space<hbm>>
        %dma_start3A_153 = arith.constant 0 : i32
        %dma_start3A_154 = tpu.memref_slice %arg20[%mul3A_148, %dma_start3A_153] : memref<10240x128xf32, #tpu.memory_space<vmem_shared>> -> memref<640x128xf32, #tpu.memory_space<vmem_shared>>
        tpu.enqueue_dma source(%dma_start3A_154 : memref<640x128xf32, #tpu.memory_space<vmem_shared>>) target(%dma_start3A_152 : memref<640x128xf32, #tpu.memory_space<hbm>>) target_semaphore(%run_scoped3A_151 : memref<!tpu.dma_semaphore, #tpu.memory_space<semaphore_mem>>)
        %dma_wait3A_155 = arith.constant 0 : i32
        %dma_wait3A_156 = tpu.memref_slice %arg7[%mul3A_150, %dma_wait3A_155] : memref<10240x128xf32, #tpu.memory_space<hbm>> -> memref<640x128xf32, #tpu.memory_space<hbm>>
        %dma_wait3A_157 = arith.constant 0 : i32
        %dma_wait3A_158 = tpu.memref_slice %arg20[%mul3A_148, %dma_wait3A_157] : memref<10240x128xf32, #tpu.memory_space<vmem_shared>> -> memref<640x128xf32, #tpu.memory_space<vmem_shared>>
        tpu.wait_dma2 semaphore(%run_scoped3A_151 : memref<!tpu.dma_semaphore, #tpu.memory_space<semaphore_mem>>) src(%dma_wait3A_158 : memref<640x128xf32, #tpu.memory_space<vmem_shared>>) dst(%dma_wait3A_156 : memref<640x128xf32, #tpu.memory_space<hbm>>)
        tpu.yield
      }) : () -> ()
    } else {
    }
    %eq3A_142 = arith.constant 1 : i32
    %eq3A_143 = arith.cmpi eq, %arg0, %eq3A_142 : i32
    %convert_element_type3A_144 = arith.extui %eq3A_143 : i1 to i32
    %cond3A_145 = arith.constant 0 : i32
    %cond3A_146 = arith.cmpi ne, %convert_element_type3A_144, %cond3A_145 : i32
    scf.if %cond3A_146 {
      %mul3A_147 = arith.constant 640 : i32
      %mul3A_148 = arith.muli %arg1, %mul3A_147 : i32
      %mul3A_149 = arith.constant 640 : i32
      %mul3A_150 = arith.muli %arg1, %mul3A_149 : i32
      "tpu.region"() ({
        %run_scoped3A_151 = tpu.sem_alloc : memref<!tpu.dma_semaphore, #tpu.memory_space<semaphore_mem>>
        %dma_start3A = arith.constant 0 : i32
        %dma_start3A_152 = tpu.memref_slice %arg8[%mul3A_150, %dma_start3A] : memref<10240x128xf32, #tpu.memory_space<hbm>> -> memref<640x128xf32, #tpu.memory_space<hbm>>
        %dma_start3A_153 = arith.constant 0 : i32
        %dma_start3A_154 = tpu.memref_slice %arg20[%mul3A_148, %dma_start3A_153] : memref<10240x128xf32, #tpu.memory_space<vmem_shared>> -> memref<640x128xf32, #tpu.memory_space<vmem_shared>>
        tpu.enqueue_dma source(%dma_start3A_154 : memref<640x128xf32, #tpu.memory_space<vmem_shared>>) target(%dma_start3A_152 : memref<640x128xf32, #tpu.memory_space<hbm>>) target_semaphore(%run_scoped3A_151 : memref<!tpu.dma_semaphore, #tpu.memory_space<semaphore_mem>>)
        %dma_wait3A_155 = arith.constant 0 : i32
        %dma_wait3A_156 = tpu.memref_slice %arg8[%mul3A_150, %dma_wait3A_155] : memref<10240x128xf32, #tpu.memory_space<hbm>> -> memref<640x128xf32, #tpu.memory_space<hbm>>
        %dma_wait3A_157 = arith.constant 0 : i32
        %dma_wait3A_158 = tpu.memref_slice %arg20[%mul3A_148, %dma_wait3A_157] : memref<10240x128xf32, #tpu.memory_space<vmem_shared>> -> memref<640x128xf32, #tpu.memory_space<vmem_shared>>
        tpu.wait_dma2 semaphore(%run_scoped3A_151 : memref<!tpu.dma_semaphore, #tpu.memory_space<semaphore_mem>>) src(%dma_wait3A_158 : memref<640x128xf32, #tpu.memory_space<vmem_shared>>) dst(%dma_wait3A_156 : memref<640x128xf32, #tpu.memory_space<hbm>>)
        tpu.yield
      }) : () -> ()
    } else {
    }
    return
  }
}

module attributes {stable_mosaic.version = 14 : i64} {
  func.func @_mm1_body(%arg0: i32, %arg1: memref<1024x256xf32, #tpu.memory_space<vmem>>, %arg2: memref<256x256xf32, #tpu.memory_space<vmem>>, %arg3: memref<32x1024xf32, #tpu.memory_space<vmem>>, %arg4: memref<1x256xf32, #tpu.memory_space<vmem>>, %arg5: memref<1024x128xf32, #tpu.memory_space<vmem>>, %arg6: memref<1024x128xf32, #tpu.memory_space<vmem>>, %arg7: memref<1024x256xf32, #tpu.memory_space<vmem>>) attributes {dimension_semantics = [#tpu.dimension_semantics<arbitrary>], iteration_bounds = array<i64: 10>, scalar_prefetch = 0 : i64, scratch_operands = 0 : i64, tpu.core_type = #tpu.core_type<tc>, window_params = [{transform_indices = @transform_0, window_bounds = array<i64: 1024, 256>}, {pipeline_mode = #tpu.pipeline_mode<synchronous>, transform_indices = @transform_1, window_bounds = array<i64: 256, 256>}, {transform_indices = @transform_2, window_bounds = array<i64: 32, 1024>}, {pipeline_mode = #tpu.pipeline_mode<synchronous>, transform_indices = @transform_3, window_bounds = array<i64: 1, 256>}, {transform_indices = @transform_4, window_bounds = array<i64: 1024, 128>}, {transform_indices = @transform_5, window_bounds = array<i64: 1024, 128>}, {transform_indices = @transform_6, window_bounds = array<i64: 1024, 256>}]} {
    %get3A = arith.constant 0 : index
    %get3A_0 = arith.constant 0 : index
    %get3A_1 = vector.load %arg1[%get3A, %get3A_0] : memref<1024x256xf32, #tpu.memory_space<vmem>>, vector<1024x256xf32>
    %get3A_2 = arith.constant 0 : index
    %get3A_3 = arith.constant 0 : index
    %get3A_4 = vector.load %arg2[%get3A_2, %get3A_3] : memref<256x256xf32, #tpu.memory_space<vmem>>, vector<256x256xf32>
    %dot_general3A = arith.constant dense<0.000000e+00> : vector<1024x256xf32>
    %dot_general3A_5 = tpu.matmul %get3A_1, %get3A_4, %dot_general3A {dimension_numbers = #tpu.dot_dimension_numbers<[1], [0], [0], [1], [0, 0, 1, 1], [], []>, transpose_lhs_hint = false} : vector<1024x256xf32>, vector<256x256xf32>, vector<1024x256xf32> -> vector<1024x256xf32>
    %get3A_6 = arith.constant 0 : index
    %get3A_7 = arith.constant 0 : index
    %get3A_8 = vector.load %arg3[%get3A_6, %get3A_7] : memref<32x1024xf32, #tpu.memory_space<vmem>>, vector<32x1024xf32>
    %reduce_sum3A = arith.constant dense<0.000000e+00> : vector<1024xf32>
    %reduce_sum3A_9 = vector.multi_reduction <add>, %get3A_8, %reduce_sum3A [0] : vector<32x1024xf32> to vector<1024xf32>
    %add3A = arith.constant 1.000000e+00 : f32
    %add3A_10 = vector.broadcast %add3A : f32 to vector<1024xf32>
    %add3A_11 = arith.addf %reduce_sum3A_9, %add3A_10 : vector<1024xf32>
    %broadcast_in_dim3A = vector.shape_cast %add3A_11 : vector<1024xf32> to vector<1024x1xf32>
    %rsqrt3A = math.rsqrt %broadcast_in_dim3A : vector<1024x1xf32>
    %mul3A = vector.broadcast %rsqrt3A : vector<1024x1xf32> to vector<1024x256xf32>
    %mul3A_12 = arith.mulf %dot_general3A_5, %mul3A : vector<1024x256xf32>
    %slice3A = vector.extract_strided_slice %mul3A_12 {offsets = [0, 0], sizes = [1024, 128], strides = [1, 1]} : vector<1024x256xf32> to vector<1024x128xf32>
    %swap3A = arith.constant 0 : index
    %swap3A_13 = arith.constant 0 : index
    %swap3A_14 = vector.load %arg5[%swap3A, %swap3A_13] : memref<1024x128xf32, #tpu.memory_space<vmem>>, vector<1024x128xf32>
    tpu.vector_store %arg5[%swap3A, %swap3A_13], %slice3A {strides = array<i32>} : memref<1024x128xf32, #tpu.memory_space<vmem>>, vector<1024x128xf32>,
    %slice3A_15 = vector.extract_strided_slice %mul3A_12 {offsets = [0, 128], sizes = [1024, 128], strides = [1, 1]} : vector<1024x256xf32> to vector<1024x128xf32>
    %swap3A_16 = arith.constant 0 : index
    %swap3A_17 = arith.constant 0 : index
    %swap3A_18 = vector.load %arg6[%swap3A_16, %swap3A_17] : memref<1024x128xf32, #tpu.memory_space<vmem>>, vector<1024x128xf32>
    tpu.vector_store %arg6[%swap3A_16, %swap3A_17], %slice3A_15 {strides = array<i32>} : memref<1024x128xf32, #tpu.memory_space<vmem>>, vector<1024x128xf32>,
    %mul3A_19 = arith.mulf %rsqrt3A, %rsqrt3A : vector<1024x1xf32>
    %mul3A_20 = vector.broadcast %mul3A_19 : vector<1024x1xf32> to vector<1024x256xf32>
    %mul3A_21 = arith.mulf %dot_general3A_5, %mul3A_20 : vector<1024x256xf32>
    %get3A_22 = arith.constant 0 : index
    %get3A_23 = arith.constant 0 : index
    %get3A_24 = vector.load %arg4[%get3A_22, %get3A_23] : memref<1x256xf32, #tpu.memory_space<vmem>>, vector<1x256xf32>
    %add3A_25 = vector.broadcast %get3A_24 : vector<1x256xf32> to vector<1024x256xf32>
    %add3A_26 = arith.addf %mul3A_21, %add3A_25 : vector<1024x256xf32>
    %swap3A_27 = arith.constant 0 : index
    %swap3A_28 = arith.constant 0 : index
    %swap3A_29 = vector.load %arg7[%swap3A_27, %swap3A_28] : memref<1024x256xf32, #tpu.memory_space<vmem>>, vector<1024x256xf32>
    tpu.vector_store %arg7[%swap3A_27, %swap3A_28], %add3A_26 {strides = array<i32>} : memref<1024x256xf32, #tpu.memory_space<vmem>>, vector<1024x256xf32>,
    return
  }
  func.func @transform_0(%arg0: i32) -> (i32, i32) {
    %c0_i32 = arith.constant 0 : i32
    %c0_i32_0 = arith.constant 0 : i32
    return %arg0, %c0_i32 : i32, i32
  }
  func.func @transform_1(%arg0: i32) -> (i32, i32) {
    %c0_i32 = arith.constant 0 : i32
    %c0_i32_0 = arith.constant 0 : i32
    %c0_i32_1 = arith.constant 0 : i32
    return %c0_i32, %c0_i32_0 : i32, i32
  }
  func.func @transform_2(%arg0: i32) -> (i32, i32) {
    %c0_i32 = arith.constant 0 : i32
    %c0_i32_0 = arith.constant 0 : i32
    return %c0_i32, %arg0 : i32, i32
  }
  func.func @transform_3(%arg0: i32) -> (i32, i32) {
    %c0_i32 = arith.constant 0 : i32
    %c0_i32_0 = arith.constant 0 : i32
    %c0_i32_1 = arith.constant 0 : i32
    return %c0_i32, %c0_i32_0 : i32, i32
  }
  func.func @transform_4(%arg0: i32) -> (i32, i32) {
    %c0_i32 = arith.constant 0 : i32
    %c0_i32_0 = arith.constant 0 : i32
    return %arg0, %c0_i32 : i32, i32
  }
  func.func @transform_5(%arg0: i32) -> (i32, i32) {
    %c0_i32 = arith.constant 0 : i32
    %c0_i32_0 = arith.constant 0 : i32
    return %arg0, %c0_i32 : i32, i32
  }
  func.func @transform_6(%arg0: i32) -> (i32, i32) {
    %c0_i32 = arith.constant 0 : i32
    %c0_i32_0 = arith.constant 0 : i32
    return %arg0, %c0_i32 : i32, i32
  }
}

module attributes {stable_mosaic.version = 14 : i64} {
  func.func @_mm2_body(%arg0: i32, %arg1: memref<1024x128xf32, #tpu.memory_space<vmem>>, %arg2: memref<1024x128xf32, #tpu.memory_space<vmem>>, %arg3: memref<1024x256xf32, #tpu.memory_space<vmem>>, %arg4: memref<256x256xf32, #tpu.memory_space<vmem>>, %arg5: memref<32x1024xf32, #tpu.memory_space<vmem>>, %arg6: memref<1x256xf32, #tpu.memory_space<vmem>>, %arg7: memref<1024x128xf32, #tpu.memory_space<vmem>>, %arg8: memref<1024x128xf32, #tpu.memory_space<vmem>>, %arg9: memref<1024x256xf32, #tpu.memory_space<vmem>>) attributes {dimension_semantics = [#tpu.dimension_semantics<arbitrary>], iteration_bounds = array<i64: 10>, scalar_prefetch = 0 : i64, scratch_operands = 0 : i64, tpu.core_type = #tpu.core_type<tc>, window_params = [{transform_indices = @transform_0, window_bounds = array<i64: 1024, 128>}, {transform_indices = @transform_1, window_bounds = array<i64: 1024, 128>}, {transform_indices = @transform_2, window_bounds = array<i64: 1024, 256>}, {pipeline_mode = #tpu.pipeline_mode<synchronous>, transform_indices = @transform_3, window_bounds = array<i64: 256, 256>}, {transform_indices = @transform_4, window_bounds = array<i64: 32, 1024>}, {pipeline_mode = #tpu.pipeline_mode<synchronous>, transform_indices = @transform_5, window_bounds = array<i64: 1, 256>}, {transform_indices = @transform_6, window_bounds = array<i64: 1024, 128>}, {transform_indices = @transform_7, window_bounds = array<i64: 1024, 128>}, {transform_indices = @transform_8, window_bounds = array<i64: 1024, 256>}]} {
    %get3A = arith.constant 0 : index
    %get3A_0 = arith.constant 0 : index
    %get3A_1 = vector.load %arg5[%get3A, %get3A_0] : memref<32x1024xf32, #tpu.memory_space<vmem>>, vector<32x1024xf32>
    %reduce_sum3A = arith.constant dense<0.000000e+00> : vector<1024xf32>
    %reduce_sum3A_2 = vector.multi_reduction <add>, %get3A_1, %reduce_sum3A [0] : vector<32x1024xf32> to vector<1024xf32>
    %add3A = arith.constant 1.000000e+00 : f32
    %add3A_3 = vector.broadcast %add3A : f32 to vector<1024xf32>
    %add3A_4 = arith.addf %reduce_sum3A_2, %add3A_3 : vector<1024xf32>
    %broadcast_in_dim3A = vector.shape_cast %add3A_4 : vector<1024xf32> to vector<1024x1xf32>
    %rsqrt3A = math.rsqrt %broadcast_in_dim3A : vector<1024x1xf32>
    %get3A_5 = arith.constant 0 : index
    %get3A_6 = arith.constant 0 : index
    %get3A_7 = vector.load %arg1[%get3A_5, %get3A_6] : memref<1024x128xf32, #tpu.memory_space<vmem>>, vector<1024x128xf32>
    %get3A_8 = arith.constant 0 : index
    %get3A_9 = arith.constant 0 : index
    %get3A_10 = vector.load %arg2[%get3A_8, %get3A_9] : memref<1024x128xf32, #tpu.memory_space<vmem>>, vector<1024x128xf32>
    %concatenate3A = tpu.concatenate %get3A_7, %get3A_10 in 1 : vector<1024x128xf32>, vector<1024x128xf32> -> vector<1024x256xf32>
    %mul3A = vector.broadcast %rsqrt3A : vector<1024x1xf32> to vector<1024x256xf32>
    %mul3A_11 = arith.mulf %concatenate3A, %mul3A : vector<1024x256xf32>
    %get3A_12 = arith.constant 0 : index
    %get3A_13 = arith.constant 0 : index
    %get3A_14 = vector.load %arg3[%get3A_12, %get3A_13] : memref<1024x256xf32, #tpu.memory_space<vmem>>, vector<1024x256xf32>
    %add3A_15 = arith.addf %mul3A_11, %get3A_14 : vector<1024x256xf32>
    %max3A = arith.constant 0.000000e+00 : f32
    %max3A_16 = vector.broadcast %max3A : f32 to vector<1024x256xf32>
    %max3A_17 = arith.maximumf %add3A_15, %max3A_16 : vector<1024x256xf32>
    %get3A_18 = arith.constant 0 : index
    %get3A_19 = arith.constant 0 : index
    %get3A_20 = vector.load %arg4[%get3A_18, %get3A_19] : memref<256x256xf32, #tpu.memory_space<vmem>>, vector<256x256xf32>
    %dot_general3A = arith.constant dense<0.000000e+00> : vector<1024x256xf32>
    %dot_general3A_21 = tpu.matmul %max3A_17, %get3A_20, %dot_general3A {dimension_numbers = #tpu.dot_dimension_numbers<[1], [0], [0], [1], [0, 0, 1, 1], [], []>, transpose_lhs_hint = false} : vector<1024x256xf32>, vector<256x256xf32>, vector<1024x256xf32> -> vector<1024x256xf32>
    %mul3A_22 = vector.broadcast %rsqrt3A : vector<1024x1xf32> to vector<1024x256xf32>
    %mul3A_23 = arith.mulf %dot_general3A_21, %mul3A_22 : vector<1024x256xf32>
    %slice3A = vector.extract_strided_slice %mul3A_23 {offsets = [0, 0], sizes = [1024, 128], strides = [1, 1]} : vector<1024x256xf32> to vector<1024x128xf32>
    %swap3A = arith.constant 0 : index
    %swap3A_24 = arith.constant 0 : index
    %swap3A_25 = vector.load %arg7[%swap3A, %swap3A_24] : memref<1024x128xf32, #tpu.memory_space<vmem>>, vector<1024x128xf32>
    tpu.vector_store %arg7[%swap3A, %swap3A_24], %slice3A {strides = array<i32>} : memref<1024x128xf32, #tpu.memory_space<vmem>>, vector<1024x128xf32>,
    %slice3A_26 = vector.extract_strided_slice %mul3A_23 {offsets = [0, 128], sizes = [1024, 128], strides = [1, 1]} : vector<1024x256xf32> to vector<1024x128xf32>
    %swap3A_27 = arith.constant 0 : index
    %swap3A_28 = arith.constant 0 : index
    %swap3A_29 = vector.load %arg8[%swap3A_27, %swap3A_28] : memref<1024x128xf32, #tpu.memory_space<vmem>>, vector<1024x128xf32>
    tpu.vector_store %arg8[%swap3A_27, %swap3A_28], %slice3A_26 {strides = array<i32>} : memref<1024x128xf32, #tpu.memory_space<vmem>>, vector<1024x128xf32>,
    %mul3A_30 = arith.mulf %rsqrt3A, %rsqrt3A : vector<1024x1xf32>
    %mul3A_31 = vector.broadcast %mul3A_30 : vector<1024x1xf32> to vector<1024x256xf32>
    %mul3A_32 = arith.mulf %dot_general3A_21, %mul3A_31 : vector<1024x256xf32>
    %get3A_33 = arith.constant 0 : index
    %get3A_34 = arith.constant 0 : index
    %get3A_35 = vector.load %arg6[%get3A_33, %get3A_34] : memref<1x256xf32, #tpu.memory_space<vmem>>, vector<1x256xf32>
    %add3A_36 = vector.broadcast %get3A_35 : vector<1x256xf32> to vector<1024x256xf32>
    %add3A_37 = arith.addf %mul3A_32, %add3A_36 : vector<1024x256xf32>
    %swap3A_38 = arith.constant 0 : index
    %swap3A_39 = arith.constant 0 : index
    %swap3A_40 = vector.load %arg9[%swap3A_38, %swap3A_39] : memref<1024x256xf32, #tpu.memory_space<vmem>>, vector<1024x256xf32>
    tpu.vector_store %arg9[%swap3A_38, %swap3A_39], %add3A_37 {strides = array<i32>} : memref<1024x256xf32, #tpu.memory_space<vmem>>, vector<1024x256xf32>,
    return
  }
  func.func @transform_0(%arg0: i32) -> (i32, i32) {
    %c0_i32 = arith.constant 0 : i32
    %c0_i32_0 = arith.constant 0 : i32
    return %arg0, %c0_i32 : i32, i32
  }
  func.func @transform_1(%arg0: i32) -> (i32, i32) {
    %c0_i32 = arith.constant 0 : i32
    %c0_i32_0 = arith.constant 0 : i32
    return %arg0, %c0_i32 : i32, i32
  }
  func.func @transform_2(%arg0: i32) -> (i32, i32) {
    %c0_i32 = arith.constant 0 : i32
    %c0_i32_0 = arith.constant 0 : i32
    return %arg0, %c0_i32 : i32, i32
  }
  func.func @transform_3(%arg0: i32) -> (i32, i32) {
    %c0_i32 = arith.constant 0 : i32
    %c0_i32_0 = arith.constant 0 : i32
    %c0_i32_1 = arith.constant 0 : i32
    return %c0_i32, %c0_i32_0 : i32, i32
  }
  func.func @transform_4(%arg0: i32) -> (i32, i32) {
    %c0_i32 = arith.constant 0 : i32
    %c0_i32_0 = arith.constant 0 : i32
    return %c0_i32, %arg0 : i32, i32
  }
  func.func @transform_5(%arg0: i32) -> (i32, i32) {
    %c0_i32 = arith.constant 0 : i32
    %c0_i32_0 = arith.constant 0 : i32
    %c0_i32_1 = arith.constant 0 : i32
    return %c0_i32, %c0_i32_0 : i32, i32
  }
  func.func @transform_6(%arg0: i32) -> (i32, i32) {
    %c0_i32 = arith.constant 0 : i32
    %c0_i32_0 = arith.constant 0 : i32
    return %arg0, %c0_i32 : i32, i32
  }
  func.func @transform_7(%arg0: i32) -> (i32, i32) {
    %c0_i32 = arith.constant 0 : i32
    %c0_i32_0 = arith.constant 0 : i32
    return %arg0, %c0_i32 : i32, i32
  }
  func.func @transform_8(%arg0: i32) -> (i32, i32) {
    %c0_i32 = arith.constant 0 : i32
    %c0_i32_0 = arith.constant 0 : i32
    return %arg0, %c0_i32 : i32, i32
  }
}

module attributes {stable_mosaic.version = 14 : i64} {
  func.func @_pool_body(%arg0: i32, %arg1: memref<1024x128xf32, #tpu.memory_space<vmem>>, %arg2: memref<1024x128xf32, #tpu.memory_space<vmem>>, %arg3: memref<1024x256xf32, #tpu.memory_space<vmem>>, %arg4: memref<32x1024xf32, #tpu.memory_space<vmem>>, %arg5: memref<1x1x1024xi32, #tpu.memory_space<vmem>>, %arg6: memref<64x256xf32, #tpu.memory_space<vmem>>, %arg7: memref<64x256xf32, #tpu.memory_space<vmem>>, %arg8: memref<64x1xf32, #tpu.memory_space<vmem>>) attributes {dimension_semantics = [#tpu.dimension_semantics<arbitrary>], iteration_bounds = array<i64: 10>, scalar_prefetch = 0 : i64, scratch_operands = 2 : i64, tpu.core_type = #tpu.core_type<tc>, window_params = [{transform_indices = @transform_0, window_bounds = array<i64: 1024, 128>}, {transform_indices = @transform_1, window_bounds = array<i64: 1024, 128>}, {transform_indices = @transform_2, window_bounds = array<i64: 1024, 256>}, {transform_indices = @transform_3, window_bounds = array<i64: 32, 1024>}, {transform_indices = @transform_4, window_bounds = array<i64: 1, 1, 1024>}, {pipeline_mode = #tpu.pipeline_mode<synchronous>, transform_indices = @transform_5, window_bounds = array<i64: 64, 256>}]} {
    %get3A = arith.constant 0 : index
    %get3A_0 = arith.constant 0 : index
    %get3A_1 = vector.load %arg4[%get3A, %get3A_0] : memref<32x1024xf32, #tpu.memory_space<vmem>>, vector<32x1024xf32>
    %reduce_sum3A = arith.constant dense<0.000000e+00> : vector<1024xf32>
    %reduce_sum3A_2 = vector.multi_reduction <add>, %get3A_1, %reduce_sum3A [0] : vector<32x1024xf32> to vector<1024xf32>
    %add3A = arith.constant 1.000000e+00 : f32
    %add3A_3 = vector.broadcast %add3A : f32 to vector<1024xf32>
    %add3A_4 = arith.addf %reduce_sum3A_2, %add3A_3 : vector<1024xf32>
    %broadcast_in_dim3A = vector.shape_cast %add3A_4 : vector<1024xf32> to vector<1024x1xf32>
    %rsqrt3A = math.rsqrt %broadcast_in_dim3A : vector<1024x1xf32>
    %get3A_5 = arith.constant 0 : index
    %get3A_6 = arith.constant 0 : index
    %get3A_7 = vector.load %arg1[%get3A_5, %get3A_6] : memref<1024x128xf32, #tpu.memory_space<vmem>>, vector<1024x128xf32>
    %get3A_8 = arith.constant 0 : index
    %get3A_9 = arith.constant 0 : index
    %get3A_10 = vector.load %arg2[%get3A_8, %get3A_9] : memref<1024x128xf32, #tpu.memory_space<vmem>>, vector<1024x128xf32>
    %concatenate3A = tpu.concatenate %get3A_7, %get3A_10 in 1 : vector<1024x128xf32>, vector<1024x128xf32> -> vector<1024x256xf32>
    %mul3A = vector.broadcast %rsqrt3A : vector<1024x1xf32> to vector<1024x256xf32>
    %mul3A_11 = arith.mulf %concatenate3A, %mul3A : vector<1024x256xf32>
    %get3A_12 = arith.constant 0 : index
    %get3A_13 = arith.constant 0 : index
    %get3A_14 = vector.load %arg3[%get3A_12, %get3A_13] : memref<1024x256xf32, #tpu.memory_space<vmem>>, vector<1024x256xf32>
    %add3A_15 = arith.addf %mul3A_11, %get3A_14 : vector<1024x256xf32>
    %get3A_16 = arith.constant 0 : index
    %get3A_17 = arith.constant 0 : index
    %get3A_18 = arith.constant 0 : index
    %get3A_19 = vector.load %arg5[%get3A_16, %get3A_17, %get3A_18] : memref<1x1x1024xi32, #tpu.memory_space<vmem>>, vector<1x1x1024xi32>
    %get3A_20 = vector.shape_cast %get3A_19 : vector<1x1x1024xi32> to vector<1024xi32>
    %iota3A = tpu.iota {dimensions = array<i32: 1>} : vector<1x64xi32>
    %broadcast_in_dim3A_21 = vector.shape_cast %get3A_20 : vector<1024xi32> to vector<1024x1xi32>
    %eq3A = vector.broadcast %broadcast_in_dim3A_21 : vector<1024x1xi32> to vector<1024x64xi32>
    %eq3A_22 = vector.broadcast %iota3A : vector<1x64xi32> to vector<1024x64xi32>
    %eq3A_23 = arith.cmpi eq, %eq3A, %eq3A_22 : vector<1024x64xi32>
    %convert_element_type3A = arith.extui %eq3A_23 : vector<1024x64xi1> to vector<1024x64xi32>
    %convert_element_type3A_24 = arith.sitofp %convert_element_type3A : vector<1024x64xi32> to vector<1024x64xf32>
    %broadcast_in_dim3A_25 = arith.constant 1.000000e+00 : f32
    %broadcast_in_dim3A_26 = vector.broadcast %broadcast_in_dim3A_25 : f32 to vector<1024x1xf32>
    %eq3A_27 = arith.constant 0 : i32
    %eq3A_28 = arith.cmpi eq, %arg0, %eq3A_27 : i32
    %convert_element_type3A_29 = arith.extui %eq3A_28 : i1 to i32
    %cond3A = arith.constant 0 : i32
    %cond3A_30 = arith.cmpi ne, %convert_element_type3A_29, %cond3A : i32
    scf.if %cond3A_30 {
      %broadcast_in_dim3A_52 = arith.constant 0.000000e+00 : f32
      %broadcast_in_dim3A_53 = vector.broadcast %broadcast_in_dim3A_52 : f32 to vector<64x256xf32>
      %swap3A_54 = arith.constant 0 : index
      %swap3A_55 = arith.constant 0 : index
      %swap3A_56 = vector.load %arg7[%swap3A_54, %swap3A_55] : memref<64x256xf32, #tpu.memory_space<vmem>>, vector<64x256xf32>
      tpu.vector_store %arg7[%swap3A_54, %swap3A_55], %broadcast_in_dim3A_53 {strides = array<i32>} : memref<64x256xf32, #tpu.memory_space<vmem>>, vector<64x256xf32>,
      %broadcast_in_dim3A_57 = arith.constant 0.000000e+00 : f32
      %broadcast_in_dim3A_58 = vector.broadcast %broadcast_in_dim3A_57 : f32 to vector<64x1xf32>
      %swap3A_59 = arith.constant 0 : index
      %swap3A_60 = arith.constant 0 : index
      %swap3A_61 = vector.load %arg8[%swap3A_59, %swap3A_60] : memref<64x1xf32, #tpu.memory_space<vmem>>, vector<64x1xf32>
      tpu.vector_store %arg8[%swap3A_59, %swap3A_60], %broadcast_in_dim3A_58 {strides = array<i32>} : memref<64x1xf32, #tpu.memory_space<vmem>>, vector<64x1xf32>,
    } else {
    }
    %get3A_31 = arith.constant 0 : index
    %get3A_32 = arith.constant 0 : index
    %get3A_33 = vector.load %arg7[%get3A_31, %get3A_32] : memref<64x256xf32, #tpu.memory_space<vmem>>, vector<64x256xf32>
    %dot_general3A = arith.constant dense<0.000000e+00> : vector<64x256xf32>
    %dot_general3A_34 = tpu.matmul %convert_element_type3A_24, %add3A_15, %dot_general3A {dimension_numbers = #tpu.dot_dimension_numbers<[0], [0], [1], [1], [0, 1, 1, 1], [], []>, transpose_lhs_hint = false} : vector<1024x64xf32>, vector<1024x256xf32>, vector<64x256xf32> -> vector<64x256xf32>
    %add3A_35 = arith.addf %get3A_33, %dot_general3A_34 : vector<64x256xf32>
    %swap3A = arith.constant 0 : index
    %swap3A_36 = arith.constant 0 : index
    %swap3A_37 = vector.load %arg7[%swap3A, %swap3A_36] : memref<64x256xf32, #tpu.memory_space<vmem>>, vector<64x256xf32>
    tpu.vector_store %arg7[%swap3A, %swap3A_36], %add3A_35 {strides = array<i32>} : memref<64x256xf32, #tpu.memory_space<vmem>>, vector<64x256xf32>,
    %get3A_38 = arith.constant 0 : index
    %get3A_39 = arith.constant 0 : index
    %get3A_40 = vector.load %arg8[%get3A_38, %get3A_39] : memref<64x1xf32, #tpu.memory_space<vmem>>, vector<64x1xf32>
    %dot_general3A_41 = arith.constant dense<0.000000e+00> : vector<64x1xf32>
    %dot_general3A_42 = tpu.matmul %convert_element_type3A_24, %broadcast_in_dim3A_26, %dot_general3A_41 {dimension_numbers = #tpu.dot_dimension_numbers<[0], [0], [1], [1], [0, 1, 1, 1], [], []>, transpose_lhs_hint = false} : vector<1024x64xf32>, vector<1024x1xf32>, vector<64x1xf32> -> vector<64x1xf32>
    %add3A_43 = arith.addf %get3A_40, %dot_general3A_42 : vector<64x1xf32>
    %swap3A_44 = arith.constant 0 : index
    %swap3A_45 = arith.constant 0 : index
    %swap3A_46 = vector.load %arg8[%swap3A_44, %swap3A_45] : memref<64x1xf32, #tpu.memory_space<vmem>>, vector<64x1xf32>
    tpu.vector_store %arg8[%swap3A_44, %swap3A_45], %add3A_43 {strides = array<i32>} : memref<64x1xf32, #tpu.memory_space<vmem>>, vector<64x1xf32>,
    %eq3A_47 = arith.constant 9 : i32
    %eq3A_48 = arith.cmpi eq, %arg0, %eq3A_47 : i32
    %convert_element_type3A_49 = arith.extui %eq3A_48 : i1 to i32
    %cond3A_50 = arith.constant 0 : i32
    %cond3A_51 = arith.cmpi ne, %convert_element_type3A_49, %cond3A_50 : i32
    scf.if %cond3A_51 {
      %get3A_52 = arith.constant 0 : index
      %get3A_53 = arith.constant 0 : index
      %get3A_54 = vector.load %arg7[%get3A_52, %get3A_53] : memref<64x256xf32, #tpu.memory_space<vmem>>, vector<64x256xf32>
      %get3A_55 = arith.constant 0 : index
      %get3A_56 = arith.constant 0 : index
      %get3A_57 = vector.load %arg8[%get3A_55, %get3A_56] : memref<64x1xf32, #tpu.memory_space<vmem>>, vector<64x1xf32>
      %max3A = arith.constant 1.000000e+00 : f32
      %max3A_58 = vector.broadcast %max3A : f32 to vector<64x1xf32>
      %max3A_59 = arith.maximumf %get3A_57, %max3A_58 : vector<64x1xf32>
      %div3A = vector.broadcast %max3A_59 : vector<64x1xf32> to vector<64x256xf32>
      %div3A_60 = arith.divf %get3A_54, %div3A : vector<64x256xf32>
      %swap3A_61 = arith.constant 0 : index
      %swap3A_62 = arith.constant 0 : index
      %swap3A_63 = vector.load %arg6[%swap3A_61, %swap3A_62] : memref<64x256xf32, #tpu.memory_space<vmem>>, vector<64x256xf32>
      tpu.vector_store %arg6[%swap3A_61, %swap3A_62], %div3A_60 {strides = array<i32>} : memref<64x256xf32, #tpu.memory_space<vmem>>, vector<64x256xf32>,
    } else {
    }
    return
  }
  func.func @transform_0(%arg0: i32) -> (i32, i32) {
    %c0_i32 = arith.constant 0 : i32
    %c0_i32_0 = arith.constant 0 : i32
    return %arg0, %c0_i32 : i32, i32
  }
  func.func @transform_1(%arg0: i32) -> (i32, i32) {
    %c0_i32 = arith.constant 0 : i32
    %c0_i32_0 = arith.constant 0 : i32
    return %arg0, %c0_i32 : i32, i32
  }
  func.func @transform_2(%arg0: i32) -> (i32, i32) {
    %c0_i32 = arith.constant 0 : i32
    %c0_i32_0 = arith.constant 0 : i32
    return %arg0, %c0_i32 : i32, i32
  }
  func.func @transform_3(%arg0: i32) -> (i32, i32) {
    %c0_i32 = arith.constant 0 : i32
    %c0_i32_0 = arith.constant 0 : i32
    return %c0_i32, %arg0 : i32, i32
  }
  func.func @transform_4(%arg0: i32) -> (i32, i32, i32) {
    %c0_i32 = arith.constant 0 : i32
    %c0_i32_0 = arith.constant 0 : i32
    %c0_i32_1 = arith.constant 0 : i32
    return %arg0, %c0_i32, %c0_i32_0 : i32, i32, i32
  }
  func.func @transform_5(%arg0: i32) -> (i32, i32) {
    %c0_i32 = arith.constant 0 : i32
    %c0_i32_0 = arith.constant 0 : i32
    %c0_i32_1 = arith.constant 0 : i32
    return %c0_i32, %c0_i32_0 : i32, i32
  }
}

</mosaic_0001>

<sc_bundles>
// kernel: kernel.11.cloned.1.call-start
scs
__scs_entry_jumppad:
0x0: {  	(pc) =	sbr.rel $0x88, $3  }
0x1: {  	(tag) =	ssettag $0x0;
	lr =	simm.s32 $0x1  }
0x2: {  	[smem:$0x3F9A] =	sst lr;
	_ =	strace $0xD0000000  }
0x3: {  	_ = 	snop  }
0x4: {  	_ = 	snop  }
0x5: {  	_ = 	snop  }
0x6: {  	_ = 	snop  }
0x7: {  	_ = 	snop  }
__scs_overlays_trampoline_lowered:
0x8: {  	[smem:$0x3FA9] =	sst s0  }
0x9: {  	[smem:$0x3FAA] =	sst s1  }
0xa: {  	[smem:$0x3FAB] =	sst s2  }
0xb: {  	[smem:$0x3FAC] =	sst s3  }
0xc: {  	[smem:$0x3FAD] =	sst s4  }
0xd: {  	[smem:$0x3FAE] =	sst s5  }
0xe: {  	[smem:$0x3FAF] =	sst s6  }
0xf: {  	[smem:$0x3FB0] =	sst s7  }
0x10: {  	[smem:$0x3FB1] =	sst s8  }
0x11: {  	[smem:$0x3FB2] =	sst s9;
	s0 =	simm.s32 @!p0 $0x0  }
0x12: {  	s1 =	sld [smem:$0x3F98];
	s0 =	simm.s32 @p0 $0x1  }
0x13: {  	[smem:$0x3FB3] =	sst s0;
	s0 =	simm.s32 @!p1 $0x0  }
0x14: {  	s2 =	sld [smem:$0x3F97];
	s0 =	simm.s32 @p1 $0x1  }
0x15: {  	[smem:$0x3FB4] =	sst s0;
	s0 =	simm.s32 @!p2 $0x0  }
0x16: {  	s3 =	sld [smem:$0x3FDB];
	s0 =	simm.s32 @p2 $0x1  }
0x17: {  	s4 =	simm.s32 $0x1BF5;
	[smem:$0x3FB6] =	sst s0  }
0x18: {  	s0 =	sld [smem:$0x3F99];
	_ =	swait.ge [sflag:s4], $0x0  }
0x19: {  	s7 =	sld [smem:$0x3F9A]  }
0x1a: {  	s8 =	sadd.s32 $0xFFFFE003, lr  }
0x1b: {  	s9 =	sadd.s32 $0xFFFFFEF7, lr;
	s5 =	simm.s32 $0xFFFFFFFF;
	p2 =	slt.u32 s8, $0xFFFFF086  }
0x1c: {  	p1 =	slt.u32 s9, $0xF7A;
	s5 =	simm.s32 @!p2 $0x0  }
0x1d: {  	s5 =	simm.s32 @p1 $0x1;
	p0 =	seq.s32 s7, s2  }
0x1e: {  	s7 =	smul.u32 @!p0 $0xF7A, s2;
	p2 =	seq.s32 @!p0 s5, $0x0  }
0x1f: {  	s9 =	smul.u32 $0xF7A, s1;
	s8 =	simm.s32 @!p0 $0x1BF5;
	p2 =	por !p2, p0  }
0x20: {  	[sflag:s8] =	ssyncset.s32 @!p0 $0xFFFFF086;
	s6 =	sadd.s32 @!p0 s3, s7;
	s7 =	simm.s32 @!p0 $0x108  }
0x21: {  	s3 =	sadd.s32 s3, s9;
	s6 =	sadd.s32 @!p0 $0x88, s6;
	s7 =	simm.s32 @p2 $0x1082  }
0x22: {  	[simem:s7], [sflag:s8] =	dma.local @!p0 [hbm:s6], $0xF7A  }
0x23: {  	s9 =	sor.u32 $0xD0000000, s2;
	s6 =	simm.s32 $0x108;
	_ =	swait.ge @!p0 [sflag:s8], $0x0  }
0x24: {  	s3 =	sadd.s32 $0x88, s3;
	s6 =	simm.s32 @!p1 $0x1082;
	[sflag:s4] =	ssyncset.s32 $0xFFFFF086  }
0x25: {  	[simem:s6], [sflag:s4] =	dma.local [hbm:s3], $0xF7A  }
0x26: {  	[smem:$0x3F9A] =	sst s1;
	(tag) =	ssettag s2;
	_ =	strace s9  }
0x27: {  	s1 =	sld [smem:$0x3FAA]  }
0x28: {  	s2 =	sld [smem:$0x3FAB]  }
0x29: {  	s4 =	sld [smem:$0x3FAD]  }
0x2a: {  	p0 =	seq.s32 s5, $0x0;
	s5 =	sld [smem:$0x3FAE]  }
0x2b: {  	s6 =	sld [smem:$0x3FAF]  }
0x2c: {  	s7 =	sld [smem:$0x3FB0]  }
0x2d: {  	s3 =	simm.s32 $0x108;
	s8 =	sld [smem:$0x3FB1]  }
0x2e: {  	s3 =	simm.s32 @!p0 $0x1082;
	s9 =	sld [smem:$0x3FB2]  }
0x2f: {  	lr =	sadd.s32 s0, s3;
	s0 =	sld [smem:$0x3FA9]  }
0x30: {  	s3 =	sld [smem:$0x3FAC]  }
0x31: {  	[smem:$0x3FB5] =	sst s10  }
0x32: {  	s10 =	sld [smem:$0x3FB3];
	_ =	sdelay $0x3  }
0x33: {  	p0 =	seq.s32 s10, $0x1;
	s10 =	sld [smem:$0x3FB5];
	_ =	sdelay $0x3  }
0x34: {  	[smem:$0x3FB5] =	sst s10  }
0x35: {  	s10 =	sld [smem:$0x3FB4];
	_ =	sdelay $0x3  }
0x36: {  	p1 =	seq.s32 s10, $0x1;
	s10 =	sld [smem:$0x3FB5];
	_ =	sdelay $0x3  }
0x37: {  	[smem:$0x3FB5] =	sst s10  }
0x38: {  	s10 =	sld [smem:$0x3FB6]  }
0x39: {  	_ = 	snop;
	(pc) =	sbr.ind lr, $3  }
0x3a: {  	_ = 	snop  }
0x3b: {  	_ = 	snop  }
0x3c: {  	p2 =	seq.s32 s10, $0x1;
	s10 =	sld [smem:$0x3FB5]  }
0x3d: {  	_ =	shalt  }
0x3e: {  	_ =	shalt  }
0x3f: {  	_ =	shalt  }
0x40: {  	_ =	shalt  }
0x41: {  	_ =	shalt  }
0x42: {  	_ =	shalt  }
0x43: {  	_ =	shalt  }
0x44: {  	_ =	shalt  }
0x45: {  	_ =	shalt  }
0x46: {  	_ =	shalt  }
0x47: {  	_ =	shalt  }
0x48: {  	_ =	shalt  }
0x49: {  	_ =	shalt  }
0x4a: {  	_ =	shalt  }
0x4b: {  	_ =	shalt  }
0x4c: {  	_ =	shalt  }
0x4d: {  	_ =	shalt  }
0x4e: {  	_ =	shalt  }
0x4f: {  	_ =	shalt  }
0x50: {  	_ =	shalt  }
0x51: {  	_ =	shalt  }
0x52: {  	_ =	shalt  }
0x53: {  	_ =	shalt  }
0x54: {  	_ =	shalt  }
0x55: {  	_ =	shalt  }
0x56: {  	_ =	shalt  }
0x57: {  	_ =	shalt  }
0x58: {  	_ =	shalt  }
0x59: {  	_ =	shalt  }
0x5a: {  	_ =	shalt  }
0x5b: {  	_ =	shalt  }
0x5c: {  	_ =	shalt  }
0x5d: {  	_ =	shalt  }
0x5e: {  	_ =	shalt  }
0x5f: {  	_ =	shalt  }
0x60: {  	_ =	shalt  }
0x61: {  	_ =	shalt  }
0x62: {  	_ =	shalt  }
0x63: {  	_ =	shalt  }
0x64: {  	_ =	shalt  }
0x65: {  	_ =	shalt  }
0x66: {  	_ =	shalt  }
0x67: {  	_ =	shalt  }
0x68: {  	_ =	shalt  }
0x69: {  	_ =	shalt  }
0x6a: {  	_ =	shalt  }
0x6b: {  	_ =	shalt  }
0x6c: {  	_ =	shalt  }
0x6d: {  	_ =	shalt  }
0x6e: {  	_ =	shalt  }
0x6f: {  	_ =	shalt  }
0x70: {  	_ =	shalt  }
0x71: {  	_ =	shalt  }
0x72: {  	_ =	shalt  }
0x73: {  	_ =	shalt  }
0x74: {  	_ =	shalt  }
0x75: {  	_ =	shalt  }
0x76: {  	_ =	shalt  }
0x77: {  	_ =	shalt  }
0x78: {  	_ =	shalt  }
0x79: {  	_ =	shalt  }
0x7a: {  	_ =	shalt  }
0x7b: {  	_ =	shalt  }
0x7c: {  	_ =	shalt  }
0x7d: {  	_ =	shalt  }
0x7e: {  	_ =	shalt  }
0x7f: {  	_ =	shalt  }
0x80: {  	_ =	shalt  }
0x81: {  	_ =	shalt  }
0x82: {  	_ =	shalt  }
0x83: {  	_ =	shalt  }
0x84: {  	_ =	shalt  }
0x85: {  	_ =	shalt  }
0x86: {  	_ =	shalt  }
0x87: {  	_ =	shalt  }
.Lfunc_end0:
.L_simem_size_0:
called_computation.1_lowered:
.L_overlay_start_0:
0x88: {  	s2 =	sld [smem:$0x3FD9]  }
0x89: {  	s3 =	sld [smem:$0x3FFE];
	_ =	sdelay $0x1  }
0x8a: {  	s1 =	srdreg.scid  }
0x8b: {  	s0 =	sand.u32 $0x1, s1  }
0x8c: {  	s16 =	sshll.u32 s0, $0xA;
	s2 =	sadd.s32 s3, s2  }
0x8d: {  	s2 =	sadd.s32 s2, s16  }
0x8e: {  	[smem:$0x3FC1] =	sst s2  }
0x8f: {  	_ = 	snop  }
0x90: {  	(tm) =	ssettm $0x1  }
0x91: {  	s17 =	sld [smem:$0x3FFB];
	_ =	sdelay $0x3  }
0x92: {  	_ =	strace s17  }
0x93: {  	s2 =	sld [smem:$0x3FFC];
	_ =	sdelay $0x3  }
0x94: {  	_ =	strace s2  }
0x95: {  	s2 =	sld [smem:$0x3FFD];
	_ =	sdelay $0x3  }
0x96: {  	_ =	strace s2  }
0x97: {  	_ =	strace $0x8FFFFFFF  }
0x98: {  	s18 =	sld [smem:$0x3FDB];
	_ =	sdelay $0x1  }
0x99: {  	s19 =	simm.s32 $_scs_section_size  }
0x9a: {  	s4 =	simm.s32 $_size__tile_overlayer_lowered;
	s5 =	simm.s32 $_tile_overlayer_lowered  }
0x9b: {  	s22 =	simm.s32 $0x1BFF;
	s21 =	sshll.u32 s5, $0x1;
	s2 =	sadd.s32 s19, s18  }
0x9c: {  	s6 =	simm.s32 $0x0;
	s20 =	sshll.u32 s4, $0x1;
	s4 =	sadd.s32 s21, s2  }
0x9d: {  	[timem:s6], [sflag:s22] =	dma.local [hbm:s4], s20  }
0x9e: {  	_ =	swait.ge [sflag:s22], s20  }
0x9f: {  	s3 =	ssub.s32 $0x0, s20;
	[sflag:s22] =	ssyncset.done $0x0  }
0xa0: {  	[sflag:s22] =	ssyncadd.s32 s3;
	_ =	sdelay $0x1  }
0xa1: {  	s23 =	simm.s32 $0x1B8B  }
0xa2: {  	_ =	swait.ge [sflag:s23], $0x1  }
0xa3: {  	[sflag:s23] =	ssyncset.done $0x0  }
0xa4: {  	s25 =	simm.s32 $0x1B8E;
	s24 =	sld [smem:$0x3FFE];
	[sflag:s23] =	ssyncadd.s32 $0xFFFFFFFF  }
0xa5: {  	s26 =	simm.s32 $execute0_lowered;
	[smem:$0x3FD2] =	sst s25  }
0xa6: {  	s4 =	sshll.u32 s26, $0x1;
	_ =	strace $0x80000049;
	[dreg:$0x1] =	wrdreg $0xFFFFFFFF  }
0xa7: {  	s28 =	simm.s32 $_size_execute0_lowered;
	s2 =	sadd.s32 s2, s4;
	[dreg:$0x0] =	wrdreg $0x0  }
0xa8: {  	s4 =	sshll.u32 s28, $0x1;
	[dreg:$0x2] =	wrdreg s2  }
0xa9: {  	[dreg:$0x3] =	wrdreg s4  }
0xaa: {  	[dreg:$0x4] =	wrdreg $0xC0  }
0xab: {  	_ =	task [dreg:s6], $0x5FFFF  }
0xac: {  	[dreg:$0x1] =	wrdreg $0xFFFFFFFF  }
0xad: {  	[dreg:$0x0] =	wrdreg $0x60  }
0xae: {  	[dreg:$0x2] =	wrdreg s24  }
0xaf: {  	[dreg:$0x3] =	wrdreg $0xA8000  }
0xb0: {  	[dreg:$0x4] =	wrdreg $0x9  }
0xb1: {  	_ =	task.clear_ibuf [dreg:s6], $0x5FFFF;
	_ =	strace $0x90000049  }
0xb2: {  	s29 =	simm.s32 $0x9;
	_ =	strace $0x8000004B  }
0xb3: {  	_ =	swait.ge [sflag:s29], $0x1  }
0xb4: {  	[sflag:s29] =	ssyncadd.s32 $0xFFFFFFFF  }
0xb5: {  	_ =	strace $0x9000004B  }
0xb6: {  	_ =	sfence  }
0xb7: {  	s30 =	sld [smem:$0x0];
	_ =	sdelay $0x2  }
0xb8: {  	s31 =	sshll.u32 s1, $0xD;
	s1 =	sshrl.u32 s1, $0x2  }
0xb9: {  	s3 =	sand.u32 $0x4000, s31;
	s1 =	sadd.s32 s1, s30  }
0xba: {  	s0 =	sor.u32 s3, s0;
	s1 =	sshll.u32 s1, $0x11  }
0xbb: {  	s0 =	sor.u32 s1, s0  }
0xbc: {  	s0 =	sadd.s32 $0x8F2B, s0  }
0xbd: {  	[sflag:s0] =	ssyncadd.remote.s32 $0x1  }
0xbe: {  	_ =	sfence.sel $0xFFFF  }
0xbf: {  	[dreg:$0x0] =	wrdreg $0xFFFFFFFF;
	(pc) =	sbr.abs _section_cstart, $3  }
0xc0: {  	[dreg:$0x1] =	wrdreg $0xFFFFFFFF  }
0xc1: {  	_ =	task.clear_ibuf [dreg:s6], $0x2FFFF;
	_ =	strace $0x9FFFFFFF  }
0xc2: {  	(tm) =	ssettm $0x7FFFFFFF  }
0xc3: {  	_ =	shalt  }
tec
execute0_lowered:
.L_overlay_start_1:
0x0: {  	(tag) =	ssettag $0x1  }
0x1: {  	s0 =	rddreg [dreg:$0x0]  }
0x2: {  	s2 =	rddreg [dreg:$0x1];
	s3 =	simm.s32 $0x0  }
0x3: {  	s10 =	stileid.u32;
	s6 =	srdreg.scid;
	s14 =	simm.s32 $0x7  }
0x4: {  	s15 =	simm.s32 $0x1800;
	s16 =	simm.s32 $0x50;
	s17 =	simm.s32 $0x3000  }
0x5: {  	s18 =	simm.s32 $0x80;
	s19 =	simm.s32 $0x5800;
	s28 =	simm.s32 $0x1900  }
0x6: {  	s29 =	simm.s32 $0x8000;
	s30 =	simm.s32 $0x5;
	s31 =	simm.s32 $0x6  }
0x7: {  	[smem:$0x7FF] =	sst s3;
	s1 =	smul.u32 $0x900, s10;
	s4 =	sadd.s32 $0x74C00, s0  }
0x8: {  	s5 =	sadd.s32 $0x9CC00, s0;
	s6 =	sand.u32 $0x1, s6;
	s8 =	smul.u32 $0x50000, s10  }
0x9: {  	s7 =	sadd.s32 $0x3C00, s0;
	s13 =	sadd.s32 $0xC4C00, s0;
	s25 =	smul.u32 $0x2800, s10  }
0xa: {  	s26 =	sshll.u32 s10, $0x6;
	_ =	strace $0x8000004A;
	[dreg:$0x3] =	wrdreg s7  }
0xb: {  	s20 =	ssub.s32 $0x2, s6;
	p0 =	seq.s32 s6, $0x0;
	s11 =	smov.u32 s5  }
0xc: {  	s1 =	sadd.s32 s1, s0;
	s0 =	sadd.s32 $0xECC00, s0;
	s9 =	sshrl.u32 s20, $0x1  }
0xd: {  	s22 =	sshrl.u32 s8, $0x2;
	s11 =	smov.u32 @p0 s4;
	s7 =	ssub.s32 s20, s9  }
0xe: {  	s21 =	sadd.s32 $0x1BC00, s1;
	s8 =	sadd.s32 $0x12C00, s1;
	s23 =	sadd.s32 s22, s2  }
0xf: {  	s24 =	sadd.s32 $0x1BF00, s1;
	s1 =	sadd.s32 $0x1C200, s1;
	s0 =	smov.u32 @p0 s13  }
.Ltmp0:
0x10: {  	s20 =	sor.u32 $0x1C07, s26;
	[dreg:$0x4] =	wrdreg s21;
	(pc) =	sbr.rel .LBB2_1-.Ltmp0, $4  }
0x11: {  	s22 =	simm.s32 $0x1;
	s26 =	simm.s32 $0x3;
	[dreg:$0x5] =	wrdreg s24  }
0x12: {  	[dreg:$0x6] =	wrdreg s1;
	s12 =	smax.u32 s7, $0x1;
	s13 =	sadd.s32 s0, s25  }
0x13: {  	s21 =	sshrl.u32 s23, $0x3;
	s23 =	simm.s32 $0x2;
	s24 =	simm.s32 $0x1880  }
0x14: {  	s25 =	simm.s32 $0x4;
	s0 =	simm.s32 $0x2C80;
	s1 =	simm.s32 $0x0  }
.LBB2_10:
0x15: {  	_ =	swait.ge [sflag:s26], $0x2800  }
0x16: {  	[sflag:s26] =	ssyncset.done $0x0  }
0x17: {  	[sflag:s26] =	ssyncadd.s32 $0xFFFFD800  }
0x18: {  	[spmem:s2] =	stream.indirect.scatter.add.f32 [tilespmem:s29], [sflag:$0x6], $0x80, s0, s16, $0xb8;
	[tilespmem:$0x1E800] =	vst v63  }
0x19: {  	_ =	swait.ge [sflag:s25], $0x2800  }
0x1a: {  	[sflag:s25] =	ssyncset.done $0x0  }
0x1b: {  	[sflag:s25] =	ssyncadd.s32 $0xFFFFD800  }
0x1c: {  	_ =	swait.ge [sflag:s30], $0x2800  }
0x1d: {  	[sflag:s30] =	ssyncset.done $0x0  }
0x1e: {  	[sflag:s30] =	ssyncadd.s32 $0xFFFFD800  }
0x1f: {  	_ =	swait.ge [sflag:s31], $0x2800  }
0x20: {  	s1 =	sadd.s32 $0x1, s1;
	[sflag:s31] =	ssyncset.done $0x0  }
0x21: {  	p1 =	sne.s32 s1, s12;
	[sflag:s31] =	ssyncadd.s32 $0xFFFFD800  }
.Ltmp1:
0x22: {  	[bflag:$0x0] =	sbarrier.arrive $0xFFFF;
	(pc) =	sbr.rel @!p1 .LBB2_11-.Ltmp1, $4  }
0x23: {  	[hbm:s13], [sflag:s20] =	dma.local [spmem:s21], $0x2800  }
0x24: {  	_ =	swait.ge [sflag:s14], $0x2800  }
0x25: {  	[sflag:s14] =	ssyncset.done $0x0  }
0x26: {  	[sflag:s14] =	ssyncadd.s32 $0xFFFFD800  }
.LBB2_1:
0x27: {  	s6 =	rddreg [dreg:$0x4]  }
0x28: {  	[tilespmem:s3], [sflag:$0x7] =	stream.linear.gather [hbm4b:s6+s3], $0x1500, $0x38;
	[tilespmem:$0x1E800] =	vst v63  }
0x29: {  	_ =	swait.ge [sflag:s14], $0x1500  }
0x2a: {  	[sflag:s14] =	ssyncset.done $0x0  }
0x2b: {  	[sflag:s14] =	ssyncadd.s32 $0xFFFFEB00  }
0x2c: {  	[tilespmem:s15], [sflag:$0x7] =	stream.linear.gather [hbm4b:s8+s3], $0x1500, $0x38;
	[tilespmem:$0x1E800] =	vst v63  }
0x2d: {  	_ =	swait.ge [sflag:s14], $0x1500  }
0x2e: {  	[sflag:s14] =	ssyncset.done $0x0  }
0x2f: {  	[sflag:s14] =	ssyncadd.s32 $0xFFFFEB00  }
0x30: {  	[tilespmem:s17], [sflag:$0x1] =	stream.indirect.gather [hbm4b:s11+s16], $0x80, s3, s16, $0xb8;
	[tilespmem:$0x1E800] =	vst v63  }
0x31: {  	s10 =	rddreg [dreg:$0x3]  }
0x32: {  	[tilespmem:s19], [sflag:$0x2] =	stream.indirect.gather [hbm4b:s11+s16], $0x80, s18, s16, $0xb8;
	[tilespmem:$0x1E800] =	vst v63  }
0x33: {  	[spmem:s21], [sflag:s20] =	dma.local [hbm:s10], $0x2800  }
0x34: {  	_ =	swait.ge [sflag:s14], $0x2800  }
0x35: {  	[sflag:s14] =	ssyncset.done $0x0  }
0x36: {  	[sflag:s14] =	ssyncadd.s32 $0xFFFFD800  }
0x37: {  	[bflag:$0x0] =	sbarrier.arrive $0xFFFF  }
0x38: {  	_ =	swait.ge [sflag:s22], $0x2800  }
0x39: {  	[sflag:s22] =	ssyncset.done $0x0  }
0x3a: {  	[sflag:s22] =	ssyncadd.s32 $0xFFFFD800  }
0x3b: {  	[spmem:s2] =	stream.indirect.scatter.add.f32 [tilespmem:s17], [sflag:$0x4], $0x80, s15, s16, $0xb8;
	[tilespmem:$0x1E800] =	vst v63  }
0x3c: {  	s7 =	simm.s32 @p0 $0x100;
	s9 =	simm.s32 @p0 $0x8000;
	s6 =	simm.s32 @p0 $0x50  }
0x3d: {  	[tilespmem:s9], [sflag:$0x3] =	stream.indirect.gather @p0 [hbm4b:s4+s6], $0x80, s7, s6, $0xb8;
	[tilespmem:$0x1E800] =	vst v63  }
0x3e: {  	s10 =	simm.s32 @!p0 $0x8000;
	s7 =	simm.s32 @!p0 $0x50;
	s9 =	simm.s32 @!p0 $0x100  }
0x3f: {  	[tilespmem:s10], [sflag:$0x3] =	stream.indirect.gather @!p0 [hbm4b:s5+s7], $0x80, s9, s7, $0xb8;
	[tilespmem:$0x1E800] =	vst v63  }
0x40: {  	_ =	swait.ge [sflag:s23], $0x2800  }
0x41: {  	[sflag:s23] =	ssyncset.done $0x0  }
0x42: {  	[sflag:s23] =	ssyncadd.s32 $0xFFFFD800  }
0x43: {  	[spmem:s2] =	stream.indirect.scatter.add.f32 [tilespmem:s19], [sflag:$0x5], $0x80, s24, s16, $0xb8;
	[tilespmem:$0x1E800] =	vst v63  }
0x44: {  	_ =	swait.ge [sflag:s25], $0x2800  }
0x45: {  	[sflag:s25] =	ssyncset.done $0x0  }
0x46: {  	s9 =	simm.s32 @p0 $0x180;
	s10 =	simm.s32 @p0 $0x3000;
	[sflag:s25] =	ssyncadd.s32 $0xFFFFD800  }
0x47: {  	[tilespmem:s10], [sflag:$0x1] =	stream.indirect.gather @p0 [hbm4b:s4+s6], $0x80, s9, s6, $0xb8;
	[tilespmem:$0x1E800] =	vst v63  }
0x48: {  	s9 =	simm.s32 @!p0 $0x180;
	s10 =	simm.s32 @!p0 $0x3000  }
0x49: {  	[tilespmem:s10], [sflag:$0x1] =	stream.indirect.gather @!p0 [hbm4b:s5+s7], $0x80, s9, s7, $0xb8;
	[tilespmem:$0x1E800] =	vst v63  }
0x4a: {  	_ =	swait.ge [sflag:s26], $0x2800  }
0x4b: {  	[sflag:s26] =	ssyncset.done $0x0  }
0x4c: {  	[sflag:s26] =	ssyncadd.s32 $0xFFFFD800  }
0x4d: {  	[spmem:s2] =	stream.indirect.scatter.add.f32 [tilespmem:s29], [sflag:$0x6], $0x80, s28, s16, $0xb8;
	[tilespmem:$0x1E800] =	vst v63  }
0x4e: {  	_ =	swait.ge [sflag:s30], $0x2800  }
0x4f: {  	[sflag:s30] =	ssyncset.done $0x0  }
0x50: {  	s9 =	simm.s32 @p0 $0x200;
	s10 =	simm.s32 @p0 $0x5800;
	[sflag:s30] =	ssyncadd.s32 $0xFFFFD800  }
0x51: {  	[tilespmem:s10], [sflag:$0x2] =	stream.indirect.gather @p0 [hbm4b:s4+s6], $0x80, s9, s6, $0xb8;
	[tilespmem:$0x1E800] =	vst v63  }
0x52: {  	s6 =	simm.s32 @!p0 $0x200;
	s9 =	simm.s32 @!p0 $0x5800  }
0x53: {  	[tilespmem:s9], [sflag:$0x2] =	stream.indirect.gather @!p0 [hbm4b:s5+s7], $0x80, s6, s7, $0xb8;
	[tilespmem:$0x1E800] =	vst v63  }
0x54: {  	s6 =	simm.s32 $0x0  }
.LBB2_2:
0x55: {  	_ =	swait.ge [sflag:s22], $0x2800  }
0x56: {  	s7 =	sshra.s32 s6, $0x2;
	[sflag:s22] =	ssyncset.done $0x0  }
0x57: {  	s9 =	sadd.s32 $0x1980, s7;
	[sflag:s22] =	ssyncadd.s32 $0xFFFFD800  }
0x58: {  	[spmem:s2] =	stream.indirect.scatter.add.f32 [tilespmem:s17], [sflag:$0x4], $0x80, s9, s16, $0xb8;
	[tilespmem:$0x1E800] =	vst v63  }
0x59: {  	_ =	swait.ge [sflag:s31], $0x2800  }
0x5a: {  	[sflag:s31] =	ssyncset.done $0x0  }
0x5b: {  	p1 =	seq.s32 s6, $0x4800;
	s10 =	sadd.s32 $0x280, s7;
	[sflag:s31] =	ssyncadd.s32 $0xFFFFD800  }
0x5c: {  	[tilespmem:s29], [sflag:$0x3] =	stream.indirect.gather [hbm4b:s11+s16], $0x80, s10, s16, $0xb8;
	[tilespmem:$0x1E800] =	vst v63  }
.Ltmp2:
0x5d: {  	_ = 	snop;
	(pc) =	sbr.rel @p1 .LBB2_4-.Ltmp2, $4  }
0x5e: {  	_ =	swait.ge [sflag:s23], $0x2800  }
0x5f: {  	[sflag:s23] =	ssyncset.done $0x0  }
0x60: {  	s10 =	sadd.s32 $0x1A00, s7;
	[sflag:s23] =	ssyncadd.s32 $0xFFFFD800  }
0x61: {  	[spmem:s2] =	stream.indirect.scatter.add.f32 [tilespmem:s19], [sflag:$0x5], $0x80, s10, s16, $0xb8;
	[tilespmem:$0x1E800] =	vst v63  }
0x62: {  	_ =	swait.ge [sflag:s25], $0x2800  }
0x63: {  	[sflag:s25] =	ssyncset.done $0x0  }
0x64: {  	s9 =	sadd.s32 $0x300, s7;
	[sflag:s25] =	ssyncadd.s32 $0xFFFFD800  }
0x65: {  	[tilespmem:s17], [sflag:$0x1] =	stream.indirect.gather [hbm4b:s11+s16], $0x80, s9, s16, $0xb8;
	[tilespmem:$0x1E800] =	vst v63  }
0x66: {  	_ =	swait.ge [sflag:s26], $0x2800  }
0x67: {  	[sflag:s26] =	ssyncset.done $0x0  }
0x68: {  	s10 =	sadd.s32 $0x1A80, s7;
	[sflag:s26] =	ssyncadd.s32 $0xFFFFD800  }
0x69: {  	[spmem:s2] =	stream.indirect.scatter.add.f32 [tilespmem:s29], [sflag:$0x6], $0x80, s10, s16, $0xb8;
	[tilespmem:$0x1E800] =	vst v63  }
.Ltmp3:
0x6a: {  	_ = 	snop;
	(pc) =	sbr.rel .LBB2_2-.Ltmp3, $4  }
0x6b: {  	_ =	swait.ge [sflag:s30], $0x2800  }
0x6c: {  	[sflag:s30] =	ssyncset.done $0x0  }
0x6d: {  	s6 =	sadd.s32 $0x600, s6;
	s10 =	sadd.s32 $0x380, s7;
	[sflag:s30] =	ssyncadd.s32 $0xFFFFD800  }
0x6e: {  	[tilespmem:s19], [sflag:$0x2] =	stream.indirect.gather [hbm4b:s11+s16], $0x80, s10, s16, $0xb8;
	[tilespmem:$0x1E800] =	vst v63  }
.LBB2_4:
0x6f: {  	_ =	swait.ge [sflag:s26], $0x2800  }
0x70: {  	[sflag:s26] =	ssyncset.done $0x0  }
0x71: {  	[sflag:s26] =	ssyncadd.s32 $0xFFFFD800  }
0x72: {  	[spmem:s2] =	stream.indirect.scatter.add.f32 [tilespmem:s29], [sflag:$0x6], $0x80, s0, s16, $0xb8;
	[tilespmem:$0x1E800] =	vst v63  }
0x73: {  	_ =	swait.ge [sflag:s25], $0x2800  }
0x74: {  	[sflag:s25] =	ssyncset.done $0x0  }
0x75: {  	[sflag:s25] =	ssyncadd.s32 $0xFFFFD800  }
0x76: {  	_ =	swait.ge [sflag:s30], $0x2800  }
0x77: {  	[sflag:s30] =	ssyncset.done $0x0  }
0x78: {  	[sflag:s30] =	ssyncadd.s32 $0xFFFFD800  }
0x79: {  	_ =	swait.ge [sflag:s31], $0x2800  }
0x7a: {  	[sflag:s31] =	ssyncset.done $0x0  }
0x7b: {  	s6 =	rddreg [dreg:$0x5];
	[sflag:s31] =	ssyncadd.s32 $0xFFFFD800  }
0x7c: {  	[tilespmem:s3], [sflag:$0x7] =	stream.linear.gather [hbm4b:s6+s3], $0x1500, $0x38;
	[tilespmem:$0x1E800] =	vst v63  }
0x7d: {  	_ =	swait.ge [sflag:s14], $0x1500  }
0x7e: {  	[sflag:s14] =	ssyncset.done $0x0  }
0x7f: {  	s10 =	sadd.s32 $0x300, s8;
	[sflag:s14] =	ssyncadd.s32 $0xFFFFEB00  }
0x80: {  	[tilespmem:s15], [sflag:$0x7] =	stream.linear.gather [hbm4b:s10+s3], $0x1500, $0x38;
	[tilespmem:$0x1E800] =	vst v63  }
0x81: {  	_ =	swait.ge [sflag:s14], $0x1500  }
0x82: {  	[sflag:s14] =	ssyncset.done $0x0  }
0x83: {  	[sflag:s14] =	ssyncadd.s32 $0xFFFFEB00  }
0x84: {  	[tilespmem:s17], [sflag:$0x1] =	stream.indirect.gather [hbm4b:s11+s16], $0x80, s3, s16, $0xb8;
	[tilespmem:$0x1E800] =	vst v63  }
0x85: {  	_ = 	snop  }
0x86: {  	[tilespmem:s19], [sflag:$0x2] =	stream.indirect.gather [hbm4b:s11+s16], $0x80, s18, s16, $0xb8;
	[tilespmem:$0x1E800] =	vst v63  }
0x87: {  	_ =	swait.ge [sflag:s22], $0x2800  }
0x88: {  	[sflag:s22] =	ssyncset.done $0x0  }
0x89: {  	[sflag:s22] =	ssyncadd.s32 $0xFFFFD800  }
0x8a: {  	[spmem:s2] =	stream.indirect.scatter.add.f32 [tilespmem:s17], [sflag:$0x4], $0x80, s15, s16, $0xb8;
	[tilespmem:$0x1E800] =	vst v63  }
0x8b: {  	s7 =	simm.s32 @p0 $0x100;
	s9 =	simm.s32 @p0 $0x8000;
	s6 =	simm.s32 @p0 $0x50  }
0x8c: {  	[tilespmem:s9], [sflag:$0x3] =	stream.indirect.gather @p0 [hbm4b:s4+s6], $0x80, s7, s6, $0xb8;
	[tilespmem:$0x1E800] =	vst v63  }
0x8d: {  	s10 =	simm.s32 @!p0 $0x8000;
	s7 =	simm.s32 @!p0 $0x50;
	s9 =	simm.s32 @!p0 $0x100  }
0x8e: {  	[tilespmem:s10], [sflag:$0x3] =	stream.indirect.gather @!p0 [hbm4b:s5+s7], $0x80, s9, s7, $0xb8;
	[tilespmem:$0x1E800] =	vst v63  }
0x8f: {  	_ =	swait.ge [sflag:s23], $0x2800  }
0x90: {  	[sflag:s23] =	ssyncset.done $0x0  }
0x91: {  	[sflag:s23] =	ssyncadd.s32 $0xFFFFD800  }
0x92: {  	[spmem:s2] =	stream.indirect.scatter.add.f32 [tilespmem:s19], [sflag:$0x5], $0x80, s24, s16, $0xb8;
	[tilespmem:$0x1E800] =	vst v63  }
0x93: {  	_ =	swait.ge [sflag:s25], $0x2800  }
0x94: {  	[sflag:s25] =	ssyncset.done $0x0  }
0x95: {  	s9 =	simm.s32 @p0 $0x180;
	s10 =	simm.s32 @p0 $0x3000;
	[sflag:s25] =	ssyncadd.s32 $0xFFFFD800  }
0x96: {  	[tilespmem:s10], [sflag:$0x1] =	stream.indirect.gather @p0 [hbm4b:s4+s6], $0x80, s9, s6, $0xb8;
	[tilespmem:$0x1E800] =	vst v63  }
0x97: {  	s9 =	simm.s32 @!p0 $0x180;
	s10 =	simm.s32 @!p0 $0x3000  }
0x98: {  	[tilespmem:s10], [sflag:$0x1] =	stream.indirect.gather @!p0 [hbm4b:s5+s7], $0x80, s9, s7, $0xb8;
	[tilespmem:$0x1E800] =	vst v63  }
0x99: {  	_ =	swait.ge [sflag:s26], $0x2800  }
0x9a: {  	[sflag:s26] =	ssyncset.done $0x0  }
0x9b: {  	[sflag:s26] =	ssyncadd.s32 $0xFFFFD800  }
0x9c: {  	[spmem:s2] =	stream.indirect.scatter.add.f32 [tilespmem:s29], [sflag:$0x6], $0x80, s28, s16, $0xb8;
	[tilespmem:$0x1E800] =	vst v63  }
0x9d: {  	_ =	swait.ge [sflag:s30], $0x2800  }
0x9e: {  	[sflag:s30] =	ssyncset.done $0x0  }
0x9f: {  	s9 =	simm.s32 @p0 $0x200;
	s10 =	simm.s32 @p0 $0x5800;
	[sflag:s30] =	ssyncadd.s32 $0xFFFFD800  }
0xa0: {  	[tilespmem:s10], [sflag:$0x2] =	stream.indirect.gather @p0 [hbm4b:s4+s6], $0x80, s9, s6, $0xb8;
	[tilespmem:$0x1E800] =	vst v63  }
0xa1: {  	s6 =	simm.s32 @!p0 $0x200;
	s9 =	simm.s32 @!p0 $0x5800  }
0xa2: {  	[tilespmem:s9], [sflag:$0x2] =	stream.indirect.gather @!p0 [hbm4b:s5+s7], $0x80, s6, s7, $0xb8;
	[tilespmem:$0x1E800] =	vst v63  }
0xa3: {  	s6 =	simm.s32 $0x0  }
.LBB2_5:
0xa4: {  	_ =	swait.ge [sflag:s22], $0x2800  }
0xa5: {  	s7 =	sshra.s32 s6, $0x2;
	[sflag:s22] =	ssyncset.done $0x0  }
0xa6: {  	s9 =	sadd.s32 $0x1980, s7;
	[sflag:s22] =	ssyncadd.s32 $0xFFFFD800  }
0xa7: {  	[spmem:s2] =	stream.indirect.scatter.add.f32 [tilespmem:s17], [sflag:$0x4], $0x80, s9, s16, $0xb8;
	[tilespmem:$0x1E800] =	vst v63  }
0xa8: {  	_ =	swait.ge [sflag:s31], $0x2800  }
0xa9: {  	[sflag:s31] =	ssyncset.done $0x0  }
0xaa: {  	p1 =	seq.s32 s6, $0x4800;
	s10 =	sadd.s32 $0x280, s7;
	[sflag:s31] =	ssyncadd.s32 $0xFFFFD800  }
0xab: {  	[tilespmem:s29], [sflag:$0x3] =	stream.indirect.gather [hbm4b:s11+s16], $0x80, s10, s16, $0xb8;
	[tilespmem:$0x1E800] =	vst v63  }
.Ltmp4:
0xac: {  	_ = 	snop;
	(pc) =	sbr.rel @p1 .LBB2_7-.Ltmp4, $4  }
0xad: {  	_ =	swait.ge [sflag:s23], $0x2800  }
0xae: {  	[sflag:s23] =	ssyncset.done $0x0  }
0xaf: {  	s10 =	sadd.s32 $0x1A00, s7;
	[sflag:s23] =	ssyncadd.s32 $0xFFFFD800  }
0xb0: {  	[spmem:s2] =	stream.indirect.scatter.add.f32 [tilespmem:s19], [sflag:$0x5], $0x80, s10, s16, $0xb8;
	[tilespmem:$0x1E800] =	vst v63  }
0xb1: {  	_ =	swait.ge [sflag:s25], $0x2800  }
0xb2: {  	[sflag:s25] =	ssyncset.done $0x0  }
0xb3: {  	s9 =	sadd.s32 $0x300, s7;
	[sflag:s25] =	ssyncadd.s32 $0xFFFFD800  }
0xb4: {  	[tilespmem:s17], [sflag:$0x1] =	stream.indirect.gather [hbm4b:s11+s16], $0x80, s9, s16, $0xb8;
	[tilespmem:$0x1E800] =	vst v63  }
0xb5: {  	_ =	swait.ge [sflag:s26], $0x2800  }
0xb6: {  	[sflag:s26] =	ssyncset.done $0x0  }
0xb7: {  	s10 =	sadd.s32 $0x1A80, s7;
	[sflag:s26] =	ssyncadd.s32 $0xFFFFD800  }
0xb8: {  	[spmem:s2] =	stream.indirect.scatter.add.f32 [tilespmem:s29], [sflag:$0x6], $0x80, s10, s16, $0xb8;
	[tilespmem:$0x1E800] =	vst v63  }
.Ltmp5:
0xb9: {  	_ = 	snop;
	(pc) =	sbr.rel .LBB2_5-.Ltmp5, $4  }
0xba: {  	_ =	swait.ge [sflag:s30], $0x2800  }
0xbb: {  	[sflag:s30] =	ssyncset.done $0x0  }
0xbc: {  	s6 =	sadd.s32 $0x600, s6;
	s10 =	sadd.s32 $0x380, s7;
	[sflag:s30] =	ssyncadd.s32 $0xFFFFD800  }
0xbd: {  	[tilespmem:s19], [sflag:$0x2] =	stream.indirect.gather [hbm4b:s11+s16], $0x80, s10, s16, $0xb8;
	[tilespmem:$0x1E800] =	vst v63  }
.LBB2_7:
0xbe: {  	_ =	swait.ge [sflag:s26], $0x2800  }
0xbf: {  	[sflag:s26] =	ssyncset.done $0x0  }
0xc0: {  	[sflag:s26] =	ssyncadd.s32 $0xFFFFD800  }
0xc1: {  	[spmem:s2] =	stream.indirect.scatter.add.f32 [tilespmem:s29], [sflag:$0x6], $0x80, s0, s16, $0xb8;
	[tilespmem:$0x1E800] =	vst v63  }
0xc2: {  	_ =	swait.ge [sflag:s25], $0x2800  }
0xc3: {  	[sflag:s25] =	ssyncset.done $0x0  }
0xc4: {  	[sflag:s25] =	ssyncadd.s32 $0xFFFFD800  }
0xc5: {  	_ =	swait.ge [sflag:s30], $0x2800  }
0xc6: {  	[sflag:s30] =	ssyncset.done $0x0  }
0xc7: {  	[sflag:s30] =	ssyncadd.s32 $0xFFFFD800  }
0xc8: {  	_ =	swait.ge [sflag:s31], $0x2800  }
0xc9: {  	[sflag:s31] =	ssyncset.done $0x0  }
0xca: {  	s6 =	rddreg [dreg:$0x6];
	[sflag:s31] =	ssyncadd.s32 $0xFFFFD800  }
0xcb: {  	[tilespmem:s3], [sflag:$0x7] =	stream.linear.gather [hbm4b:s6+s3], $0x1500, $0x38;
	[tilespmem:$0x1E800] =	vst v63  }
0xcc: {  	_ =	swait.ge [sflag:s14], $0x1500  }
0xcd: {  	[sflag:s14] =	ssyncset.done $0x0  }
0xce: {  	s10 =	sadd.s32 $0x600, s8;
	[sflag:s14] =	ssyncadd.s32 $0xFFFFEB00  }
0xcf: {  	[tilespmem:s15], [sflag:$0x7] =	stream.linear.gather [hbm4b:s10+s3], $0x1500, $0x38;
	[tilespmem:$0x1E800] =	vst v63  }
0xd0: {  	_ =	swait.ge [sflag:s14], $0x1500  }
0xd1: {  	[sflag:s14] =	ssyncset.done $0x0  }
0xd2: {  	[sflag:s14] =	ssyncadd.s32 $0xFFFFEB00  }
0xd3: {  	[tilespmem:s17], [sflag:$0x1] =	stream.indirect.gather [hbm4b:s11+s16], $0x80, s3, s16, $0xb8;
	[tilespmem:$0x1E800] =	vst v63  }
0xd4: {  	_ = 	snop  }
0xd5: {  	[tilespmem:s19], [sflag:$0x2] =	stream.indirect.gather [hbm4b:s11+s16], $0x80, s18, s16, $0xb8;
	[tilespmem:$0x1E800] =	vst v63  }
0xd6: {  	_ =	swait.ge [sflag:s22], $0x2800  }
0xd7: {  	[sflag:s22] =	ssyncset.done $0x0  }
0xd8: {  	[sflag:s22] =	ssyncadd.s32 $0xFFFFD800  }
0xd9: {  	[spmem:s2] =	stream.indirect.scatter.add.f32 [tilespmem:s17], [sflag:$0x4], $0x80, s15, s16, $0xb8;
	[tilespmem:$0x1E800] =	vst v63  }
0xda: {  	s7 =	simm.s32 @p0 $0x100;
	s9 =	simm.s32 @p0 $0x8000;
	s6 =	simm.s32 @p0 $0x50  }
0xdb: {  	[tilespmem:s9], [sflag:$0x3] =	stream.indirect.gather @p0 [hbm4b:s4+s6], $0x80, s7, s6, $0xb8;
	[tilespmem:$0x1E800] =	vst v63  }
0xdc: {  	s10 =	simm.s32 @!p0 $0x8000;
	s7 =	simm.s32 @!p0 $0x50;
	s9 =	simm.s32 @!p0 $0x100  }
0xdd: {  	[tilespmem:s10], [sflag:$0x3] =	stream.indirect.gather @!p0 [hbm4b:s5+s7], $0x80, s9, s7, $0xb8;
	[tilespmem:$0x1E800] =	vst v63  }
0xde: {  	_ =	swait.ge [sflag:s23], $0x2800  }
0xdf: {  	[sflag:s23] =	ssyncset.done $0x0  }
0xe0: {  	[sflag:s23] =	ssyncadd.s32 $0xFFFFD800  }
0xe1: {  	[spmem:s2] =	stream.indirect.scatter.add.f32 [tilespmem:s19], [sflag:$0x5], $0x80, s24, s16, $0xb8;
	[tilespmem:$0x1E800] =	vst v63  }
0xe2: {  	_ =	swait.ge [sflag:s25], $0x2800  }
0xe3: {  	[sflag:s25] =	ssyncset.done $0x0  }
0xe4: {  	s9 =	simm.s32 @p0 $0x180;
	s10 =	simm.s32 @p0 $0x3000;
	[sflag:s25] =	ssyncadd.s32 $0xFFFFD800  }
0xe5: {  	[tilespmem:s10], [sflag:$0x1] =	stream.indirect.gather @p0 [hbm4b:s4+s6], $0x80, s9, s6, $0xb8;
	[tilespmem:$0x1E800] =	vst v63  }
0xe6: {  	s9 =	simm.s32 @!p0 $0x180;
	s10 =	simm.s32 @!p0 $0x3000  }
0xe7: {  	[tilespmem:s10], [sflag:$0x1] =	stream.indirect.gather @!p0 [hbm4b:s5+s7], $0x80, s9, s7, $0xb8;
	[tilespmem:$0x1E800] =	vst v63  }
0xe8: {  	_ =	swait.ge [sflag:s26], $0x2800  }
0xe9: {  	[sflag:s26] =	ssyncset.done $0x0  }
0xea: {  	[sflag:s26] =	ssyncadd.s32 $0xFFFFD800  }
0xeb: {  	[spmem:s2] =	stream.indirect.scatter.add.f32 [tilespmem:s29], [sflag:$0x6], $0x80, s28, s16, $0xb8;
	[tilespmem:$0x1E800] =	vst v63  }
0xec: {  	_ =	swait.ge [sflag:s30], $0x2800  }
0xed: {  	[sflag:s30] =	ssyncset.done $0x0  }
0xee: {  	s9 =	simm.s32 @p0 $0x200;
	s10 =	simm.s32 @p0 $0x5800;
	[sflag:s30] =	ssyncadd.s32 $0xFFFFD800  }
0xef: {  	[tilespmem:s10], [sflag:$0x2] =	stream.indirect.gather @p0 [hbm4b:s4+s6], $0x80, s9, s6, $0xb8;
	[tilespmem:$0x1E800] =	vst v63  }
0xf0: {  	s6 =	simm.s32 @!p0 $0x200;
	s9 =	simm.s32 @!p0 $0x5800  }
0xf1: {  	[tilespmem:s9], [sflag:$0x2] =	stream.indirect.gather @!p0 [hbm4b:s5+s7], $0x80, s6, s7, $0xb8;
	[tilespmem:$0x1E800] =	vst v63  }
0xf2: {  	s6 =	simm.s32 $0x0  }
.LBB2_8:
0xf3: {  	_ =	swait.ge [sflag:s22], $0x2800  }
0xf4: {  	s7 =	sshra.s32 s6, $0x2;
	[sflag:s22] =	ssyncset.done $0x0  }
0xf5: {  	s9 =	sadd.s32 $0x1980, s7;
	[sflag:s22] =	ssyncadd.s32 $0xFFFFD800  }
0xf6: {  	[spmem:s2] =	stream.indirect.scatter.add.f32 [tilespmem:s17], [sflag:$0x4], $0x80, s9, s16, $0xb8;
	[tilespmem:$0x1E800] =	vst v63  }
0xf7: {  	_ =	swait.ge [sflag:s31], $0x2800  }
0xf8: {  	[sflag:s31] =	ssyncset.done $0x0  }
0xf9: {  	p1 =	seq.s32 s6, $0x4800;
	s10 =	sadd.s32 $0x280, s7;
	[sflag:s31] =	ssyncadd.s32 $0xFFFFD800  }
0xfa: {  	[tilespmem:s29], [sflag:$0x3] =	stream.indirect.gather [hbm4b:s11+s16], $0x80, s10, s16, $0xb8;
	[tilespmem:$0x1E800] =	vst v63  }
.Ltmp6:
0xfb: {  	_ = 	snop;
	(pc) =	sbr.rel @p1 .LBB2_10-.Ltmp6, $4  }
0xfc: {  	_ =	swait.ge [sflag:s23], $0x2800  }
0xfd: {  	[sflag:s23] =	ssyncset.done $0x0  }
0xfe: {  	s10 =	sadd.s32 $0x1A00, s7;
	[sflag:s23] =	ssyncadd.s32 $0xFFFFD800  }
0xff: {  	[spmem:s2] =	stream.indirect.scatter.add.f32 [tilespmem:s19], [sflag:$0x5], $0x80, s10, s16, $0xb8;
	[tilespmem:$0x1E800] =	vst v63  }
0x100: {  	_ =	swait.ge [sflag:s25], $0x2800  }
0x101: {  	[sflag:s25] =	ssyncset.done $0x0  }
0x102: {  	s9 =	sadd.s32 $0x300, s7;
	[sflag:s25] =	ssyncadd.s32 $0xFFFFD800  }
0x103: {  	[tilespmem:s17], [sflag:$0x1] =	stream.indirect.gather [hbm4b:s11+s16], $0x80, s9, s16, $0xb8;
	[tilespmem:$0x1E800] =	vst v63  }
0x104: {  	_ =	swait.ge [sflag:s26], $0x2800  }
0x105: {  	[sflag:s26] =	ssyncset.done $0x0  }
0x106: {  	s10 =	sadd.s32 $0x1A80, s7;
	[sflag:s26] =	ssyncadd.s32 $0xFFFFD800  }
0x107: {  	[spmem:s2] =	stream.indirect.scatter.add.f32 [tilespmem:s29], [sflag:$0x6], $0x80, s10, s16, $0xb8;
	[tilespmem:$0x1E800] =	vst v63  }
.Ltmp7:
0x108: {  	_ = 	snop;
	(pc) =	sbr.rel .LBB2_8-.Ltmp7, $4  }
0x109: {  	_ =	swait.ge [sflag:s30], $0x2800  }
0x10a: {  	[sflag:s30] =	ssyncset.done $0x0  }
0x10b: {  	s6 =	sadd.s32 $0x600, s6;
	s10 =	sadd.s32 $0x380, s7;
	[sflag:s30] =	ssyncadd.s32 $0xFFFFD800  }
0x10c: {  	[tilespmem:s19], [sflag:$0x2] =	stream.indirect.gather [hbm4b:s11+s16], $0x80, s10, s16, $0xb8;
	[tilespmem:$0x1E800] =	vst v63  }
.LBB2_11:
0x10d: {  	_ =	sfence.sel $0x180000  }
0x10e: {  	[bflag:$0x0] =	sbarrier.arrive $0xFFFF  }
0x10f: {  	_ =	strace $0x9000004A  }
0x110: {  	s0 =	stileid.u32;
	[bflag:$0x2] =	sbarrier.arrive $0xFFFF  }
0x111: {  	p0 =	sne.s32 s0, $0x0;
	s0 =	rddreg [dreg:$0x2]  }
0x112: {  	s0 =	sadd.s32 @!p0 $0x100000, s0  }
0x113: {  	[sflag:s0] =	ssyncadd.tile.s32 @!p0 $0x1;
	_ =	shalt  }
.Lfunc_end2:
_tile_overlayer_lowered:
.L_overlay_start_2:
0x114: {  	(tag) =	ssettag $0x2  }
0x115: {  	s0 =	rddreg [dreg:$0x0];
	s2 =	stileid.u32  }
0x116: {  	s1 =	rddreg [dreg:$0x1];
	p0 =	sne.s32 s2, $0x0  }
0x117: {  	s3 =	rddreg [dreg:$0x2];
	[bflag:$0x3] =	sbarrier.arrive $0xFFFF;
	s2 =	simm.s32 @!p0 $0x1C07  }
0x118: {  	[timem:s3], [sflag:s2] =	dma.local @!p0 [hbm:s0], s1  }
0x119: {  	s0 =	simm.s32 @!p0 $0x7  }
0x11a: {  	_ =	swait.ge @!p0 [sflag:s0], s1  }
0x11b: {  	s1 =	ssub.s32 @!p0 $0x0, s1;
	[sflag:s0] =	ssyncset.done @!p0 $0x0  }
0x11c: {  	[sflag:s0] =	ssyncadd.s32 @!p0 s1  }
0x11d: {  	[bflag:$0x3] =	sbarrier.arrive $0xFFFF  }
0x11e: {  	_ =	shalt  }

// kernel: kernel.14.cloned.1.call-start
scs
__scs_entry_jumppad:
0x0: {  	(pc) =	sbr.rel $0x88, $3  }
0x1: {  	(tag) =	ssettag $0x0;
	lr =	simm.s32 $0x1  }
0x2: {  	[smem:$0x3F9A] =	sst lr;
	_ =	strace $0xD0000000  }
0x3: {  	_ = 	snop  }
0x4: {  	_ = 	snop  }
0x5: {  	_ = 	snop  }
0x6: {  	_ = 	snop  }
0x7: {  	_ = 	snop  }
__scs_overlays_trampoline_lowered:
0x8: {  	[smem:$0x3FA9] =	sst s0  }
0x9: {  	[smem:$0x3FAA] =	sst s1  }
0xa: {  	[smem:$0x3FAB] =	sst s2  }
0xb: {  	[smem:$0x3FAC] =	sst s3  }
0xc: {  	[smem:$0x3FAD] =	sst s4  }
0xd: {  	[smem:$0x3FAE] =	sst s5  }
0xe: {  	[smem:$0x3FAF] =	sst s6  }
0xf: {  	[smem:$0x3FB0] =	sst s7  }
0x10: {  	[smem:$0x3FB1] =	sst s8  }
0x11: {  	[smem:$0x3FB2] =	sst s9;
	s0 =	simm.s32 @!p0 $0x0  }
0x12: {  	s1 =	sld [smem:$0x3F98];
	s0 =	simm.s32 @p0 $0x1  }
0x13: {  	[smem:$0x3FB3] =	sst s0;
	s0 =	simm.s32 @!p1 $0x0  }
0x14: {  	s2 =	sld [smem:$0x3F97];
	s0 =	simm.s32 @p1 $0x1  }
0x15: {  	[smem:$0x3FB4] =	sst s0;
	s0 =	simm.s32 @!p2 $0x0  }
0x16: {  	s3 =	sld [smem:$0x3FDB];
	s0 =	simm.s32 @p2 $0x1  }
0x17: {  	s4 =	simm.s32 $0x1BF5;
	[smem:$0x3FB6] =	sst s0  }
0x18: {  	s0 =	sld [smem:$0x3F99];
	_ =	swait.ge [sflag:s4], $0x0  }
0x19: {  	s7 =	sld [smem:$0x3F9A]  }
0x1a: {  	s8 =	sadd.s32 $0xFFFFE003, lr  }
0x1b: {  	s9 =	sadd.s32 $0xFFFFFEF7, lr;
	s5 =	simm.s32 $0xFFFFFFFF;
	p2 =	slt.u32 s8, $0xFFFFF086  }
0x1c: {  	p1 =	slt.u32 s9, $0xF7A;
	s5 =	simm.s32 @!p2 $0x0  }
0x1d: {  	s5 =	simm.s32 @p1 $0x1;
	p0 =	seq.s32 s7, s2  }
0x1e: {  	s7 =	smul.u32 @!p0 $0xF7A, s2;
	p2 =	seq.s32 @!p0 s5, $0x0  }
0x1f: {  	s9 =	smul.u32 $0xF7A, s1;
	s8 =	simm.s32 @!p0 $0x1BF5;
	p2 =	por !p2, p0  }
0x20: {  	[sflag:s8] =	ssyncset.s32 @!p0 $0xFFFFF086;
	s6 =	sadd.s32 @!p0 s3, s7;
	s7 =	simm.s32 @!p0 $0x108  }
0x21: {  	s3 =	sadd.s32 s3, s9;
	s6 =	sadd.s32 @!p0 $0x88, s6;
	s7 =	simm.s32 @p2 $0x1082  }
0x22: {  	[simem:s7], [sflag:s8] =	dma.local @!p0 [hbm:s6], $0xF7A  }
0x23: {  	s9 =	sor.u32 $0xD0000000, s2;
	s6 =	simm.s32 $0x108;
	_ =	swait.ge @!p0 [sflag:s8], $0x0  }
0x24: {  	s3 =	sadd.s32 $0x88, s3;
	s6 =	simm.s32 @!p1 $0x1082;
	[sflag:s4] =	ssyncset.s32 $0xFFFFF086  }
0x25: {  	[simem:s6], [sflag:s4] =	dma.local [hbm:s3], $0xF7A  }
0x26: {  	[smem:$0x3F9A] =	sst s1;
	(tag) =	ssettag s2;
	_ =	strace s9  }
0x27: {  	s1 =	sld [smem:$0x3FAA]  }
0x28: {  	s2 =	sld [smem:$0x3FAB]  }
0x29: {  	s4 =	sld [smem:$0x3FAD]  }
0x2a: {  	p0 =	seq.s32 s5, $0x0;
	s5 =	sld [smem:$0x3FAE]  }
0x2b: {  	s6 =	sld [smem:$0x3FAF]  }
0x2c: {  	s7 =	sld [smem:$0x3FB0]  }
0x2d: {  	s3 =	simm.s32 $0x108;
	s8 =	sld [smem:$0x3FB1]  }
0x2e: {  	s3 =	simm.s32 @!p0 $0x1082;
	s9 =	sld [smem:$0x3FB2]  }
0x2f: {  	lr =	sadd.s32 s0, s3;
	s0 =	sld [smem:$0x3FA9]  }
0x30: {  	s3 =	sld [smem:$0x3FAC]  }
0x31: {  	[smem:$0x3FB5] =	sst s10  }
0x32: {  	s10 =	sld [smem:$0x3FB3];
	_ =	sdelay $0x3  }
0x33: {  	p0 =	seq.s32 s10, $0x1;
	s10 =	sld [smem:$0x3FB5];
	_ =	sdelay $0x3  }
0x34: {  	[smem:$0x3FB5] =	sst s10  }
0x35: {  	s10 =	sld [smem:$0x3FB4];
	_ =	sdelay $0x3  }
0x36: {  	p1 =	seq.s32 s10, $0x1;
	s10 =	sld [smem:$0x3FB5];
	_ =	sdelay $0x3  }
0x37: {  	[smem:$0x3FB5] =	sst s10  }
0x38: {  	s10 =	sld [smem:$0x3FB6]  }
0x39: {  	_ = 	snop;
	(pc) =	sbr.ind lr, $3  }
0x3a: {  	_ = 	snop  }
0x3b: {  	_ = 	snop  }
0x3c: {  	p2 =	seq.s32 s10, $0x1;
	s10 =	sld [smem:$0x3FB5]  }
0x3d: {  	_ =	shalt  }
0x3e: {  	_ =	shalt  }
0x3f: {  	_ =	shalt  }
0x40: {  	_ =	shalt  }
0x41: {  	_ =	shalt  }
0x42: {  	_ =	shalt  }
0x43: {  	_ =	shalt  }
0x44: {  	_ =	shalt  }
0x45: {  	_ =	shalt  }
0x46: {  	_ =	shalt  }
0x47: {  	_ =	shalt  }
0x48: {  	_ =	shalt  }
0x49: {  	_ =	shalt  }
0x4a: {  	_ =	shalt  }
0x4b: {  	_ =	shalt  }
0x4c: {  	_ =	shalt  }
0x4d: {  	_ =	shalt  }
0x4e: {  	_ =	shalt  }
0x4f: {  	_ =	shalt  }
0x50: {  	_ =	shalt  }
0x51: {  	_ =	shalt  }
0x52: {  	_ =	shalt  }
0x53: {  	_ =	shalt  }
0x54: {  	_ =	shalt  }
0x55: {  	_ =	shalt  }
0x56: {  	_ =	shalt  }
0x57: {  	_ =	shalt  }
0x58: {  	_ =	shalt  }
0x59: {  	_ =	shalt  }
0x5a: {  	_ =	shalt  }
0x5b: {  	_ =	shalt  }
0x5c: {  	_ =	shalt  }
0x5d: {  	_ =	shalt  }
0x5e: {  	_ =	shalt  }
0x5f: {  	_ =	shalt  }
0x60: {  	_ =	shalt  }
0x61: {  	_ =	shalt  }
0x62: {  	_ =	shalt  }
0x63: {  	_ =	shalt  }
0x64: {  	_ =	shalt  }
0x65: {  	_ =	shalt  }
0x66: {  	_ =	shalt  }
0x67: {  	_ =	shalt  }
0x68: {  	_ =	shalt  }
0x69: {  	_ =	shalt  }
0x6a: {  	_ =	shalt  }
0x6b: {  	_ =	shalt  }
0x6c: {  	_ =	shalt  }
0x6d: {  	_ =	shalt  }
0x6e: {  	_ =	shalt  }
0x6f: {  	_ =	shalt  }
0x70: {  	_ =	shalt  }
0x71: {  	_ =	shalt  }
0x72: {  	_ =	shalt  }
0x73: {  	_ =	shalt  }
0x74: {  	_ =	shalt  }
0x75: {  	_ =	shalt  }
0x76: {  	_ =	shalt  }
0x77: {  	_ =	shalt  }
0x78: {  	_ =	shalt  }
0x79: {  	_ =	shalt  }
0x7a: {  	_ =	shalt  }
0x7b: {  	_ =	shalt  }
0x7c: {  	_ =	shalt  }
0x7d: {  	_ =	shalt  }
0x7e: {  	_ =	shalt  }
0x7f: {  	_ =	shalt  }
0x80: {  	_ =	shalt  }
0x81: {  	_ =	shalt  }
0x82: {  	_ =	shalt  }
0x83: {  	_ =	shalt  }
0x84: {  	_ =	shalt  }
0x85: {  	_ =	shalt  }
0x86: {  	_ =	shalt  }
0x87: {  	_ =	shalt  }
.Lfunc_end0:
.L_simem_size_0:
called_computation.2_lowered:
.L_overlay_start_0:
0x88: {  	s2 =	sld [smem:$0x3FD9]  }
0x89: {  	s3 =	sld [smem:$0x3FFE];
	_ =	sdelay $0x1  }
0x8a: {  	s1 =	srdreg.scid  }
0x8b: {  	s0 =	sand.u32 $0x1, s1  }
0x8c: {  	s16 =	sshll.u32 s0, $0xA;
	s2 =	sadd.s32 s3, s2  }
0x8d: {  	s2 =	sadd.s32 s2, s16  }
0x8e: {  	[smem:$0x3FC1] =	sst s2  }
0x8f: {  	_ = 	snop  }
0x90: {  	(tm) =	ssettm $0x1  }
0x91: {  	s17 =	sld [smem:$0x3FFB];
	_ =	sdelay $0x3  }
0x92: {  	_ =	strace s17  }
0x93: {  	s2 =	sld [smem:$0x3FFC];
	_ =	sdelay $0x3  }
0x94: {  	_ =	strace s2  }
0x95: {  	s2 =	sld [smem:$0x3FFD];
	_ =	sdelay $0x3  }
0x96: {  	_ =	strace s2  }
0x97: {  	_ =	strace $0x8FFFFFFF  }
0x98: {  	s18 =	sld [smem:$0x3FDB];
	_ =	sdelay $0x1  }
0x99: {  	s19 =	simm.s32 $_scs_section_size  }
0x9a: {  	s4 =	simm.s32 $_size__tile_overlayer_lowered;
	s5 =	simm.s32 $_tile_overlayer_lowered  }
0x9b: {  	s22 =	simm.s32 $0x1BFF;
	s21 =	sshll.u32 s5, $0x1;
	s2 =	sadd.s32 s19, s18  }
0x9c: {  	s6 =	simm.s32 $0x0;
	s20 =	sshll.u32 s4, $0x1;
	s4 =	sadd.s32 s21, s2  }
0x9d: {  	[timem:s6], [sflag:s22] =	dma.local [hbm:s4], s20  }
0x9e: {  	_ =	swait.ge [sflag:s22], s20  }
0x9f: {  	s3 =	ssub.s32 $0x0, s20;
	[sflag:s22] =	ssyncset.done $0x0  }
0xa0: {  	[sflag:s22] =	ssyncadd.s32 s3;
	_ =	sdelay $0x1  }
0xa1: {  	s23 =	simm.s32 $0x1B8B  }
0xa2: {  	_ =	swait.ge [sflag:s23], $0x1  }
0xa3: {  	[sflag:s23] =	ssyncset.done $0x0  }
0xa4: {  	s25 =	simm.s32 $0x1B8E;
	s24 =	sld [smem:$0x3FFE];
	[sflag:s23] =	ssyncadd.s32 $0xFFFFFFFF  }
0xa5: {  	s26 =	simm.s32 $execute0_lowered;
	[smem:$0x3FD2] =	sst s25  }
0xa6: {  	s4 =	sshll.u32 s26, $0x1;
	_ =	strace $0x8000004C;
	[dreg:$0x1] =	wrdreg $0xFFFFFFFF  }
0xa7: {  	s28 =	simm.s32 $_size_execute0_lowered;
	s2 =	sadd.s32 s2, s4;
	[dreg:$0x0] =	wrdreg $0x0  }
0xa8: {  	s4 =	sshll.u32 s28, $0x1;
	[dreg:$0x2] =	wrdreg s2  }
0xa9: {  	[dreg:$0x3] =	wrdreg s4  }
0xaa: {  	[dreg:$0x4] =	wrdreg $0xC0  }
0xab: {  	_ =	task [dreg:s6], $0x5FFFF  }
0xac: {  	[dreg:$0x1] =	wrdreg $0xFFFFFFFF  }
0xad: {  	[dreg:$0x0] =	wrdreg $0x60  }
0xae: {  	[dreg:$0x2] =	wrdreg s24  }
0xaf: {  	[dreg:$0x3] =	wrdreg $0xA8000  }
0xb0: {  	[dreg:$0x4] =	wrdreg $0x9  }
0xb1: {  	_ =	task.clear_ibuf [dreg:s6], $0x5FFFF;
	_ =	strace $0x9000004C  }
0xb2: {  	s29 =	simm.s32 $0x9;
	_ =	strace $0x8000004E  }
0xb3: {  	_ =	swait.ge [sflag:s29], $0x1  }
0xb4: {  	[sflag:s29] =	ssyncadd.s32 $0xFFFFFFFF  }
0xb5: {  	_ =	strace $0x9000004E  }
0xb6: {  	_ =	sfence  }
0xb7: {  	s30 =	sld [smem:$0x0];
	_ =	sdelay $0x2  }
0xb8: {  	s31 =	sshll.u32 s1, $0xD;
	s1 =	sshrl.u32 s1, $0x2  }
0xb9: {  	s3 =	sand.u32 $0x4000, s31;
	s1 =	sadd.s32 s1, s30  }
0xba: {  	s0 =	sor.u32 s3, s0;
	s1 =	sshll.u32 s1, $0x11  }
0xbb: {  	s0 =	sor.u32 s1, s0  }
0xbc: {  	s0 =	sadd.s32 $0x8F2B, s0  }
0xbd: {  	[sflag:s0] =	ssyncadd.remote.s32 $0x1  }
0xbe: {  	_ =	sfence.sel $0xFFFF  }
0xbf: {  	[dreg:$0x0] =	wrdreg $0xFFFFFFFF;
	(pc) =	sbr.abs _section_cstart, $3  }
0xc0: {  	[dreg:$0x1] =	wrdreg $0xFFFFFFFF  }
0xc1: {  	_ =	task.clear_ibuf [dreg:s6], $0x2FFFF;
	_ =	strace $0x9FFFFFFF  }
0xc2: {  	(tm) =	ssettm $0x7FFFFFFF  }
0xc3: {  	_ =	shalt  }
tec
execute0_lowered:
.L_overlay_start_1:
0x0: {  	(tag) =	ssettag $0x1  }
0x1: {  	s0 =	rddreg [dreg:$0x0]  }
0x2: {  	s2 =	rddreg [dreg:$0x1];
	s3 =	simm.s32 $0x0  }
0x3: {  	s10 =	stileid.u32;
	s6 =	srdreg.scid;
	s14 =	simm.s32 $0x7  }
0x4: {  	s15 =	simm.s32 $0x1800;
	s16 =	simm.s32 $0x50;
	s17 =	simm.s32 $0x3000  }
0x5: {  	s18 =	simm.s32 $0x80;
	s19 =	simm.s32 $0x5800;
	s28 =	simm.s32 $0x1900  }
0x6: {  	s29 =	simm.s32 $0x8000;
	s30 =	simm.s32 $0x5;
	s31 =	simm.s32 $0x6  }
0x7: {  	[smem:$0x7FF] =	sst s3;
	s1 =	smul.u32 $0x900, s10;
	s4 =	sadd.s32 $0x24C00, s0  }
0x8: {  	s5 =	sadd.s32 $0x4CC00, s0;
	s6 =	sand.u32 $0x1, s6;
	s8 =	smul.u32 $0x50000, s10  }
0x9: {  	s7 =	sadd.s32 $0x3C00, s0;
	s13 =	sadd.s32 $0xC4C00, s0;
	s25 =	smul.u32 $0x2800, s10  }
0xa: {  	s26 =	sshll.u32 s10, $0x6;
	_ =	strace $0x8000004D;
	[dreg:$0x3] =	wrdreg s7  }
0xb: {  	s20 =	ssub.s32 $0x2, s6;
	p0 =	seq.s32 s6, $0x0;
	s11 =	smov.u32 s5  }
0xc: {  	s1 =	sadd.s32 s1, s0;
	s0 =	sadd.s32 $0xECC00, s0;
	s9 =	sshrl.u32 s20, $0x1  }
0xd: {  	s22 =	sshrl.u32 s8, $0x2;
	s11 =	smov.u32 @p0 s4;
	s7 =	ssub.s32 s20, s9  }
0xe: {  	s21 =	sadd.s32 $0x1BC00, s1;
	s8 =	sadd.s32 $0x12C00, s1;
	s23 =	sadd.s32 s22, s2  }
0xf: {  	s24 =	sadd.s32 $0x1BF00, s1;
	s1 =	sadd.s32 $0x1C200, s1;
	s0 =	smov.u32 @p0 s13  }
.Ltmp0:
0x10: {  	s20 =	sor.u32 $0x1C07, s26;
	[dreg:$0x4] =	wrdreg s21;
	(pc) =	sbr.rel .LBB2_1-.Ltmp0, $4  }
0x11: {  	s22 =	simm.s32 $0x1;
	s26 =	simm.s32 $0x3;
	[dreg:$0x5] =	wrdreg s24  }
0x12: {  	[dreg:$0x6] =	wrdreg s1;
	s12 =	smax.u32 s7, $0x1;
	s13 =	sadd.s32 s0, s25  }
0x13: {  	s21 =	sshrl.u32 s23, $0x3;
	s23 =	simm.s32 $0x2;
	s24 =	simm.s32 $0x1880  }
0x14: {  	s25 =	simm.s32 $0x4;
	s0 =	simm.s32 $0x2C80;
	s1 =	simm.s32 $0x0  }
.LBB2_10:
0x15: {  	_ =	swait.ge [sflag:s26], $0x2800  }
0x16: {  	[sflag:s26] =	ssyncset.done $0x0  }
0x17: {  	[sflag:s26] =	ssyncadd.s32 $0xFFFFD800  }
0x18: {  	[spmem:s2] =	stream.indirect.scatter.add.f32 [tilespmem:s29], [sflag:$0x6], $0x80, s0, s16, $0xb8;
	[tilespmem:$0x1E800] =	vst v63  }
0x19: {  	_ =	swait.ge [sflag:s25], $0x2800  }
0x1a: {  	[sflag:s25] =	ssyncset.done $0x0  }
0x1b: {  	[sflag:s25] =	ssyncadd.s32 $0xFFFFD800  }
0x1c: {  	_ =	swait.ge [sflag:s30], $0x2800  }
0x1d: {  	[sflag:s30] =	ssyncset.done $0x0  }
0x1e: {  	[sflag:s30] =	ssyncadd.s32 $0xFFFFD800  }
0x1f: {  	_ =	swait.ge [sflag:s31], $0x2800  }
0x20: {  	s1 =	sadd.s32 $0x1, s1;
	[sflag:s31] =	ssyncset.done $0x0  }
0x21: {  	p1 =	sne.s32 s1, s12;
	[sflag:s31] =	ssyncadd.s32 $0xFFFFD800  }
.Ltmp1:
0x22: {  	[bflag:$0x0] =	sbarrier.arrive $0xFFFF;
	(pc) =	sbr.rel @!p1 .LBB2_11-.Ltmp1, $4  }
0x23: {  	[hbm:s13], [sflag:s20] =	dma.local [spmem:s21], $0x2800  }
0x24: {  	_ =	swait.ge [sflag:s14], $0x2800  }
0x25: {  	[sflag:s14] =	ssyncset.done $0x0  }
0x26: {  	[sflag:s14] =	ssyncadd.s32 $0xFFFFD800  }
.LBB2_1:
0x27: {  	s6 =	rddreg [dreg:$0x4]  }
0x28: {  	[tilespmem:s3], [sflag:$0x7] =	stream.linear.gather [hbm4b:s6+s3], $0x1500, $0x38;
	[tilespmem:$0x1E800] =	vst v63  }
0x29: {  	_ =	swait.ge [sflag:s14], $0x1500  }
0x2a: {  	[sflag:s14] =	ssyncset.done $0x0  }
0x2b: {  	[sflag:s14] =	ssyncadd.s32 $0xFFFFEB00  }
0x2c: {  	[tilespmem:s15], [sflag:$0x7] =	stream.linear.gather [hbm4b:s8+s3], $0x1500, $0x38;
	[tilespmem:$0x1E800] =	vst v63  }
0x2d: {  	_ =	swait.ge [sflag:s14], $0x1500  }
0x2e: {  	[sflag:s14] =	ssyncset.done $0x0  }
0x2f: {  	[sflag:s14] =	ssyncadd.s32 $0xFFFFEB00  }
0x30: {  	[tilespmem:s17], [sflag:$0x1] =	stream.indirect.gather [hbm4b:s11+s16], $0x80, s3, s16, $0xb8;
	[tilespmem:$0x1E800] =	vst v63  }
0x31: {  	s10 =	rddreg [dreg:$0x3]  }
0x32: {  	[tilespmem:s19], [sflag:$0x2] =	stream.indirect.gather [hbm4b:s11+s16], $0x80, s18, s16, $0xb8;
	[tilespmem:$0x1E800] =	vst v63  }
0x33: {  	[spmem:s21], [sflag:s20] =	dma.local [hbm:s10], $0x2800  }
0x34: {  	_ =	swait.ge [sflag:s14], $0x2800  }
0x35: {  	[sflag:s14] =	ssyncset.done $0x0  }
0x36: {  	[sflag:s14] =	ssyncadd.s32 $0xFFFFD800  }
0x37: {  	[bflag:$0x0] =	sbarrier.arrive $0xFFFF  }
0x38: {  	_ =	swait.ge [sflag:s22], $0x2800  }
0x39: {  	[sflag:s22] =	ssyncset.done $0x0  }
0x3a: {  	[sflag:s22] =	ssyncadd.s32 $0xFFFFD800  }
0x3b: {  	[spmem:s2] =	stream.indirect.scatter.add.f32 [tilespmem:s17], [sflag:$0x4], $0x80, s15, s16, $0xb8;
	[tilespmem:$0x1E800] =	vst v63  }
0x3c: {  	s7 =	simm.s32 @p0 $0x100;
	s9 =	simm.s32 @p0 $0x8000;
	s6 =	simm.s32 @p0 $0x50  }
0x3d: {  	[tilespmem:s9], [sflag:$0x3] =	stream.indirect.gather @p0 [hbm4b:s4+s6], $0x80, s7, s6, $0xb8;
	[tilespmem:$0x1E800] =	vst v63  }
0x3e: {  	s10 =	simm.s32 @!p0 $0x8000;
	s7 =	simm.s32 @!p0 $0x50;
	s9 =	simm.s32 @!p0 $0x100  }
0x3f: {  	[tilespmem:s10], [sflag:$0x3] =	stream.indirect.gather @!p0 [hbm4b:s5+s7], $0x80, s9, s7, $0xb8;
	[tilespmem:$0x1E800] =	vst v63  }
0x40: {  	_ =	swait.ge [sflag:s23], $0x2800  }
0x41: {  	[sflag:s23] =	ssyncset.done $0x0  }
0x42: {  	[sflag:s23] =	ssyncadd.s32 $0xFFFFD800  }
0x43: {  	[spmem:s2] =	stream.indirect.scatter.add.f32 [tilespmem:s19], [sflag:$0x5], $0x80, s24, s16, $0xb8;
	[tilespmem:$0x1E800] =	vst v63  }
0x44: {  	_ =	swait.ge [sflag:s25], $0x2800  }
0x45: {  	[sflag:s25] =	ssyncset.done $0x0  }
0x46: {  	s9 =	simm.s32 @p0 $0x180;
	s10 =	simm.s32 @p0 $0x3000;
	[sflag:s25] =	ssyncadd.s32 $0xFFFFD800  }
0x47: {  	[tilespmem:s10], [sflag:$0x1] =	stream.indirect.gather @p0 [hbm4b:s4+s6], $0x80, s9, s6, $0xb8;
	[tilespmem:$0x1E800] =	vst v63  }
0x48: {  	s9 =	simm.s32 @!p0 $0x180;
	s10 =	simm.s32 @!p0 $0x3000  }
0x49: {  	[tilespmem:s10], [sflag:$0x1] =	stream.indirect.gather @!p0 [hbm4b:s5+s7], $0x80, s9, s7, $0xb8;
	[tilespmem:$0x1E800] =	vst v63  }
0x4a: {  	_ =	swait.ge [sflag:s26], $0x2800  }
0x4b: {  	[sflag:s26] =	ssyncset.done $0x0  }
0x4c: {  	[sflag:s26] =	ssyncadd.s32 $0xFFFFD800  }
0x4d: {  	[spmem:s2] =	stream.indirect.scatter.add.f32 [tilespmem:s29], [sflag:$0x6], $0x80, s28, s16, $0xb8;
	[tilespmem:$0x1E800] =	vst v63  }
0x4e: {  	_ =	swait.ge [sflag:s30], $0x2800  }
0x4f: {  	[sflag:s30] =	ssyncset.done $0x0  }
0x50: {  	s9 =	simm.s32 @p0 $0x200;
	s10 =	simm.s32 @p0 $0x5800;
	[sflag:s30] =	ssyncadd.s32 $0xFFFFD800  }
0x51: {  	[tilespmem:s10], [sflag:$0x2] =	stream.indirect.gather @p0 [hbm4b:s4+s6], $0x80, s9, s6, $0xb8;
	[tilespmem:$0x1E800] =	vst v63  }
0x52: {  	s6 =	simm.s32 @!p0 $0x200;
	s9 =	simm.s32 @!p0 $0x5800  }
0x53: {  	[tilespmem:s9], [sflag:$0x2] =	stream.indirect.gather @!p0 [hbm4b:s5+s7], $0x80, s6, s7, $0xb8;
	[tilespmem:$0x1E800] =	vst v63  }
0x54: {  	s6 =	simm.s32 $0x0  }
.LBB2_2:
0x55: {  	_ =	swait.ge [sflag:s22], $0x2800  }
0x56: {  	s7 =	sshra.s32 s6, $0x2;
	[sflag:s22] =	ssyncset.done $0x0  }
0x57: {  	s9 =	sadd.s32 $0x1980, s7;
	[sflag:s22] =	ssyncadd.s32 $0xFFFFD800  }
0x58: {  	[spmem:s2] =	stream.indirect.scatter.add.f32 [tilespmem:s17], [sflag:$0x4], $0x80, s9, s16, $0xb8;
	[tilespmem:$0x1E800] =	vst v63  }
0x59: {  	_ =	swait.ge [sflag:s31], $0x2800  }
0x5a: {  	[sflag:s31] =	ssyncset.done $0x0  }
0x5b: {  	p1 =	seq.s32 s6, $0x4800;
	s10 =	sadd.s32 $0x280, s7;
	[sflag:s31] =	ssyncadd.s32 $0xFFFFD800  }
0x5c: {  	[tilespmem:s29], [sflag:$0x3] =	stream.indirect.gather [hbm4b:s11+s16], $0x80, s10, s16, $0xb8;
	[tilespmem:$0x1E800] =	vst v63  }
.Ltmp2:
0x5d: {  	_ = 	snop;
	(pc) =	sbr.rel @p1 .LBB2_4-.Ltmp2, $4  }
0x5e: {  	_ =	swait.ge [sflag:s23], $0x2800  }
0x5f: {  	[sflag:s23] =	ssyncset.done $0x0  }
0x60: {  	s10 =	sadd.s32 $0x1A00, s7;
	[sflag:s23] =	ssyncadd.s32 $0xFFFFD800  }
0x61: {  	[spmem:s2] =	stream.indirect.scatter.add.f32 [tilespmem:s19], [sflag:$0x5], $0x80, s10, s16, $0xb8;
	[tilespmem:$0x1E800] =	vst v63  }
0x62: {  	_ =	swait.ge [sflag:s25], $0x2800  }
0x63: {  	[sflag:s25] =	ssyncset.done $0x0  }
0x64: {  	s9 =	sadd.s32 $0x300, s7;
	[sflag:s25] =	ssyncadd.s32 $0xFFFFD800  }
0x65: {  	[tilespmem:s17], [sflag:$0x1] =	stream.indirect.gather [hbm4b:s11+s16], $0x80, s9, s16, $0xb8;
	[tilespmem:$0x1E800] =	vst v63  }
0x66: {  	_ =	swait.ge [sflag:s26], $0x2800  }
0x67: {  	[sflag:s26] =	ssyncset.done $0x0  }
0x68: {  	s10 =	sadd.s32 $0x1A80, s7;
	[sflag:s26] =	ssyncadd.s32 $0xFFFFD800  }
0x69: {  	[spmem:s2] =	stream.indirect.scatter.add.f32 [tilespmem:s29], [sflag:$0x6], $0x80, s10, s16, $0xb8;
	[tilespmem:$0x1E800] =	vst v63  }
.Ltmp3:
0x6a: {  	_ = 	snop;
	(pc) =	sbr.rel .LBB2_2-.Ltmp3, $4  }
0x6b: {  	_ =	swait.ge [sflag:s30], $0x2800  }
0x6c: {  	[sflag:s30] =	ssyncset.done $0x0  }
0x6d: {  	s6 =	sadd.s32 $0x600, s6;
	s10 =	sadd.s32 $0x380, s7;
	[sflag:s30] =	ssyncadd.s32 $0xFFFFD800  }
0x6e: {  	[tilespmem:s19], [sflag:$0x2] =	stream.indirect.gather [hbm4b:s11+s16], $0x80, s10, s16, $0xb8;
	[tilespmem:$0x1E800] =	vst v63  }
.LBB2_4:
0x6f: {  	_ =	swait.ge [sflag:s26], $0x2800  }
0x70: {  	[sflag:s26] =	ssyncset.done $0x0  }
0x71: {  	[sflag:s26] =	ssyncadd.s32 $0xFFFFD800  }
0x72: {  	[spmem:s2] =	stream.indirect.scatter.add.f32 [tilespmem:s29], [sflag:$0x6], $0x80, s0, s16, $0xb8;
	[tilespmem:$0x1E800] =	vst v63  }
0x73: {  	_ =	swait.ge [sflag:s25], $0x2800  }
0x74: {  	[sflag:s25] =	ssyncset.done $0x0  }
0x75: {  	[sflag:s25] =	ssyncadd.s32 $0xFFFFD800  }
0x76: {  	_ =	swait.ge [sflag:s30], $0x2800  }
0x77: {  	[sflag:s30] =	ssyncset.done $0x0  }
0x78: {  	[sflag:s30] =	ssyncadd.s32 $0xFFFFD800  }
0x79: {  	_ =	swait.ge [sflag:s31], $0x2800  }
0x7a: {  	[sflag:s31] =	ssyncset.done $0x0  }
0x7b: {  	s6 =	rddreg [dreg:$0x5];
	[sflag:s31] =	ssyncadd.s32 $0xFFFFD800  }
0x7c: {  	[tilespmem:s3], [sflag:$0x7] =	stream.linear.gather [hbm4b:s6+s3], $0x1500, $0x38;
	[tilespmem:$0x1E800] =	vst v63  }
0x7d: {  	_ =	swait.ge [sflag:s14], $0x1500  }
0x7e: {  	[sflag:s14] =	ssyncset.done $0x0  }
0x7f: {  	s10 =	sadd.s32 $0x300, s8;
	[sflag:s14] =	ssyncadd.s32 $0xFFFFEB00  }
0x80: {  	[tilespmem:s15], [sflag:$0x7] =	stream.linear.gather [hbm4b:s10+s3], $0x1500, $0x38;
	[tilespmem:$0x1E800] =	vst v63  }
0x81: {  	_ =	swait.ge [sflag:s14], $0x1500  }
0x82: {  	[sflag:s14] =	ssyncset.done $0x0  }
0x83: {  	[sflag:s14] =	ssyncadd.s32 $0xFFFFEB00  }
0x84: {  	[tilespmem:s17], [sflag:$0x1] =	stream.indirect.gather [hbm4b:s11+s16], $0x80, s3, s16, $0xb8;
	[tilespmem:$0x1E800] =	vst v63  }
0x85: {  	_ = 	snop  }
0x86: {  	[tilespmem:s19], [sflag:$0x2] =	stream.indirect.gather [hbm4b:s11+s16], $0x80, s18, s16, $0xb8;
	[tilespmem:$0x1E800] =	vst v63  }
0x87: {  	_ =	swait.ge [sflag:s22], $0x2800  }
0x88: {  	[sflag:s22] =	ssyncset.done $0x0  }
0x89: {  	[sflag:s22] =	ssyncadd.s32 $0xFFFFD800  }
0x8a: {  	[spmem:s2] =	stream.indirect.scatter.add.f32 [tilespmem:s17], [sflag:$0x4], $0x80, s15, s16, $0xb8;
	[tilespmem:$0x1E800] =	vst v63  }
0x8b: {  	s7 =	simm.s32 @p0 $0x100;
	s9 =	simm.s32 @p0 $0x8000;
	s6 =	simm.s32 @p0 $0x50  }
0x8c: {  	[tilespmem:s9], [sflag:$0x3] =	stream.indirect.gather @p0 [hbm4b:s4+s6], $0x80, s7, s6, $0xb8;
	[tilespmem:$0x1E800] =	vst v63  }
0x8d: {  	s10 =	simm.s32 @!p0 $0x8000;
	s7 =	simm.s32 @!p0 $0x50;
	s9 =	simm.s32 @!p0 $0x100  }
0x8e: {  	[tilespmem:s10], [sflag:$0x3] =	stream.indirect.gather @!p0 [hbm4b:s5+s7], $0x80, s9, s7, $0xb8;
	[tilespmem:$0x1E800] =	vst v63  }
0x8f: {  	_ =	swait.ge [sflag:s23], $0x2800  }
0x90: {  	[sflag:s23] =	ssyncset.done $0x0  }
0x91: {  	[sflag:s23] =	ssyncadd.s32 $0xFFFFD800  }
0x92: {  	[spmem:s2] =	stream.indirect.scatter.add.f32 [tilespmem:s19], [sflag:$0x5], $0x80, s24, s16, $0xb8;
	[tilespmem:$0x1E800] =	vst v63  }
0x93: {  	_ =	swait.ge [sflag:s25], $0x2800  }
0x94: {  	[sflag:s25] =	ssyncset.done $0x0  }
0x95: {  	s9 =	simm.s32 @p0 $0x180;
	s10 =	simm.s32 @p0 $0x3000;
	[sflag:s25] =	ssyncadd.s32 $0xFFFFD800  }
0x96: {  	[tilespmem:s10], [sflag:$0x1] =	stream.indirect.gather @p0 [hbm4b:s4+s6], $0x80, s9, s6, $0xb8;
	[tilespmem:$0x1E800] =	vst v63  }
0x97: {  	s9 =	simm.s32 @!p0 $0x180;
	s10 =	simm.s32 @!p0 $0x3000  }
0x98: {  	[tilespmem:s10], [sflag:$0x1] =	stream.indirect.gather @!p0 [hbm4b:s5+s7], $0x80, s9, s7, $0xb8;
	[tilespmem:$0x1E800] =	vst v63  }
0x99: {  	_ =	swait.ge [sflag:s26], $0x2800  }
0x9a: {  	[sflag:s26] =	ssyncset.done $0x0  }
0x9b: {  	[sflag:s26] =	ssyncadd.s32 $0xFFFFD800  }
0x9c: {  	[spmem:s2] =	stream.indirect.scatter.add.f32 [tilespmem:s29], [sflag:$0x6], $0x80, s28, s16, $0xb8;
	[tilespmem:$0x1E800] =	vst v63  }
0x9d: {  	_ =	swait.ge [sflag:s30], $0x2800  }
0x9e: {  	[sflag:s30] =	ssyncset.done $0x0  }
0x9f: {  	s9 =	simm.s32 @p0 $0x200;
	s10 =	simm.s32 @p0 $0x5800;
	[sflag:s30] =	ssyncadd.s32 $0xFFFFD800  }
0xa0: {  	[tilespmem:s10], [sflag:$0x2] =	stream.indirect.gather @p0 [hbm4b:s4+s6], $0x80, s9, s6, $0xb8;
	[tilespmem:$0x1E800] =	vst v63  }
0xa1: {  	s6 =	simm.s32 @!p0 $0x200;
	s9 =	simm.s32 @!p0 $0x5800  }
0xa2: {  	[tilespmem:s9], [sflag:$0x2] =	stream.indirect.gather @!p0 [hbm4b:s5+s7], $0x80, s6, s7, $0xb8;
	[tilespmem:$0x1E800] =	vst v63  }
0xa3: {  	s6 =	simm.s32 $0x0  }
.LBB2_5:
0xa4: {  	_ =	swait.ge [sflag:s22], $0x2800  }
0xa5: {  	s7 =	sshra.s32 s6, $0x2;
	[sflag:s22] =	ssyncset.done $0x0  }
0xa6: {  	s9 =	sadd.s32 $0x1980, s7;
	[sflag:s22] =	ssyncadd.s32 $0xFFFFD800  }
0xa7: {  	[spmem:s2] =	stream.indirect.scatter.add.f32 [tilespmem:s17], [sflag:$0x4], $0x80, s9, s16, $0xb8;
	[tilespmem:$0x1E800] =	vst v63  }
0xa8: {  	_ =	swait.ge [sflag:s31], $0x2800  }
0xa9: {  	[sflag:s31] =	ssyncset.done $0x0  }
0xaa: {  	p1 =	seq.s32 s6, $0x4800;
	s10 =	sadd.s32 $0x280, s7;
	[sflag:s31] =	ssyncadd.s32 $0xFFFFD800  }
0xab: {  	[tilespmem:s29], [sflag:$0x3] =	stream.indirect.gather [hbm4b:s11+s16], $0x80, s10, s16, $0xb8;
	[tilespmem:$0x1E800] =	vst v63  }
.Ltmp4:
0xac: {  	_ = 	snop;
	(pc) =	sbr.rel @p1 .LBB2_7-.Ltmp4, $4  }
0xad: {  	_ =	swait.ge [sflag:s23], $0x2800  }
0xae: {  	[sflag:s23] =	ssyncset.done $0x0  }
0xaf: {  	s10 =	sadd.s32 $0x1A00, s7;
	[sflag:s23] =	ssyncadd.s32 $0xFFFFD800  }
0xb0: {  	[spmem:s2] =	stream.indirect.scatter.add.f32 [tilespmem:s19], [sflag:$0x5], $0x80, s10, s16, $0xb8;
	[tilespmem:$0x1E800] =	vst v63  }
0xb1: {  	_ =	swait.ge [sflag:s25], $0x2800  }
0xb2: {  	[sflag:s25] =	ssyncset.done $0x0  }
0xb3: {  	s9 =	sadd.s32 $0x300, s7;
	[sflag:s25] =	ssyncadd.s32 $0xFFFFD800  }
0xb4: {  	[tilespmem:s17], [sflag:$0x1] =	stream.indirect.gather [hbm4b:s11+s16], $0x80, s9, s16, $0xb8;
	[tilespmem:$0x1E800] =	vst v63  }
0xb5: {  	_ =	swait.ge [sflag:s26], $0x2800  }
0xb6: {  	[sflag:s26] =	ssyncset.done $0x0  }
0xb7: {  	s10 =	sadd.s32 $0x1A80, s7;
	[sflag:s26] =	ssyncadd.s32 $0xFFFFD800  }
0xb8: {  	[spmem:s2] =	stream.indirect.scatter.add.f32 [tilespmem:s29], [sflag:$0x6], $0x80, s10, s16, $0xb8;
	[tilespmem:$0x1E800] =	vst v63  }
.Ltmp5:
0xb9: {  	_ = 	snop;
	(pc) =	sbr.rel .LBB2_5-.Ltmp5, $4  }
0xba: {  	_ =	swait.ge [sflag:s30], $0x2800  }
0xbb: {  	[sflag:s30] =	ssyncset.done $0x0  }
0xbc: {  	s6 =	sadd.s32 $0x600, s6;
	s10 =	sadd.s32 $0x380, s7;
	[sflag:s30] =	ssyncadd.s32 $0xFFFFD800  }
0xbd: {  	[tilespmem:s19], [sflag:$0x2] =	stream.indirect.gather [hbm4b:s11+s16], $0x80, s10, s16, $0xb8;
	[tilespmem:$0x1E800] =	vst v63  }
.LBB2_7:
0xbe: {  	_ =	swait.ge [sflag:s26], $0x2800  }
0xbf: {  	[sflag:s26] =	ssyncset.done $0x0  }
0xc0: {  	[sflag:s26] =	ssyncadd.s32 $0xFFFFD800  }
0xc1: {  	[spmem:s2] =	stream.indirect.scatter.add.f32 [tilespmem:s29], [sflag:$0x6], $0x80, s0, s16, $0xb8;
	[tilespmem:$0x1E800] =	vst v63  }
0xc2: {  	_ =	swait.ge [sflag:s25], $0x2800  }
0xc3: {  	[sflag:s25] =	ssyncset.done $0x0  }
0xc4: {  	[sflag:s25] =	ssyncadd.s32 $0xFFFFD800  }
0xc5: {  	_ =	swait.ge [sflag:s30], $0x2800  }
0xc6: {  	[sflag:s30] =	ssyncset.done $0x0  }
0xc7: {  	[sflag:s30] =	ssyncadd.s32 $0xFFFFD800  }
0xc8: {  	_ =	swait.ge [sflag:s31], $0x2800  }
0xc9: {  	[sflag:s31] =	ssyncset.done $0x0  }
0xca: {  	s6 =	rddreg [dreg:$0x6];
	[sflag:s31] =	ssyncadd.s32 $0xFFFFD800  }
0xcb: {  	[tilespmem:s3], [sflag:$0x7] =	stream.linear.gather [hbm4b:s6+s3], $0x1500, $0x38;
	[tilespmem:$0x1E800] =	vst v63  }
0xcc: {  	_ =	swait.ge [sflag:s14], $0x1500  }
0xcd: {  	[sflag:s14] =	ssyncset.done $0x0  }
0xce: {  	s10 =	sadd.s32 $0x600, s8;
	[sflag:s14] =	ssyncadd.s32 $0xFFFFEB00  }
0xcf: {  	[tilespmem:s15], [sflag:$0x7] =	stream.linear.gather [hbm4b:s10+s3], $0x1500, $0x38;
	[tilespmem:$0x1E800] =	vst v63  }
0xd0: {  	_ =	swait.ge [sflag:s14], $0x1500  }
0xd1: {  	[sflag:s14] =	ssyncset.done $0x0  }
0xd2: {  	[sflag:s14] =	ssyncadd.s32 $0xFFFFEB00  }
0xd3: {  	[tilespmem:s17], [sflag:$0x1] =	stream.indirect.gather [hbm4b:s11+s16], $0x80, s3, s16, $0xb8;
	[tilespmem:$0x1E800] =	vst v63  }
0xd4: {  	_ = 	snop  }
0xd5: {  	[tilespmem:s19], [sflag:$0x2] =	stream.indirect.gather [hbm4b:s11+s16], $0x80, s18, s16, $0xb8;
	[tilespmem:$0x1E800] =	vst v63  }
0xd6: {  	_ =	swait.ge [sflag:s22], $0x2800  }
0xd7: {  	[sflag:s22] =	ssyncset.done $0x0  }
0xd8: {  	[sflag:s22] =	ssyncadd.s32 $0xFFFFD800  }
0xd9: {  	[spmem:s2] =	stream.indirect.scatter.add.f32 [tilespmem:s17], [sflag:$0x4], $0x80, s15, s16, $0xb8;
	[tilespmem:$0x1E800] =	vst v63  }
0xda: {  	s7 =	simm.s32 @p0 $0x100;
	s9 =	simm.s32 @p0 $0x8000;
	s6 =	simm.s32 @p0 $0x50  }
0xdb: {  	[tilespmem:s9], [sflag:$0x3] =	stream.indirect.gather @p0 [hbm4b:s4+s6], $0x80, s7, s6, $0xb8;
	[tilespmem:$0x1E800] =	vst v63  }
0xdc: {  	s10 =	simm.s32 @!p0 $0x8000;
	s7 =	simm.s32 @!p0 $0x50;
	s9 =	simm.s32 @!p0 $0x100  }
0xdd: {  	[tilespmem:s10], [sflag:$0x3] =	stream.indirect.gather @!p0 [hbm4b:s5+s7], $0x80, s9, s7, $0xb8;
	[tilespmem:$0x1E800] =	vst v63  }
0xde: {  	_ =	swait.ge [sflag:s23], $0x2800  }
0xdf: {  	[sflag:s23] =	ssyncset.done $0x0  }
0xe0: {  	[sflag:s23] =	ssyncadd.s32 $0xFFFFD800  }
0xe1: {  	[spmem:s2] =	stream.indirect.scatter.add.f32 [tilespmem:s19], [sflag:$0x5], $0x80, s24, s16, $0xb8;
	[tilespmem:$0x1E800] =	vst v63  }
0xe2: {  	_ =	swait.ge [sflag:s25], $0x2800  }
0xe3: {  	[sflag:s25] =	ssyncset.done $0x0  }
0xe4: {  	s9 =	simm.s32 @p0 $0x180;
	s10 =	simm.s32 @p0 $0x3000;
	[sflag:s25] =	ssyncadd.s32 $0xFFFFD800  }
0xe5: {  	[tilespmem:s10], [sflag:$0x1] =	stream.indirect.gather @p0 [hbm4b:s4+s6], $0x80, s9, s6, $0xb8;
	[tilespmem:$0x1E800] =	vst v63  }
0xe6: {  	s9 =	simm.s32 @!p0 $0x180;
	s10 =	simm.s32 @!p0 $0x3000  }
0xe7: {  	[tilespmem:s10], [sflag:$0x1] =	stream.indirect.gather @!p0 [hbm4b:s5+s7], $0x80, s9, s7, $0xb8;
	[tilespmem:$0x1E800] =	vst v63  }
0xe8: {  	_ =	swait.ge [sflag:s26], $0x2800  }
0xe9: {  	[sflag:s26] =	ssyncset.done $0x0  }
0xea: {  	[sflag:s26] =	ssyncadd.s32 $0xFFFFD800  }
0xeb: {  	[spmem:s2] =	stream.indirect.scatter.add.f32 [tilespmem:s29], [sflag:$0x6], $0x80, s28, s16, $0xb8;
	[tilespmem:$0x1E800] =	vst v63  }
0xec: {  	_ =	swait.ge [sflag:s30], $0x2800  }
0xed: {  	[sflag:s30] =	ssyncset.done $0x0  }
0xee: {  	s9 =	simm.s32 @p0 $0x200;
	s10 =	simm.s32 @p0 $0x5800;
	[sflag:s30] =	ssyncadd.s32 $0xFFFFD800  }
0xef: {  	[tilespmem:s10], [sflag:$0x2] =	stream.indirect.gather @p0 [hbm4b:s4+s6], $0x80, s9, s6, $0xb8;
	[tilespmem:$0x1E800] =	vst v63  }
0xf0: {  	s6 =	simm.s32 @!p0 $0x200;
	s9 =	simm.s32 @!p0 $0x5800  }
0xf1: {  	[tilespmem:s9], [sflag:$0x2] =	stream.indirect.gather @!p0 [hbm4b:s5+s7], $0x80, s6, s7, $0xb8;
	[tilespmem:$0x1E800] =	vst v63  }
0xf2: {  	s6 =	simm.s32 $0x0  }
.LBB2_8:
0xf3: {  	_ =	swait.ge [sflag:s22], $0x2800  }
0xf4: {  	s7 =	sshra.s32 s6, $0x2;
	[sflag:s22] =	ssyncset.done $0x0  }
0xf5: {  	s9 =	sadd.s32 $0x1980, s7;
	[sflag:s22] =	ssyncadd.s32 $0xFFFFD800  }
0xf6: {  	[spmem:s2] =	stream.indirect.scatter.add.f32 [tilespmem:s17], [sflag:$0x4], $0x80, s9, s16, $0xb8;
	[tilespmem:$0x1E800] =	vst v63  }
0xf7: {  	_ =	swait.ge [sflag:s31], $0x2800  }
0xf8: {  	[sflag:s31] =	ssyncset.done $0x0  }
0xf9: {  	p1 =	seq.s32 s6, $0x4800;
	s10 =	sadd.s32 $0x280, s7;
	[sflag:s31] =	ssyncadd.s32 $0xFFFFD800  }
0xfa: {  	[tilespmem:s29], [sflag:$0x3] =	stream.indirect.gather [hbm4b:s11+s16], $0x80, s10, s16, $0xb8;
	[tilespmem:$0x1E800] =	vst v63  }
.Ltmp6:
0xfb: {  	_ = 	snop;
	(pc) =	sbr.rel @p1 .LBB2_10-.Ltmp6, $4  }
0xfc: {  	_ =	swait.ge [sflag:s23], $0x2800  }
0xfd: {  	[sflag:s23] =	ssyncset.done $0x0  }
0xfe: {  	s10 =	sadd.s32 $0x1A00, s7;
	[sflag:s23] =	ssyncadd.s32 $0xFFFFD800  }
0xff: {  	[spmem:s2] =	stream.indirect.scatter.add.f32 [tilespmem:s19], [sflag:$0x5], $0x80, s10, s16, $0xb8;
	[tilespmem:$0x1E800] =	vst v63  }
0x100: {  	_ =	swait.ge [sflag:s25], $0x2800  }
0x101: {  	[sflag:s25] =	ssyncset.done $0x0  }
0x102: {  	s9 =	sadd.s32 $0x300, s7;
	[sflag:s25] =	ssyncadd.s32 $0xFFFFD800  }
0x103: {  	[tilespmem:s17], [sflag:$0x1] =	stream.indirect.gather [hbm4b:s11+s16], $0x80, s9, s16, $0xb8;
	[tilespmem:$0x1E800] =	vst v63  }
0x104: {  	_ =	swait.ge [sflag:s26], $0x2800  }
0x105: {  	[sflag:s26] =	ssyncset.done $0x0  }
0x106: {  	s10 =	sadd.s32 $0x1A80, s7;
	[sflag:s26] =	ssyncadd.s32 $0xFFFFD800  }
0x107: {  	[spmem:s2] =	stream.indirect.scatter.add.f32 [tilespmem:s29], [sflag:$0x6], $0x80, s10, s16, $0xb8;
	[tilespmem:$0x1E800] =	vst v63  }
.Ltmp7:
0x108: {  	_ = 	snop;
	(pc) =	sbr.rel .LBB2_8-.Ltmp7, $4  }
0x109: {  	_ =	swait.ge [sflag:s30], $0x2800  }
0x10a: {  	[sflag:s30] =	ssyncset.done $0x0  }
0x10b: {  	s6 =	sadd.s32 $0x600, s6;
	s10 =	sadd.s32 $0x380, s7;
	[sflag:s30] =	ssyncadd.s32 $0xFFFFD800  }
0x10c: {  	[tilespmem:s19], [sflag:$0x2] =	stream.indirect.gather [hbm4b:s11+s16], $0x80, s10, s16, $0xb8;
	[tilespmem:$0x1E800] =	vst v63  }
.LBB2_11:
0x10d: {  	_ =	sfence.sel $0x180000  }
0x10e: {  	[bflag:$0x0] =	sbarrier.arrive $0xFFFF  }
0x10f: {  	_ =	strace $0x9000004D  }
0x110: {  	s0 =	stileid.u32;
	[bflag:$0x2] =	sbarrier.arrive $0xFFFF  }
0x111: {  	p0 =	sne.s32 s0, $0x0;
	s0 =	rddreg [dreg:$0x2]  }
0x112: {  	s0 =	sadd.s32 @!p0 $0x100000, s0  }
0x113: {  	[sflag:s0] =	ssyncadd.tile.s32 @!p0 $0x1;
	_ =	shalt  }
.Lfunc_end2:
_tile_overlayer_lowered:
.L_overlay_start_2:
0x114: {  	(tag) =	ssettag $0x2  }
0x115: {  	s0 =	rddreg [dreg:$0x0];
	s2 =	stileid.u32  }
0x116: {  	s1 =	rddreg [dreg:$0x1];
	p0 =	sne.s32 s2, $0x0  }
0x117: {  	s3 =	rddreg [dreg:$0x2];
	[bflag:$0x3] =	sbarrier.arrive $0xFFFF;
	s2 =	simm.s32 @!p0 $0x1C07  }
0x118: {  	[timem:s3], [sflag:s2] =	dma.local @!p0 [hbm:s0], s1  }
0x119: {  	s0 =	simm.s32 @!p0 $0x7  }
0x11a: {  	_ =	swait.ge @!p0 [sflag:s0], s1  }
0x11b: {  	s1 =	ssub.s32 @!p0 $0x0, s1;
	[sflag:s0] =	ssyncset.done @!p0 $0x0  }
0x11c: {  	[sflag:s0] =	ssyncadd.s32 @!p0 s1  }
0x11d: {  	[bflag:$0x3] =	sbarrier.arrive $0xFFFF  }
0x11e: {  	_ =	shalt  }

// kernel: kernel.8.cloned.1.call-start
scs
__scs_entry_jumppad:
0x0: {  	(pc) =	sbr.rel $0x88, $3  }
0x1: {  	(tag) =	ssettag $0x0;
	lr =	simm.s32 $0x1  }
0x2: {  	[smem:$0x3F9A] =	sst lr;
	_ =	strace $0xD0000000  }
0x3: {  	_ = 	snop  }
0x4: {  	_ = 	snop  }
0x5: {  	_ = 	snop  }
0x6: {  	_ = 	snop  }
0x7: {  	_ = 	snop  }
__scs_overlays_trampoline_lowered:
0x8: {  	[smem:$0x3FA9] =	sst s0  }
0x9: {  	[smem:$0x3FAA] =	sst s1  }
0xa: {  	[smem:$0x3FAB] =	sst s2  }
0xb: {  	[smem:$0x3FAC] =	sst s3  }
0xc: {  	[smem:$0x3FAD] =	sst s4  }
0xd: {  	[smem:$0x3FAE] =	sst s5  }
0xe: {  	[smem:$0x3FAF] =	sst s6  }
0xf: {  	[smem:$0x3FB0] =	sst s7  }
0x10: {  	[smem:$0x3FB1] =	sst s8  }
0x11: {  	[smem:$0x3FB2] =	sst s9;
	s0 =	simm.s32 @!p0 $0x0  }
0x12: {  	s1 =	sld [smem:$0x3F98];
	s0 =	simm.s32 @p0 $0x1  }
0x13: {  	[smem:$0x3FB3] =	sst s0;
	s0 =	simm.s32 @!p1 $0x0  }
0x14: {  	s2 =	sld [smem:$0x3F97];
	s0 =	simm.s32 @p1 $0x1  }
0x15: {  	[smem:$0x3FB4] =	sst s0;
	s0 =	simm.s32 @!p2 $0x0  }
0x16: {  	s3 =	sld [smem:$0x3FDB];
	s0 =	simm.s32 @p2 $0x1  }
0x17: {  	s4 =	simm.s32 $0x1BF5;
	[smem:$0x3FB6] =	sst s0  }
0x18: {  	s0 =	sld [smem:$0x3F99];
	_ =	swait.ge [sflag:s4], $0x0  }
0x19: {  	s7 =	sld [smem:$0x3F9A]  }
0x1a: {  	s8 =	sadd.s32 $0xFFFFE003, lr  }
0x1b: {  	s9 =	sadd.s32 $0xFFFFFEF7, lr;
	s5 =	simm.s32 $0xFFFFFFFF;
	p2 =	slt.u32 s8, $0xFFFFF086  }
0x1c: {  	p1 =	slt.u32 s9, $0xF7A;
	s5 =	simm.s32 @!p2 $0x0  }
0x1d: {  	s5 =	simm.s32 @p1 $0x1;
	p0 =	seq.s32 s7, s2  }
0x1e: {  	s7 =	smul.u32 @!p0 $0xF7A, s2;
	p2 =	seq.s32 @!p0 s5, $0x0  }
0x1f: {  	s9 =	smul.u32 $0xF7A, s1;
	s8 =	simm.s32 @!p0 $0x1BF5;
	p2 =	por !p2, p0  }
0x20: {  	[sflag:s8] =	ssyncset.s32 @!p0 $0xFFFFF086;
	s6 =	sadd.s32 @!p0 s3, s7;
	s7 =	simm.s32 @!p0 $0x108  }
0x21: {  	s3 =	sadd.s32 s3, s9;
	s6 =	sadd.s32 @!p0 $0x88, s6;
	s7 =	simm.s32 @p2 $0x1082  }
0x22: {  	[simem:s7], [sflag:s8] =	dma.local @!p0 [hbm:s6], $0xF7A  }
0x23: {  	s9 =	sor.u32 $0xD0000000, s2;
	s6 =	simm.s32 $0x108;
	_ =	swait.ge @!p0 [sflag:s8], $0x0  }
0x24: {  	s3 =	sadd.s32 $0x88, s3;
	s6 =	simm.s32 @!p1 $0x1082;
	[sflag:s4] =	ssyncset.s32 $0xFFFFF086  }
0x25: {  	[simem:s6], [sflag:s4] =	dma.local [hbm:s3], $0xF7A  }
0x26: {  	[smem:$0x3F9A] =	sst s1;
	(tag) =	ssettag s2;
	_ =	strace s9  }
0x27: {  	s1 =	sld [smem:$0x3FAA]  }
0x28: {  	s2 =	sld [smem:$0x3FAB]  }
0x29: {  	s4 =	sld [smem:$0x3FAD]  }
0x2a: {  	p0 =	seq.s32 s5, $0x0;
	s5 =	sld [smem:$0x3FAE]  }
0x2b: {  	s6 =	sld [smem:$0x3FAF]  }
0x2c: {  	s7 =	sld [smem:$0x3FB0]  }
0x2d: {  	s3 =	simm.s32 $0x108;
	s8 =	sld [smem:$0x3FB1]  }
0x2e: {  	s3 =	simm.s32 @!p0 $0x1082;
	s9 =	sld [smem:$0x3FB2]  }
0x2f: {  	lr =	sadd.s32 s0, s3;
	s0 =	sld [smem:$0x3FA9]  }
0x30: {  	s3 =	sld [smem:$0x3FAC]  }
0x31: {  	[smem:$0x3FB5] =	sst s10  }
0x32: {  	s10 =	sld [smem:$0x3FB3];
	_ =	sdelay $0x3  }
0x33: {  	p0 =	seq.s32 s10, $0x1;
	s10 =	sld [smem:$0x3FB5];
	_ =	sdelay $0x3  }
0x34: {  	[smem:$0x3FB5] =	sst s10  }
0x35: {  	s10 =	sld [smem:$0x3FB4];
	_ =	sdelay $0x3  }
0x36: {  	p1 =	seq.s32 s10, $0x1;
	s10 =	sld [smem:$0x3FB5];
	_ =	sdelay $0x3  }
0x37: {  	[smem:$0x3FB5] =	sst s10  }
0x38: {  	s10 =	sld [smem:$0x3FB6]  }
0x39: {  	_ = 	snop;
	(pc) =	sbr.ind lr, $3  }
0x3a: {  	_ = 	snop  }
0x3b: {  	_ = 	snop  }
0x3c: {  	p2 =	seq.s32 s10, $0x1;
	s10 =	sld [smem:$0x3FB5]  }
0x3d: {  	_ =	shalt  }
0x3e: {  	_ =	shalt  }
0x3f: {  	_ =	shalt  }
0x40: {  	_ =	shalt  }
0x41: {  	_ =	shalt  }
0x42: {  	_ =	shalt  }
0x43: {  	_ =	shalt  }
0x44: {  	_ =	shalt  }
0x45: {  	_ =	shalt  }
0x46: {  	_ =	shalt  }
0x47: {  	_ =	shalt  }
0x48: {  	_ =	shalt  }
0x49: {  	_ =	shalt  }
0x4a: {  	_ =	shalt  }
0x4b: {  	_ =	shalt  }
0x4c: {  	_ =	shalt  }
0x4d: {  	_ =	shalt  }
0x4e: {  	_ =	shalt  }
0x4f: {  	_ =	shalt  }
0x50: {  	_ =	shalt  }
0x51: {  	_ =	shalt  }
0x52: {  	_ =	shalt  }
0x53: {  	_ =	shalt  }
0x54: {  	_ =	shalt  }
0x55: {  	_ =	shalt  }
0x56: {  	_ =	shalt  }
0x57: {  	_ =	shalt  }
0x58: {  	_ =	shalt  }
0x59: {  	_ =	shalt  }
0x5a: {  	_ =	shalt  }
0x5b: {  	_ =	shalt  }
0x5c: {  	_ =	shalt  }
0x5d: {  	_ =	shalt  }
0x5e: {  	_ =	shalt  }
0x5f: {  	_ =	shalt  }
0x60: {  	_ =	shalt  }
0x61: {  	_ =	shalt  }
0x62: {  	_ =	shalt  }
0x63: {  	_ =	shalt  }
0x64: {  	_ =	shalt  }
0x65: {  	_ =	shalt  }
0x66: {  	_ =	shalt  }
0x67: {  	_ =	shalt  }
0x68: {  	_ =	shalt  }
0x69: {  	_ =	shalt  }
0x6a: {  	_ =	shalt  }
0x6b: {  	_ =	shalt  }
0x6c: {  	_ =	shalt  }
0x6d: {  	_ =	shalt  }
0x6e: {  	_ =	shalt  }
0x6f: {  	_ =	shalt  }
0x70: {  	_ =	shalt  }
0x71: {  	_ =	shalt  }
0x72: {  	_ =	shalt  }
0x73: {  	_ =	shalt  }
0x74: {  	_ =	shalt  }
0x75: {  	_ =	shalt  }
0x76: {  	_ =	shalt  }
0x77: {  	_ =	shalt  }
0x78: {  	_ =	shalt  }
0x79: {  	_ =	shalt  }
0x7a: {  	_ =	shalt  }
0x7b: {  	_ =	shalt  }
0x7c: {  	_ =	shalt  }
0x7d: {  	_ =	shalt  }
0x7e: {  	_ =	shalt  }
0x7f: {  	_ =	shalt  }
0x80: {  	_ =	shalt  }
0x81: {  	_ =	shalt  }
0x82: {  	_ =	shalt  }
0x83: {  	_ =	shalt  }
0x84: {  	_ =	shalt  }
0x85: {  	_ =	shalt  }
0x86: {  	_ =	shalt  }
0x87: {  	_ =	shalt  }
.Lfunc_end0:
.L_simem_size_0:
called_computation_lowered:
.L_overlay_start_0:
0x88: {  	s2 =	sld [smem:$0x3FD9]  }
0x89: {  	s3 =	sld [smem:$0x3FFE];
	_ =	sdelay $0x1  }
0x8a: {  	s1 =	srdreg.scid  }
0x8b: {  	s0 =	sand.u32 $0x1, s1  }
0x8c: {  	s16 =	sshll.u32 s0, $0xA;
	s2 =	sadd.s32 s3, s2  }
0x8d: {  	s2 =	sadd.s32 s2, s16  }
0x8e: {  	[smem:$0x3FC1] =	sst s2  }
0x8f: {  	_ = 	snop  }
0x90: {  	(tm) =	ssettm $0x1  }
0x91: {  	s17 =	sld [smem:$0x3FFB];
	_ =	sdelay $0x3  }
0x92: {  	_ =	strace s17  }
0x93: {  	s2 =	sld [smem:$0x3FFC];
	_ =	sdelay $0x3  }
0x94: {  	_ =	strace s2  }
0x95: {  	s2 =	sld [smem:$0x3FFD];
	_ =	sdelay $0x3  }
0x96: {  	_ =	strace s2  }
0x97: {  	_ =	strace $0x8FFFFFFF  }
0x98: {  	s18 =	sld [smem:$0x3FDB];
	_ =	sdelay $0x1  }
0x99: {  	s19 =	simm.s32 $_scs_section_size  }
0x9a: {  	s4 =	simm.s32 $_size__tile_overlayer_lowered;
	s5 =	simm.s32 $_tile_overlayer_lowered  }
0x9b: {  	s22 =	simm.s32 $0x1BFF;
	s21 =	sshll.u32 s5, $0x1;
	s2 =	sadd.s32 s19, s18  }
0x9c: {  	s6 =	simm.s32 $0x0;
	s20 =	sshll.u32 s4, $0x1;
	s4 =	sadd.s32 s21, s2  }
0x9d: {  	[timem:s6], [sflag:s22] =	dma.local [hbm:s4], s20  }
0x9e: {  	_ =	swait.ge [sflag:s22], s20  }
0x9f: {  	s3 =	ssub.s32 $0x0, s20;
	[sflag:s22] =	ssyncset.done $0x0  }
0xa0: {  	[sflag:s22] =	ssyncadd.s32 s3;
	_ =	sdelay $0x1  }
0xa1: {  	s23 =	simm.s32 $0x1B8B  }
0xa2: {  	_ =	swait.ge [sflag:s23], $0x1  }
0xa3: {  	[sflag:s23] =	ssyncset.done $0x0  }
0xa4: {  	s25 =	simm.s32 $0x1B8E;
	s24 =	sld [smem:$0x3FFE];
	[sflag:s23] =	ssyncadd.s32 $0xFFFFFFFF  }
0xa5: {  	s26 =	simm.s32 $execute0_lowered;
	[smem:$0x3FD2] =	sst s25  }
0xa6: {  	s4 =	sshll.u32 s26, $0x1;
	_ =	strace $0x80000046;
	[dreg:$0x1] =	wrdreg $0xFFFFFFFF  }
0xa7: {  	s28 =	simm.s32 $_size_execute0_lowered;
	s2 =	sadd.s32 s2, s4;
	[dreg:$0x0] =	wrdreg $0x0  }
0xa8: {  	s4 =	sshll.u32 s28, $0x1;
	[dreg:$0x2] =	wrdreg s2  }
0xa9: {  	[dreg:$0x3] =	wrdreg s4  }
0xaa: {  	[dreg:$0x4] =	wrdreg $0xC0  }
0xab: {  	_ =	task [dreg:s6], $0x5FFFF  }
0xac: {  	[dreg:$0x1] =	wrdreg $0xFFFFFFFF  }
0xad: {  	[dreg:$0x0] =	wrdreg $0x60  }
0xae: {  	[dreg:$0x2] =	wrdreg s24  }
0xaf: {  	[dreg:$0x3] =	wrdreg $0x9  }
0xb0: {  	_ =	task.clear_ibuf [dreg:s6], $0x4FFFF;
	_ =	strace $0x90000046  }
0xb1: {  	s29 =	simm.s32 $0x9;
	_ =	strace $0x80000048  }
0xb2: {  	_ =	swait.ge [sflag:s29], $0x1  }
0xb3: {  	[sflag:s29] =	ssyncadd.s32 $0xFFFFFFFF  }
0xb4: {  	_ =	strace $0x90000048  }
0xb5: {  	_ =	sfence  }
0xb6: {  	s30 =	sld [smem:$0x0];
	_ =	sdelay $0x2  }
0xb7: {  	s31 =	sshll.u32 s1, $0xD;
	s1 =	sshrl.u32 s1, $0x2  }
0xb8: {  	s3 =	sand.u32 $0x4000, s31;
	s1 =	sadd.s32 s1, s30  }
0xb9: {  	s0 =	sor.u32 s3, s0;
	s1 =	sshll.u32 s1, $0x11  }
0xba: {  	s0 =	sor.u32 s1, s0  }
0xbb: {  	s0 =	sadd.s32 $0x8F2B, s0  }
0xbc: {  	[sflag:s0] =	ssyncadd.remote.s32 $0x1  }
0xbd: {  	_ =	sfence.sel $0xFFFF  }
0xbe: {  	[dreg:$0x0] =	wrdreg $0xFFFFFFFF;
	(pc) =	sbr.abs _section_cstart, $3  }
0xbf: {  	[dreg:$0x1] =	wrdreg $0xFFFFFFFF  }
0xc0: {  	_ =	task.clear_ibuf [dreg:s6], $0x2FFFF;
	_ =	strace $0x9FFFFFFF  }
0xc1: {  	(tm) =	ssettm $0x7FFFFFFF  }
tec
execute0_lowered:
.L_overlay_start_1:
0x0: {  	(tag) =	ssettag $0x1  }
0x1: {  	s1 =	srdreg.scid  }
0x2: {  	s0 =	stileid.u32;
	s5 =	rddreg [dreg:$0x0]  }
0x3: {  	s2 =	simm.s32 $0x0;
	s8 =	simm.s32 $0x80;
	s9 =	simm.s32 $0x400  }
0x4: {  	s10 =	simm.s32 $0x0;
	s3 =	sand.u32 $0x1, s1;
	s29 =	sshll.u32 s0, $0x1  }
0x5: {  	s30 =	sshrl.u32 s0, $0x2;
	s1 =	rddreg [dreg:$0x1];
	s4 =	sor.u32 s3, s29  }
0x6: {  	[smem:$0x7FF] =	sst s2;
	s6 =	smul.u32 $0x14000, s30;
	s7 =	sshll.u32 s4, $0x7  }
0x7: {  	s3 =	ssub.s32 $0x2, s3;
	s4 =	smul.u32 $0x276, s4;
	s7 =	sand.u32 $0x380, s7  }
0x8: {  	_ =	strace $0x80000047;
	s31 =	sshrl.u32 s3, $0x1;
	s6 =	sor.u32 s6, s7  }
0x9: {  	s4 =	sadd.s32 s4, s5;
	s7 =	simm.s32 $0x1400;
	s6 =	sshrl.u32 s6, $0x3  }
0xa: {  	s5 =	sadd.s32 s6, s5;
	s6 =	ssub.s32 s3, s31;
	s3 =	sadd.s32 $0x3C00, s4  }
0xb: {  	v0 =	vimm.f32 $0.0e+00;
	v1 =	vimm.f32 $1.000000000e+00;
	s4 =	sadd.s32 $0x8C00, s5;
	s5 =	smax.u32 s6, $0x1;
	s6 =	simm.s32 $0x1  }
.LBB2_1:
0xc: {  	[tilespmem:s2], [sflag:$0x1] =	stream.linear.gather [hbm4b:s3+s2], $0x13B0, $0x38;
	[tilespmem:$0x3C00] =	vst v63  }
0xd: {  	_ =	swait.ge [sflag:s6], $0x13B0  }
0xe: {  	[sflag:s6] =	ssyncset.done $0x0  }
0xf: {  	s11 =	simm.s32 $0x0;
	[sflag:s6] =	ssyncadd.s32 $0xFFFFEC50  }
.LBB2_2:
0x10: {  	p0 =	sne.s32 s11, $0x9FC0  }
.Ltmp0:
0x11: {  	_ = 	snop;
	(pc) =	sbr.rel @p0 .LBB2_2-.Ltmp0, $3  }
0x12: {  	_ =	sdelay $0x1  }
0x13: {  	s12 =	sshra.s32 s11, $0x2  }
0x14: {  	s11 =	sadd.s32 $0x40, s11;
	[tilespmem:s12+$0x1400] =	vst v0  }
0x15: {  	s12 =	simm.s32 $0x0;
	s11 =	simm.s32 $0x40  }
.LBB2_4:
0x16: {  	p0 =	sne.s32 s11, $0x4E80;
	v2 =	vld [tilespmem:s12+$0x0];
	_ =	sdelay $0x3  }
.Ltmp1:
0x17: {  	(pc) =	sbr.rel @p0 .LBB2_4-.Ltmp1, $2  }
0x18: {  	_ =	sdelay $0x2  }
0x19: {  	s12 =	sshra.s32 s11, $0x2;
	s11 =	sadd.s32 $0x40, s11;
	[tilespmem:v2+s7+$0x0] =	vst.idx.add.f32.msk $0xffff, v1  }
0x1a: {  	v2 =	vld [tilespmem:s12+$0x0];
	_ =	sdelay $0x5  }
0x1b: {  	s10 =	sadd.s32 $0x1, s10  }
0x1c: {  	p0 =	sne.s32 s10, s5  }
.Ltmp2:
0x1d: {  	[tilespmem:v2+s7+$0x0] =	vst.idx.add.f32.msk $0xffff, v1;
	(pc) =	sbr.rel @p0 .LBB2_1-.Ltmp2, $4  }
0x1e: {  	[hbm4b:s4+s8] =	stream.strided.scatter [tilespmem:s7], [sflag:$0x1], $0x2800, s9, s8, $0x38;
	[tilespmem:$0x3C00] =	vst v63  }
0x1f: {  	_ =	swait.ge [sflag:s6], $0x2800  }
0x20: {  	[sflag:s6] =	ssyncset.done $0x0  }
0x21: {  	[sflag:s6] =	ssyncadd.s32 $0xFFFFD800  }
0x22: {  	_ =	sfence.sel $0x180000  }
0x23: {  	[bflag:$0x0] =	sbarrier.arrive $0xFFFF  }
0x24: {  	p0 =	sne.s32 s0, $0x0;
	_ =	strace $0x90000047  }
0x25: {  	s0 =	sadd.s32 @!p0 $0x100000, s1;
	[bflag:$0x2] =	sbarrier.arrive $0xFFFF  }
0x26: {  	[sflag:s0] =	ssyncadd.tile.s32 @!p0 $0x1;
	_ =	shalt  }
.Lfunc_end2:
_tile_overlayer_lowered:
.L_overlay_start_2:
0x27: {  	(tag) =	ssettag $0x2  }
0x28: {  	s0 =	rddreg [dreg:$0x0];
	s2 =	stileid.u32  }
0x29: {  	s1 =	rddreg [dreg:$0x1];
	p0 =	sne.s32 s2, $0x0  }
0x2a: {  	s3 =	rddreg [dreg:$0x2];
	[bflag:$0x3] =	sbarrier.arrive $0xFFFF;
	s2 =	simm.s32 @!p0 $0x1C01  }
0x2b: {  	[timem:s3], [sflag:s2] =	dma.local @!p0 [hbm:s0], s1  }
0x2c: {  	s0 =	simm.s32 @!p0 $0x1  }
0x2d: {  	_ =	swait.ge @!p0 [sflag:s0], s1  }
0x2e: {  	s1 =	ssub.s32 @!p0 $0x0, s1;
	[sflag:s0] =	ssyncset.done @!p0 $0x0  }
0x2f: {  	[sflag:s0] =	ssyncadd.s32 @!p0 s1  }
0x30: {  	[bflag:$0x3] =	sbarrier.arrive $0xFFFF  }
0x31: {  	_ =	shalt  }

</sc_bundles>
